<compile_context>
chip_gen: v7x
topology: tpu7x:2x2x1
jax: 0.10.2.dev20260603
libtpu: 0.0.44.dev20260713+nightly
codegen_flags: <defaults>
</compile_context>

<pallas_src>
import functools

import jax
import jax.numpy as jnp
from jax import lax
from jax.experimental import pallas as pl
from jax.experimental.pallas import tpu as pltpu
from jax.experimental.pallas import tpu_sc as plsc

E = 64
K = 2
H = 1024
I = 1024
TOK = 4096
N = TOK * K

RT = 512
PC = 512
NPC = N // PC
GT = 256
MAX_TILES = N // GT + E - 1
N_PAD = MAX_TILES * GT


def _router_body(x_ref, g_ref, sel_ref, rw_ref):
    logits = jnp.dot(x_ref[...], g_ref[...], preferred_element_type=jnp.float32)
    eidx = lax.broadcasted_iota(jnp.int32, logits.shape, 1)
    m0 = jnp.max(logits, axis=1, keepdims=True)
    i0 = jnp.min(jnp.where(logits == m0, eidx, E), axis=1, keepdims=True)
    l2 = jnp.where(eidx == i0, -jnp.inf, logits)
    m1 = jnp.max(l2, axis=1, keepdims=True)
    i1 = jnp.min(jnp.where(l2 == m1, eidx, E), axis=1, keepdims=True)
    w0 = 1.0 / (1.0 + jnp.exp(m1 - m0))
    sel_ref[...] = jnp.concatenate([i0, i1], axis=1)
    rw_ref[...] = jnp.concatenate([w0, 1.0 - w0], axis=1)


def _router(x, gate_w):
    return pl.pallas_call(
        _router_body,
        grid=(TOK // RT,),
        in_specs=[
            pl.BlockSpec((RT, H), lambda i: (i, 0)),
            pl.BlockSpec((H, E), lambda i: (0, 0)),
        ],
        out_specs=[
            pl.BlockSpec((RT, K), lambda i: (i, 0)),
            pl.BlockSpec((RT, K), lambda i: (i, 0)),
        ],
        out_shape=[
            jax.ShapeDtypeStruct((TOK, K), jnp.int32),
            jax.ShapeDtypeStruct((TOK, K), jnp.float32),
        ],
    )(x, gate_w)


def _posbuild_body(sel_ref, pos_ref, meta_ref,
                   carry_ref, offs_ref, ltri_ref, rank_ref):
    s = pl.program_id(0)

    @pl.when(s == 0)
    def _():
        carry_ref[...] = jnp.zeros_like(carry_ref)
        offs_ref[...] = jnp.zeros_like(offs_ref)
        ri = lax.broadcasted_iota(jnp.int32, (PC, PC), 0)
        ci = lax.broadcasted_iota(jnp.int32, (PC, PC), 1)
        ltri_ref[...] = (ri > ci).astype(jnp.float32)

    @pl.when(s == NPC)
    def _():
        cnt = carry_ref[...]
        padded = jnp.floor((cnt + (GT - 1)) * (1.0 / GT)) * GT
        a = lax.broadcasted_iota(jnp.int32, (E, E), 0)
        b = lax.broadcasted_iota(jnp.int32, (E, E), 1)
        upper = (a < b).astype(jnp.float32)
        offs_ref[...] = jnp.dot(padded, upper, preferred_element_type=jnp.float32)

    sv = sel_ref[0, 0, :]
    onehot = (sv[:, None] == lax.broadcasted_iota(jnp.int32, (PC, E), 1)
              ).astype(jnp.float32)

    @pl.when(s < NPC)
    def _():
        within = jnp.dot(ltri_ref[...], onehot,
                         preferred_element_type=jnp.float32)
        carry = carry_ref[...]
        rank = jnp.sum((within + carry) * onehot, axis=1)
        rank_ref[pl.ds(s, 1), :] = rank[None, :]
        carry_ref[...] = carry + jnp.sum(onehot, axis=0, keepdims=True)

    @pl.when(s >= NPC)
    def _():
        off_sel = jnp.sum(offs_ref[...] * onehot, axis=1)
        rank = rank_ref[pl.ds(s - NPC, 1), :][0]
        pos_ref[...] = (off_sel + rank).astype(jnp.int32)[None, None, :]

    meta_ref[...] = jnp.concatenate(
        [offs_ref[...], carry_ref[...]], axis=0).astype(jnp.int32)


def _posbuild(sel_flat):
    sel3 = sel_flat.reshape(NPC, 1, PC)
    pos3, meta = pl.pallas_call(
        _posbuild_body,
        grid=(2 * NPC,),
        in_specs=[pl.BlockSpec((1, 1, PC), lambda s: (s % NPC, 0, 0))],
        out_specs=[
            pl.BlockSpec((1, 1, PC), lambda s: (s % NPC, 0, 0)),
            pl.BlockSpec((2, E), lambda s: (0, 0)),
        ],
        out_shape=[
            jax.ShapeDtypeStruct((NPC, 1, PC), jnp.int32),
            jax.ShapeDtypeStruct((2, E), jnp.int32),
        ],
        scratch_shapes=[
            pltpu.VMEM((1, E), jnp.float32),
            pltpu.VMEM((1, E), jnp.float32),
            pltpu.VMEM((PC, PC), jnp.float32),
            pltpu.VMEM((NPC, PC), jnp.float32),
        ],
    )(sel3)
    return pos3.reshape(N), meta[0], meta[1]


def _gemm_body(na, tarr, earr, xs_ref, ws_ref, w1_ref, w2_ref, w3_ref,
               out_ref):
    s = pl.program_id(0)

    @pl.when(s < na[0])
    def _():
        xv = xs_ref[...]
        a = jnp.dot(xv, w1_ref[0], preferred_element_type=jnp.float32)
        a = a * jax.nn.sigmoid(a)
        h = a * jnp.dot(xv, w3_ref[0], preferred_element_type=jnp.float32)
        o = jnp.dot(h, w2_ref[0], preferred_element_type=jnp.float32)
        out_ref[...] = o * ws_ref[0, 0, :][:, None]


def _grouped_gemm(xs, ws_sorted, w1s, w2s, w3s, poffs, cnts):
    sidx = jnp.arange(MAX_TILES, dtype=jnp.int32)
    tiles_per = (cnts + GT - 1) // GT
    n_active = jnp.sum(tiles_per).astype(jnp.int32)
    e_raw = jnp.clip(
        jnp.searchsorted(poffs, sidx * GT, side="right") - 1, 0, E - 1
    ).astype(jnp.int32)
    last = jnp.maximum(n_active - 1, 0)
    e_last = jnp.take(e_raw, last)
    earr = jnp.where(sidx < n_active, e_raw, e_last)
    tarr = jnp.where(sidx < n_active, sidx, last).astype(jnp.int32)
    na = jnp.full((1,), n_active, jnp.int32)

    ws3 = ws_sorted.reshape(MAX_TILES, 1, GT)
    grid_spec = pltpu.PrefetchScalarGridSpec(
        num_scalar_prefetch=3,
        grid=(MAX_TILES,),
        in_specs=[
            pl.BlockSpec((GT, H), lambda s, n, t, e: (t[s], 0)),
            pl.BlockSpec((1, 1, GT), lambda s, n, t, e: (t[s], 0, 0)),
            pl.BlockSpec((1, H, I), lambda s, n, t, e: (e[s], 0, 0)),
            pl.BlockSpec((1, I, H), lambda s, n, t, e: (e[s], 0, 0)),
            pl.BlockSpec((1, H, I), lambda s, n, t, e: (e[s], 0, 0)),
        ],
        out_specs=pl.BlockSpec((GT, H), lambda s, n, t, e: (t[s], 0)),
    )
    return pl.pallas_call(
        _gemm_body,
        grid_spec=grid_spec,
        out_shape=jax.ShapeDtypeStruct((N_PAD, H), jnp.float32),
    )(na, tarr, earr, xs, ws3, w1s, w2s, w3s)


NW = 32


@functools.cache
def _sc_kernels():
    mesh = plsc.VectorSubcoreMesh(core_axis_name="c", subcore_axis_name="s")

    @functools.partial(
        pl.kernel, mesh=mesh,
        compiler_params=pltpu.CompilerParams(needs_layout_passes=False),
        out_type=jax.ShapeDtypeStruct((N_PAD,), jnp.float32),
        scratch_types=[pltpu.VMEM((N,), jnp.int32),
                       pltpu.VMEM((N,), jnp.float32),
                       pltpu.VMEM((N_PAD,), jnp.float32)],
    )
    def _finalize_sc(pos_hbm, rw_hbm, ws_hbm, pos_v, rw_v, ws_v):
        cid = lax.axis_index("c")
        sid = lax.axis_index("s")

        @pl.when(jnp.logical_and(cid == 0, sid == 0))
        def _():
            pltpu.sync_copy(pos_hbm, pos_v)
            pltpu.sync_copy(rw_hbm, rw_v)

            def scatter_chunk(k, carry):
                idx = pos_v[pl.ds(k * 16, 16)]
                plsc.store_scatter(ws_v, [idx], rw_v[pl.ds(k * 16, 16)])
                return carry

            lax.fori_loop(0, N // 16, scatter_chunk, 0)
            pltpu.sync_copy(ws_v, ws_hbm)

    tpw = TOK // NW
    dct = 32
    dnc = tpw // dct

    @functools.partial(
        pl.kernel, mesh=mesh,
        compiler_params=pltpu.CompilerParams(needs_layout_passes=False),
        out_type=jax.ShapeDtypeStruct((N_PAD, H), jnp.float32),
        scratch_types=[pltpu.VMEM((dnc, dct), jnp.int32),
                       pltpu.VMEM((dnc, dct), jnp.int32),
                       pltpu.VMEM((dct, H), jnp.float32),
                       pltpu.VMEM((dct, H), jnp.float32),
                       pltpu.SemaphoreType.DMA, pltpu.SemaphoreType.DMA,
                       pltpu.SemaphoreType.DMA, pltpu.SemaphoreType.DMA],
    )
    def _dispatch_sc(x_hbm, pe_hbm, po_hbm, xs_hbm,
                     idxe_v, idxo_v, r0, r1, s0, s1, rs0, rs1):
        wid = lax.axis_index("s") * 2 + lax.axis_index("c")
        bufs = (r0, r1)
        sems = (s0, s1)
        rsems = (rs0, rs1)
        pltpu.sync_copy(pe_hbm.at[wid], idxe_v)
        pltpu.sync_copy(po_hbm.at[wid], idxo_v)

        def read_x(jj, bb):
            return pltpu.async_copy(
                x_hbm.at[pl.ds(wid * tpw + jj * dct, dct)], bufs[bb],
                rsems[bb])

        cps = {}
        rd = [None, None]
        rd[0] = read_x(0, 0)
        for j in range(dnc):
            b = j & 1
            rd[b].wait()
            c0 = pltpu.async_copy(bufs[b], xs_hbm.at[idxe_v.at[j]], sems[b])
            c1 = pltpu.async_copy(bufs[b], xs_hbm.at[idxo_v.at[j]], sems[b])
            cps[j] = (c0, c1)
            if j + 1 < dnc:
                if j >= 1:
                    cps[j - 1][0].wait()
                    cps[j - 1][1].wait()
                rd[1 - b] = read_x(j + 1, 1 - b)
        for j in (dnc - 2, dnc - 1):
            cps[j][0].wait()
            cps[j][1].wait()

    cct = 16
    cnc = tpw // cct

    @functools.partial(
        pl.kernel, mesh=mesh,
        compiler_params=pltpu.CompilerParams(needs_layout_passes=False),
        out_type=jax.ShapeDtypeStruct((TOK, H), jnp.float32),
        scratch_types=[pltpu.VMEM((cnc, cct), jnp.int32),
                       pltpu.VMEM((cnc, cct), jnp.int32),
                       pltpu.VMEM((cct, H), jnp.float32),
                       pltpu.VMEM((cct, H), jnp.float32),
                       pltpu.VMEM((cct, H), jnp.float32),
                       pltpu.VMEM((cct, H), jnp.float32),
                       pltpu.SemaphoreType.DMA, pltpu.SemaphoreType.DMA,
                       pltpu.SemaphoreType.DMA, pltpu.SemaphoreType.DMA,
                       pltpu.SemaphoreType.DMA, pltpu.SemaphoreType.DMA],
    )
    def _combine_sc(eo_hbm, ce_hbm, co_hbm, out_hbm,
                    idxe_v, idxo_v, e0, e1, o0, o1,
                    ges0, ges1, gos0, gos1, os0, os1):
        wid = lax.axis_index("s") * 2 + lax.axis_index("c")
        ebufs = (e0, e1)
        obufs = (o0, o1)
        gesems = (ges0, ges1)
        gosems = (gos0, gos1)
        osems = (os0, os1)
        pltpu.sync_copy(ce_hbm.at[wid], idxe_v)
        pltpu.sync_copy(co_hbm.at[wid], idxo_v)

        def gathers(jj, bb):
            ge = pltpu.async_copy(
                eo_hbm.at[idxe_v.at[jj]], ebufs[bb], gesems[bb])
            go = pltpu.async_copy(
                eo_hbm.at[idxo_v.at[jj]], obufs[bb], gosems[bb])
            return ge, go

        gcp = [None, None]
        ocp = [None, None]
        gcp[0] = gathers(0, 0)
        for j in range(cnc):
            b = j & 1
            if j + 1 < cnc:
                if ocp[1 - b] is not None:
                    ocp[1 - b].wait()
                gcp[1 - b] = gathers(j + 1, 1 - b)
            gcp[b][0].wait()
            gcp[b][1].wait()
            ev = ebufs[b]
            ov = obufs[b]

            def tok(i, c2, ev=ev, ov=ov):
                def lane(c, c3):
                    for u in range(8):
                        sl = pl.ds((c * 8 + u) * 16, 16)
                        plsc.addupdate(ev.at[i, sl], ov[i, sl])
                    return c3

                lax.fori_loop(0, H // 128, lane, 0)
                return c2

            lax.fori_loop(0, cct, tok, 0)
            ocp[b] = pltpu.async_copy(
                ev, out_hbm.at[pl.ds(wid * tpw + j * cct, cct)], osems[b])
        for b in range(2):
            if ocp[b] is not None:
                ocp[b].wait()

    return _finalize_sc, _dispatch_sc, _combine_sc


def kernel(hidden_states, gate_w, w1s, w2s, w3s):
    x = hidden_states.reshape(TOK, H)
    sel, rw = _router(x, gate_w)
    sel_flat = sel.reshape(N)
    rw_flat = rw.reshape(N)
    pos, poffs, cnts = _posbuild(sel_flat)

    finalize_sc, dispatch_sc, combine_sc = _sc_kernels()
    ws_sorted = finalize_sc(pos, rw_flat)

    pos2 = pos.reshape(TOK, K)
    tpw = TOK // NW
    dct = 32
    cct = 16
    pe3 = pos2[:, 0].reshape(NW, tpw // dct, dct)
    po3 = pos2[:, 1].reshape(NW, tpw // dct, dct)
    xs = dispatch_sc(x, pe3, po3)

    eo = _grouped_gemm(xs, ws_sorted, w1s, w2s, w3s, poffs, cnts)

    ce3 = pos2[:, 0].reshape(NW, tpw // cct, cct)
    co3 = pos2[:, 1].reshape(NW, tpw // cct, cct)
    return combine_sc(eo, ce3, co3)

# --- scband reference (transcript-rebuilt; emitter-appended) ---
"""Pipeline reference for scband-mo-e-49435073577414 (READ-ONLY COPY).

The authoritative reference and input builder live on the scoring server;
editing this copy changes nothing except your own understanding.
"""

import jax, jax.numpy as jnp
import numpy as np

NUM_EXPERTS = 64
TOP_K = 2
HIDDEN = 1024
INTER = 1024
TOKENS = 4096


def setup_inputs(seed: int = 0) -> dict:
    key = jax.random.key(seed)
    k1, k2, k3, k4, k5 = jax.random.split(key, 5)
    hidden_states = jax.random.normal(k1, (TOKENS, HIDDEN), dtype=jnp.float32)
    gate_w = jax.random.normal(k2, (HIDDEN, NUM_EXPERTS), dtype=jnp.float32) * 0.02
    w1s = jax.random.normal(k3, (NUM_EXPERTS, HIDDEN, INTER), dtype=jnp.float32) * 0.02
    w2s = jax.random.normal(k4, (NUM_EXPERTS, INTER, HIDDEN), dtype=jnp.float32) * 0.02
    w3s = jax.random.normal(k5, (NUM_EXPERTS, HIDDEN, INTER), dtype=jnp.float32) * 0.02
    return {"hidden_states": hidden_states, "gate_w": gate_w, "w1s": w1s, "w2s": w2s, "w3s": w3s}


def reference(hidden_states, gate_w, w1s, w2s, w3s):
    x = hidden_states.reshape(-1, HIDDEN)
    # router
    router_logits = x @ gate_w
    routing_probs = jax.nn.softmax(router_logits.astype(jnp.float32), axis=1)
    routing_weights, selected_experts = jax.lax.top_k(routing_probs, TOP_K)
    routing_weights = routing_weights / jnp.sum(routing_weights, axis=-1, keepdims=True)
    # expand and permute by expert (argsort of flattened selected experts)
    flat_sel = selected_experts.reshape(-1)
    perm = jnp.argsort(flat_sel)  # stable
    expanded_weights = routing_weights.reshape(-1)[perm]
    token_ids = perm // TOP_K
    expanded_hidden = x[token_ids]
    sorted_experts = flat_sel[perm]
    # grouped MLP: silu(x @ w1) * (x @ w3) @ w2 per expert group,
    # computed as fixed-shape masked matmuls accumulated over experts
    def body(carry, inputs):
        e, w1, w2, w3 = inputs
        mask = (sorted_experts == e)[:, None]
        seg = jnp.where(mask, expanded_hidden, 0.0)
        a = seg @ w1
        a = a * jax.nn.sigmoid(a)  # silu
        h = a * (seg @ w3)
        out = h @ w2
        return carry + jnp.where(mask, out, 0.0), None

    init = jnp.zeros_like(expanded_hidden)
    expert_ids = jnp.arange(NUM_EXPERTS, dtype=sorted_experts.dtype)
    expanded_out, _ = jax.lax.scan(body, init, (expert_ids, w1s, w2s, w3s))
    expanded_out = expanded_out * expanded_weights[:, None]
    # merge: scatter-add back to token rows
    out = jnp.zeros((x.shape[0], HIDDEN), dtype=expanded_out.dtype).at[token_ids].add(expanded_out)
    return out

if __name__ == "__main__":
    import jax
    _d = setup_inputs()
    print(jax.jit(kernel)(*tuple(_d.values())))

</pallas_src>

<mosaic_0001>
#map = affine_map<(d0, d1) -> (0, 0)>
#map1 = affine_map<(d0, d1) -> (0, 0, 0)>
module attributes {stable_mosaic.version = 14 : i64} {
  func.func @_dispatch_sc(%arg0: i32, %arg1: i32, %arg2: memref<4096x1024xf32, #tpu.memory_space<hbm>>, %arg3: memref<32x4x32xi32, #tpu.memory_space<hbm>>, %arg4: memref<32x4x32xi32, #tpu.memory_space<hbm>>, %arg5: memref<24320x1024xf32, #tpu.memory_space<hbm>>, %arg6: memref<4x32xi32, #tpu.memory_space<vmem>>, %arg7: memref<4x32xi32, #tpu.memory_space<vmem>>, %arg8: memref<32x1024xf32, #tpu.memory_space<vmem>>, %arg9: memref<32x1024xf32, #tpu.memory_space<vmem>>, %arg10: memref<!tpu.dma_semaphore, #tpu.memory_space<semaphore_mem>>, %arg11: memref<!tpu.dma_semaphore, #tpu.memory_space<semaphore_mem>>, %arg12: memref<!tpu.dma_semaphore, #tpu.memory_space<semaphore_mem>>, %arg13: memref<!tpu.dma_semaphore, #tpu.memory_space<semaphore_mem>>) attributes {dimension_semantics = [#tpu.dimension_semantics<core_parallel>, #tpu.dimension_semantics<subcore_parallel>], iteration_bounds = array<i64: 2, 16>, scalar_prefetch = 0 : i64, scratch_operands = 8 : i64, tpu.core_type = #tpu.core_type<sc_vector_subcore>, window_params = [{transform_indices = #map}, {transform_indices = #map1}, {transform_indices = #map1}, {transform_indices = #map}]} {
    %mul3A = arith.constant 2 : i32
    %mul3A_0 = arith.muli %arg1, %mul3A : i32
    %add3A = arith.addi %mul3A_0, %arg0 : i32
    "tpu.region"() ({
      %run_scoped3A = tpu.sem_alloc : memref<!tpu.dma_semaphore, #tpu.memory_space<semaphore_mem>>
      %dma_start3A_159 = arith.constant 0 : i32
      %dma_start3A_160 = arith.constant 0 : i32
      %dma_start3A_161 = tpu.memref_slice %arg3[%add3A, %dma_start3A_159, %dma_start3A_160] : memref<32x4x32xi32, #tpu.memory_space<hbm>> -> memref<1x4x32xi32, #tpu.memory_space<hbm>>
      %dma_start3A_162 = tpu.memref_squeeze %dma_start3A_161 : memref<1x4x32xi32, #tpu.memory_space<hbm>> -> memref<4x32xi32, #tpu.memory_space<hbm>>
      %dma_start3A_163 = arith.constant 0 : i32
      %dma_start3A_164 = arith.constant 0 : i32
      %dma_start3A_165 = tpu.memref_slice %arg3[%add3A, %dma_start3A_163, %dma_start3A_164] : memref<32x4x32xi32, #tpu.memory_space<hbm>> -> memref<1x4x32xi32, #tpu.memory_space<hbm>>
      %dma_start3A_166 = tpu.memref_squeeze %dma_start3A_165 : memref<1x4x32xi32, #tpu.memory_space<hbm>> -> memref<4x32xi32, #tpu.memory_space<hbm>>
      tpu.enqueue_dma source(%dma_start3A_166 : memref<4x32xi32, #tpu.memory_space<hbm>>) target(%arg6 : memref<4x32xi32, #tpu.memory_space<vmem>>) target_semaphore(%run_scoped3A : memref<!tpu.dma_semaphore, #tpu.memory_space<semaphore_mem>>)
      %dma_wait3A_167 = arith.constant 0 : i32
      %dma_wait3A_168 = arith.constant 0 : i32
      %dma_wait3A_169 = tpu.memref_slice %arg3[%add3A, %dma_wait3A_167, %dma_wait3A_168] : memref<32x4x32xi32, #tpu.memory_space<hbm>> -> memref<1x4x32xi32, #tpu.memory_space<hbm>>
      %dma_wait3A_170 = tpu.memref_squeeze %dma_wait3A_169 : memref<1x4x32xi32, #tpu.memory_space<hbm>> -> memref<4x32xi32, #tpu.memory_space<hbm>>
      %dma_wait3A_171 = arith.constant 0 : i32
      %dma_wait3A_172 = arith.constant 0 : i32
      %dma_wait3A_173 = tpu.memref_slice %arg3[%add3A, %dma_wait3A_171, %dma_wait3A_172] : memref<32x4x32xi32, #tpu.memory_space<hbm>> -> memref<1x4x32xi32, #tpu.memory_space<hbm>>
      %dma_wait3A_174 = tpu.memref_squeeze %dma_wait3A_173 : memref<1x4x32xi32, #tpu.memory_space<hbm>> -> memref<4x32xi32, #tpu.memory_space<hbm>>
      tpu.wait_dma2 semaphore(%run_scoped3A : memref<!tpu.dma_semaphore, #tpu.memory_space<semaphore_mem>>) src(%dma_wait3A_174 : memref<4x32xi32, #tpu.memory_space<hbm>>) dst(%arg6 : memref<4x32xi32, #tpu.memory_space<vmem>>)
      tpu.yield
    }) : () -> ()
    "tpu.region"() ({
      %run_scoped3A = tpu.sem_alloc : memref<!tpu.dma_semaphore, #tpu.memory_space<semaphore_mem>>
      %dma_start3A_159 = arith.constant 0 : i32
      %dma_start3A_160 = arith.constant 0 : i32
      %dma_start3A_161 = tpu.memref_slice %arg4[%add3A, %dma_start3A_159, %dma_start3A_160] : memref<32x4x32xi32, #tpu.memory_space<hbm>> -> memref<1x4x32xi32, #tpu.memory_space<hbm>>
      %dma_start3A_162 = tpu.memref_squeeze %dma_start3A_161 : memref<1x4x32xi32, #tpu.memory_space<hbm>> -> memref<4x32xi32, #tpu.memory_space<hbm>>
      %dma_start3A_163 = arith.constant 0 : i32
      %dma_start3A_164 = arith.constant 0 : i32
      %dma_start3A_165 = tpu.memref_slice %arg4[%add3A, %dma_start3A_163, %dma_start3A_164] : memref<32x4x32xi32, #tpu.memory_space<hbm>> -> memref<1x4x32xi32, #tpu.memory_space<hbm>>
      %dma_start3A_166 = tpu.memref_squeeze %dma_start3A_165 : memref<1x4x32xi32, #tpu.memory_space<hbm>> -> memref<4x32xi32, #tpu.memory_space<hbm>>
      tpu.enqueue_dma source(%dma_start3A_166 : memref<4x32xi32, #tpu.memory_space<hbm>>) target(%arg7 : memref<4x32xi32, #tpu.memory_space<vmem>>) target_semaphore(%run_scoped3A : memref<!tpu.dma_semaphore, #tpu.memory_space<semaphore_mem>>)
      %dma_wait3A_167 = arith.constant 0 : i32
      %dma_wait3A_168 = arith.constant 0 : i32
      %dma_wait3A_169 = tpu.memref_slice %arg4[%add3A, %dma_wait3A_167, %dma_wait3A_168] : memref<32x4x32xi32, #tpu.memory_space<hbm>> -> memref<1x4x32xi32, #tpu.memory_space<hbm>>
      %dma_wait3A_170 = tpu.memref_squeeze %dma_wait3A_169 : memref<1x4x32xi32, #tpu.memory_space<hbm>> -> memref<4x32xi32, #tpu.memory_space<hbm>>
      %dma_wait3A_171 = arith.constant 0 : i32
      %dma_wait3A_172 = arith.constant 0 : i32
      %dma_wait3A_173 = tpu.memref_slice %arg4[%add3A, %dma_wait3A_171, %dma_wait3A_172] : memref<32x4x32xi32, #tpu.memory_space<hbm>> -> memref<1x4x32xi32, #tpu.memory_space<hbm>>
      %dma_wait3A_174 = tpu.memref_squeeze %dma_wait3A_173 : memref<1x4x32xi32, #tpu.memory_space<hbm>> -> memref<4x32xi32, #tpu.memory_space<hbm>>
      tpu.wait_dma2 semaphore(%run_scoped3A : memref<!tpu.dma_semaphore, #tpu.memory_space<semaphore_mem>>) src(%dma_wait3A_174 : memref<4x32xi32, #tpu.memory_space<hbm>>) dst(%arg7 : memref<4x32xi32, #tpu.memory_space<vmem>>)
      tpu.yield
    }) : () -> ()
    %mul3A_1 = arith.constant 128 : i32
    %mul3A_2 = arith.muli %add3A, %mul3A_1 : i32
    %add3A_3 = arith.constant 0 : i32
    %add3A_4 = arith.addi %mul3A_2, %add3A_3 : i32
    %dma_start3A = arith.constant 0 : i32
    %dma_start3A_5 = tpu.memref_slice %arg2[%add3A_4, %dma_start3A] : memref<4096x1024xf32, #tpu.memory_space<hbm>> -> memref<32x1024xf32, #tpu.memory_space<hbm>>
    %dma_start3A_6 = arith.constant 0 : i32
    %dma_start3A_7 = tpu.memref_slice %arg2[%add3A_4, %dma_start3A_6] : memref<4096x1024xf32, #tpu.memory_space<hbm>> -> memref<32x1024xf32, #tpu.memory_space<hbm>>
    tpu.enqueue_dma source(%dma_start3A_7 : memref<32x1024xf32, #tpu.memory_space<hbm>>) target(%arg8 : memref<32x1024xf32, #tpu.memory_space<vmem>>) target_semaphore(%arg12 : memref<!tpu.dma_semaphore, #tpu.memory_space<semaphore_mem>>)
    %dma_wait3A = arith.constant 0 : i32
    %dma_wait3A_8 = tpu.memref_slice %arg2[%add3A_4, %dma_wait3A] : memref<4096x1024xf32, #tpu.memory_space<hbm>> -> memref<32x1024xf32, #tpu.memory_space<hbm>>
    %dma_wait3A_9 = arith.constant 0 : i32
    %dma_wait3A_10 = tpu.memref_slice %arg2[%add3A_4, %dma_wait3A_9] : memref<4096x1024xf32, #tpu.memory_space<hbm>> -> memref<32x1024xf32, #tpu.memory_space<hbm>>
    tpu.wait_dma2 semaphore(%arg12 : memref<!tpu.dma_semaphore, #tpu.memory_space<semaphore_mem>>) src(%dma_wait3A_10 : memref<32x1024xf32, #tpu.memory_space<hbm>>) dst(%arg8 : memref<32x1024xf32, #tpu.memory_space<vmem>>)
    %dma_start3A_11 = arith.constant 0 : i32
    %dma_start3A_12 = arith.constant 0 : i32
    %dma_start3A_13 = tpu.memref_slice %arg6[%dma_start3A_11, %dma_start3A_12] : memref<4x32xi32, #tpu.memory_space<vmem>> -> memref<1x32xi32, #tpu.memory_space<vmem>>
    %dma_start3A_14 = tpu.memref_squeeze %dma_start3A_13 : memref<1x32xi32, #tpu.memory_space<vmem>> -> memref<32xi32, #tpu.memory_space<vmem>>
    %dma_start3A_15 = arith.constant 0 : i32
    %dma_start3A_16 = arith.constant 0 : i32
    %dma_start3A_17 = tpu.memref_slice %arg5[%dma_start3A_15, %dma_start3A_16] : memref<24320x1024xf32, #tpu.memory_space<hbm>> -> memref<24320x1024xf32, #tpu.memory_space<hbm>>
    tpu.enqueue_indirect_dma source(%arg8 : memref<32x1024xf32, #tpu.memory_space<vmem>>) target(%dma_start3A_17 : memref<24320x1024xf32, #tpu.memory_space<hbm>>) offsets(%dma_start3A_14 : memref<32xi32, #tpu.memory_space<vmem>>) semaphore(%arg10 : memref<!tpu.dma_semaphore, #tpu.memory_space<semaphore_mem>>)
    %dma_start3A_18 = arith.constant 0 : i32
    %dma_start3A_19 = arith.constant 0 : i32
    %dma_start3A_20 = tpu.memref_slice %arg7[%dma_start3A_18, %dma_start3A_19] : memref<4x32xi32, #tpu.memory_space<vmem>> -> memref<1x32xi32, #tpu.memory_space<vmem>>
    %dma_start3A_21 = tpu.memref_squeeze %dma_start3A_20 : memref<1x32xi32, #tpu.memory_space<vmem>> -> memref<32xi32, #tpu.memory_space<vmem>>
    %dma_start3A_22 = arith.constant 0 : i32
    %dma_start3A_23 = arith.constant 0 : i32
    %dma_start3A_24 = tpu.memref_slice %arg5[%dma_start3A_22, %dma_start3A_23] : memref<24320x1024xf32, #tpu.memory_space<hbm>> -> memref<24320x1024xf32, #tpu.memory_space<hbm>>
    tpu.enqueue_indirect_dma source(%arg8 : memref<32x1024xf32, #tpu.memory_space<vmem>>) target(%dma_start3A_24 : memref<24320x1024xf32, #tpu.memory_space<hbm>>) offsets(%dma_start3A_21 : memref<32xi32, #tpu.memory_space<vmem>>) semaphore(%arg10 : memref<!tpu.dma_semaphore, #tpu.memory_space<semaphore_mem>>)
    %mul3A_25 = arith.constant 128 : i32
    %mul3A_26 = arith.muli %add3A, %mul3A_25 : i32
    %add3A_27 = arith.constant 32 : i32
    %add3A_28 = arith.addi %mul3A_26, %add3A_27 : i32
    %dma_start3A_29 = arith.constant 0 : i32
    %dma_start3A_30 = tpu.memref_slice %arg2[%add3A_28, %dma_start3A_29] : memref<4096x1024xf32, #tpu.memory_space<hbm>> -> memref<32x1024xf32, #tpu.memory_space<hbm>>
    %dma_start3A_31 = arith.constant 0 : i32
    %dma_start3A_32 = tpu.memref_slice %arg2[%add3A_28, %dma_start3A_31] : memref<4096x1024xf32, #tpu.memory_space<hbm>> -> memref<32x1024xf32, #tpu.memory_space<hbm>>
    tpu.enqueue_dma source(%dma_start3A_32 : memref<32x1024xf32, #tpu.memory_space<hbm>>) target(%arg9 : memref<32x1024xf32, #tpu.memory_space<vmem>>) target_semaphore(%arg13 : memref<!tpu.dma_semaphore, #tpu.memory_space<semaphore_mem>>)
    %dma_wait3A_33 = arith.constant 0 : i32
    %dma_wait3A_34 = tpu.memref_slice %arg2[%add3A_28, %dma_wait3A_33] : memref<4096x1024xf32, #tpu.memory_space<hbm>> -> memref<32x1024xf32, #tpu.memory_space<hbm>>
    %dma_wait3A_35 = arith.constant 0 : i32
    %dma_wait3A_36 = tpu.memref_slice %arg2[%add3A_28, %dma_wait3A_35] : memref<4096x1024xf32, #tpu.memory_space<hbm>> -> memref<32x1024xf32, #tpu.memory_space<hbm>>
    tpu.wait_dma2 semaphore(%arg13 : memref<!tpu.dma_semaphore, #tpu.memory_space<semaphore_mem>>) src(%dma_wait3A_36 : memref<32x1024xf32, #tpu.memory_space<hbm>>) dst(%arg9 : memref<32x1024xf32, #tpu.memory_space<vmem>>)
    %dma_start3A_37 = arith.constant 1 : i32
    %dma_start3A_38 = arith.constant 0 : i32
    %dma_start3A_39 = tpu.memref_slice %arg6[%dma_start3A_37, %dma_start3A_38] : memref<4x32xi32, #tpu.memory_space<vmem>> -> memref<1x32xi32, #tpu.memory_space<vmem>>
    %dma_start3A_40 = tpu.memref_squeeze %dma_start3A_39 : memref<1x32xi32, #tpu.memory_space<vmem>> -> memref<32xi32, #tpu.memory_space<vmem>>
    %dma_start3A_41 = arith.constant 0 : i32
    %dma_start3A_42 = arith.constant 0 : i32
    %dma_start3A_43 = tpu.memref_slice %arg5[%dma_start3A_41, %dma_start3A_42] : memref<24320x1024xf32, #tpu.memory_space<hbm>> -> memref<24320x1024xf32, #tpu.memory_space<hbm>>
    tpu.enqueue_indirect_dma source(%arg9 : memref<32x1024xf32, #tpu.memory_space<vmem>>) target(%dma_start3A_43 : memref<24320x1024xf32, #tpu.memory_space<hbm>>) offsets(%dma_start3A_40 : memref<32xi32, #tpu.memory_space<vmem>>) semaphore(%arg11 : memref<!tpu.dma_semaphore, #tpu.memory_space<semaphore_mem>>)
    %dma_start3A_44 = arith.constant 1 : i32
    %dma_start3A_45 = arith.constant 0 : i32
    %dma_start3A_46 = tpu.memref_slice %arg7[%dma_start3A_44, %dma_start3A_45] : memref<4x32xi32, #tpu.memory_space<vmem>> -> memref<1x32xi32, #tpu.memory_space<vmem>>
    %dma_start3A_47 = tpu.memref_squeeze %dma_start3A_46 : memref<1x32xi32, #tpu.memory_space<vmem>> -> memref<32xi32, #tpu.memory_space<vmem>>
    %dma_start3A_48 = arith.constant 0 : i32
    %dma_start3A_49 = arith.constant 0 : i32
    %dma_start3A_50 = tpu.memref_slice %arg5[%dma_start3A_48, %dma_start3A_49] : memref<24320x1024xf32, #tpu.memory_space<hbm>> -> memref<24320x1024xf32, #tpu.memory_space<hbm>>
    tpu.enqueue_indirect_dma source(%arg9 : memref<32x1024xf32, #tpu.memory_space<vmem>>) target(%dma_start3A_50 : memref<24320x1024xf32, #tpu.memory_space<hbm>>) offsets(%dma_start3A_47 : memref<32xi32, #tpu.memory_space<vmem>>) semaphore(%arg11 : memref<!tpu.dma_semaphore, #tpu.memory_space<semaphore_mem>>)
    %dma_wait3A_51 = arith.constant 0 : i32
    %dma_wait3A_52 = arith.constant 0 : i32
    %dma_wait3A_53 = tpu.memref_slice %arg6[%dma_wait3A_51, %dma_wait3A_52] : memref<4x32xi32, #tpu.memory_space<vmem>> -> memref<1x32xi32, #tpu.memory_space<vmem>>
    %dma_wait3A_54 = tpu.memref_squeeze %dma_wait3A_53 : memref<1x32xi32, #tpu.memory_space<vmem>> -> memref<32xi32, #tpu.memory_space<vmem>>
    %dma_wait3A_55 = arith.constant 0 : i32
    %dma_wait3A_56 = arith.constant 0 : i32
    %dma_wait3A_57 = tpu.memref_slice %arg5[%dma_wait3A_55, %dma_wait3A_56] : memref<24320x1024xf32, #tpu.memory_space<hbm>> -> memref<24320x1024xf32, #tpu.memory_space<hbm>>
    tpu.wait_indirect_dma semaphore(%arg10 : memref<!tpu.dma_semaphore, #tpu.memory_space<semaphore_mem>>) src(%arg8 : memref<32x1024xf32, #tpu.memory_space<vmem>>) dst(%dma_wait3A_57 : memref<24320x1024xf32, #tpu.memory_space<hbm>>)
    %dma_wait3A_58 = arith.constant 0 : i32
    %dma_wait3A_59 = arith.constant 0 : i32
    %dma_wait3A_60 = tpu.memref_slice %arg7[%dma_wait3A_58, %dma_wait3A_59] : memref<4x32xi32, #tpu.memory_space<vmem>> -> memref<1x32xi32, #tpu.memory_space<vmem>>
    %dma_wait3A_61 = tpu.memref_squeeze %dma_wait3A_60 : memref<1x32xi32, #tpu.memory_space<vmem>> -> memref<32xi32, #tpu.memory_space<vmem>>
    %dma_wait3A_62 = arith.constant 0 : i32
    %dma_wait3A_63 = arith.constant 0 : i32
    %dma_wait3A_64 = tpu.memref_slice %arg5[%dma_wait3A_62, %dma_wait3A_63] : memref<24320x1024xf32, #tpu.memory_space<hbm>> -> memref<24320x1024xf32, #tpu.memory_space<hbm>>
    tpu.wait_indirect_dma semaphore(%arg10 : memref<!tpu.dma_semaphore, #tpu.memory_space<semaphore_mem>>) src(%arg8 : memref<32x1024xf32, #tpu.memory_space<vmem>>) dst(%dma_wait3A_64 : memref<24320x1024xf32, #tpu.memory_space<hbm>>)
    %mul3A_65 = arith.constant 128 : i32
    %mul3A_66 = arith.muli %add3A, %mul3A_65 : i32
    %add3A_67 = arith.constant 64 : i32
    %add3A_68 = arith.addi %mul3A_66, %add3A_67 : i32
    %dma_start3A_69 = arith.constant 0 : i32
    %dma_start3A_70 = tpu.memref_slice %arg2[%add3A_68, %dma_start3A_69] : memref<4096x1024xf32, #tpu.memory_space<hbm>> -> memref<32x1024xf32, #tpu.memory_space<hbm>>
    %dma_start3A_71 = arith.constant 0 : i32
    %dma_start3A_72 = tpu.memref_slice %arg2[%add3A_68, %dma_start3A_71] : memref<4096x1024xf32, #tpu.memory_space<hbm>> -> memref<32x1024xf32, #tpu.memory_space<hbm>>
    tpu.enqueue_dma source(%dma_start3A_72 : memref<32x1024xf32, #tpu.memory_space<hbm>>) target(%arg8 : memref<32x1024xf32, #tpu.memory_space<vmem>>) target_semaphore(%arg12 : memref<!tpu.dma_semaphore, #tpu.memory_space<semaphore_mem>>)
    %dma_wait3A_73 = arith.constant 0 : i32
    %dma_wait3A_74 = tpu.memref_slice %arg2[%add3A_68, %dma_wait3A_73] : memref<4096x1024xf32, #tpu.memory_space<hbm>> -> memref<32x1024xf32, #tpu.memory_space<hbm>>
    %dma_wait3A_75 = arith.constant 0 : i32
    %dma_wait3A_76 = tpu.memref_slice %arg2[%add3A_68, %dma_wait3A_75] : memref<4096x1024xf32, #tpu.memory_space<hbm>> -> memref<32x1024xf32, #tpu.memory_space<hbm>>
    tpu.wait_dma2 semaphore(%arg12 : memref<!tpu.dma_semaphore, #tpu.memory_space<semaphore_mem>>) src(%dma_wait3A_76 : memref<32x1024xf32, #tpu.memory_space<hbm>>) dst(%arg8 : memref<32x1024xf32, #tpu.memory_space<vmem>>)
    %dma_start3A_77 = arith.constant 2 : i32
    %dma_start3A_78 = arith.constant 0 : i32
    %dma_start3A_79 = tpu.memref_slice %arg6[%dma_start3A_77, %dma_start3A_78] : memref<4x32xi32, #tpu.memory_space<vmem>> -> memref<1x32xi32, #tpu.memory_space<vmem>>
    %dma_start3A_80 = tpu.memref_squeeze %dma_start3A_79 : memref<1x32xi32, #tpu.memory_space<vmem>> -> memref<32xi32, #tpu.memory_space<vmem>>
    %dma_start3A_81 = arith.constant 0 : i32
    %dma_start3A_82 = arith.constant 0 : i32
    %dma_start3A_83 = tpu.memref_slice %arg5[%dma_start3A_81, %dma_start3A_82] : memref<24320x1024xf32, #tpu.memory_space<hbm>> -> memref<24320x1024xf32, #tpu.memory_space<hbm>>
    tpu.enqueue_indirect_dma source(%arg8 : memref<32x1024xf32, #tpu.memory_space<vmem>>) target(%dma_start3A_83 : memref<24320x1024xf32, #tpu.memory_space<hbm>>) offsets(%dma_start3A_80 : memref<32xi32, #tpu.memory_space<vmem>>) semaphore(%arg10 : memref<!tpu.dma_semaphore, #tpu.memory_space<semaphore_mem>>)
    %dma_start3A_84 = arith.constant 2 : i32
    %dma_start3A_85 = arith.constant 0 : i32
    %dma_start3A_86 = tpu.memref_slice %arg7[%dma_start3A_84, %dma_start3A_85] : memref<4x32xi32, #tpu.memory_space<vmem>> -> memref<1x32xi32, #tpu.memory_space<vmem>>
    %dma_start3A_87 = tpu.memref_squeeze %dma_start3A_86 : memref<1x32xi32, #tpu.memory_space<vmem>> -> memref<32xi32, #tpu.memory_space<vmem>>
    %dma_start3A_88 = arith.constant 0 : i32
    %dma_start3A_89 = arith.constant 0 : i32
    %dma_start3A_90 = tpu.memref_slice %arg5[%dma_start3A_88, %dma_start3A_89] : memref<24320x1024xf32, #tpu.memory_space<hbm>> -> memref<24320x1024xf32, #tpu.memory_space<hbm>>
    tpu.enqueue_indirect_dma source(%arg8 : memref<32x1024xf32, #tpu.memory_space<vmem>>) target(%dma_start3A_90 : memref<24320x1024xf32, #tpu.memory_space<hbm>>) offsets(%dma_start3A_87 : memref<32xi32, #tpu.memory_space<vmem>>) semaphore(%arg10 : memref<!tpu.dma_semaphore, #tpu.memory_space<semaphore_mem>>)
    %dma_wait3A_91 = arith.constant 1 : i32
    %dma_wait3A_92 = arith.constant 0 : i32
    %dma_wait3A_93 = tpu.memref_slice %arg6[%dma_wait3A_91, %dma_wait3A_92] : memref<4x32xi32, #tpu.memory_space<vmem>> -> memref<1x32xi32, #tpu.memory_space<vmem>>
    %dma_wait3A_94 = tpu.memref_squeeze %dma_wait3A_93 : memref<1x32xi32, #tpu.memory_space<vmem>> -> memref<32xi32, #tpu.memory_space<vmem>>
    %dma_wait3A_95 = arith.constant 0 : i32
    %dma_wait3A_96 = arith.constant 0 : i32
    %dma_wait3A_97 = tpu.memref_slice %arg5[%dma_wait3A_95, %dma_wait3A_96] : memref<24320x1024xf32, #tpu.memory_space<hbm>> -> memref<24320x1024xf32, #tpu.memory_space<hbm>>
    tpu.wait_indirect_dma semaphore(%arg11 : memref<!tpu.dma_semaphore, #tpu.memory_space<semaphore_mem>>) src(%arg9 : memref<32x1024xf32, #tpu.memory_space<vmem>>) dst(%dma_wait3A_97 : memref<24320x1024xf32, #tpu.memory_space<hbm>>)
    %dma_wait3A_98 = arith.constant 1 : i32
    %dma_wait3A_99 = arith.constant 0 : i32
    %dma_wait3A_100 = tpu.memref_slice %arg7[%dma_wait3A_98, %dma_wait3A_99] : memref<4x32xi32, #tpu.memory_space<vmem>> -> memref<1x32xi32, #tpu.memory_space<vmem>>
    %dma_wait3A_101 = tpu.memref_squeeze %dma_wait3A_100 : memref<1x32xi32, #tpu.memory_space<vmem>> -> memref<32xi32, #tpu.memory_space<vmem>>
    %dma_wait3A_102 = arith.constant 0 : i32
    %dma_wait3A_103 = arith.constant 0 : i32
    %dma_wait3A_104 = tpu.memref_slice %arg5[%dma_wait3A_102, %dma_wait3A_103] : memref<24320x1024xf32, #tpu.memory_space<hbm>> -> memref<24320x1024xf32, #tpu.memory_space<hbm>>
    tpu.wait_indirect_dma semaphore(%arg11 : memref<!tpu.dma_semaphore, #tpu.memory_space<semaphore_mem>>) src(%arg9 : memref<32x1024xf32, #tpu.memory_space<vmem>>) dst(%dma_wait3A_104 : memref<24320x1024xf32, #tpu.memory_space<hbm>>)
    %mul3A_105 = arith.constant 128 : i32
    %mul3A_106 = arith.muli %add3A, %mul3A_105 : i32
    %add3A_107 = arith.constant 96 : i32
    %add3A_108 = arith.addi %mul3A_106, %add3A_107 : i32
    %dma_start3A_109 = arith.constant 0 : i32
    %dma_start3A_110 = tpu.memref_slice %arg2[%add3A_108, %dma_start3A_109] : memref<4096x1024xf32, #tpu.memory_space<hbm>> -> memref<32x1024xf32, #tpu.memory_space<hbm>>
    %dma_start3A_111 = arith.constant 0 : i32
    %dma_start3A_112 = tpu.memref_slice %arg2[%add3A_108, %dma_start3A_111] : memref<4096x1024xf32, #tpu.memory_space<hbm>> -> memref<32x1024xf32, #tpu.memory_space<hbm>>
    tpu.enqueue_dma source(%dma_start3A_112 : memref<32x1024xf32, #tpu.memory_space<hbm>>) target(%arg9 : memref<32x1024xf32, #tpu.memory_space<vmem>>) target_semaphore(%arg13 : memref<!tpu.dma_semaphore, #tpu.memory_space<semaphore_mem>>)
    %dma_wait3A_113 = arith.constant 0 : i32
    %dma_wait3A_114 = tpu.memref_slice %arg2[%add3A_108, %dma_wait3A_113] : memref<4096x1024xf32, #tpu.memory_space<hbm>> -> memref<32x1024xf32, #tpu.memory_space<hbm>>
    %dma_wait3A_115 = arith.constant 0 : i32
    %dma_wait3A_116 = tpu.memref_slice %arg2[%add3A_108, %dma_wait3A_115] : memref<4096x1024xf32, #tpu.memory_space<hbm>> -> memref<32x1024xf32, #tpu.memory_space<hbm>>
    tpu.wait_dma2 semaphore(%arg13 : memref<!tpu.dma_semaphore, #tpu.memory_space<semaphore_mem>>) src(%dma_wait3A_116 : memref<32x1024xf32, #tpu.memory_space<hbm>>) dst(%arg9 : memref<32x1024xf32, #tpu.memory_space<vmem>>)
    %dma_start3A_117 = arith.constant 3 : i32
    %dma_start3A_118 = arith.constant 0 : i32
    %dma_start3A_119 = tpu.memref_slice %arg6[%dma_start3A_117, %dma_start3A_118] : memref<4x32xi32, #tpu.memory_space<vmem>> -> memref<1x32xi32, #tpu.memory_space<vmem>>
    %dma_start3A_120 = tpu.memref_squeeze %dma_start3A_119 : memref<1x32xi32, #tpu.memory_space<vmem>> -> memref<32xi32, #tpu.memory_space<vmem>>
    %dma_start3A_121 = arith.constant 0 : i32
    %dma_start3A_122 = arith.constant 0 : i32
    %dma_start3A_123 = tpu.memref_slice %arg5[%dma_start3A_121, %dma_start3A_122] : memref<24320x1024xf32, #tpu.memory_space<hbm>> -> memref<24320x1024xf32, #tpu.memory_space<hbm>>
    tpu.enqueue_indirect_dma source(%arg9 : memref<32x1024xf32, #tpu.memory_space<vmem>>) target(%dma_start3A_123 : memref<24320x1024xf32, #tpu.memory_space<hbm>>) offsets(%dma_start3A_120 : memref<32xi32, #tpu.memory_space<vmem>>) semaphore(%arg11 : memref<!tpu.dma_semaphore, #tpu.memory_space<semaphore_mem>>)
    %dma_start3A_124 = arith.constant 3 : i32
    %dma_start3A_125 = arith.constant 0 : i32
    %dma_start3A_126 = tpu.memref_slice %arg7[%dma_start3A_124, %dma_start3A_125] : memref<4x32xi32, #tpu.memory_space<vmem>> -> memref<1x32xi32, #tpu.memory_space<vmem>>
    %dma_start3A_127 = tpu.memref_squeeze %dma_start3A_126 : memref<1x32xi32, #tpu.memory_space<vmem>> -> memref<32xi32, #tpu.memory_space<vmem>>
    %dma_start3A_128 = arith.constant 0 : i32
    %dma_start3A_129 = arith.constant 0 : i32
    %dma_start3A_130 = tpu.memref_slice %arg5[%dma_start3A_128, %dma_start3A_129] : memref<24320x1024xf32, #tpu.memory_space<hbm>> -> memref<24320x1024xf32, #tpu.memory_space<hbm>>
    tpu.enqueue_indirect_dma source(%arg9 : memref<32x1024xf32, #tpu.memory_space<vmem>>) target(%dma_start3A_130 : memref<24320x1024xf32, #tpu.memory_space<hbm>>) offsets(%dma_start3A_127 : memref<32xi32, #tpu.memory_space<vmem>>) semaphore(%arg11 : memref<!tpu.dma_semaphore, #tpu.memory_space<semaphore_mem>>)
    %dma_wait3A_131 = arith.constant 2 : i32
    %dma_wait3A_132 = arith.constant 0 : i32
    %dma_wait3A_133 = tpu.memref_slice %arg6[%dma_wait3A_131, %dma_wait3A_132] : memref<4x32xi32, #tpu.memory_space<vmem>> -> memref<1x32xi32, #tpu.memory_space<vmem>>
    %dma_wait3A_134 = tpu.memref_squeeze %dma_wait3A_133 : memref<1x32xi32, #tpu.memory_space<vmem>> -> memref<32xi32, #tpu.memory_space<vmem>>
    %dma_wait3A_135 = arith.constant 0 : i32
    %dma_wait3A_136 = arith.constant 0 : i32
    %dma_wait3A_137 = tpu.memref_slice %arg5[%dma_wait3A_135, %dma_wait3A_136] : memref<24320x1024xf32, #tpu.memory_space<hbm>> -> memref<24320x1024xf32, #tpu.memory_space<hbm>>
    tpu.wait_indirect_dma semaphore(%arg10 : memref<!tpu.dma_semaphore, #tpu.memory_space<semaphore_mem>>) src(%arg8 : memref<32x1024xf32, #tpu.memory_space<vmem>>) dst(%dma_wait3A_137 : memref<24320x1024xf32, #tpu.memory_space<hbm>>)
    %dma_wait3A_138 = arith.constant 2 : i32
    %dma_wait3A_139 = arith.constant 0 : i32
    %dma_wait3A_140 = tpu.memref_slice %arg7[%dma_wait3A_138, %dma_wait3A_139] : memref<4x32xi32, #tpu.memory_space<vmem>> -> memref<1x32xi32, #tpu.memory_space<vmem>>
    %dma_wait3A_141 = tpu.memref_squeeze %dma_wait3A_140 : memref<1x32xi32, #tpu.memory_space<vmem>> -> memref<32xi32, #tpu.memory_space<vmem>>
    %dma_wait3A_142 = arith.constant 0 : i32
    %dma_wait3A_143 = arith.constant 0 : i32
    %dma_wait3A_144 = tpu.memref_slice %arg5[%dma_wait3A_142, %dma_wait3A_143] : memref<24320x1024xf32, #tpu.memory_space<hbm>> -> memref<24320x1024xf32, #tpu.memory_space<hbm>>
    tpu.wait_indirect_dma semaphore(%arg10 : memref<!tpu.dma_semaphore, #tpu.memory_space<semaphore_mem>>) src(%arg8 : memref<32x1024xf32, #tpu.memory_space<vmem>>) dst(%dma_wait3A_144 : memref<24320x1024xf32, #tpu.memory_space<hbm>>)
    %dma_wait3A_145 = arith.constant 3 : i32
    %dma_wait3A_146 = arith.constant 0 : i32
    %dma_wait3A_147 = tpu.memref_slice %arg6[%dma_wait3A_145, %dma_wait3A_146] : memref<4x32xi32, #tpu.memory_space<vmem>> -> memref<1x32xi32, #tpu.memory_space<vmem>>
    %dma_wait3A_148 = tpu.memref_squeeze %dma_wait3A_147 : memref<1x32xi32, #tpu.memory_space<vmem>> -> memref<32xi32, #tpu.memory_space<vmem>>
    %dma_wait3A_149 = arith.constant 0 : i32
    %dma_wait3A_150 = arith.constant 0 : i32
    %dma_wait3A_151 = tpu.memref_slice %arg5[%dma_wait3A_149, %dma_wait3A_150] : memref<24320x1024xf32, #tpu.memory_space<hbm>> -> memref<24320x1024xf32, #tpu.memory_space<hbm>>
    tpu.wait_indirect_dma semaphore(%arg11 : memref<!tpu.dma_semaphore, #tpu.memory_space<semaphore_mem>>) src(%arg9 : memref<32x1024xf32, #tpu.memory_space<vmem>>) dst(%dma_wait3A_151 : memref<24320x1024xf32, #tpu.memory_space<hbm>>)
    %dma_wait3A_152 = arith.constant 3 : i32
    %dma_wait3A_153 = arith.constant 0 : i32
    %dma_wait3A_154 = tpu.memref_slice %arg7[%dma_wait3A_152, %dma_wait3A_153] : memref<4x32xi32, #tpu.memory_space<vmem>> -> memref<1x32xi32, #tpu.memory_space<vmem>>
    %dma_wait3A_155 = tpu.memref_squeeze %dma_wait3A_154 : memref<1x32xi32, #tpu.memory_space<vmem>> -> memref<32xi32, #tpu.memory_space<vmem>>
    %dma_wait3A_156 = arith.constant 0 : i32
    %dma_wait3A_157 = arith.constant 0 : i32
    %dma_wait3A_158 = tpu.memref_slice %arg5[%dma_wait3A_156, %dma_wait3A_157] : memref<24320x1024xf32, #tpu.memory_space<hbm>> -> memref<24320x1024xf32, #tpu.memory_space<hbm>>
    tpu.wait_indirect_dma semaphore(%arg11 : memref<!tpu.dma_semaphore, #tpu.memory_space<semaphore_mem>>) src(%arg9 : memref<32x1024xf32, #tpu.memory_space<vmem>>) dst(%dma_wait3A_158 : memref<24320x1024xf32, #tpu.memory_space<hbm>>)
    return
  }
}

#map = affine_map<(d0, d1) -> (0)>
module attributes {stable_mosaic.version = 14 : i64} {
  func.func @_finalize_sc(%arg0: i32, %arg1: i32, %arg2: memref<8192xi32, #tpu.memory_space<hbm>>, %arg3: memref<8192xf32, #tpu.memory_space<hbm>>, %arg4: memref<24320xf32, #tpu.memory_space<hbm>>, %arg5: memref<8192xi32, #tpu.memory_space<vmem>>, %arg6: memref<8192xf32, #tpu.memory_space<vmem>>, %arg7: memref<24320xf32, #tpu.memory_space<vmem>>) attributes {dimension_semantics = [#tpu.dimension_semantics<core_parallel>, #tpu.dimension_semantics<subcore_parallel>], iteration_bounds = array<i64: 2, 16>, scalar_prefetch = 0 : i64, scratch_operands = 3 : i64, tpu.core_type = #tpu.core_type<sc_vector_subcore>, window_params = [{transform_indices = #map}, {transform_indices = #map}, {transform_indices = #map}]} {
    %eq3A = arith.constant 0 : i32
    %eq3A_0 = arith.cmpi eq, %arg0, %eq3A : i32
    %eq3A_1 = arith.constant 0 : i32
    %eq3A_2 = arith.cmpi eq, %arg1, %eq3A_1 : i32
    %and3A = arith.andi %eq3A_0, %eq3A_2 : i1
    %convert_element_type3A = arith.extui %and3A : i1 to i32
    %cond3A = arith.constant 0 : i32
    %cond3A_3 = arith.cmpi ne, %convert_element_type3A, %cond3A : i32
    scf.if %cond3A_3 {
      "tpu.region"() ({
        %run_scoped3A = tpu.sem_alloc : memref<!tpu.dma_semaphore, #tpu.memory_space<semaphore_mem>>
        tpu.enqueue_dma source(%arg2 : memref<8192xi32, #tpu.memory_space<hbm>>) target(%arg5 : memref<8192xi32, #tpu.memory_space<vmem>>) target_semaphore(%run_scoped3A : memref<!tpu.dma_semaphore, #tpu.memory_space<semaphore_mem>>)
        tpu.wait_dma2 semaphore(%run_scoped3A : memref<!tpu.dma_semaphore, #tpu.memory_space<semaphore_mem>>) src(%arg2 : memref<8192xi32, #tpu.memory_space<hbm>>) dst(%arg5 : memref<8192xi32, #tpu.memory_space<vmem>>)
        tpu.yield
      }) : () -> ()
      "tpu.region"() ({
        %run_scoped3A = tpu.sem_alloc : memref<!tpu.dma_semaphore, #tpu.memory_space<semaphore_mem>>
        tpu.enqueue_dma source(%arg3 : memref<8192xf32, #tpu.memory_space<hbm>>) target(%arg6 : memref<8192xf32, #tpu.memory_space<vmem>>) target_semaphore(%run_scoped3A : memref<!tpu.dma_semaphore, #tpu.memory_space<semaphore_mem>>)
        tpu.wait_dma2 semaphore(%run_scoped3A : memref<!tpu.dma_semaphore, #tpu.memory_space<semaphore_mem>>) src(%arg3 : memref<8192xf32, #tpu.memory_space<hbm>>) dst(%arg6 : memref<8192xf32, #tpu.memory_space<vmem>>)
        tpu.yield
      }) : () -> ()
      %scan3A = arith.constant 0 : i32
      %scan3A_4 = arith.constant 0 : i32
      %scan3A_5 = arith.constant 512 : i32
      %scan3A_6 = arith.addi %scan3A_4, %scan3A_5 : i32
      %scan3A_7 = arith.constant 1 : i32
      scf.for %scan3A_9 = %scan3A_4 to %scan3A_6 step %scan3A_7  : i32 {
        %mul3A = arith.constant 16 : i32
        %mul3A_10 = arith.muli %scan3A_9, %mul3A : i32
        %get3A = arith.index_cast %mul3A_10 : i32 to index
        %get3A_11 = tpu.vector_load %arg5[%get3A] {strides = array<i32>} : memref<8192xi32, #tpu.memory_space<vmem>>, vector<16xi32>,
        %mul3A_12 = arith.constant 16 : i32
        %mul3A_13 = arith.muli %scan3A_9, %mul3A_12 : i32
        %get3A_14 = arith.index_cast %mul3A_13 : i32 to index
        %get3A_15 = tpu.vector_load %arg6[%get3A_14] {strides = array<i32>} : memref<8192xf32, #tpu.memory_space<vmem>>, vector<16xf32>,
        tpu.vector_store_idx %arg7[%get3A_11], %get3A_15 : memref<24320xf32, #tpu.memory_space<vmem>>[vector<16xi32>], vector<16xf32>,
      }
      %scan3A_8 = arith.constant 512 : i32
      "tpu.region"() ({
        %run_scoped3A = tpu.sem_alloc : memref<!tpu.dma_semaphore, #tpu.memory_space<semaphore_mem>>
        tpu.enqueue_dma source(%arg7 : memref<24320xf32, #tpu.memory_space<vmem>>) target(%arg4 : memref<24320xf32, #tpu.memory_space<hbm>>) target_semaphore(%run_scoped3A : memref<!tpu.dma_semaphore, #tpu.memory_space<semaphore_mem>>)
        tpu.wait_dma2 semaphore(%run_scoped3A : memref<!tpu.dma_semaphore, #tpu.memory_space<semaphore_mem>>) src(%arg7 : memref<24320xf32, #tpu.memory_space<vmem>>) dst(%arg4 : memref<24320xf32, #tpu.memory_space<hbm>>)
        tpu.yield
      }) : () -> ()
    } else {
    }
    return
  }
}

#map = affine_map<(d0, d1) -> (0, 0)>
#map1 = affine_map<(d0, d1) -> (0, 0, 0)>
module attributes {stable_mosaic.version = 14 : i64} {
  func.func @_combine_sc(%arg0: i32, %arg1: i32, %arg2: memref<24320x1024xf32, #tpu.memory_space<hbm>>, %arg3: memref<32x8x16xi32, #tpu.memory_space<hbm>>, %arg4: memref<32x8x16xi32, #tpu.memory_space<hbm>>, %arg5: memref<4096x1024xf32, #tpu.memory_space<hbm>>, %arg6: memref<8x16xi32, #tpu.memory_space<vmem>>, %arg7: memref<8x16xi32, #tpu.memory_space<vmem>>, %arg8: memref<16x1024xf32, #tpu.memory_space<vmem>>, %arg9: memref<16x1024xf32, #tpu.memory_space<vmem>>, %arg10: memref<16x1024xf32, #tpu.memory_space<vmem>>, %arg11: memref<16x1024xf32, #tpu.memory_space<vmem>>, %arg12: memref<!tpu.dma_semaphore, #tpu.memory_space<semaphore_mem>>, %arg13: memref<!tpu.dma_semaphore, #tpu.memory_space<semaphore_mem>>, %arg14: memref<!tpu.dma_semaphore, #tpu.memory_space<semaphore_mem>>, %arg15: memref<!tpu.dma_semaphore, #tpu.memory_space<semaphore_mem>>, %arg16: memref<!tpu.dma_semaphore, #tpu.memory_space<semaphore_mem>>, %arg17: memref<!tpu.dma_semaphore, #tpu.memory_space<semaphore_mem>>) attributes {dimension_semantics = [#tpu.dimension_semantics<core_parallel>, #tpu.dimension_semantics<subcore_parallel>], iteration_bounds = array<i64: 2, 16>, scalar_prefetch = 0 : i64, scratch_operands = 12 : i64, tpu.core_type = #tpu.core_type<sc_vector_subcore>, window_params = [{transform_indices = #map}, {transform_indices = #map1}, {transform_indices = #map1}, {transform_indices = #map}]} {
    %mul3A = arith.constant 2 : i32
    %mul3A_0 = arith.muli %arg1, %mul3A : i32
    %add3A = arith.addi %mul3A_0, %arg0 : i32
    "tpu.region"() ({
      %run_scoped3A = tpu.sem_alloc : memref<!tpu.dma_semaphore, #tpu.memory_space<semaphore_mem>>
      %dma_start3A_366 = arith.constant 0 : i32
      %dma_start3A_367 = arith.constant 0 : i32
      %dma_start3A_368 = tpu.memref_slice %arg3[%add3A, %dma_start3A_366, %dma_start3A_367] : memref<32x8x16xi32, #tpu.memory_space<hbm>> -> memref<1x8x16xi32, #tpu.memory_space<hbm>>
      %dma_start3A_369 = tpu.memref_squeeze %dma_start3A_368 : memref<1x8x16xi32, #tpu.memory_space<hbm>> -> memref<8x16xi32, #tpu.memory_space<hbm>>
      %dma_start3A_370 = arith.constant 0 : i32
      %dma_start3A_371 = arith.constant 0 : i32
      %dma_start3A_372 = tpu.memref_slice %arg3[%add3A, %dma_start3A_370, %dma_start3A_371] : memref<32x8x16xi32, #tpu.memory_space<hbm>> -> memref<1x8x16xi32, #tpu.memory_space<hbm>>
      %dma_start3A_373 = tpu.memref_squeeze %dma_start3A_372 : memref<1x8x16xi32, #tpu.memory_space<hbm>> -> memref<8x16xi32, #tpu.memory_space<hbm>>
      tpu.enqueue_dma source(%dma_start3A_373 : memref<8x16xi32, #tpu.memory_space<hbm>>) target(%arg6 : memref<8x16xi32, #tpu.memory_space<vmem>>) target_semaphore(%run_scoped3A : memref<!tpu.dma_semaphore, #tpu.memory_space<semaphore_mem>>)
      %dma_wait3A_374 = arith.constant 0 : i32
      %dma_wait3A_375 = arith.constant 0 : i32
      %dma_wait3A_376 = tpu.memref_slice %arg3[%add3A, %dma_wait3A_374, %dma_wait3A_375] : memref<32x8x16xi32, #tpu.memory_space<hbm>> -> memref<1x8x16xi32, #tpu.memory_space<hbm>>
      %dma_wait3A_377 = tpu.memref_squeeze %dma_wait3A_376 : memref<1x8x16xi32, #tpu.memory_space<hbm>> -> memref<8x16xi32, #tpu.memory_space<hbm>>
      %dma_wait3A_378 = arith.constant 0 : i32
      %dma_wait3A_379 = arith.constant 0 : i32
      %dma_wait3A_380 = tpu.memref_slice %arg3[%add3A, %dma_wait3A_378, %dma_wait3A_379] : memref<32x8x16xi32, #tpu.memory_space<hbm>> -> memref<1x8x16xi32, #tpu.memory_space<hbm>>
      %dma_wait3A_381 = tpu.memref_squeeze %dma_wait3A_380 : memref<1x8x16xi32, #tpu.memory_space<hbm>> -> memref<8x16xi32, #tpu.memory_space<hbm>>
      tpu.wait_dma2 semaphore(%run_scoped3A : memref<!tpu.dma_semaphore, #tpu.memory_space<semaphore_mem>>) src(%dma_wait3A_381 : memref<8x16xi32, #tpu.memory_space<hbm>>) dst(%arg6 : memref<8x16xi32, #tpu.memory_space<vmem>>)
      tpu.yield
    }) : () -> ()
    "tpu.region"() ({
      %run_scoped3A = tpu.sem_alloc : memref<!tpu.dma_semaphore, #tpu.memory_space<semaphore_mem>>
      %dma_start3A_366 = arith.constant 0 : i32
      %dma_start3A_367 = arith.constant 0 : i32
      %dma_start3A_368 = tpu.memref_slice %arg4[%add3A, %dma_start3A_366, %dma_start3A_367] : memref<32x8x16xi32, #tpu.memory_space<hbm>> -> memref<1x8x16xi32, #tpu.memory_space<hbm>>
      %dma_start3A_369 = tpu.memref_squeeze %dma_start3A_368 : memref<1x8x16xi32, #tpu.memory_space<hbm>> -> memref<8x16xi32, #tpu.memory_space<hbm>>
      %dma_start3A_370 = arith.constant 0 : i32
      %dma_start3A_371 = arith.constant 0 : i32
      %dma_start3A_372 = tpu.memref_slice %arg4[%add3A, %dma_start3A_370, %dma_start3A_371] : memref<32x8x16xi32, #tpu.memory_space<hbm>> -> memref<1x8x16xi32, #tpu.memory_space<hbm>>
      %dma_start3A_373 = tpu.memref_squeeze %dma_start3A_372 : memref<1x8x16xi32, #tpu.memory_space<hbm>> -> memref<8x16xi32, #tpu.memory_space<hbm>>
      tpu.enqueue_dma source(%dma_start3A_373 : memref<8x16xi32, #tpu.memory_space<hbm>>) target(%arg7 : memref<8x16xi32, #tpu.memory_space<vmem>>) target_semaphore(%run_scoped3A : memref<!tpu.dma_semaphore, #tpu.memory_space<semaphore_mem>>)
      %dma_wait3A_374 = arith.constant 0 : i32
      %dma_wait3A_375 = arith.constant 0 : i32
      %dma_wait3A_376 = tpu.memref_slice %arg4[%add3A, %dma_wait3A_374, %dma_wait3A_375] : memref<32x8x16xi32, #tpu.memory_space<hbm>> -> memref<1x8x16xi32, #tpu.memory_space<hbm>>
      %dma_wait3A_377 = tpu.memref_squeeze %dma_wait3A_376 : memref<1x8x16xi32, #tpu.memory_space<hbm>> -> memref<8x16xi32, #tpu.memory_space<hbm>>
      %dma_wait3A_378 = arith.constant 0 : i32
      %dma_wait3A_379 = arith.constant 0 : i32
      %dma_wait3A_380 = tpu.memref_slice %arg4[%add3A, %dma_wait3A_378, %dma_wait3A_379] : memref<32x8x16xi32, #tpu.memory_space<hbm>> -> memref<1x8x16xi32, #tpu.memory_space<hbm>>
      %dma_wait3A_381 = tpu.memref_squeeze %dma_wait3A_380 : memref<1x8x16xi32, #tpu.memory_space<hbm>> -> memref<8x16xi32, #tpu.memory_space<hbm>>
      tpu.wait_dma2 semaphore(%run_scoped3A : memref<!tpu.dma_semaphore, #tpu.memory_space<semaphore_mem>>) src(%dma_wait3A_381 : memref<8x16xi32, #tpu.memory_space<hbm>>) dst(%arg7 : memref<8x16xi32, #tpu.memory_space<vmem>>)
      tpu.yield
    }) : () -> ()
    %dma_start3A = arith.constant 0 : i32
    %dma_start3A_1 = arith.constant 0 : i32
    %dma_start3A_2 = tpu.memref_slice %arg6[%dma_start3A, %dma_start3A_1] : memref<8x16xi32, #tpu.memory_space<vmem>> -> memref<1x16xi32, #tpu.memory_space<vmem>>
    %dma_start3A_3 = tpu.memref_squeeze %dma_start3A_2 : memref<1x16xi32, #tpu.memory_space<vmem>> -> memref<16xi32, #tpu.memory_space<vmem>>
    %dma_start3A_4 = arith.constant 0 : i32
    %dma_start3A_5 = arith.constant 0 : i32
    %dma_start3A_6 = tpu.memref_slice %arg2[%dma_start3A_4, %dma_start3A_5] : memref<24320x1024xf32, #tpu.memory_space<hbm>> -> memref<24320x1024xf32, #tpu.memory_space<hbm>>
    tpu.enqueue_indirect_dma source(%dma_start3A_6 : memref<24320x1024xf32, #tpu.memory_space<hbm>>) target(%arg8 : memref<16x1024xf32, #tpu.memory_space<vmem>>) offsets(%dma_start3A_3 : memref<16xi32, #tpu.memory_space<vmem>>) semaphore(%arg12 : memref<!tpu.dma_semaphore, #tpu.memory_space<semaphore_mem>>)
    %dma_start3A_7 = arith.constant 0 : i32
    %dma_start3A_8 = arith.constant 0 : i32
    %dma_start3A_9 = tpu.memref_slice %arg7[%dma_start3A_7, %dma_start3A_8] : memref<8x16xi32, #tpu.memory_space<vmem>> -> memref<1x16xi32, #tpu.memory_space<vmem>>
    %dma_start3A_10 = tpu.memref_squeeze %dma_start3A_9 : memref<1x16xi32, #tpu.memory_space<vmem>> -> memref<16xi32, #tpu.memory_space<vmem>>
    %dma_start3A_11 = arith.constant 0 : i32
    %dma_start3A_12 = arith.constant 0 : i32
    %dma_start3A_13 = tpu.memref_slice %arg2[%dma_start3A_11, %dma_start3A_12] : memref<24320x1024xf32, #tpu.memory_space<hbm>> -> memref<24320x1024xf32, #tpu.memory_space<hbm>>
    tpu.enqueue_indirect_dma source(%dma_start3A_13 : memref<24320x1024xf32, #tpu.memory_space<hbm>>) target(%arg10 : memref<16x1024xf32, #tpu.memory_space<vmem>>) offsets(%dma_start3A_10 : memref<16xi32, #tpu.memory_space<vmem>>) semaphore(%arg14 : memref<!tpu.dma_semaphore, #tpu.memory_space<semaphore_mem>>)
    %dma_start3A_14 = arith.constant 1 : i32
    %dma_start3A_15 = arith.constant 0 : i32
    %dma_start3A_16 = tpu.memref_slice %arg6[%dma_start3A_14, %dma_start3A_15] : memref<8x16xi32, #tpu.memory_space<vmem>> -> memref<1x16xi32, #tpu.memory_space<vmem>>
    %dma_start3A_17 = tpu.memref_squeeze %dma_start3A_16 : memref<1x16xi32, #tpu.memory_space<vmem>> -> memref<16xi32, #tpu.memory_space<vmem>>
    %dma_start3A_18 = arith.constant 0 : i32
    %dma_start3A_19 = arith.constant 0 : i32
    %dma_start3A_20 = tpu.memref_slice %arg2[%dma_start3A_18, %dma_start3A_19] : memref<24320x1024xf32, #tpu.memory_space<hbm>> -> memref<24320x1024xf32, #tpu.memory_space<hbm>>
    tpu.enqueue_indirect_dma source(%dma_start3A_20 : memref<24320x1024xf32, #tpu.memory_space<hbm>>) target(%arg9 : memref<16x1024xf32, #tpu.memory_space<vmem>>) offsets(%dma_start3A_17 : memref<16xi32, #tpu.memory_space<vmem>>) semaphore(%arg13 : memref<!tpu.dma_semaphore, #tpu.memory_space<semaphore_mem>>)
    %dma_start3A_21 = arith.constant 1 : i32
    %dma_start3A_22 = arith.constant 0 : i32
    %dma_start3A_23 = tpu.memref_slice %arg7[%dma_start3A_21, %dma_start3A_22] : memref<8x16xi32, #tpu.memory_space<vmem>> -> memref<1x16xi32, #tpu.memory_space<vmem>>
    %dma_start3A_24 = tpu.memref_squeeze %dma_start3A_23 : memref<1x16xi32, #tpu.memory_space<vmem>> -> memref<16xi32, #tpu.memory_space<vmem>>
    %dma_start3A_25 = arith.constant 0 : i32
    %dma_start3A_26 = arith.constant 0 : i32
    %dma_start3A_27 = tpu.memref_slice %arg2[%dma_start3A_25, %dma_start3A_26] : memref<24320x1024xf32, #tpu.memory_space<hbm>> -> memref<24320x1024xf32, #tpu.memory_space<hbm>>
    tpu.enqueue_indirect_dma source(%dma_start3A_27 : memref<24320x1024xf32, #tpu.memory_space<hbm>>) target(%arg11 : memref<16x1024xf32, #tpu.memory_space<vmem>>) offsets(%dma_start3A_24 : memref<16xi32, #tpu.memory_space<vmem>>) semaphore(%arg15 : memref<!tpu.dma_semaphore, #tpu.memory_space<semaphore_mem>>)
    %dma_wait3A = arith.constant 0 : i32
    %dma_wait3A_28 = arith.constant 0 : i32
    %dma_wait3A_29 = tpu.memref_slice %arg6[%dma_wait3A, %dma_wait3A_28] : memref<8x16xi32, #tpu.memory_space<vmem>> -> memref<1x16xi32, #tpu.memory_space<vmem>>
    %dma_wait3A_30 = tpu.memref_squeeze %dma_wait3A_29 : memref<1x16xi32, #tpu.memory_space<vmem>> -> memref<16xi32, #tpu.memory_space<vmem>>
    %dma_wait3A_31 = arith.constant 0 : i32
    %dma_wait3A_32 = arith.constant 0 : i32
    %dma_wait3A_33 = tpu.memref_slice %arg2[%dma_wait3A_31, %dma_wait3A_32] : memref<24320x1024xf32, #tpu.memory_space<hbm>> -> memref<24320x1024xf32, #tpu.memory_space<hbm>>
    tpu.wait_indirect_dma semaphore(%arg12 : memref<!tpu.dma_semaphore, #tpu.memory_space<semaphore_mem>>) src(%dma_wait3A_33 : memref<24320x1024xf32, #tpu.memory_space<hbm>>) dst(%arg8 : memref<16x1024xf32, #tpu.memory_space<vmem>>)
    %dma_wait3A_34 = arith.constant 0 : i32
    %dma_wait3A_35 = arith.constant 0 : i32
    %dma_wait3A_36 = tpu.memref_slice %arg7[%dma_wait3A_34, %dma_wait3A_35] : memref<8x16xi32, #tpu.memory_space<vmem>> -> memref<1x16xi32, #tpu.memory_space<vmem>>
    %dma_wait3A_37 = tpu.memref_squeeze %dma_wait3A_36 : memref<1x16xi32, #tpu.memory_space<vmem>> -> memref<16xi32, #tpu.memory_space<vmem>>
    %dma_wait3A_38 = arith.constant 0 : i32
    %dma_wait3A_39 = arith.constant 0 : i32
    %dma_wait3A_40 = tpu.memref_slice %arg2[%dma_wait3A_38, %dma_wait3A_39] : memref<24320x1024xf32, #tpu.memory_space<hbm>> -> memref<24320x1024xf32, #tpu.memory_space<hbm>>
    tpu.wait_indirect_dma semaphore(%arg14 : memref<!tpu.dma_semaphore, #tpu.memory_space<semaphore_mem>>) src(%dma_wait3A_40 : memref<24320x1024xf32, #tpu.memory_space<hbm>>) dst(%arg10 : memref<16x1024xf32, #tpu.memory_space<vmem>>)
    %scan3A = arith.constant 0 : i32
    %scan3A_41 = arith.constant 0 : i32
    %scan3A_42 = arith.constant 16 : i32
    %scan3A_43 = arith.addi %scan3A_41, %scan3A_42 : i32
    %scan3A_44 = arith.constant 1 : i32
    scf.for %scan3A_366 = %scan3A_41 to %scan3A_43 step %scan3A_44  : i32 {
      %scan3A_367 = arith.constant 0 : i32
      %scan3A_368 = arith.constant 0 : i32
      %scan3A_369 = arith.constant 8 : i32
      %scan3A_370 = arith.addi %scan3A_368, %scan3A_369 : i32
      %scan3A_371 = arith.constant 1 : i32
      scf.for %scan3A_373 = %scan3A_368 to %scan3A_370 step %scan3A_371  : i32 {
        %mul3A_374 = arith.constant 8 : i32
        %mul3A_375 = arith.muli %scan3A_373, %mul3A_374 : i32
        %add3A_376 = arith.constant 0 : i32
        %add3A_377 = arith.addi %mul3A_375, %add3A_376 : i32
        %mul3A_378 = arith.constant 16 : i32
        %mul3A_379 = arith.muli %add3A_377, %mul3A_378 : i32
        %get3A = arith.index_cast %scan3A_366 : i32 to index
        %get3A_380 = arith.index_cast %mul3A_379 : i32 to index
        %get3A_381 = tpu.vector_load %arg10[%get3A, %get3A_380] {strides = array<i32>} : memref<16x1024xf32, #tpu.memory_space<vmem>>, vector<16xf32>,
        %swap3A = arith.index_cast %scan3A_366 : i32 to index
        %swap3A_382 = arith.index_cast %mul3A_379 : i32 to index
        %swap3A_383 = tpu.vector_load %arg8[%swap3A, %swap3A_382] {strides = array<i32>} : memref<16x1024xf32, #tpu.memory_space<vmem>>, vector<16xf32>,
        tpu.vector_store %arg8[%swap3A, %swap3A_382], %get3A_381 {add = true, strides = array<i32>} : memref<16x1024xf32, #tpu.memory_space<vmem>>, vector<16xf32>,
        %mul3A_384 = arith.constant 8 : i32
        %mul3A_385 = arith.muli %scan3A_373, %mul3A_384 : i32
        %add3A_386 = arith.constant 1 : i32
        %add3A_387 = arith.addi %mul3A_385, %add3A_386 : i32
        %mul3A_388 = arith.constant 16 : i32
        %mul3A_389 = arith.muli %add3A_387, %mul3A_388 : i32
        %get3A_390 = arith.index_cast %scan3A_366 : i32 to index
        %get3A_391 = arith.index_cast %mul3A_389 : i32 to index
        %get3A_392 = tpu.vector_load %arg10[%get3A_390, %get3A_391] {strides = array<i32>} : memref<16x1024xf32, #tpu.memory_space<vmem>>, vector<16xf32>,
        %swap3A_393 = arith.index_cast %scan3A_366 : i32 to index
        %swap3A_394 = arith.index_cast %mul3A_389 : i32 to index
        %swap3A_395 = tpu.vector_load %arg8[%swap3A_393, %swap3A_394] {strides = array<i32>} : memref<16x1024xf32, #tpu.memory_space<vmem>>, vector<16xf32>,
        tpu.vector_store %arg8[%swap3A_393, %swap3A_394], %get3A_392 {add = true, strides = array<i32>} : memref<16x1024xf32, #tpu.memory_space<vmem>>, vector<16xf32>,
        %mul3A_396 = arith.constant 8 : i32
        %mul3A_397 = arith.muli %scan3A_373, %mul3A_396 : i32
        %add3A_398 = arith.constant 2 : i32
        %add3A_399 = arith.addi %mul3A_397, %add3A_398 : i32
        %mul3A_400 = arith.constant 16 : i32
        %mul3A_401 = arith.muli %add3A_399, %mul3A_400 : i32
        %get3A_402 = arith.index_cast %scan3A_366 : i32 to index
        %get3A_403 = arith.index_cast %mul3A_401 : i32 to index
        %get3A_404 = tpu.vector_load %arg10[%get3A_402, %get3A_403] {strides = array<i32>} : memref<16x1024xf32, #tpu.memory_space<vmem>>, vector<16xf32>,
        %swap3A_405 = arith.index_cast %scan3A_366 : i32 to index
        %swap3A_406 = arith.index_cast %mul3A_401 : i32 to index
        %swap3A_407 = tpu.vector_load %arg8[%swap3A_405, %swap3A_406] {strides = array<i32>} : memref<16x1024xf32, #tpu.memory_space<vmem>>, vector<16xf32>,
        tpu.vector_store %arg8[%swap3A_405, %swap3A_406], %get3A_404 {add = true, strides = array<i32>} : memref<16x1024xf32, #tpu.memory_space<vmem>>, vector<16xf32>,
        %mul3A_408 = arith.constant 8 : i32
        %mul3A_409 = arith.muli %scan3A_373, %mul3A_408 : i32
        %add3A_410 = arith.constant 3 : i32
        %add3A_411 = arith.addi %mul3A_409, %add3A_410 : i32
        %mul3A_412 = arith.constant 16 : i32
        %mul3A_413 = arith.muli %add3A_411, %mul3A_412 : i32
        %get3A_414 = arith.index_cast %scan3A_366 : i32 to index
        %get3A_415 = arith.index_cast %mul3A_413 : i32 to index
        %get3A_416 = tpu.vector_load %arg10[%get3A_414, %get3A_415] {strides = array<i32>} : memref<16x1024xf32, #tpu.memory_space<vmem>>, vector<16xf32>,
        %swap3A_417 = arith.index_cast %scan3A_366 : i32 to index
        %swap3A_418 = arith.index_cast %mul3A_413 : i32 to index
        %swap3A_419 = tpu.vector_load %arg8[%swap3A_417, %swap3A_418] {strides = array<i32>} : memref<16x1024xf32, #tpu.memory_space<vmem>>, vector<16xf32>,
        tpu.vector_store %arg8[%swap3A_417, %swap3A_418], %get3A_416 {add = true, strides = array<i32>} : memref<16x1024xf32, #tpu.memory_space<vmem>>, vector<16xf32>,
        %mul3A_420 = arith.constant 8 : i32
        %mul3A_421 = arith.muli %scan3A_373, %mul3A_420 : i32
        %add3A_422 = arith.constant 4 : i32
        %add3A_423 = arith.addi %mul3A_421, %add3A_422 : i32
        %mul3A_424 = arith.constant 16 : i32
        %mul3A_425 = arith.muli %add3A_423, %mul3A_424 : i32
        %get3A_426 = arith.index_cast %scan3A_366 : i32 to index
        %get3A_427 = arith.index_cast %mul3A_425 : i32 to index
        %get3A_428 = tpu.vector_load %arg10[%get3A_426, %get3A_427] {strides = array<i32>} : memref<16x1024xf32, #tpu.memory_space<vmem>>, vector<16xf32>,
        %swap3A_429 = arith.index_cast %scan3A_366 : i32 to index
        %swap3A_430 = arith.index_cast %mul3A_425 : i32 to index
        %swap3A_431 = tpu.vector_load %arg8[%swap3A_429, %swap3A_430] {strides = array<i32>} : memref<16x1024xf32, #tpu.memory_space<vmem>>, vector<16xf32>,
        tpu.vector_store %arg8[%swap3A_429, %swap3A_430], %get3A_428 {add = true, strides = array<i32>} : memref<16x1024xf32, #tpu.memory_space<vmem>>, vector<16xf32>,
        %mul3A_432 = arith.constant 8 : i32
        %mul3A_433 = arith.muli %scan3A_373, %mul3A_432 : i32
        %add3A_434 = arith.constant 5 : i32
        %add3A_435 = arith.addi %mul3A_433, %add3A_434 : i32
        %mul3A_436 = arith.constant 16 : i32
        %mul3A_437 = arith.muli %add3A_435, %mul3A_436 : i32
        %get3A_438 = arith.index_cast %scan3A_366 : i32 to index
        %get3A_439 = arith.index_cast %mul3A_437 : i32 to index
        %get3A_440 = tpu.vector_load %arg10[%get3A_438, %get3A_439] {strides = array<i32>} : memref<16x1024xf32, #tpu.memory_space<vmem>>, vector<16xf32>,
        %swap3A_441 = arith.index_cast %scan3A_366 : i32 to index
        %swap3A_442 = arith.index_cast %mul3A_437 : i32 to index
        %swap3A_443 = tpu.vector_load %arg8[%swap3A_441, %swap3A_442] {strides = array<i32>} : memref<16x1024xf32, #tpu.memory_space<vmem>>, vector<16xf32>,
        tpu.vector_store %arg8[%swap3A_441, %swap3A_442], %get3A_440 {add = true, strides = array<i32>} : memref<16x1024xf32, #tpu.memory_space<vmem>>, vector<16xf32>,
        %mul3A_444 = arith.constant 8 : i32
        %mul3A_445 = arith.muli %scan3A_373, %mul3A_444 : i32
        %add3A_446 = arith.constant 6 : i32
        %add3A_447 = arith.addi %mul3A_445, %add3A_446 : i32
        %mul3A_448 = arith.constant 16 : i32
        %mul3A_449 = arith.muli %add3A_447, %mul3A_448 : i32
        %get3A_450 = arith.index_cast %scan3A_366 : i32 to index
        %get3A_451 = arith.index_cast %mul3A_449 : i32 to index
        %get3A_452 = tpu.vector_load %arg10[%get3A_450, %get3A_451] {strides = array<i32>} : memref<16x1024xf32, #tpu.memory_space<vmem>>, vector<16xf32>,
        %swap3A_453 = arith.index_cast %scan3A_366 : i32 to index
        %swap3A_454 = arith.index_cast %mul3A_449 : i32 to index
        %swap3A_455 = tpu.vector_load %arg8[%swap3A_453, %swap3A_454] {strides = array<i32>} : memref<16x1024xf32, #tpu.memory_space<vmem>>, vector<16xf32>,
        tpu.vector_store %arg8[%swap3A_453, %swap3A_454], %get3A_452 {add = true, strides = array<i32>} : memref<16x1024xf32, #tpu.memory_space<vmem>>, vector<16xf32>,
        %mul3A_456 = arith.constant 8 : i32
        %mul3A_457 = arith.muli %scan3A_373, %mul3A_456 : i32
        %add3A_458 = arith.constant 7 : i32
        %add3A_459 = arith.addi %mul3A_457, %add3A_458 : i32
        %mul3A_460 = arith.constant 16 : i32
        %mul3A_461 = arith.muli %add3A_459, %mul3A_460 : i32
        %get3A_462 = arith.index_cast %scan3A_366 : i32 to index
        %get3A_463 = arith.index_cast %mul3A_461 : i32 to index
        %get3A_464 = tpu.vector_load %arg10[%get3A_462, %get3A_463] {strides = array<i32>} : memref<16x1024xf32, #tpu.memory_space<vmem>>, vector<16xf32>,
        %swap3A_465 = arith.index_cast %scan3A_366 : i32 to index
        %swap3A_466 = arith.index_cast %mul3A_461 : i32 to index
        %swap3A_467 = tpu.vector_load %arg8[%swap3A_465, %swap3A_466] {strides = array<i32>} : memref<16x1024xf32, #tpu.memory_space<vmem>>, vector<16xf32>,
        tpu.vector_store %arg8[%swap3A_465, %swap3A_466], %get3A_464 {add = true, strides = array<i32>} : memref<16x1024xf32, #tpu.memory_space<vmem>>, vector<16xf32>,
      }
      %scan3A_372 = arith.constant 8 : i32
    }
    %scan3A_45 = arith.constant 16 : i32
    %mul3A_46 = arith.constant 128 : i32
    %mul3A_47 = arith.muli %add3A, %mul3A_46 : i32
    %add3A_48 = arith.constant 0 : i32
    %add3A_49 = arith.addi %mul3A_47, %add3A_48 : i32
    %dma_start3A_50 = arith.constant 0 : i32
    %dma_start3A_51 = tpu.memref_slice %arg5[%add3A_49, %dma_start3A_50] : memref<4096x1024xf32, #tpu.memory_space<hbm>> -> memref<16x1024xf32, #tpu.memory_space<hbm>>
    %dma_start3A_52 = arith.constant 0 : i32
    %dma_start3A_53 = tpu.memref_slice %arg5[%add3A_49, %dma_start3A_52] : memref<4096x1024xf32, #tpu.memory_space<hbm>> -> memref<16x1024xf32, #tpu.memory_space<hbm>>
    tpu.enqueue_dma source(%arg8 : memref<16x1024xf32, #tpu.memory_space<vmem>>) target(%dma_start3A_53 : memref<16x1024xf32, #tpu.memory_space<hbm>>) target_semaphore(%arg16 : memref<!tpu.dma_semaphore, #tpu.memory_space<semaphore_mem>>)
    %dma_wait3A_54 = arith.constant 0 : i32
    %dma_wait3A_55 = tpu.memref_slice %arg5[%add3A_49, %dma_wait3A_54] : memref<4096x1024xf32, #tpu.memory_space<hbm>> -> memref<16x1024xf32, #tpu.memory_space<hbm>>
    %dma_wait3A_56 = arith.constant 0 : i32
    %dma_wait3A_57 = tpu.memref_slice %arg5[%add3A_49, %dma_wait3A_56] : memref<4096x1024xf32, #tpu.memory_space<hbm>> -> memref<16x1024xf32, #tpu.memory_space<hbm>>
    tpu.wait_dma2 semaphore(%arg16 : memref<!tpu.dma_semaphore, #tpu.memory_space<semaphore_mem>>) src(%arg8 : memref<16x1024xf32, #tpu.memory_space<vmem>>) dst(%dma_wait3A_57 : memref<16x1024xf32, #tpu.memory_space<hbm>>)
    %dma_start3A_58 = arith.constant 2 : i32
    %dma_start3A_59 = arith.constant 0 : i32
    %dma_start3A_60 = tpu.memref_slice %arg6[%dma_start3A_58, %dma_start3A_59] : memref<8x16xi32, #tpu.memory_space<vmem>> -> memref<1x16xi32, #tpu.memory_space<vmem>>
    %dma_start3A_61 = tpu.memref_squeeze %dma_start3A_60 : memref<1x16xi32, #tpu.memory_space<vmem>> -> memref<16xi32, #tpu.memory_space<vmem>>
    %dma_start3A_62 = arith.constant 0 : i32
    %dma_start3A_63 = arith.constant 0 : i32
    %dma_start3A_64 = tpu.memref_slice %arg2[%dma_start3A_62, %dma_start3A_63] : memref<24320x1024xf32, #tpu.memory_space<hbm>> -> memref<24320x1024xf32, #tpu.memory_space<hbm>>
    tpu.enqueue_indirect_dma source(%dma_start3A_64 : memref<24320x1024xf32, #tpu.memory_space<hbm>>) target(%arg8 : memref<16x1024xf32, #tpu.memory_space<vmem>>) offsets(%dma_start3A_61 : memref<16xi32, #tpu.memory_space<vmem>>) semaphore(%arg12 : memref<!tpu.dma_semaphore, #tpu.memory_space<semaphore_mem>>)
    %dma_start3A_65 = arith.constant 2 : i32
    %dma_start3A_66 = arith.constant 0 : i32
    %dma_start3A_67 = tpu.memref_slice %arg7[%dma_start3A_65, %dma_start3A_66] : memref<8x16xi32, #tpu.memory_space<vmem>> -> memref<1x16xi32, #tpu.memory_space<vmem>>
    %dma_start3A_68 = tpu.memref_squeeze %dma_start3A_67 : memref<1x16xi32, #tpu.memory_space<vmem>> -> memref<16xi32, #tpu.memory_space<vmem>>
    %dma_start3A_69 = arith.constant 0 : i32
    %dma_start3A_70 = arith.constant 0 : i32
    %dma_start3A_71 = tpu.memref_slice %arg2[%dma_start3A_69, %dma_start3A_70] : memref<24320x1024xf32, #tpu.memory_space<hbm>> -> memref<24320x1024xf32, #tpu.memory_space<hbm>>
    tpu.enqueue_indirect_dma source(%dma_start3A_71 : memref<24320x1024xf32, #tpu.memory_space<hbm>>) target(%arg10 : memref<16x1024xf32, #tpu.memory_space<vmem>>) offsets(%dma_start3A_68 : memref<16xi32, #tpu.memory_space<vmem>>) semaphore(%arg14 : memref<!tpu.dma_semaphore, #tpu.memory_space<semaphore_mem>>)
    %dma_wait3A_72 = arith.constant 1 : i32
    %dma_wait3A_73 = arith.constant 0 : i32
    %dma_wait3A_74 = tpu.memref_slice %arg6[%dma_wait3A_72, %dma_wait3A_73] : memref<8x16xi32, #tpu.memory_space<vmem>> -> memref<1x16xi32, #tpu.memory_space<vmem>>
    %dma_wait3A_75 = tpu.memref_squeeze %dma_wait3A_74 : memref<1x16xi32, #tpu.memory_space<vmem>> -> memref<16xi32, #tpu.memory_space<vmem>>
    %dma_wait3A_76 = arith.constant 0 : i32
    %dma_wait3A_77 = arith.constant 0 : i32
    %dma_wait3A_78 = tpu.memref_slice %arg2[%dma_wait3A_76, %dma_wait3A_77] : memref<24320x1024xf32, #tpu.memory_space<hbm>> -> memref<24320x1024xf32, #tpu.memory_space<hbm>>
    tpu.wait_indirect_dma semaphore(%arg13 : memref<!tpu.dma_semaphore, #tpu.memory_space<semaphore_mem>>) src(%dma_wait3A_78 : memref<24320x1024xf32, #tpu.memory_space<hbm>>) dst(%arg9 : memref<16x1024xf32, #tpu.memory_space<vmem>>)
    %dma_wait3A_79 = arith.constant 1 : i32
    %dma_wait3A_80 = arith.constant 0 : i32
    %dma_wait3A_81 = tpu.memref_slice %arg7[%dma_wait3A_79, %dma_wait3A_80] : memref<8x16xi32, #tpu.memory_space<vmem>> -> memref<1x16xi32, #tpu.memory_space<vmem>>
    %dma_wait3A_82 = tpu.memref_squeeze %dma_wait3A_81 : memref<1x16xi32, #tpu.memory_space<vmem>> -> memref<16xi32, #tpu.memory_space<vmem>>
    %dma_wait3A_83 = arith.constant 0 : i32
    %dma_wait3A_84 = arith.constant 0 : i32
    %dma_wait3A_85 = tpu.memref_slice %arg2[%dma_wait3A_83, %dma_wait3A_84] : memref<24320x1024xf32, #tpu.memory_space<hbm>> -> memref<24320x1024xf32, #tpu.memory_space<hbm>>
    tpu.wait_indirect_dma semaphore(%arg15 : memref<!tpu.dma_semaphore, #tpu.memory_space<semaphore_mem>>) src(%dma_wait3A_85 : memref<24320x1024xf32, #tpu.memory_space<hbm>>) dst(%arg11 : memref<16x1024xf32, #tpu.memory_space<vmem>>)
    %scan3A_86 = arith.constant 0 : i32
    %scan3A_87 = arith.constant 0 : i32
    %scan3A_88 = arith.constant 16 : i32
    %scan3A_89 = arith.addi %scan3A_87, %scan3A_88 : i32
    %scan3A_90 = arith.constant 1 : i32
    scf.for %scan3A_366 = %scan3A_87 to %scan3A_89 step %scan3A_90  : i32 {
      %scan3A_367 = arith.constant 0 : i32
      %scan3A_368 = arith.constant 0 : i32
      %scan3A_369 = arith.constant 8 : i32
      %scan3A_370 = arith.addi %scan3A_368, %scan3A_369 : i32
      %scan3A_371 = arith.constant 1 : i32
      scf.for %scan3A_373 = %scan3A_368 to %scan3A_370 step %scan3A_371  : i32 {
        %mul3A_374 = arith.constant 8 : i32
        %mul3A_375 = arith.muli %scan3A_373, %mul3A_374 : i32
        %add3A_376 = arith.constant 0 : i32
        %add3A_377 = arith.addi %mul3A_375, %add3A_376 : i32
        %mul3A_378 = arith.constant 16 : i32
        %mul3A_379 = arith.muli %add3A_377, %mul3A_378 : i32
        %get3A = arith.index_cast %scan3A_366 : i32 to index
        %get3A_380 = arith.index_cast %mul3A_379 : i32 to index
        %get3A_381 = tpu.vector_load %arg11[%get3A, %get3A_380] {strides = array<i32>} : memref<16x1024xf32, #tpu.memory_space<vmem>>, vector<16xf32>,
        %swap3A = arith.index_cast %scan3A_366 : i32 to index
        %swap3A_382 = arith.index_cast %mul3A_379 : i32 to index
        %swap3A_383 = tpu.vector_load %arg9[%swap3A, %swap3A_382] {strides = array<i32>} : memref<16x1024xf32, #tpu.memory_space<vmem>>, vector<16xf32>,
        tpu.vector_store %arg9[%swap3A, %swap3A_382], %get3A_381 {add = true, strides = array<i32>} : memref<16x1024xf32, #tpu.memory_space<vmem>>, vector<16xf32>,
        %mul3A_384 = arith.constant 8 : i32
        %mul3A_385 = arith.muli %scan3A_373, %mul3A_384 : i32
        %add3A_386 = arith.constant 1 : i32
        %add3A_387 = arith.addi %mul3A_385, %add3A_386 : i32
        %mul3A_388 = arith.constant 16 : i32
        %mul3A_389 = arith.muli %add3A_387, %mul3A_388 : i32
        %get3A_390 = arith.index_cast %scan3A_366 : i32 to index
        %get3A_391 = arith.index_cast %mul3A_389 : i32 to index
        %get3A_392 = tpu.vector_load %arg11[%get3A_390, %get3A_391] {strides = array<i32>} : memref<16x1024xf32, #tpu.memory_space<vmem>>, vector<16xf32>,
        %swap3A_393 = arith.index_cast %scan3A_366 : i32 to index
        %swap3A_394 = arith.index_cast %mul3A_389 : i32 to index
        %swap3A_395 = tpu.vector_load %arg9[%swap3A_393, %swap3A_394] {strides = array<i32>} : memref<16x1024xf32, #tpu.memory_space<vmem>>, vector<16xf32>,
        tpu.vector_store %arg9[%swap3A_393, %swap3A_394], %get3A_392 {add = true, strides = array<i32>} : memref<16x1024xf32, #tpu.memory_space<vmem>>, vector<16xf32>,
        %mul3A_396 = arith.constant 8 : i32
        %mul3A_397 = arith.muli %scan3A_373, %mul3A_396 : i32
        %add3A_398 = arith.constant 2 : i32
        %add3A_399 = arith.addi %mul3A_397, %add3A_398 : i32
        %mul3A_400 = arith.constant 16 : i32
        %mul3A_401 = arith.muli %add3A_399, %mul3A_400 : i32
        %get3A_402 = arith.index_cast %scan3A_366 : i32 to index
        %get3A_403 = arith.index_cast %mul3A_401 : i32 to index
        %get3A_404 = tpu.vector_load %arg11[%get3A_402, %get3A_403] {strides = array<i32>} : memref<16x1024xf32, #tpu.memory_space<vmem>>, vector<16xf32>,
        %swap3A_405 = arith.index_cast %scan3A_366 : i32 to index
        %swap3A_406 = arith.index_cast %mul3A_401 : i32 to index
        %swap3A_407 = tpu.vector_load %arg9[%swap3A_405, %swap3A_406] {strides = array<i32>} : memref<16x1024xf32, #tpu.memory_space<vmem>>, vector<16xf32>,
        tpu.vector_store %arg9[%swap3A_405, %swap3A_406], %get3A_404 {add = true, strides = array<i32>} : memref<16x1024xf32, #tpu.memory_space<vmem>>, vector<16xf32>,
        %mul3A_408 = arith.constant 8 : i32
        %mul3A_409 = arith.muli %scan3A_373, %mul3A_408 : i32
        %add3A_410 = arith.constant 3 : i32
        %add3A_411 = arith.addi %mul3A_409, %add3A_410 : i32
        %mul3A_412 = arith.constant 16 : i32
        %mul3A_413 = arith.muli %add3A_411, %mul3A_412 : i32
        %get3A_414 = arith.index_cast %scan3A_366 : i32 to index
        %get3A_415 = arith.index_cast %mul3A_413 : i32 to index
        %get3A_416 = tpu.vector_load %arg11[%get3A_414, %get3A_415] {strides = array<i32>} : memref<16x1024xf32, #tpu.memory_space<vmem>>, vector<16xf32>,
        %swap3A_417 = arith.index_cast %scan3A_366 : i32 to index
        %swap3A_418 = arith.index_cast %mul3A_413 : i32 to index
        %swap3A_419 = tpu.vector_load %arg9[%swap3A_417, %swap3A_418] {strides = array<i32>} : memref<16x1024xf32, #tpu.memory_space<vmem>>, vector<16xf32>,
        tpu.vector_store %arg9[%swap3A_417, %swap3A_418], %get3A_416 {add = true, strides = array<i32>} : memref<16x1024xf32, #tpu.memory_space<vmem>>, vector<16xf32>,
        %mul3A_420 = arith.constant 8 : i32
        %mul3A_421 = arith.muli %scan3A_373, %mul3A_420 : i32
        %add3A_422 = arith.constant 4 : i32
        %add3A_423 = arith.addi %mul3A_421, %add3A_422 : i32
        %mul3A_424 = arith.constant 16 : i32
        %mul3A_425 = arith.muli %add3A_423, %mul3A_424 : i32
        %get3A_426 = arith.index_cast %scan3A_366 : i32 to index
        %get3A_427 = arith.index_cast %mul3A_425 : i32 to index
        %get3A_428 = tpu.vector_load %arg11[%get3A_426, %get3A_427] {strides = array<i32>} : memref<16x1024xf32, #tpu.memory_space<vmem>>, vector<16xf32>,
        %swap3A_429 = arith.index_cast %scan3A_366 : i32 to index
        %swap3A_430 = arith.index_cast %mul3A_425 : i32 to index
        %swap3A_431 = tpu.vector_load %arg9[%swap3A_429, %swap3A_430] {strides = array<i32>} : memref<16x1024xf32, #tpu.memory_space<vmem>>, vector<16xf32>,
        tpu.vector_store %arg9[%swap3A_429, %swap3A_430], %get3A_428 {add = true, strides = array<i32>} : memref<16x1024xf32, #tpu.memory_space<vmem>>, vector<16xf32>,
        %mul3A_432 = arith.constant 8 : i32
        %mul3A_433 = arith.muli %scan3A_373, %mul3A_432 : i32
        %add3A_434 = arith.constant 5 : i32
        %add3A_435 = arith.addi %mul3A_433, %add3A_434 : i32
        %mul3A_436 = arith.constant 16 : i32
        %mul3A_437 = arith.muli %add3A_435, %mul3A_436 : i32
        %get3A_438 = arith.index_cast %scan3A_366 : i32 to index
        %get3A_439 = arith.index_cast %mul3A_437 : i32 to index
        %get3A_440 = tpu.vector_load %arg11[%get3A_438, %get3A_439] {strides = array<i32>} : memref<16x1024xf32, #tpu.memory_space<vmem>>, vector<16xf32>,
        %swap3A_441 = arith.index_cast %scan3A_366 : i32 to index
        %swap3A_442 = arith.index_cast %mul3A_437 : i32 to index
        %swap3A_443 = tpu.vector_load %arg9[%swap3A_441, %swap3A_442] {strides = array<i32>} : memref<16x1024xf32, #tpu.memory_space<vmem>>, vector<16xf32>,
        tpu.vector_store %arg9[%swap3A_441, %swap3A_442], %get3A_440 {add = true, strides = array<i32>} : memref<16x1024xf32, #tpu.memory_space<vmem>>, vector<16xf32>,
        %mul3A_444 = arith.constant 8 : i32
        %mul3A_445 = arith.muli %scan3A_373, %mul3A_444 : i32
        %add3A_446 = arith.constant 6 : i32
        %add3A_447 = arith.addi %mul3A_445, %add3A_446 : i32
        %mul3A_448 = arith.constant 16 : i32
        %mul3A_449 = arith.muli %add3A_447, %mul3A_448 : i32
        %get3A_450 = arith.index_cast %scan3A_366 : i32 to index
        %get3A_451 = arith.index_cast %mul3A_449 : i32 to index
        %get3A_452 = tpu.vector_load %arg11[%get3A_450, %get3A_451] {strides = array<i32>} : memref<16x1024xf32, #tpu.memory_space<vmem>>, vector<16xf32>,
        %swap3A_453 = arith.index_cast %scan3A_366 : i32 to index
        %swap3A_454 = arith.index_cast %mul3A_449 : i32 to index
        %swap3A_455 = tpu.vector_load %arg9[%swap3A_453, %swap3A_454] {strides = array<i32>} : memref<16x1024xf32, #tpu.memory_space<vmem>>, vector<16xf32>,
        tpu.vector_store %arg9[%swap3A_453, %swap3A_454], %get3A_452 {add = true, strides = array<i32>} : memref<16x1024xf32, #tpu.memory_space<vmem>>, vector<16xf32>,
        %mul3A_456 = arith.constant 8 : i32
        %mul3A_457 = arith.muli %scan3A_373, %mul3A_456 : i32
        %add3A_458 = arith.constant 7 : i32
        %add3A_459 = arith.addi %mul3A_457, %add3A_458 : i32
        %mul3A_460 = arith.constant 16 : i32
        %mul3A_461 = arith.muli %add3A_459, %mul3A_460 : i32
        %get3A_462 = arith.index_cast %scan3A_366 : i32 to index
        %get3A_463 = arith.index_cast %mul3A_461 : i32 to index
        %get3A_464 = tpu.vector_load %arg11[%get3A_462, %get3A_463] {strides = array<i32>} : memref<16x1024xf32, #tpu.memory_space<vmem>>, vector<16xf32>,
        %swap3A_465 = arith.index_cast %scan3A_366 : i32 to index
        %swap3A_466 = arith.index_cast %mul3A_461 : i32 to index
        %swap3A_467 = tpu.vector_load %arg9[%swap3A_465, %swap3A_466] {strides = array<i32>} : memref<16x1024xf32, #tpu.memory_space<vmem>>, vector<16xf32>,
        tpu.vector_store %arg9[%swap3A_465, %swap3A_466], %get3A_464 {add = true, strides = array<i32>} : memref<16x1024xf32, #tpu.memory_space<vmem>>, vector<16xf32>,
      }
      %scan3A_372 = arith.constant 8 : i32
    }
    %scan3A_91 = arith.constant 16 : i32
    %mul3A_92 = arith.constant 128 : i32
    %mul3A_93 = arith.muli %add3A, %mul3A_92 : i32
    %add3A_94 = arith.constant 16 : i32
    %add3A_95 = arith.addi %mul3A_93, %add3A_94 : i32
    %dma_start3A_96 = arith.constant 0 : i32
    %dma_start3A_97 = tpu.memref_slice %arg5[%add3A_95, %dma_start3A_96] : memref<4096x1024xf32, #tpu.memory_space<hbm>> -> memref<16x1024xf32, #tpu.memory_space<hbm>>
    %dma_start3A_98 = arith.constant 0 : i32
    %dma_start3A_99 = tpu.memref_slice %arg5[%add3A_95, %dma_start3A_98] : memref<4096x1024xf32, #tpu.memory_space<hbm>> -> memref<16x1024xf32, #tpu.memory_space<hbm>>
    tpu.enqueue_dma source(%arg9 : memref<16x1024xf32, #tpu.memory_space<vmem>>) target(%dma_start3A_99 : memref<16x1024xf32, #tpu.memory_space<hbm>>) target_semaphore(%arg17 : memref<!tpu.dma_semaphore, #tpu.memory_space<semaphore_mem>>)
    %dma_wait3A_100 = arith.constant 0 : i32
    %dma_wait3A_101 = tpu.memref_slice %arg5[%add3A_95, %dma_wait3A_100] : memref<4096x1024xf32, #tpu.memory_space<hbm>> -> memref<16x1024xf32, #tpu.memory_space<hbm>>
    %dma_wait3A_102 = arith.constant 0 : i32
    %dma_wait3A_103 = tpu.memref_slice %arg5[%add3A_95, %dma_wait3A_102] : memref<4096x1024xf32, #tpu.memory_space<hbm>> -> memref<16x1024xf32, #tpu.memory_space<hbm>>
    tpu.wait_dma2 semaphore(%arg17 : memref<!tpu.dma_semaphore, #tpu.memory_space<semaphore_mem>>) src(%arg9 : memref<16x1024xf32, #tpu.memory_space<vmem>>) dst(%dma_wait3A_103 : memref<16x1024xf32, #tpu.memory_space<hbm>>)
    %dma_start3A_104 = arith.constant 3 : i32
    %dma_start3A_105 = arith.constant 0 : i32
    %dma_start3A_106 = tpu.memref_slice %arg6[%dma_start3A_104, %dma_start3A_105] : memref<8x16xi32, #tpu.memory_space<vmem>> -> memref<1x16xi32, #tpu.memory_space<vmem>>
    %dma_start3A_107 = tpu.memref_squeeze %dma_start3A_106 : memref<1x16xi32, #tpu.memory_space<vmem>> -> memref<16xi32, #tpu.memory_space<vmem>>
    %dma_start3A_108 = arith.constant 0 : i32
    %dma_start3A_109 = arith.constant 0 : i32
    %dma_start3A_110 = tpu.memref_slice %arg2[%dma_start3A_108, %dma_start3A_109] : memref<24320x1024xf32, #tpu.memory_space<hbm>> -> memref<24320x1024xf32, #tpu.memory_space<hbm>>
    tpu.enqueue_indirect_dma source(%dma_start3A_110 : memref<24320x1024xf32, #tpu.memory_space<hbm>>) target(%arg9 : memref<16x1024xf32, #tpu.memory_space<vmem>>) offsets(%dma_start3A_107 : memref<16xi32, #tpu.memory_space<vmem>>) semaphore(%arg13 : memref<!tpu.dma_semaphore, #tpu.memory_space<semaphore_mem>>)
    %dma_start3A_111 = arith.constant 3 : i32
    %dma_start3A_112 = arith.constant 0 : i32
    %dma_start3A_113 = tpu.memref_slice %arg7[%dma_start3A_111, %dma_start3A_112] : memref<8x16xi32, #tpu.memory_space<vmem>> -> memref<1x16xi32, #tpu.memory_space<vmem>>
    %dma_start3A_114 = tpu.memref_squeeze %dma_start3A_113 : memref<1x16xi32, #tpu.memory_space<vmem>> -> memref<16xi32, #tpu.memory_space<vmem>>
    %dma_start3A_115 = arith.constant 0 : i32
    %dma_start3A_116 = arith.constant 0 : i32
    %dma_start3A_117 = tpu.memref_slice %arg2[%dma_start3A_115, %dma_start3A_116] : memref<24320x1024xf32, #tpu.memory_space<hbm>> -> memref<24320x1024xf32, #tpu.memory_space<hbm>>
    tpu.enqueue_indirect_dma source(%dma_start3A_117 : memref<24320x1024xf32, #tpu.memory_space<hbm>>) target(%arg11 : memref<16x1024xf32, #tpu.memory_space<vmem>>) offsets(%dma_start3A_114 : memref<16xi32, #tpu.memory_space<vmem>>) semaphore(%arg15 : memref<!tpu.dma_semaphore, #tpu.memory_space<semaphore_mem>>)
    %dma_wait3A_118 = arith.constant 2 : i32
    %dma_wait3A_119 = arith.constant 0 : i32
    %dma_wait3A_120 = tpu.memref_slice %arg6[%dma_wait3A_118, %dma_wait3A_119] : memref<8x16xi32, #tpu.memory_space<vmem>> -> memref<1x16xi32, #tpu.memory_space<vmem>>
    %dma_wait3A_121 = tpu.memref_squeeze %dma_wait3A_120 : memref<1x16xi32, #tpu.memory_space<vmem>> -> memref<16xi32, #tpu.memory_space<vmem>>
    %dma_wait3A_122 = arith.constant 0 : i32
    %dma_wait3A_123 = arith.constant 0 : i32
    %dma_wait3A_124 = tpu.memref_slice %arg2[%dma_wait3A_122, %dma_wait3A_123] : memref<24320x1024xf32, #tpu.memory_space<hbm>> -> memref<24320x1024xf32, #tpu.memory_space<hbm>>
    tpu.wait_indirect_dma semaphore(%arg12 : memref<!tpu.dma_semaphore, #tpu.memory_space<semaphore_mem>>) src(%dma_wait3A_124 : memref<24320x1024xf32, #tpu.memory_space<hbm>>) dst(%arg8 : memref<16x1024xf32, #tpu.memory_space<vmem>>)
    %dma_wait3A_125 = arith.constant 2 : i32
    %dma_wait3A_126 = arith.constant 0 : i32
    %dma_wait3A_127 = tpu.memref_slice %arg7[%dma_wait3A_125, %dma_wait3A_126] : memref<8x16xi32, #tpu.memory_space<vmem>> -> memref<1x16xi32, #tpu.memory_space<vmem>>
    %dma_wait3A_128 = tpu.memref_squeeze %dma_wait3A_127 : memref<1x16xi32, #tpu.memory_space<vmem>> -> memref<16xi32, #tpu.memory_space<vmem>>
    %dma_wait3A_129 = arith.constant 0 : i32
    %dma_wait3A_130 = arith.constant 0 : i32
    %dma_wait3A_131 = tpu.memref_slice %arg2[%dma_wait3A_129, %dma_wait3A_130] : memref<24320x1024xf32, #tpu.memory_space<hbm>> -> memref<24320x1024xf32, #tpu.memory_space<hbm>>
    tpu.wait_indirect_dma semaphore(%arg14 : memref<!tpu.dma_semaphore, #tpu.memory_space<semaphore_mem>>) src(%dma_wait3A_131 : memref<24320x1024xf32, #tpu.memory_space<hbm>>) dst(%arg10 : memref<16x1024xf32, #tpu.memory_space<vmem>>)
    %scan3A_132 = arith.constant 0 : i32
    %scan3A_133 = arith.constant 0 : i32
    %scan3A_134 = arith.constant 16 : i32
    %scan3A_135 = arith.addi %scan3A_133, %scan3A_134 : i32
    %scan3A_136 = arith.constant 1 : i32
    scf.for %scan3A_366 = %scan3A_133 to %scan3A_135 step %scan3A_136  : i32 {
      %scan3A_367 = arith.constant 0 : i32
      %scan3A_368 = arith.constant 0 : i32
      %scan3A_369 = arith.constant 8 : i32
      %scan3A_370 = arith.addi %scan3A_368, %scan3A_369 : i32
      %scan3A_371 = arith.constant 1 : i32
      scf.for %scan3A_373 = %scan3A_368 to %scan3A_370 step %scan3A_371  : i32 {
        %mul3A_374 = arith.constant 8 : i32
        %mul3A_375 = arith.muli %scan3A_373, %mul3A_374 : i32
        %add3A_376 = arith.constant 0 : i32
        %add3A_377 = arith.addi %mul3A_375, %add3A_376 : i32
        %mul3A_378 = arith.constant 16 : i32
        %mul3A_379 = arith.muli %add3A_377, %mul3A_378 : i32
        %get3A = arith.index_cast %scan3A_366 : i32 to index
        %get3A_380 = arith.index_cast %mul3A_379 : i32 to index
        %get3A_381 = tpu.vector_load %arg10[%get3A, %get3A_380] {strides = array<i32>} : memref<16x1024xf32, #tpu.memory_space<vmem>>, vector<16xf32>,
        %swap3A = arith.index_cast %scan3A_366 : i32 to index
        %swap3A_382 = arith.index_cast %mul3A_379 : i32 to index
        %swap3A_383 = tpu.vector_load %arg8[%swap3A, %swap3A_382] {strides = array<i32>} : memref<16x1024xf32, #tpu.memory_space<vmem>>, vector<16xf32>,
        tpu.vector_store %arg8[%swap3A, %swap3A_382], %get3A_381 {add = true, strides = array<i32>} : memref<16x1024xf32, #tpu.memory_space<vmem>>, vector<16xf32>,
        %mul3A_384 = arith.constant 8 : i32
        %mul3A_385 = arith.muli %scan3A_373, %mul3A_384 : i32
        %add3A_386 = arith.constant 1 : i32
        %add3A_387 = arith.addi %mul3A_385, %add3A_386 : i32
        %mul3A_388 = arith.constant 16 : i32
        %mul3A_389 = arith.muli %add3A_387, %mul3A_388 : i32
        %get3A_390 = arith.index_cast %scan3A_366 : i32 to index
        %get3A_391 = arith.index_cast %mul3A_389 : i32 to index
        %get3A_392 = tpu.vector_load %arg10[%get3A_390, %get3A_391] {strides = array<i32>} : memref<16x1024xf32, #tpu.memory_space<vmem>>, vector<16xf32>,
        %swap3A_393 = arith.index_cast %scan3A_366 : i32 to index
        %swap3A_394 = arith.index_cast %mul3A_389 : i32 to index
        %swap3A_395 = tpu.vector_load %arg8[%swap3A_393, %swap3A_394] {strides = array<i32>} : memref<16x1024xf32, #tpu.memory_space<vmem>>, vector<16xf32>,
        tpu.vector_store %arg8[%swap3A_393, %swap3A_394], %get3A_392 {add = true, strides = array<i32>} : memref<16x1024xf32, #tpu.memory_space<vmem>>, vector<16xf32>,
        %mul3A_396 = arith.constant 8 : i32
        %mul3A_397 = arith.muli %scan3A_373, %mul3A_396 : i32
        %add3A_398 = arith.constant 2 : i32
        %add3A_399 = arith.addi %mul3A_397, %add3A_398 : i32
        %mul3A_400 = arith.constant 16 : i32
        %mul3A_401 = arith.muli %add3A_399, %mul3A_400 : i32
        %get3A_402 = arith.index_cast %scan3A_366 : i32 to index
        %get3A_403 = arith.index_cast %mul3A_401 : i32 to index
        %get3A_404 = tpu.vector_load %arg10[%get3A_402, %get3A_403] {strides = array<i32>} : memref<16x1024xf32, #tpu.memory_space<vmem>>, vector<16xf32>,
        %swap3A_405 = arith.index_cast %scan3A_366 : i32 to index
        %swap3A_406 = arith.index_cast %mul3A_401 : i32 to index
        %swap3A_407 = tpu.vector_load %arg8[%swap3A_405, %swap3A_406] {strides = array<i32>} : memref<16x1024xf32, #tpu.memory_space<vmem>>, vector<16xf32>,
        tpu.vector_store %arg8[%swap3A_405, %swap3A_406], %get3A_404 {add = true, strides = array<i32>} : memref<16x1024xf32, #tpu.memory_space<vmem>>, vector<16xf32>,
        %mul3A_408 = arith.constant 8 : i32
        %mul3A_409 = arith.muli %scan3A_373, %mul3A_408 : i32
        %add3A_410 = arith.constant 3 : i32
        %add3A_411 = arith.addi %mul3A_409, %add3A_410 : i32
        %mul3A_412 = arith.constant 16 : i32
        %mul3A_413 = arith.muli %add3A_411, %mul3A_412 : i32
        %get3A_414 = arith.index_cast %scan3A_366 : i32 to index
        %get3A_415 = arith.index_cast %mul3A_413 : i32 to index
        %get3A_416 = tpu.vector_load %arg10[%get3A_414, %get3A_415] {strides = array<i32>} : memref<16x1024xf32, #tpu.memory_space<vmem>>, vector<16xf32>,
        %swap3A_417 = arith.index_cast %scan3A_366 : i32 to index
        %swap3A_418 = arith.index_cast %mul3A_413 : i32 to index
        %swap3A_419 = tpu.vector_load %arg8[%swap3A_417, %swap3A_418] {strides = array<i32>} : memref<16x1024xf32, #tpu.memory_space<vmem>>, vector<16xf32>,
        tpu.vector_store %arg8[%swap3A_417, %swap3A_418], %get3A_416 {add = true, strides = array<i32>} : memref<16x1024xf32, #tpu.memory_space<vmem>>, vector<16xf32>,
        %mul3A_420 = arith.constant 8 : i32
        %mul3A_421 = arith.muli %scan3A_373, %mul3A_420 : i32
        %add3A_422 = arith.constant 4 : i32
        %add3A_423 = arith.addi %mul3A_421, %add3A_422 : i32
        %mul3A_424 = arith.constant 16 : i32
        %mul3A_425 = arith.muli %add3A_423, %mul3A_424 : i32
        %get3A_426 = arith.index_cast %scan3A_366 : i32 to index
        %get3A_427 = arith.index_cast %mul3A_425 : i32 to index
        %get3A_428 = tpu.vector_load %arg10[%get3A_426, %get3A_427] {strides = array<i32>} : memref<16x1024xf32, #tpu.memory_space<vmem>>, vector<16xf32>,
        %swap3A_429 = arith.index_cast %scan3A_366 : i32 to index
        %swap3A_430 = arith.index_cast %mul3A_425 : i32 to index
        %swap3A_431 = tpu.vector_load %arg8[%swap3A_429, %swap3A_430] {strides = array<i32>} : memref<16x1024xf32, #tpu.memory_space<vmem>>, vector<16xf32>,
        tpu.vector_store %arg8[%swap3A_429, %swap3A_430], %get3A_428 {add = true, strides = array<i32>} : memref<16x1024xf32, #tpu.memory_space<vmem>>, vector<16xf32>,
        %mul3A_432 = arith.constant 8 : i32
        %mul3A_433 = arith.muli %scan3A_373, %mul3A_432 : i32
        %add3A_434 = arith.constant 5 : i32
        %add3A_435 = arith.addi %mul3A_433, %add3A_434 : i32
        %mul3A_436 = arith.constant 16 : i32
        %mul3A_437 = arith.muli %add3A_435, %mul3A_436 : i32
        %get3A_438 = arith.index_cast %scan3A_366 : i32 to index
        %get3A_439 = arith.index_cast %mul3A_437 : i32 to index
        %get3A_440 = tpu.vector_load %arg10[%get3A_438, %get3A_439] {strides = array<i32>} : memref<16x1024xf32, #tpu.memory_space<vmem>>, vector<16xf32>,
        %swap3A_441 = arith.index_cast %scan3A_366 : i32 to index
        %swap3A_442 = arith.index_cast %mul3A_437 : i32 to index
        %swap3A_443 = tpu.vector_load %arg8[%swap3A_441, %swap3A_442] {strides = array<i32>} : memref<16x1024xf32, #tpu.memory_space<vmem>>, vector<16xf32>,
        tpu.vector_store %arg8[%swap3A_441, %swap3A_442], %get3A_440 {add = true, strides = array<i32>} : memref<16x1024xf32, #tpu.memory_space<vmem>>, vector<16xf32>,
        %mul3A_444 = arith.constant 8 : i32
        %mul3A_445 = arith.muli %scan3A_373, %mul3A_444 : i32
        %add3A_446 = arith.constant 6 : i32
        %add3A_447 = arith.addi %mul3A_445, %add3A_446 : i32
        %mul3A_448 = arith.constant 16 : i32
        %mul3A_449 = arith.muli %add3A_447, %mul3A_448 : i32
        %get3A_450 = arith.index_cast %scan3A_366 : i32 to index
        %get3A_451 = arith.index_cast %mul3A_449 : i32 to index
        %get3A_452 = tpu.vector_load %arg10[%get3A_450, %get3A_451] {strides = array<i32>} : memref<16x1024xf32, #tpu.memory_space<vmem>>, vector<16xf32>,
        %swap3A_453 = arith.index_cast %scan3A_366 : i32 to index
        %swap3A_454 = arith.index_cast %mul3A_449 : i32 to index
        %swap3A_455 = tpu.vector_load %arg8[%swap3A_453, %swap3A_454] {strides = array<i32>} : memref<16x1024xf32, #tpu.memory_space<vmem>>, vector<16xf32>,
        tpu.vector_store %arg8[%swap3A_453, %swap3A_454], %get3A_452 {add = true, strides = array<i32>} : memref<16x1024xf32, #tpu.memory_space<vmem>>, vector<16xf32>,
        %mul3A_456 = arith.constant 8 : i32
        %mul3A_457 = arith.muli %scan3A_373, %mul3A_456 : i32
        %add3A_458 = arith.constant 7 : i32
        %add3A_459 = arith.addi %mul3A_457, %add3A_458 : i32
        %mul3A_460 = arith.constant 16 : i32
        %mul3A_461 = arith.muli %add3A_459, %mul3A_460 : i32
        %get3A_462 = arith.index_cast %scan3A_366 : i32 to index
        %get3A_463 = arith.index_cast %mul3A_461 : i32 to index
        %get3A_464 = tpu.vector_load %arg10[%get3A_462, %get3A_463] {strides = array<i32>} : memref<16x1024xf32, #tpu.memory_space<vmem>>, vector<16xf32>,
        %swap3A_465 = arith.index_cast %scan3A_366 : i32 to index
        %swap3A_466 = arith.index_cast %mul3A_461 : i32 to index
        %swap3A_467 = tpu.vector_load %arg8[%swap3A_465, %swap3A_466] {strides = array<i32>} : memref<16x1024xf32, #tpu.memory_space<vmem>>, vector<16xf32>,
        tpu.vector_store %arg8[%swap3A_465, %swap3A_466], %get3A_464 {add = true, strides = array<i32>} : memref<16x1024xf32, #tpu.memory_space<vmem>>, vector<16xf32>,
      }
      %scan3A_372 = arith.constant 8 : i32
    }
    %scan3A_137 = arith.constant 16 : i32
    %mul3A_138 = arith.constant 128 : i32
    %mul3A_139 = arith.muli %add3A, %mul3A_138 : i32
    %add3A_140 = arith.constant 32 : i32
    %add3A_141 = arith.addi %mul3A_139, %add3A_140 : i32
    %dma_start3A_142 = arith.constant 0 : i32
    %dma_start3A_143 = tpu.memref_slice %arg5[%add3A_141, %dma_start3A_142] : memref<4096x1024xf32, #tpu.memory_space<hbm>> -> memref<16x1024xf32, #tpu.memory_space<hbm>>
    %dma_start3A_144 = arith.constant 0 : i32
    %dma_start3A_145 = tpu.memref_slice %arg5[%add3A_141, %dma_start3A_144] : memref<4096x1024xf32, #tpu.memory_space<hbm>> -> memref<16x1024xf32, #tpu.memory_space<hbm>>
    tpu.enqueue_dma source(%arg8 : memref<16x1024xf32, #tpu.memory_space<vmem>>) target(%dma_start3A_145 : memref<16x1024xf32, #tpu.memory_space<hbm>>) target_semaphore(%arg16 : memref<!tpu.dma_semaphore, #tpu.memory_space<semaphore_mem>>)
    %dma_wait3A_146 = arith.constant 0 : i32
    %dma_wait3A_147 = tpu.memref_slice %arg5[%add3A_141, %dma_wait3A_146] : memref<4096x1024xf32, #tpu.memory_space<hbm>> -> memref<16x1024xf32, #tpu.memory_space<hbm>>
    %dma_wait3A_148 = arith.constant 0 : i32
    %dma_wait3A_149 = tpu.memref_slice %arg5[%add3A_141, %dma_wait3A_148] : memref<4096x1024xf32, #tpu.memory_space<hbm>> -> memref<16x1024xf32, #tpu.memory_space<hbm>>
    tpu.wait_dma2 semaphore(%arg16 : memref<!tpu.dma_semaphore, #tpu.memory_space<semaphore_mem>>) src(%arg8 : memref<16x1024xf32, #tpu.memory_space<vmem>>) dst(%dma_wait3A_149 : memref<16x1024xf32, #tpu.memory_space<hbm>>)
    %dma_start3A_150 = arith.constant 4 : i32
    %dma_start3A_151 = arith.constant 0 : i32
    %dma_start3A_152 = tpu.memref_slice %arg6[%dma_start3A_150, %dma_start3A_151] : memref<8x16xi32, #tpu.memory_space<vmem>> -> memref<1x16xi32, #tpu.memory_space<vmem>>
    %dma_start3A_153 = tpu.memref_squeeze %dma_start3A_152 : memref<1x16xi32, #tpu.memory_space<vmem>> -> memref<16xi32, #tpu.memory_space<vmem>>
    %dma_start3A_154 = arith.constant 0 : i32
    %dma_start3A_155 = arith.constant 0 : i32
    %dma_start3A_156 = tpu.memref_slice %arg2[%dma_start3A_154, %dma_start3A_155] : memref<24320x1024xf32, #tpu.memory_space<hbm>> -> memref<24320x1024xf32, #tpu.memory_space<hbm>>
    tpu.enqueue_indirect_dma source(%dma_start3A_156 : memref<24320x1024xf32, #tpu.memory_space<hbm>>) target(%arg8 : memref<16x1024xf32, #tpu.memory_space<vmem>>) offsets(%dma_start3A_153 : memref<16xi32, #tpu.memory_space<vmem>>) semaphore(%arg12 : memref<!tpu.dma_semaphore, #tpu.memory_space<semaphore_mem>>)
    %dma_start3A_157 = arith.constant 4 : i32
    %dma_start3A_158 = arith.constant 0 : i32
    %dma_start3A_159 = tpu.memref_slice %arg7[%dma_start3A_157, %dma_start3A_158] : memref<8x16xi32, #tpu.memory_space<vmem>> -> memref<1x16xi32, #tpu.memory_space<vmem>>
    %dma_start3A_160 = tpu.memref_squeeze %dma_start3A_159 : memref<1x16xi32, #tpu.memory_space<vmem>> -> memref<16xi32, #tpu.memory_space<vmem>>
    %dma_start3A_161 = arith.constant 0 : i32
    %dma_start3A_162 = arith.constant 0 : i32
    %dma_start3A_163 = tpu.memref_slice %arg2[%dma_start3A_161, %dma_start3A_162] : memref<24320x1024xf32, #tpu.memory_space<hbm>> -> memref<24320x1024xf32, #tpu.memory_space<hbm>>
    tpu.enqueue_indirect_dma source(%dma_start3A_163 : memref<24320x1024xf32, #tpu.memory_space<hbm>>) target(%arg10 : memref<16x1024xf32, #tpu.memory_space<vmem>>) offsets(%dma_start3A_160 : memref<16xi32, #tpu.memory_space<vmem>>) semaphore(%arg14 : memref<!tpu.dma_semaphore, #tpu.memory_space<semaphore_mem>>)
    %dma_wait3A_164 = arith.constant 3 : i32
    %dma_wait3A_165 = arith.constant 0 : i32
    %dma_wait3A_166 = tpu.memref_slice %arg6[%dma_wait3A_164, %dma_wait3A_165] : memref<8x16xi32, #tpu.memory_space<vmem>> -> memref<1x16xi32, #tpu.memory_space<vmem>>
    %dma_wait3A_167 = tpu.memref_squeeze %dma_wait3A_166 : memref<1x16xi32, #tpu.memory_space<vmem>> -> memref<16xi32, #tpu.memory_space<vmem>>
    %dma_wait3A_168 = arith.constant 0 : i32
    %dma_wait3A_169 = arith.constant 0 : i32
    %dma_wait3A_170 = tpu.memref_slice %arg2[%dma_wait3A_168, %dma_wait3A_169] : memref<24320x1024xf32, #tpu.memory_space<hbm>> -> memref<24320x1024xf32, #tpu.memory_space<hbm>>
    tpu.wait_indirect_dma semaphore(%arg13 : memref<!tpu.dma_semaphore, #tpu.memory_space<semaphore_mem>>) src(%dma_wait3A_170 : memref<24320x1024xf32, #tpu.memory_space<hbm>>) dst(%arg9 : memref<16x1024xf32, #tpu.memory_space<vmem>>)
    %dma_wait3A_171 = arith.constant 3 : i32
    %dma_wait3A_172 = arith.constant 0 : i32
    %dma_wait3A_173 = tpu.memref_slice %arg7[%dma_wait3A_171, %dma_wait3A_172] : memref<8x16xi32, #tpu.memory_space<vmem>> -> memref<1x16xi32, #tpu.memory_space<vmem>>
    %dma_wait3A_174 = tpu.memref_squeeze %dma_wait3A_173 : memref<1x16xi32, #tpu.memory_space<vmem>> -> memref<16xi32, #tpu.memory_space<vmem>>
    %dma_wait3A_175 = arith.constant 0 : i32
    %dma_wait3A_176 = arith.constant 0 : i32
    %dma_wait3A_177 = tpu.memref_slice %arg2[%dma_wait3A_175, %dma_wait3A_176] : memref<24320x1024xf32, #tpu.memory_space<hbm>> -> memref<24320x1024xf32, #tpu.memory_space<hbm>>
    tpu.wait_indirect_dma semaphore(%arg15 : memref<!tpu.dma_semaphore, #tpu.memory_space<semaphore_mem>>) src(%dma_wait3A_177 : memref<24320x1024xf32, #tpu.memory_space<hbm>>) dst(%arg11 : memref<16x1024xf32, #tpu.memory_space<vmem>>)
    %scan3A_178 = arith.constant 0 : i32
    %scan3A_179 = arith.constant 0 : i32
    %scan3A_180 = arith.constant 16 : i32
    %scan3A_181 = arith.addi %scan3A_179, %scan3A_180 : i32
    %scan3A_182 = arith.constant 1 : i32
    scf.for %scan3A_366 = %scan3A_179 to %scan3A_181 step %scan3A_182  : i32 {
      %scan3A_367 = arith.constant 0 : i32
      %scan3A_368 = arith.constant 0 : i32
      %scan3A_369 = arith.constant 8 : i32
      %scan3A_370 = arith.addi %scan3A_368, %scan3A_369 : i32
      %scan3A_371 = arith.constant 1 : i32
      scf.for %scan3A_373 = %scan3A_368 to %scan3A_370 step %scan3A_371  : i32 {
        %mul3A_374 = arith.constant 8 : i32
        %mul3A_375 = arith.muli %scan3A_373, %mul3A_374 : i32
        %add3A_376 = arith.constant 0 : i32
        %add3A_377 = arith.addi %mul3A_375, %add3A_376 : i32
        %mul3A_378 = arith.constant 16 : i32
        %mul3A_379 = arith.muli %add3A_377, %mul3A_378 : i32
        %get3A = arith.index_cast %scan3A_366 : i32 to index
        %get3A_380 = arith.index_cast %mul3A_379 : i32 to index
        %get3A_381 = tpu.vector_load %arg11[%get3A, %get3A_380] {strides = array<i32>} : memref<16x1024xf32, #tpu.memory_space<vmem>>, vector<16xf32>,
        %swap3A = arith.index_cast %scan3A_366 : i32 to index
        %swap3A_382 = arith.index_cast %mul3A_379 : i32 to index
        %swap3A_383 = tpu.vector_load %arg9[%swap3A, %swap3A_382] {strides = array<i32>} : memref<16x1024xf32, #tpu.memory_space<vmem>>, vector<16xf32>,
        tpu.vector_store %arg9[%swap3A, %swap3A_382], %get3A_381 {add = true, strides = array<i32>} : memref<16x1024xf32, #tpu.memory_space<vmem>>, vector<16xf32>,
        %mul3A_384 = arith.constant 8 : i32
        %mul3A_385 = arith.muli %scan3A_373, %mul3A_384 : i32
        %add3A_386 = arith.constant 1 : i32
        %add3A_387 = arith.addi %mul3A_385, %add3A_386 : i32
        %mul3A_388 = arith.constant 16 : i32
        %mul3A_389 = arith.muli %add3A_387, %mul3A_388 : i32
        %get3A_390 = arith.index_cast %scan3A_366 : i32 to index
        %get3A_391 = arith.index_cast %mul3A_389 : i32 to index
        %get3A_392 = tpu.vector_load %arg11[%get3A_390, %get3A_391] {strides = array<i32>} : memref<16x1024xf32, #tpu.memory_space<vmem>>, vector<16xf32>,
        %swap3A_393 = arith.index_cast %scan3A_366 : i32 to index
        %swap3A_394 = arith.index_cast %mul3A_389 : i32 to index
        %swap3A_395 = tpu.vector_load %arg9[%swap3A_393, %swap3A_394] {strides = array<i32>} : memref<16x1024xf32, #tpu.memory_space<vmem>>, vector<16xf32>,
        tpu.vector_store %arg9[%swap3A_393, %swap3A_394], %get3A_392 {add = true, strides = array<i32>} : memref<16x1024xf32, #tpu.memory_space<vmem>>, vector<16xf32>,
        %mul3A_396 = arith.constant 8 : i32
        %mul3A_397 = arith.muli %scan3A_373, %mul3A_396 : i32
        %add3A_398 = arith.constant 2 : i32
        %add3A_399 = arith.addi %mul3A_397, %add3A_398 : i32
        %mul3A_400 = arith.constant 16 : i32
        %mul3A_401 = arith.muli %add3A_399, %mul3A_400 : i32
        %get3A_402 = arith.index_cast %scan3A_366 : i32 to index
        %get3A_403 = arith.index_cast %mul3A_401 : i32 to index
        %get3A_404 = tpu.vector_load %arg11[%get3A_402, %get3A_403] {strides = array<i32>} : memref<16x1024xf32, #tpu.memory_space<vmem>>, vector<16xf32>,
        %swap3A_405 = arith.index_cast %scan3A_366 : i32 to index
        %swap3A_406 = arith.index_cast %mul3A_401 : i32 to index
        %swap3A_407 = tpu.vector_load %arg9[%swap3A_405, %swap3A_406] {strides = array<i32>} : memref<16x1024xf32, #tpu.memory_space<vmem>>, vector<16xf32>,
        tpu.vector_store %arg9[%swap3A_405, %swap3A_406], %get3A_404 {add = true, strides = array<i32>} : memref<16x1024xf32, #tpu.memory_space<vmem>>, vector<16xf32>,
        %mul3A_408 = arith.constant 8 : i32
        %mul3A_409 = arith.muli %scan3A_373, %mul3A_408 : i32
        %add3A_410 = arith.constant 3 : i32
        %add3A_411 = arith.addi %mul3A_409, %add3A_410 : i32
        %mul3A_412 = arith.constant 16 : i32
        %mul3A_413 = arith.muli %add3A_411, %mul3A_412 : i32
        %get3A_414 = arith.index_cast %scan3A_366 : i32 to index
        %get3A_415 = arith.index_cast %mul3A_413 : i32 to index
        %get3A_416 = tpu.vector_load %arg11[%get3A_414, %get3A_415] {strides = array<i32>} : memref<16x1024xf32, #tpu.memory_space<vmem>>, vector<16xf32>,
        %swap3A_417 = arith.index_cast %scan3A_366 : i32 to index
        %swap3A_418 = arith.index_cast %mul3A_413 : i32 to index
        %swap3A_419 = tpu.vector_load %arg9[%swap3A_417, %swap3A_418] {strides = array<i32>} : memref<16x1024xf32, #tpu.memory_space<vmem>>, vector<16xf32>,
        tpu.vector_store %arg9[%swap3A_417, %swap3A_418], %get3A_416 {add = true, strides = array<i32>} : memref<16x1024xf32, #tpu.memory_space<vmem>>, vector<16xf32>,
        %mul3A_420 = arith.constant 8 : i32
        %mul3A_421 = arith.muli %scan3A_373, %mul3A_420 : i32
        %add3A_422 = arith.constant 4 : i32
        %add3A_423 = arith.addi %mul3A_421, %add3A_422 : i32
        %mul3A_424 = arith.constant 16 : i32
        %mul3A_425 = arith.muli %add3A_423, %mul3A_424 : i32
        %get3A_426 = arith.index_cast %scan3A_366 : i32 to index
        %get3A_427 = arith.index_cast %mul3A_425 : i32 to index
        %get3A_428 = tpu.vector_load %arg11[%get3A_426, %get3A_427] {strides = array<i32>} : memref<16x1024xf32, #tpu.memory_space<vmem>>, vector<16xf32>,
        %swap3A_429 = arith.index_cast %scan3A_366 : i32 to index
        %swap3A_430 = arith.index_cast %mul3A_425 : i32 to index
        %swap3A_431 = tpu.vector_load %arg9[%swap3A_429, %swap3A_430] {strides = array<i32>} : memref<16x1024xf32, #tpu.memory_space<vmem>>, vector<16xf32>,
        tpu.vector_store %arg9[%swap3A_429, %swap3A_430], %get3A_428 {add = true, strides = array<i32>} : memref<16x1024xf32, #tpu.memory_space<vmem>>, vector<16xf32>,
        %mul3A_432 = arith.constant 8 : i32
        %mul3A_433 = arith.muli %scan3A_373, %mul3A_432 : i32
        %add3A_434 = arith.constant 5 : i32
        %add3A_435 = arith.addi %mul3A_433, %add3A_434 : i32
        %mul3A_436 = arith.constant 16 : i32
        %mul3A_437 = arith.muli %add3A_435, %mul3A_436 : i32
        %get3A_438 = arith.index_cast %scan3A_366 : i32 to index
        %get3A_439 = arith.index_cast %mul3A_437 : i32 to index
        %get3A_440 = tpu.vector_load %arg11[%get3A_438, %get3A_439] {strides = array<i32>} : memref<16x1024xf32, #tpu.memory_space<vmem>>, vector<16xf32>,
        %swap3A_441 = arith.index_cast %scan3A_366 : i32 to index
        %swap3A_442 = arith.index_cast %mul3A_437 : i32 to index
        %swap3A_443 = tpu.vector_load %arg9[%swap3A_441, %swap3A_442] {strides = array<i32>} : memref<16x1024xf32, #tpu.memory_space<vmem>>, vector<16xf32>,
        tpu.vector_store %arg9[%swap3A_441, %swap3A_442], %get3A_440 {add = true, strides = array<i32>} : memref<16x1024xf32, #tpu.memory_space<vmem>>, vector<16xf32>,
        %mul3A_444 = arith.constant 8 : i32
        %mul3A_445 = arith.muli %scan3A_373, %mul3A_444 : i32
        %add3A_446 = arith.constant 6 : i32
        %add3A_447 = arith.addi %mul3A_445, %add3A_446 : i32
        %mul3A_448 = arith.constant 16 : i32
        %mul3A_449 = arith.muli %add3A_447, %mul3A_448 : i32
        %get3A_450 = arith.index_cast %scan3A_366 : i32 to index
        %get3A_451 = arith.index_cast %mul3A_449 : i32 to index
        %get3A_452 = tpu.vector_load %arg11[%get3A_450, %get3A_451] {strides = array<i32>} : memref<16x1024xf32, #tpu.memory_space<vmem>>, vector<16xf32>,
        %swap3A_453 = arith.index_cast %scan3A_366 : i32 to index
        %swap3A_454 = arith.index_cast %mul3A_449 : i32 to index
        %swap3A_455 = tpu.vector_load %arg9[%swap3A_453, %swap3A_454] {strides = array<i32>} : memref<16x1024xf32, #tpu.memory_space<vmem>>, vector<16xf32>,
        tpu.vector_store %arg9[%swap3A_453, %swap3A_454], %get3A_452 {add = true, strides = array<i32>} : memref<16x1024xf32, #tpu.memory_space<vmem>>, vector<16xf32>,
        %mul3A_456 = arith.constant 8 : i32
        %mul3A_457 = arith.muli %scan3A_373, %mul3A_456 : i32
        %add3A_458 = arith.constant 7 : i32
        %add3A_459 = arith.addi %mul3A_457, %add3A_458 : i32
        %mul3A_460 = arith.constant 16 : i32
        %mul3A_461 = arith.muli %add3A_459, %mul3A_460 : i32
        %get3A_462 = arith.index_cast %scan3A_366 : i32 to index
        %get3A_463 = arith.index_cast %mul3A_461 : i32 to index
        %get3A_464 = tpu.vector_load %arg11[%get3A_462, %get3A_463] {strides = array<i32>} : memref<16x1024xf32, #tpu.memory_space<vmem>>, vector<16xf32>,
        %swap3A_465 = arith.index_cast %scan3A_366 : i32 to index
        %swap3A_466 = arith.index_cast %mul3A_461 : i32 to index
        %swap3A_467 = tpu.vector_load %arg9[%swap3A_465, %swap3A_466] {strides = array<i32>} : memref<16x1024xf32, #tpu.memory_space<vmem>>, vector<16xf32>,
        tpu.vector_store %arg9[%swap3A_465, %swap3A_466], %get3A_464 {add = true, strides = array<i32>} : memref<16x1024xf32, #tpu.memory_space<vmem>>, vector<16xf32>,
      }
      %scan3A_372 = arith.constant 8 : i32
    }
    %scan3A_183 = arith.constant 16 : i32
    %mul3A_184 = arith.constant 128 : i32
    %mul3A_185 = arith.muli %add3A, %mul3A_184 : i32
    %add3A_186 = arith.constant 48 : i32
    %add3A_187 = arith.addi %mul3A_185, %add3A_186 : i32
    %dma_start3A_188 = arith.constant 0 : i32
    %dma_start3A_189 = tpu.memref_slice %arg5[%add3A_187, %dma_start3A_188] : memref<4096x1024xf32, #tpu.memory_space<hbm>> -> memref<16x1024xf32, #tpu.memory_space<hbm>>
    %dma_start3A_190 = arith.constant 0 : i32
    %dma_start3A_191 = tpu.memref_slice %arg5[%add3A_187, %dma_start3A_190] : memref<4096x1024xf32, #tpu.memory_space<hbm>> -> memref<16x1024xf32, #tpu.memory_space<hbm>>
    tpu.enqueue_dma source(%arg9 : memref<16x1024xf32, #tpu.memory_space<vmem>>) target(%dma_start3A_191 : memref<16x1024xf32, #tpu.memory_space<hbm>>) target_semaphore(%arg17 : memref<!tpu.dma_semaphore, #tpu.memory_space<semaphore_mem>>)
    %dma_wait3A_192 = arith.constant 0 : i32
    %dma_wait3A_193 = tpu.memref_slice %arg5[%add3A_187, %dma_wait3A_192] : memref<4096x1024xf32, #tpu.memory_space<hbm>> -> memref<16x1024xf32, #tpu.memory_space<hbm>>
    %dma_wait3A_194 = arith.constant 0 : i32
    %dma_wait3A_195 = tpu.memref_slice %arg5[%add3A_187, %dma_wait3A_194] : memref<4096x1024xf32, #tpu.memory_space<hbm>> -> memref<16x1024xf32, #tpu.memory_space<hbm>>
    tpu.wait_dma2 semaphore(%arg17 : memref<!tpu.dma_semaphore, #tpu.memory_space<semaphore_mem>>) src(%arg9 : memref<16x1024xf32, #tpu.memory_space<vmem>>) dst(%dma_wait3A_195 : memref<16x1024xf32, #tpu.memory_space<hbm>>)
    %dma_start3A_196 = arith.constant 5 : i32
    %dma_start3A_197 = arith.constant 0 : i32
    %dma_start3A_198 = tpu.memref_slice %arg6[%dma_start3A_196, %dma_start3A_197] : memref<8x16xi32, #tpu.memory_space<vmem>> -> memref<1x16xi32, #tpu.memory_space<vmem>>
    %dma_start3A_199 = tpu.memref_squeeze %dma_start3A_198 : memref<1x16xi32, #tpu.memory_space<vmem>> -> memref<16xi32, #tpu.memory_space<vmem>>
    %dma_start3A_200 = arith.constant 0 : i32
    %dma_start3A_201 = arith.constant 0 : i32
    %dma_start3A_202 = tpu.memref_slice %arg2[%dma_start3A_200, %dma_start3A_201] : memref<24320x1024xf32, #tpu.memory_space<hbm>> -> memref<24320x1024xf32, #tpu.memory_space<hbm>>
    tpu.enqueue_indirect_dma source(%dma_start3A_202 : memref<24320x1024xf32, #tpu.memory_space<hbm>>) target(%arg9 : memref<16x1024xf32, #tpu.memory_space<vmem>>) offsets(%dma_start3A_199 : memref<16xi32, #tpu.memory_space<vmem>>) semaphore(%arg13 : memref<!tpu.dma_semaphore, #tpu.memory_space<semaphore_mem>>)
    %dma_start3A_203 = arith.constant 5 : i32
    %dma_start3A_204 = arith.constant 0 : i32
    %dma_start3A_205 = tpu.memref_slice %arg7[%dma_start3A_203, %dma_start3A_204] : memref<8x16xi32, #tpu.memory_space<vmem>> -> memref<1x16xi32, #tpu.memory_space<vmem>>
    %dma_start3A_206 = tpu.memref_squeeze %dma_start3A_205 : memref<1x16xi32, #tpu.memory_space<vmem>> -> memref<16xi32, #tpu.memory_space<vmem>>
    %dma_start3A_207 = arith.constant 0 : i32
    %dma_start3A_208 = arith.constant 0 : i32
    %dma_start3A_209 = tpu.memref_slice %arg2[%dma_start3A_207, %dma_start3A_208] : memref<24320x1024xf32, #tpu.memory_space<hbm>> -> memref<24320x1024xf32, #tpu.memory_space<hbm>>
    tpu.enqueue_indirect_dma source(%dma_start3A_209 : memref<24320x1024xf32, #tpu.memory_space<hbm>>) target(%arg11 : memref<16x1024xf32, #tpu.memory_space<vmem>>) offsets(%dma_start3A_206 : memref<16xi32, #tpu.memory_space<vmem>>) semaphore(%arg15 : memref<!tpu.dma_semaphore, #tpu.memory_space<semaphore_mem>>)
    %dma_wait3A_210 = arith.constant 4 : i32
    %dma_wait3A_211 = arith.constant 0 : i32
    %dma_wait3A_212 = tpu.memref_slice %arg6[%dma_wait3A_210, %dma_wait3A_211] : memref<8x16xi32, #tpu.memory_space<vmem>> -> memref<1x16xi32, #tpu.memory_space<vmem>>
    %dma_wait3A_213 = tpu.memref_squeeze %dma_wait3A_212 : memref<1x16xi32, #tpu.memory_space<vmem>> -> memref<16xi32, #tpu.memory_space<vmem>>
    %dma_wait3A_214 = arith.constant 0 : i32
    %dma_wait3A_215 = arith.constant 0 : i32
    %dma_wait3A_216 = tpu.memref_slice %arg2[%dma_wait3A_214, %dma_wait3A_215] : memref<24320x1024xf32, #tpu.memory_space<hbm>> -> memref<24320x1024xf32, #tpu.memory_space<hbm>>
    tpu.wait_indirect_dma semaphore(%arg12 : memref<!tpu.dma_semaphore, #tpu.memory_space<semaphore_mem>>) src(%dma_wait3A_216 : memref<24320x1024xf32, #tpu.memory_space<hbm>>) dst(%arg8 : memref<16x1024xf32, #tpu.memory_space<vmem>>)
    %dma_wait3A_217 = arith.constant 4 : i32
    %dma_wait3A_218 = arith.constant 0 : i32
    %dma_wait3A_219 = tpu.memref_slice %arg7[%dma_wait3A_217, %dma_wait3A_218] : memref<8x16xi32, #tpu.memory_space<vmem>> -> memref<1x16xi32, #tpu.memory_space<vmem>>
    %dma_wait3A_220 = tpu.memref_squeeze %dma_wait3A_219 : memref<1x16xi32, #tpu.memory_space<vmem>> -> memref<16xi32, #tpu.memory_space<vmem>>
    %dma_wait3A_221 = arith.constant 0 : i32
    %dma_wait3A_222 = arith.constant 0 : i32
    %dma_wait3A_223 = tpu.memref_slice %arg2[%dma_wait3A_221, %dma_wait3A_222] : memref<24320x1024xf32, #tpu.memory_space<hbm>> -> memref<24320x1024xf32, #tpu.memory_space<hbm>>
    tpu.wait_indirect_dma semaphore(%arg14 : memref<!tpu.dma_semaphore, #tpu.memory_space<semaphore_mem>>) src(%dma_wait3A_223 : memref<24320x1024xf32, #tpu.memory_space<hbm>>) dst(%arg10 : memref<16x1024xf32, #tpu.memory_space<vmem>>)
    %scan3A_224 = arith.constant 0 : i32
    %scan3A_225 = arith.constant 0 : i32
    %scan3A_226 = arith.constant 16 : i32
    %scan3A_227 = arith.addi %scan3A_225, %scan3A_226 : i32
    %scan3A_228 = arith.constant 1 : i32
    scf.for %scan3A_366 = %scan3A_225 to %scan3A_227 step %scan3A_228  : i32 {
      %scan3A_367 = arith.constant 0 : i32
      %scan3A_368 = arith.constant 0 : i32
      %scan3A_369 = arith.constant 8 : i32
      %scan3A_370 = arith.addi %scan3A_368, %scan3A_369 : i32
      %scan3A_371 = arith.constant 1 : i32
      scf.for %scan3A_373 = %scan3A_368 to %scan3A_370 step %scan3A_371  : i32 {
        %mul3A_374 = arith.constant 8 : i32
        %mul3A_375 = arith.muli %scan3A_373, %mul3A_374 : i32
        %add3A_376 = arith.constant 0 : i32
        %add3A_377 = arith.addi %mul3A_375, %add3A_376 : i32
        %mul3A_378 = arith.constant 16 : i32
        %mul3A_379 = arith.muli %add3A_377, %mul3A_378 : i32
        %get3A = arith.index_cast %scan3A_366 : i32 to index
        %get3A_380 = arith.index_cast %mul3A_379 : i32 to index
        %get3A_381 = tpu.vector_load %arg10[%get3A, %get3A_380] {strides = array<i32>} : memref<16x1024xf32, #tpu.memory_space<vmem>>, vector<16xf32>,
        %swap3A = arith.index_cast %scan3A_366 : i32 to index
        %swap3A_382 = arith.index_cast %mul3A_379 : i32 to index
        %swap3A_383 = tpu.vector_load %arg8[%swap3A, %swap3A_382] {strides = array<i32>} : memref<16x1024xf32, #tpu.memory_space<vmem>>, vector<16xf32>,
        tpu.vector_store %arg8[%swap3A, %swap3A_382], %get3A_381 {add = true, strides = array<i32>} : memref<16x1024xf32, #tpu.memory_space<vmem>>, vector<16xf32>,
        %mul3A_384 = arith.constant 8 : i32
        %mul3A_385 = arith.muli %scan3A_373, %mul3A_384 : i32
        %add3A_386 = arith.constant 1 : i32
        %add3A_387 = arith.addi %mul3A_385, %add3A_386 : i32
        %mul3A_388 = arith.constant 16 : i32
        %mul3A_389 = arith.muli %add3A_387, %mul3A_388 : i32
        %get3A_390 = arith.index_cast %scan3A_366 : i32 to index
        %get3A_391 = arith.index_cast %mul3A_389 : i32 to index
        %get3A_392 = tpu.vector_load %arg10[%get3A_390, %get3A_391] {strides = array<i32>} : memref<16x1024xf32, #tpu.memory_space<vmem>>, vector<16xf32>,
        %swap3A_393 = arith.index_cast %scan3A_366 : i32 to index
        %swap3A_394 = arith.index_cast %mul3A_389 : i32 to index
        %swap3A_395 = tpu.vector_load %arg8[%swap3A_393, %swap3A_394] {strides = array<i32>} : memref<16x1024xf32, #tpu.memory_space<vmem>>, vector<16xf32>,
        tpu.vector_store %arg8[%swap3A_393, %swap3A_394], %get3A_392 {add = true, strides = array<i32>} : memref<16x1024xf32, #tpu.memory_space<vmem>>, vector<16xf32>,
        %mul3A_396 = arith.constant 8 : i32
        %mul3A_397 = arith.muli %scan3A_373, %mul3A_396 : i32
        %add3A_398 = arith.constant 2 : i32
        %add3A_399 = arith.addi %mul3A_397, %add3A_398 : i32
        %mul3A_400 = arith.constant 16 : i32
        %mul3A_401 = arith.muli %add3A_399, %mul3A_400 : i32
        %get3A_402 = arith.index_cast %scan3A_366 : i32 to index
        %get3A_403 = arith.index_cast %mul3A_401 : i32 to index
        %get3A_404 = tpu.vector_load %arg10[%get3A_402, %get3A_403] {strides = array<i32>} : memref<16x1024xf32, #tpu.memory_space<vmem>>, vector<16xf32>,
        %swap3A_405 = arith.index_cast %scan3A_366 : i32 to index
        %swap3A_406 = arith.index_cast %mul3A_401 : i32 to index
        %swap3A_407 = tpu.vector_load %arg8[%swap3A_405, %swap3A_406] {strides = array<i32>} : memref<16x1024xf32, #tpu.memory_space<vmem>>, vector<16xf32>,
        tpu.vector_store %arg8[%swap3A_405, %swap3A_406], %get3A_404 {add = true, strides = array<i32>} : memref<16x1024xf32, #tpu.memory_space<vmem>>, vector<16xf32>,
        %mul3A_408 = arith.constant 8 : i32
        %mul3A_409 = arith.muli %scan3A_373, %mul3A_408 : i32
        %add3A_410 = arith.constant 3 : i32
        %add3A_411 = arith.addi %mul3A_409, %add3A_410 : i32
        %mul3A_412 = arith.constant 16 : i32
        %mul3A_413 = arith.muli %add3A_411, %mul3A_412 : i32
        %get3A_414 = arith.index_cast %scan3A_366 : i32 to index
        %get3A_415 = arith.index_cast %mul3A_413 : i32 to index
        %get3A_416 = tpu.vector_load %arg10[%get3A_414, %get3A_415] {strides = array<i32>} : memref<16x1024xf32, #tpu.memory_space<vmem>>, vector<16xf32>,
        %swap3A_417 = arith.index_cast %scan3A_366 : i32 to index
        %swap3A_418 = arith.index_cast %mul3A_413 : i32 to index
        %swap3A_419 = tpu.vector_load %arg8[%swap3A_417, %swap3A_418] {strides = array<i32>} : memref<16x1024xf32, #tpu.memory_space<vmem>>, vector<16xf32>,
        tpu.vector_store %arg8[%swap3A_417, %swap3A_418], %get3A_416 {add = true, strides = array<i32>} : memref<16x1024xf32, #tpu.memory_space<vmem>>, vector<16xf32>,
        %mul3A_420 = arith.constant 8 : i32
        %mul3A_421 = arith.muli %scan3A_373, %mul3A_420 : i32
        %add3A_422 = arith.constant 4 : i32
        %add3A_423 = arith.addi %mul3A_421, %add3A_422 : i32
        %mul3A_424 = arith.constant 16 : i32
        %mul3A_425 = arith.muli %add3A_423, %mul3A_424 : i32
        %get3A_426 = arith.index_cast %scan3A_366 : i32 to index
        %get3A_427 = arith.index_cast %mul3A_425 : i32 to index
        %get3A_428 = tpu.vector_load %arg10[%get3A_426, %get3A_427] {strides = array<i32>} : memref<16x1024xf32, #tpu.memory_space<vmem>>, vector<16xf32>,
        %swap3A_429 = arith.index_cast %scan3A_366 : i32 to index
        %swap3A_430 = arith.index_cast %mul3A_425 : i32 to index
        %swap3A_431 = tpu.vector_load %arg8[%swap3A_429, %swap3A_430] {strides = array<i32>} : memref<16x1024xf32, #tpu.memory_space<vmem>>, vector<16xf32>,
        tpu.vector_store %arg8[%swap3A_429, %swap3A_430], %get3A_428 {add = true, strides = array<i32>} : memref<16x1024xf32, #tpu.memory_space<vmem>>, vector<16xf32>,
        %mul3A_432 = arith.constant 8 : i32
        %mul3A_433 = arith.muli %scan3A_373, %mul3A_432 : i32
        %add3A_434 = arith.constant 5 : i32
        %add3A_435 = arith.addi %mul3A_433, %add3A_434 : i32
        %mul3A_436 = arith.constant 16 : i32
        %mul3A_437 = arith.muli %add3A_435, %mul3A_436 : i32
        %get3A_438 = arith.index_cast %scan3A_366 : i32 to index
        %get3A_439 = arith.index_cast %mul3A_437 : i32 to index
        %get3A_440 = tpu.vector_load %arg10[%get3A_438, %get3A_439] {strides = array<i32>} : memref<16x1024xf32, #tpu.memory_space<vmem>>, vector<16xf32>,
        %swap3A_441 = arith.index_cast %scan3A_366 : i32 to index
        %swap3A_442 = arith.index_cast %mul3A_437 : i32 to index
        %swap3A_443 = tpu.vector_load %arg8[%swap3A_441, %swap3A_442] {strides = array<i32>} : memref<16x1024xf32, #tpu.memory_space<vmem>>, vector<16xf32>,
        tpu.vector_store %arg8[%swap3A_441, %swap3A_442], %get3A_440 {add = true, strides = array<i32>} : memref<16x1024xf32, #tpu.memory_space<vmem>>, vector<16xf32>,
        %mul3A_444 = arith.constant 8 : i32
        %mul3A_445 = arith.muli %scan3A_373, %mul3A_444 : i32
        %add3A_446 = arith.constant 6 : i32
        %add3A_447 = arith.addi %mul3A_445, %add3A_446 : i32
        %mul3A_448 = arith.constant 16 : i32
        %mul3A_449 = arith.muli %add3A_447, %mul3A_448 : i32
        %get3A_450 = arith.index_cast %scan3A_366 : i32 to index
        %get3A_451 = arith.index_cast %mul3A_449 : i32 to index
        %get3A_452 = tpu.vector_load %arg10[%get3A_450, %get3A_451] {strides = array<i32>} : memref<16x1024xf32, #tpu.memory_space<vmem>>, vector<16xf32>,
        %swap3A_453 = arith.index_cast %scan3A_366 : i32 to index
        %swap3A_454 = arith.index_cast %mul3A_449 : i32 to index
        %swap3A_455 = tpu.vector_load %arg8[%swap3A_453, %swap3A_454] {strides = array<i32>} : memref<16x1024xf32, #tpu.memory_space<vmem>>, vector<16xf32>,
        tpu.vector_store %arg8[%swap3A_453, %swap3A_454], %get3A_452 {add = true, strides = array<i32>} : memref<16x1024xf32, #tpu.memory_space<vmem>>, vector<16xf32>,
        %mul3A_456 = arith.constant 8 : i32
        %mul3A_457 = arith.muli %scan3A_373, %mul3A_456 : i32
        %add3A_458 = arith.constant 7 : i32
        %add3A_459 = arith.addi %mul3A_457, %add3A_458 : i32
        %mul3A_460 = arith.constant 16 : i32
        %mul3A_461 = arith.muli %add3A_459, %mul3A_460 : i32
        %get3A_462 = arith.index_cast %scan3A_366 : i32 to index
        %get3A_463 = arith.index_cast %mul3A_461 : i32 to index
        %get3A_464 = tpu.vector_load %arg10[%get3A_462, %get3A_463] {strides = array<i32>} : memref<16x1024xf32, #tpu.memory_space<vmem>>, vector<16xf32>,
        %swap3A_465 = arith.index_cast %scan3A_366 : i32 to index
        %swap3A_466 = arith.index_cast %mul3A_461 : i32 to index
        %swap3A_467 = tpu.vector_load %arg8[%swap3A_465, %swap3A_466] {strides = array<i32>} : memref<16x1024xf32, #tpu.memory_space<vmem>>, vector<16xf32>,
        tpu.vector_store %arg8[%swap3A_465, %swap3A_466], %get3A_464 {add = true, strides = array<i32>} : memref<16x1024xf32, #tpu.memory_space<vmem>>, vector<16xf32>,
      }
      %scan3A_372 = arith.constant 8 : i32
    }
    %scan3A_229 = arith.constant 16 : i32
    %mul3A_230 = arith.constant 128 : i32
    %mul3A_231 = arith.muli %add3A, %mul3A_230 : i32
    %add3A_232 = arith.constant 64 : i32
    %add3A_233 = arith.addi %mul3A_231, %add3A_232 : i32
    %dma_start3A_234 = arith.constant 0 : i32
    %dma_start3A_235 = tpu.memref_slice %arg5[%add3A_233, %dma_start3A_234] : memref<4096x1024xf32, #tpu.memory_space<hbm>> -> memref<16x1024xf32, #tpu.memory_space<hbm>>
    %dma_start3A_236 = arith.constant 0 : i32
    %dma_start3A_237 = tpu.memref_slice %arg5[%add3A_233, %dma_start3A_236] : memref<4096x1024xf32, #tpu.memory_space<hbm>> -> memref<16x1024xf32, #tpu.memory_space<hbm>>
    tpu.enqueue_dma source(%arg8 : memref<16x1024xf32, #tpu.memory_space<vmem>>) target(%dma_start3A_237 : memref<16x1024xf32, #tpu.memory_space<hbm>>) target_semaphore(%arg16 : memref<!tpu.dma_semaphore, #tpu.memory_space<semaphore_mem>>)
    %dma_wait3A_238 = arith.constant 0 : i32
    %dma_wait3A_239 = tpu.memref_slice %arg5[%add3A_233, %dma_wait3A_238] : memref<4096x1024xf32, #tpu.memory_space<hbm>> -> memref<16x1024xf32, #tpu.memory_space<hbm>>
    %dma_wait3A_240 = arith.constant 0 : i32
    %dma_wait3A_241 = tpu.memref_slice %arg5[%add3A_233, %dma_wait3A_240] : memref<4096x1024xf32, #tpu.memory_space<hbm>> -> memref<16x1024xf32, #tpu.memory_space<hbm>>
    tpu.wait_dma2 semaphore(%arg16 : memref<!tpu.dma_semaphore, #tpu.memory_space<semaphore_mem>>) src(%arg8 : memref<16x1024xf32, #tpu.memory_space<vmem>>) dst(%dma_wait3A_241 : memref<16x1024xf32, #tpu.memory_space<hbm>>)
    %dma_start3A_242 = arith.constant 6 : i32
    %dma_start3A_243 = arith.constant 0 : i32
    %dma_start3A_244 = tpu.memref_slice %arg6[%dma_start3A_242, %dma_start3A_243] : memref<8x16xi32, #tpu.memory_space<vmem>> -> memref<1x16xi32, #tpu.memory_space<vmem>>
    %dma_start3A_245 = tpu.memref_squeeze %dma_start3A_244 : memref<1x16xi32, #tpu.memory_space<vmem>> -> memref<16xi32, #tpu.memory_space<vmem>>
    %dma_start3A_246 = arith.constant 0 : i32
    %dma_start3A_247 = arith.constant 0 : i32
    %dma_start3A_248 = tpu.memref_slice %arg2[%dma_start3A_246, %dma_start3A_247] : memref<24320x1024xf32, #tpu.memory_space<hbm>> -> memref<24320x1024xf32, #tpu.memory_space<hbm>>
    tpu.enqueue_indirect_dma source(%dma_start3A_248 : memref<24320x1024xf32, #tpu.memory_space<hbm>>) target(%arg8 : memref<16x1024xf32, #tpu.memory_space<vmem>>) offsets(%dma_start3A_245 : memref<16xi32, #tpu.memory_space<vmem>>) semaphore(%arg12 : memref<!tpu.dma_semaphore, #tpu.memory_space<semaphore_mem>>)
    %dma_start3A_249 = arith.constant 6 : i32
    %dma_start3A_250 = arith.constant 0 : i32
    %dma_start3A_251 = tpu.memref_slice %arg7[%dma_start3A_249, %dma_start3A_250] : memref<8x16xi32, #tpu.memory_space<vmem>> -> memref<1x16xi32, #tpu.memory_space<vmem>>
    %dma_start3A_252 = tpu.memref_squeeze %dma_start3A_251 : memref<1x16xi32, #tpu.memory_space<vmem>> -> memref<16xi32, #tpu.memory_space<vmem>>
    %dma_start3A_253 = arith.constant 0 : i32
    %dma_start3A_254 = arith.constant 0 : i32
    %dma_start3A_255 = tpu.memref_slice %arg2[%dma_start3A_253, %dma_start3A_254] : memref<24320x1024xf32, #tpu.memory_space<hbm>> -> memref<24320x1024xf32, #tpu.memory_space<hbm>>
    tpu.enqueue_indirect_dma source(%dma_start3A_255 : memref<24320x1024xf32, #tpu.memory_space<hbm>>) target(%arg10 : memref<16x1024xf32, #tpu.memory_space<vmem>>) offsets(%dma_start3A_252 : memref<16xi32, #tpu.memory_space<vmem>>) semaphore(%arg14 : memref<!tpu.dma_semaphore, #tpu.memory_space<semaphore_mem>>)
    %dma_wait3A_256 = arith.constant 5 : i32
    %dma_wait3A_257 = arith.constant 0 : i32
    %dma_wait3A_258 = tpu.memref_slice %arg6[%dma_wait3A_256, %dma_wait3A_257] : memref<8x16xi32, #tpu.memory_space<vmem>> -> memref<1x16xi32, #tpu.memory_space<vmem>>
    %dma_wait3A_259 = tpu.memref_squeeze %dma_wait3A_258 : memref<1x16xi32, #tpu.memory_space<vmem>> -> memref<16xi32, #tpu.memory_space<vmem>>
    %dma_wait3A_260 = arith.constant 0 : i32
    %dma_wait3A_261 = arith.constant 0 : i32
    %dma_wait3A_262 = tpu.memref_slice %arg2[%dma_wait3A_260, %dma_wait3A_261] : memref<24320x1024xf32, #tpu.memory_space<hbm>> -> memref<24320x1024xf32, #tpu.memory_space<hbm>>
    tpu.wait_indirect_dma semaphore(%arg13 : memref<!tpu.dma_semaphore, #tpu.memory_space<semaphore_mem>>) src(%dma_wait3A_262 : memref<24320x1024xf32, #tpu.memory_space<hbm>>) dst(%arg9 : memref<16x1024xf32, #tpu.memory_space<vmem>>)
    %dma_wait3A_263 = arith.constant 5 : i32
    %dma_wait3A_264 = arith.constant 0 : i32
    %dma_wait3A_265 = tpu.memref_slice %arg7[%dma_wait3A_263, %dma_wait3A_264] : memref<8x16xi32, #tpu.memory_space<vmem>> -> memref<1x16xi32, #tpu.memory_space<vmem>>
    %dma_wait3A_266 = tpu.memref_squeeze %dma_wait3A_265 : memref<1x16xi32, #tpu.memory_space<vmem>> -> memref<16xi32, #tpu.memory_space<vmem>>
    %dma_wait3A_267 = arith.constant 0 : i32
    %dma_wait3A_268 = arith.constant 0 : i32
    %dma_wait3A_269 = tpu.memref_slice %arg2[%dma_wait3A_267, %dma_wait3A_268] : memref<24320x1024xf32, #tpu.memory_space<hbm>> -> memref<24320x1024xf32, #tpu.memory_space<hbm>>
    tpu.wait_indirect_dma semaphore(%arg15 : memref<!tpu.dma_semaphore, #tpu.memory_space<semaphore_mem>>) src(%dma_wait3A_269 : memref<24320x1024xf32, #tpu.memory_space<hbm>>) dst(%arg11 : memref<16x1024xf32, #tpu.memory_space<vmem>>)
    %scan3A_270 = arith.constant 0 : i32
    %scan3A_271 = arith.constant 0 : i32
    %scan3A_272 = arith.constant 16 : i32
    %scan3A_273 = arith.addi %scan3A_271, %scan3A_272 : i32
    %scan3A_274 = arith.constant 1 : i32
    scf.for %scan3A_366 = %scan3A_271 to %scan3A_273 step %scan3A_274  : i32 {
      %scan3A_367 = arith.constant 0 : i32
      %scan3A_368 = arith.constant 0 : i32
      %scan3A_369 = arith.constant 8 : i32
      %scan3A_370 = arith.addi %scan3A_368, %scan3A_369 : i32
      %scan3A_371 = arith.constant 1 : i32
      scf.for %scan3A_373 = %scan3A_368 to %scan3A_370 step %scan3A_371  : i32 {
        %mul3A_374 = arith.constant 8 : i32
        %mul3A_375 = arith.muli %scan3A_373, %mul3A_374 : i32
        %add3A_376 = arith.constant 0 : i32
        %add3A_377 = arith.addi %mul3A_375, %add3A_376 : i32
        %mul3A_378 = arith.constant 16 : i32
        %mul3A_379 = arith.muli %add3A_377, %mul3A_378 : i32
        %get3A = arith.index_cast %scan3A_366 : i32 to index
        %get3A_380 = arith.index_cast %mul3A_379 : i32 to index
        %get3A_381 = tpu.vector_load %arg11[%get3A, %get3A_380] {strides = array<i32>} : memref<16x1024xf32, #tpu.memory_space<vmem>>, vector<16xf32>,
        %swap3A = arith.index_cast %scan3A_366 : i32 to index
        %swap3A_382 = arith.index_cast %mul3A_379 : i32 to index
        %swap3A_383 = tpu.vector_load %arg9[%swap3A, %swap3A_382] {strides = array<i32>} : memref<16x1024xf32, #tpu.memory_space<vmem>>, vector<16xf32>,
        tpu.vector_store %arg9[%swap3A, %swap3A_382], %get3A_381 {add = true, strides = array<i32>} : memref<16x1024xf32, #tpu.memory_space<vmem>>, vector<16xf32>,
        %mul3A_384 = arith.constant 8 : i32
        %mul3A_385 = arith.muli %scan3A_373, %mul3A_384 : i32
        %add3A_386 = arith.constant 1 : i32
        %add3A_387 = arith.addi %mul3A_385, %add3A_386 : i32
        %mul3A_388 = arith.constant 16 : i32
        %mul3A_389 = arith.muli %add3A_387, %mul3A_388 : i32
        %get3A_390 = arith.index_cast %scan3A_366 : i32 to index
        %get3A_391 = arith.index_cast %mul3A_389 : i32 to index
        %get3A_392 = tpu.vector_load %arg11[%get3A_390, %get3A_391] {strides = array<i32>} : memref<16x1024xf32, #tpu.memory_space<vmem>>, vector<16xf32>,
        %swap3A_393 = arith.index_cast %scan3A_366 : i32 to index
        %swap3A_394 = arith.index_cast %mul3A_389 : i32 to index
        %swap3A_395 = tpu.vector_load %arg9[%swap3A_393, %swap3A_394] {strides = array<i32>} : memref<16x1024xf32, #tpu.memory_space<vmem>>, vector<16xf32>,
        tpu.vector_store %arg9[%swap3A_393, %swap3A_394], %get3A_392 {add = true, strides = array<i32>} : memref<16x1024xf32, #tpu.memory_space<vmem>>, vector<16xf32>,
        %mul3A_396 = arith.constant 8 : i32
        %mul3A_397 = arith.muli %scan3A_373, %mul3A_396 : i32
        %add3A_398 = arith.constant 2 : i32
        %add3A_399 = arith.addi %mul3A_397, %add3A_398 : i32
        %mul3A_400 = arith.constant 16 : i32
        %mul3A_401 = arith.muli %add3A_399, %mul3A_400 : i32
        %get3A_402 = arith.index_cast %scan3A_366 : i32 to index
        %get3A_403 = arith.index_cast %mul3A_401 : i32 to index
        %get3A_404 = tpu.vector_load %arg11[%get3A_402, %get3A_403] {strides = array<i32>} : memref<16x1024xf32, #tpu.memory_space<vmem>>, vector<16xf32>,
        %swap3A_405 = arith.index_cast %scan3A_366 : i32 to index
        %swap3A_406 = arith.index_cast %mul3A_401 : i32 to index
        %swap3A_407 = tpu.vector_load %arg9[%swap3A_405, %swap3A_406] {strides = array<i32>} : memref<16x1024xf32, #tpu.memory_space<vmem>>, vector<16xf32>,
        tpu.vector_store %arg9[%swap3A_405, %swap3A_406], %get3A_404 {add = true, strides = array<i32>} : memref<16x1024xf32, #tpu.memory_space<vmem>>, vector<16xf32>,
        %mul3A_408 = arith.constant 8 : i32
        %mul3A_409 = arith.muli %scan3A_373, %mul3A_408 : i32
        %add3A_410 = arith.constant 3 : i32
        %add3A_411 = arith.addi %mul3A_409, %add3A_410 : i32
        %mul3A_412 = arith.constant 16 : i32
        %mul3A_413 = arith.muli %add3A_411, %mul3A_412 : i32
        %get3A_414 = arith.index_cast %scan3A_366 : i32 to index
        %get3A_415 = arith.index_cast %mul3A_413 : i32 to index
        %get3A_416 = tpu.vector_load %arg11[%get3A_414, %get3A_415] {strides = array<i32>} : memref<16x1024xf32, #tpu.memory_space<vmem>>, vector<16xf32>,
        %swap3A_417 = arith.index_cast %scan3A_366 : i32 to index
        %swap3A_418 = arith.index_cast %mul3A_413 : i32 to index
        %swap3A_419 = tpu.vector_load %arg9[%swap3A_417, %swap3A_418] {strides = array<i32>} : memref<16x1024xf32, #tpu.memory_space<vmem>>, vector<16xf32>,
        tpu.vector_store %arg9[%swap3A_417, %swap3A_418], %get3A_416 {add = true, strides = array<i32>} : memref<16x1024xf32, #tpu.memory_space<vmem>>, vector<16xf32>,
        %mul3A_420 = arith.constant 8 : i32
        %mul3A_421 = arith.muli %scan3A_373, %mul3A_420 : i32
        %add3A_422 = arith.constant 4 : i32
        %add3A_423 = arith.addi %mul3A_421, %add3A_422 : i32
        %mul3A_424 = arith.constant 16 : i32
        %mul3A_425 = arith.muli %add3A_423, %mul3A_424 : i32
        %get3A_426 = arith.index_cast %scan3A_366 : i32 to index
        %get3A_427 = arith.index_cast %mul3A_425 : i32 to index
        %get3A_428 = tpu.vector_load %arg11[%get3A_426, %get3A_427] {strides = array<i32>} : memref<16x1024xf32, #tpu.memory_space<vmem>>, vector<16xf32>,
        %swap3A_429 = arith.index_cast %scan3A_366 : i32 to index
        %swap3A_430 = arith.index_cast %mul3A_425 : i32 to index
        %swap3A_431 = tpu.vector_load %arg9[%swap3A_429, %swap3A_430] {strides = array<i32>} : memref<16x1024xf32, #tpu.memory_space<vmem>>, vector<16xf32>,
        tpu.vector_store %arg9[%swap3A_429, %swap3A_430], %get3A_428 {add = true, strides = array<i32>} : memref<16x1024xf32, #tpu.memory_space<vmem>>, vector<16xf32>,
        %mul3A_432 = arith.constant 8 : i32
        %mul3A_433 = arith.muli %scan3A_373, %mul3A_432 : i32
        %add3A_434 = arith.constant 5 : i32
        %add3A_435 = arith.addi %mul3A_433, %add3A_434 : i32
        %mul3A_436 = arith.constant 16 : i32
        %mul3A_437 = arith.muli %add3A_435, %mul3A_436 : i32
        %get3A_438 = arith.index_cast %scan3A_366 : i32 to index
        %get3A_439 = arith.index_cast %mul3A_437 : i32 to index
        %get3A_440 = tpu.vector_load %arg11[%get3A_438, %get3A_439] {strides = array<i32>} : memref<16x1024xf32, #tpu.memory_space<vmem>>, vector<16xf32>,
        %swap3A_441 = arith.index_cast %scan3A_366 : i32 to index
        %swap3A_442 = arith.index_cast %mul3A_437 : i32 to index
        %swap3A_443 = tpu.vector_load %arg9[%swap3A_441, %swap3A_442] {strides = array<i32>} : memref<16x1024xf32, #tpu.memory_space<vmem>>, vector<16xf32>,
        tpu.vector_store %arg9[%swap3A_441, %swap3A_442], %get3A_440 {add = true, strides = array<i32>} : memref<16x1024xf32, #tpu.memory_space<vmem>>, vector<16xf32>,
        %mul3A_444 = arith.constant 8 : i32
        %mul3A_445 = arith.muli %scan3A_373, %mul3A_444 : i32
        %add3A_446 = arith.constant 6 : i32
        %add3A_447 = arith.addi %mul3A_445, %add3A_446 : i32
        %mul3A_448 = arith.constant 16 : i32
        %mul3A_449 = arith.muli %add3A_447, %mul3A_448 : i32
        %get3A_450 = arith.index_cast %scan3A_366 : i32 to index
        %get3A_451 = arith.index_cast %mul3A_449 : i32 to index
        %get3A_452 = tpu.vector_load %arg11[%get3A_450, %get3A_451] {strides = array<i32>} : memref<16x1024xf32, #tpu.memory_space<vmem>>, vector<16xf32>,
        %swap3A_453 = arith.index_cast %scan3A_366 : i32 to index
        %swap3A_454 = arith.index_cast %mul3A_449 : i32 to index
        %swap3A_455 = tpu.vector_load %arg9[%swap3A_453, %swap3A_454] {strides = array<i32>} : memref<16x1024xf32, #tpu.memory_space<vmem>>, vector<16xf32>,
        tpu.vector_store %arg9[%swap3A_453, %swap3A_454], %get3A_452 {add = true, strides = array<i32>} : memref<16x1024xf32, #tpu.memory_space<vmem>>, vector<16xf32>,
        %mul3A_456 = arith.constant 8 : i32
        %mul3A_457 = arith.muli %scan3A_373, %mul3A_456 : i32
        %add3A_458 = arith.constant 7 : i32
        %add3A_459 = arith.addi %mul3A_457, %add3A_458 : i32
        %mul3A_460 = arith.constant 16 : i32
        %mul3A_461 = arith.muli %add3A_459, %mul3A_460 : i32
        %get3A_462 = arith.index_cast %scan3A_366 : i32 to index
        %get3A_463 = arith.index_cast %mul3A_461 : i32 to index
        %get3A_464 = tpu.vector_load %arg11[%get3A_462, %get3A_463] {strides = array<i32>} : memref<16x1024xf32, #tpu.memory_space<vmem>>, vector<16xf32>,
        %swap3A_465 = arith.index_cast %scan3A_366 : i32 to index
        %swap3A_466 = arith.index_cast %mul3A_461 : i32 to index
        %swap3A_467 = tpu.vector_load %arg9[%swap3A_465, %swap3A_466] {strides = array<i32>} : memref<16x1024xf32, #tpu.memory_space<vmem>>, vector<16xf32>,
        tpu.vector_store %arg9[%swap3A_465, %swap3A_466], %get3A_464 {add = true, strides = array<i32>} : memref<16x1024xf32, #tpu.memory_space<vmem>>, vector<16xf32>,
      }
      %scan3A_372 = arith.constant 8 : i32
    }
    %scan3A_275 = arith.constant 16 : i32
    %mul3A_276 = arith.constant 128 : i32
    %mul3A_277 = arith.muli %add3A, %mul3A_276 : i32
    %add3A_278 = arith.constant 80 : i32
    %add3A_279 = arith.addi %mul3A_277, %add3A_278 : i32
    %dma_start3A_280 = arith.constant 0 : i32
    %dma_start3A_281 = tpu.memref_slice %arg5[%add3A_279, %dma_start3A_280] : memref<4096x1024xf32, #tpu.memory_space<hbm>> -> memref<16x1024xf32, #tpu.memory_space<hbm>>
    %dma_start3A_282 = arith.constant 0 : i32
    %dma_start3A_283 = tpu.memref_slice %arg5[%add3A_279, %dma_start3A_282] : memref<4096x1024xf32, #tpu.memory_space<hbm>> -> memref<16x1024xf32, #tpu.memory_space<hbm>>
    tpu.enqueue_dma source(%arg9 : memref<16x1024xf32, #tpu.memory_space<vmem>>) target(%dma_start3A_283 : memref<16x1024xf32, #tpu.memory_space<hbm>>) target_semaphore(%arg17 : memref<!tpu.dma_semaphore, #tpu.memory_space<semaphore_mem>>)
    %dma_wait3A_284 = arith.constant 0 : i32
    %dma_wait3A_285 = tpu.memref_slice %arg5[%add3A_279, %dma_wait3A_284] : memref<4096x1024xf32, #tpu.memory_space<hbm>> -> memref<16x1024xf32, #tpu.memory_space<hbm>>
    %dma_wait3A_286 = arith.constant 0 : i32
    %dma_wait3A_287 = tpu.memref_slice %arg5[%add3A_279, %dma_wait3A_286] : memref<4096x1024xf32, #tpu.memory_space<hbm>> -> memref<16x1024xf32, #tpu.memory_space<hbm>>
    tpu.wait_dma2 semaphore(%arg17 : memref<!tpu.dma_semaphore, #tpu.memory_space<semaphore_mem>>) src(%arg9 : memref<16x1024xf32, #tpu.memory_space<vmem>>) dst(%dma_wait3A_287 : memref<16x1024xf32, #tpu.memory_space<hbm>>)
    %dma_start3A_288 = arith.constant 7 : i32
    %dma_start3A_289 = arith.constant 0 : i32
    %dma_start3A_290 = tpu.memref_slice %arg6[%dma_start3A_288, %dma_start3A_289] : memref<8x16xi32, #tpu.memory_space<vmem>> -> memref<1x16xi32, #tpu.memory_space<vmem>>
    %dma_start3A_291 = tpu.memref_squeeze %dma_start3A_290 : memref<1x16xi32, #tpu.memory_space<vmem>> -> memref<16xi32, #tpu.memory_space<vmem>>
    %dma_start3A_292 = arith.constant 0 : i32
    %dma_start3A_293 = arith.constant 0 : i32
    %dma_start3A_294 = tpu.memref_slice %arg2[%dma_start3A_292, %dma_start3A_293] : memref<24320x1024xf32, #tpu.memory_space<hbm>> -> memref<24320x1024xf32, #tpu.memory_space<hbm>>
    tpu.enqueue_indirect_dma source(%dma_start3A_294 : memref<24320x1024xf32, #tpu.memory_space<hbm>>) target(%arg9 : memref<16x1024xf32, #tpu.memory_space<vmem>>) offsets(%dma_start3A_291 : memref<16xi32, #tpu.memory_space<vmem>>) semaphore(%arg13 : memref<!tpu.dma_semaphore, #tpu.memory_space<semaphore_mem>>)
    %dma_start3A_295 = arith.constant 7 : i32
    %dma_start3A_296 = arith.constant 0 : i32
    %dma_start3A_297 = tpu.memref_slice %arg7[%dma_start3A_295, %dma_start3A_296] : memref<8x16xi32, #tpu.memory_space<vmem>> -> memref<1x16xi32, #tpu.memory_space<vmem>>
    %dma_start3A_298 = tpu.memref_squeeze %dma_start3A_297 : memref<1x16xi32, #tpu.memory_space<vmem>> -> memref<16xi32, #tpu.memory_space<vmem>>
    %dma_start3A_299 = arith.constant 0 : i32
    %dma_start3A_300 = arith.constant 0 : i32
    %dma_start3A_301 = tpu.memref_slice %arg2[%dma_start3A_299, %dma_start3A_300] : memref<24320x1024xf32, #tpu.memory_space<hbm>> -> memref<24320x1024xf32, #tpu.memory_space<hbm>>
    tpu.enqueue_indirect_dma source(%dma_start3A_301 : memref<24320x1024xf32, #tpu.memory_space<hbm>>) target(%arg11 : memref<16x1024xf32, #tpu.memory_space<vmem>>) offsets(%dma_start3A_298 : memref<16xi32, #tpu.memory_space<vmem>>) semaphore(%arg15 : memref<!tpu.dma_semaphore, #tpu.memory_space<semaphore_mem>>)
    %dma_wait3A_302 = arith.constant 6 : i32
    %dma_wait3A_303 = arith.constant 0 : i32
    %dma_wait3A_304 = tpu.memref_slice %arg6[%dma_wait3A_302, %dma_wait3A_303] : memref<8x16xi32, #tpu.memory_space<vmem>> -> memref<1x16xi32, #tpu.memory_space<vmem>>
    %dma_wait3A_305 = tpu.memref_squeeze %dma_wait3A_304 : memref<1x16xi32, #tpu.memory_space<vmem>> -> memref<16xi32, #tpu.memory_space<vmem>>
    %dma_wait3A_306 = arith.constant 0 : i32
    %dma_wait3A_307 = arith.constant 0 : i32
    %dma_wait3A_308 = tpu.memref_slice %arg2[%dma_wait3A_306, %dma_wait3A_307] : memref<24320x1024xf32, #tpu.memory_space<hbm>> -> memref<24320x1024xf32, #tpu.memory_space<hbm>>
    tpu.wait_indirect_dma semaphore(%arg12 : memref<!tpu.dma_semaphore, #tpu.memory_space<semaphore_mem>>) src(%dma_wait3A_308 : memref<24320x1024xf32, #tpu.memory_space<hbm>>) dst(%arg8 : memref<16x1024xf32, #tpu.memory_space<vmem>>)
    %dma_wait3A_309 = arith.constant 6 : i32
    %dma_wait3A_310 = arith.constant 0 : i32
    %dma_wait3A_311 = tpu.memref_slice %arg7[%dma_wait3A_309, %dma_wait3A_310] : memref<8x16xi32, #tpu.memory_space<vmem>> -> memref<1x16xi32, #tpu.memory_space<vmem>>
    %dma_wait3A_312 = tpu.memref_squeeze %dma_wait3A_311 : memref<1x16xi32, #tpu.memory_space<vmem>> -> memref<16xi32, #tpu.memory_space<vmem>>
    %dma_wait3A_313 = arith.constant 0 : i32
    %dma_wait3A_314 = arith.constant 0 : i32
    %dma_wait3A_315 = tpu.memref_slice %arg2[%dma_wait3A_313, %dma_wait3A_314] : memref<24320x1024xf32, #tpu.memory_space<hbm>> -> memref<24320x1024xf32, #tpu.memory_space<hbm>>
    tpu.wait_indirect_dma semaphore(%arg14 : memref<!tpu.dma_semaphore, #tpu.memory_space<semaphore_mem>>) src(%dma_wait3A_315 : memref<24320x1024xf32, #tpu.memory_space<hbm>>) dst(%arg10 : memref<16x1024xf32, #tpu.memory_space<vmem>>)
    %scan3A_316 = arith.constant 0 : i32
    %scan3A_317 = arith.constant 0 : i32
    %scan3A_318 = arith.constant 16 : i32
    %scan3A_319 = arith.addi %scan3A_317, %scan3A_318 : i32
    %scan3A_320 = arith.constant 1 : i32
    scf.for %scan3A_366 = %scan3A_317 to %scan3A_319 step %scan3A_320  : i32 {
      %scan3A_367 = arith.constant 0 : i32
      %scan3A_368 = arith.constant 0 : i32
      %scan3A_369 = arith.constant 8 : i32
      %scan3A_370 = arith.addi %scan3A_368, %scan3A_369 : i32
      %scan3A_371 = arith.constant 1 : i32
      scf.for %scan3A_373 = %scan3A_368 to %scan3A_370 step %scan3A_371  : i32 {
        %mul3A_374 = arith.constant 8 : i32
        %mul3A_375 = arith.muli %scan3A_373, %mul3A_374 : i32
        %add3A_376 = arith.constant 0 : i32
        %add3A_377 = arith.addi %mul3A_375, %add3A_376 : i32
        %mul3A_378 = arith.constant 16 : i32
        %mul3A_379 = arith.muli %add3A_377, %mul3A_378 : i32
        %get3A = arith.index_cast %scan3A_366 : i32 to index
        %get3A_380 = arith.index_cast %mul3A_379 : i32 to index
        %get3A_381 = tpu.vector_load %arg10[%get3A, %get3A_380] {strides = array<i32>} : memref<16x1024xf32, #tpu.memory_space<vmem>>, vector<16xf32>,
        %swap3A = arith.index_cast %scan3A_366 : i32 to index
        %swap3A_382 = arith.index_cast %mul3A_379 : i32 to index
        %swap3A_383 = tpu.vector_load %arg8[%swap3A, %swap3A_382] {strides = array<i32>} : memref<16x1024xf32, #tpu.memory_space<vmem>>, vector<16xf32>,
        tpu.vector_store %arg8[%swap3A, %swap3A_382], %get3A_381 {add = true, strides = array<i32>} : memref<16x1024xf32, #tpu.memory_space<vmem>>, vector<16xf32>,
        %mul3A_384 = arith.constant 8 : i32
        %mul3A_385 = arith.muli %scan3A_373, %mul3A_384 : i32
        %add3A_386 = arith.constant 1 : i32
        %add3A_387 = arith.addi %mul3A_385, %add3A_386 : i32
        %mul3A_388 = arith.constant 16 : i32
        %mul3A_389 = arith.muli %add3A_387, %mul3A_388 : i32
        %get3A_390 = arith.index_cast %scan3A_366 : i32 to index
        %get3A_391 = arith.index_cast %mul3A_389 : i32 to index
        %get3A_392 = tpu.vector_load %arg10[%get3A_390, %get3A_391] {strides = array<i32>} : memref<16x1024xf32, #tpu.memory_space<vmem>>, vector<16xf32>,
        %swap3A_393 = arith.index_cast %scan3A_366 : i32 to index
        %swap3A_394 = arith.index_cast %mul3A_389 : i32 to index
        %swap3A_395 = tpu.vector_load %arg8[%swap3A_393, %swap3A_394] {strides = array<i32>} : memref<16x1024xf32, #tpu.memory_space<vmem>>, vector<16xf32>,
        tpu.vector_store %arg8[%swap3A_393, %swap3A_394], %get3A_392 {add = true, strides = array<i32>} : memref<16x1024xf32, #tpu.memory_space<vmem>>, vector<16xf32>,
        %mul3A_396 = arith.constant 8 : i32
        %mul3A_397 = arith.muli %scan3A_373, %mul3A_396 : i32
        %add3A_398 = arith.constant 2 : i32
        %add3A_399 = arith.addi %mul3A_397, %add3A_398 : i32
        %mul3A_400 = arith.constant 16 : i32
        %mul3A_401 = arith.muli %add3A_399, %mul3A_400 : i32
        %get3A_402 = arith.index_cast %scan3A_366 : i32 to index
        %get3A_403 = arith.index_cast %mul3A_401 : i32 to index
        %get3A_404 = tpu.vector_load %arg10[%get3A_402, %get3A_403] {strides = array<i32>} : memref<16x1024xf32, #tpu.memory_space<vmem>>, vector<16xf32>,
        %swap3A_405 = arith.index_cast %scan3A_366 : i32 to index
        %swap3A_406 = arith.index_cast %mul3A_401 : i32 to index
        %swap3A_407 = tpu.vector_load %arg8[%swap3A_405, %swap3A_406] {strides = array<i32>} : memref<16x1024xf32, #tpu.memory_space<vmem>>, vector<16xf32>,
        tpu.vector_store %arg8[%swap3A_405, %swap3A_406], %get3A_404 {add = true, strides = array<i32>} : memref<16x1024xf32, #tpu.memory_space<vmem>>, vector<16xf32>,
        %mul3A_408 = arith.constant 8 : i32
        %mul3A_409 = arith.muli %scan3A_373, %mul3A_408 : i32
        %add3A_410 = arith.constant 3 : i32
        %add3A_411 = arith.addi %mul3A_409, %add3A_410 : i32
        %mul3A_412 = arith.constant 16 : i32
        %mul3A_413 = arith.muli %add3A_411, %mul3A_412 : i32
        %get3A_414 = arith.index_cast %scan3A_366 : i32 to index
        %get3A_415 = arith.index_cast %mul3A_413 : i32 to index
        %get3A_416 = tpu.vector_load %arg10[%get3A_414, %get3A_415] {strides = array<i32>} : memref<16x1024xf32, #tpu.memory_space<vmem>>, vector<16xf32>,
        %swap3A_417 = arith.index_cast %scan3A_366 : i32 to index
        %swap3A_418 = arith.index_cast %mul3A_413 : i32 to index
        %swap3A_419 = tpu.vector_load %arg8[%swap3A_417, %swap3A_418] {strides = array<i32>} : memref<16x1024xf32, #tpu.memory_space<vmem>>, vector<16xf32>,
        tpu.vector_store %arg8[%swap3A_417, %swap3A_418], %get3A_416 {add = true, strides = array<i32>} : memref<16x1024xf32, #tpu.memory_space<vmem>>, vector<16xf32>,
        %mul3A_420 = arith.constant 8 : i32
        %mul3A_421 = arith.muli %scan3A_373, %mul3A_420 : i32
        %add3A_422 = arith.constant 4 : i32
        %add3A_423 = arith.addi %mul3A_421, %add3A_422 : i32
        %mul3A_424 = arith.constant 16 : i32
        %mul3A_425 = arith.muli %add3A_423, %mul3A_424 : i32
        %get3A_426 = arith.index_cast %scan3A_366 : i32 to index
        %get3A_427 = arith.index_cast %mul3A_425 : i32 to index
        %get3A_428 = tpu.vector_load %arg10[%get3A_426, %get3A_427] {strides = array<i32>} : memref<16x1024xf32, #tpu.memory_space<vmem>>, vector<16xf32>,
        %swap3A_429 = arith.index_cast %scan3A_366 : i32 to index
        %swap3A_430 = arith.index_cast %mul3A_425 : i32 to index
        %swap3A_431 = tpu.vector_load %arg8[%swap3A_429, %swap3A_430] {strides = array<i32>} : memref<16x1024xf32, #tpu.memory_space<vmem>>, vector<16xf32>,
        tpu.vector_store %arg8[%swap3A_429, %swap3A_430], %get3A_428 {add = true, strides = array<i32>} : memref<16x1024xf32, #tpu.memory_space<vmem>>, vector<16xf32>,
        %mul3A_432 = arith.constant 8 : i32
        %mul3A_433 = arith.muli %scan3A_373, %mul3A_432 : i32
        %add3A_434 = arith.constant 5 : i32
        %add3A_435 = arith.addi %mul3A_433, %add3A_434 : i32
        %mul3A_436 = arith.constant 16 : i32
        %mul3A_437 = arith.muli %add3A_435, %mul3A_436 : i32
        %get3A_438 = arith.index_cast %scan3A_366 : i32 to index
        %get3A_439 = arith.index_cast %mul3A_437 : i32 to index
        %get3A_440 = tpu.vector_load %arg10[%get3A_438, %get3A_439] {strides = array<i32>} : memref<16x1024xf32, #tpu.memory_space<vmem>>, vector<16xf32>,
        %swap3A_441 = arith.index_cast %scan3A_366 : i32 to index
        %swap3A_442 = arith.index_cast %mul3A_437 : i32 to index
        %swap3A_443 = tpu.vector_load %arg8[%swap3A_441, %swap3A_442] {strides = array<i32>} : memref<16x1024xf32, #tpu.memory_space<vmem>>, vector<16xf32>,
        tpu.vector_store %arg8[%swap3A_441, %swap3A_442], %get3A_440 {add = true, strides = array<i32>} : memref<16x1024xf32, #tpu.memory_space<vmem>>, vector<16xf32>,
        %mul3A_444 = arith.constant 8 : i32
        %mul3A_445 = arith.muli %scan3A_373, %mul3A_444 : i32
        %add3A_446 = arith.constant 6 : i32
        %add3A_447 = arith.addi %mul3A_445, %add3A_446 : i32
        %mul3A_448 = arith.constant 16 : i32
        %mul3A_449 = arith.muli %add3A_447, %mul3A_448 : i32
        %get3A_450 = arith.index_cast %scan3A_366 : i32 to index
        %get3A_451 = arith.index_cast %mul3A_449 : i32 to index
        %get3A_452 = tpu.vector_load %arg10[%get3A_450, %get3A_451] {strides = array<i32>} : memref<16x1024xf32, #tpu.memory_space<vmem>>, vector<16xf32>,
        %swap3A_453 = arith.index_cast %scan3A_366 : i32 to index
        %swap3A_454 = arith.index_cast %mul3A_449 : i32 to index
        %swap3A_455 = tpu.vector_load %arg8[%swap3A_453, %swap3A_454] {strides = array<i32>} : memref<16x1024xf32, #tpu.memory_space<vmem>>, vector<16xf32>,
        tpu.vector_store %arg8[%swap3A_453, %swap3A_454], %get3A_452 {add = true, strides = array<i32>} : memref<16x1024xf32, #tpu.memory_space<vmem>>, vector<16xf32>,
        %mul3A_456 = arith.constant 8 : i32
        %mul3A_457 = arith.muli %scan3A_373, %mul3A_456 : i32
        %add3A_458 = arith.constant 7 : i32
        %add3A_459 = arith.addi %mul3A_457, %add3A_458 : i32
        %mul3A_460 = arith.constant 16 : i32
        %mul3A_461 = arith.muli %add3A_459, %mul3A_460 : i32
        %get3A_462 = arith.index_cast %scan3A_366 : i32 to index
        %get3A_463 = arith.index_cast %mul3A_461 : i32 to index
        %get3A_464 = tpu.vector_load %arg10[%get3A_462, %get3A_463] {strides = array<i32>} : memref<16x1024xf32, #tpu.memory_space<vmem>>, vector<16xf32>,
        %swap3A_465 = arith.index_cast %scan3A_366 : i32 to index
        %swap3A_466 = arith.index_cast %mul3A_461 : i32 to index
        %swap3A_467 = tpu.vector_load %arg8[%swap3A_465, %swap3A_466] {strides = array<i32>} : memref<16x1024xf32, #tpu.memory_space<vmem>>, vector<16xf32>,
        tpu.vector_store %arg8[%swap3A_465, %swap3A_466], %get3A_464 {add = true, strides = array<i32>} : memref<16x1024xf32, #tpu.memory_space<vmem>>, vector<16xf32>,
      }
      %scan3A_372 = arith.constant 8 : i32
    }
    %scan3A_321 = arith.constant 16 : i32
    %mul3A_322 = arith.constant 128 : i32
    %mul3A_323 = arith.muli %add3A, %mul3A_322 : i32
    %add3A_324 = arith.constant 96 : i32
    %add3A_325 = arith.addi %mul3A_323, %add3A_324 : i32
    %dma_start3A_326 = arith.constant 0 : i32
    %dma_start3A_327 = tpu.memref_slice %arg5[%add3A_325, %dma_start3A_326] : memref<4096x1024xf32, #tpu.memory_space<hbm>> -> memref<16x1024xf32, #tpu.memory_space<hbm>>
    %dma_start3A_328 = arith.constant 0 : i32
    %dma_start3A_329 = tpu.memref_slice %arg5[%add3A_325, %dma_start3A_328] : memref<4096x1024xf32, #tpu.memory_space<hbm>> -> memref<16x1024xf32, #tpu.memory_space<hbm>>
    tpu.enqueue_dma source(%arg8 : memref<16x1024xf32, #tpu.memory_space<vmem>>) target(%dma_start3A_329 : memref<16x1024xf32, #tpu.memory_space<hbm>>) target_semaphore(%arg16 : memref<!tpu.dma_semaphore, #tpu.memory_space<semaphore_mem>>)
    %dma_wait3A_330 = arith.constant 7 : i32
    %dma_wait3A_331 = arith.constant 0 : i32
    %dma_wait3A_332 = tpu.memref_slice %arg6[%dma_wait3A_330, %dma_wait3A_331] : memref<8x16xi32, #tpu.memory_space<vmem>> -> memref<1x16xi32, #tpu.memory_space<vmem>>
    %dma_wait3A_333 = tpu.memref_squeeze %dma_wait3A_332 : memref<1x16xi32, #tpu.memory_space<vmem>> -> memref<16xi32, #tpu.memory_space<vmem>>
    %dma_wait3A_334 = arith.constant 0 : i32
    %dma_wait3A_335 = arith.constant 0 : i32
    %dma_wait3A_336 = tpu.memref_slice %arg2[%dma_wait3A_334, %dma_wait3A_335] : memref<24320x1024xf32, #tpu.memory_space<hbm>> -> memref<24320x1024xf32, #tpu.memory_space<hbm>>
    tpu.wait_indirect_dma semaphore(%arg13 : memref<!tpu.dma_semaphore, #tpu.memory_space<semaphore_mem>>) src(%dma_wait3A_336 : memref<24320x1024xf32, #tpu.memory_space<hbm>>) dst(%arg9 : memref<16x1024xf32, #tpu.memory_space<vmem>>)
    %dma_wait3A_337 = arith.constant 7 : i32
    %dma_wait3A_338 = arith.constant 0 : i32
    %dma_wait3A_339 = tpu.memref_slice %arg7[%dma_wait3A_337, %dma_wait3A_338] : memref<8x16xi32, #tpu.memory_space<vmem>> -> memref<1x16xi32, #tpu.memory_space<vmem>>
    %dma_wait3A_340 = tpu.memref_squeeze %dma_wait3A_339 : memref<1x16xi32, #tpu.memory_space<vmem>> -> memref<16xi32, #tpu.memory_space<vmem>>
    %dma_wait3A_341 = arith.constant 0 : i32
    %dma_wait3A_342 = arith.constant 0 : i32
    %dma_wait3A_343 = tpu.memref_slice %arg2[%dma_wait3A_341, %dma_wait3A_342] : memref<24320x1024xf32, #tpu.memory_space<hbm>> -> memref<24320x1024xf32, #tpu.memory_space<hbm>>
    tpu.wait_indirect_dma semaphore(%arg15 : memref<!tpu.dma_semaphore, #tpu.memory_space<semaphore_mem>>) src(%dma_wait3A_343 : memref<24320x1024xf32, #tpu.memory_space<hbm>>) dst(%arg11 : memref<16x1024xf32, #tpu.memory_space<vmem>>)
    %scan3A_344 = arith.constant 0 : i32
    %scan3A_345 = arith.constant 0 : i32
    %scan3A_346 = arith.constant 16 : i32
    %scan3A_347 = arith.addi %scan3A_345, %scan3A_346 : i32
    %scan3A_348 = arith.constant 1 : i32
    scf.for %scan3A_366 = %scan3A_345 to %scan3A_347 step %scan3A_348  : i32 {
      %scan3A_367 = arith.constant 0 : i32
      %scan3A_368 = arith.constant 0 : i32
      %scan3A_369 = arith.constant 8 : i32
      %scan3A_370 = arith.addi %scan3A_368, %scan3A_369 : i32
      %scan3A_371 = arith.constant 1 : i32
      scf.for %scan3A_373 = %scan3A_368 to %scan3A_370 step %scan3A_371  : i32 {
        %mul3A_374 = arith.constant 8 : i32
        %mul3A_375 = arith.muli %scan3A_373, %mul3A_374 : i32
        %add3A_376 = arith.constant 0 : i32
        %add3A_377 = arith.addi %mul3A_375, %add3A_376 : i32
        %mul3A_378 = arith.constant 16 : i32
        %mul3A_379 = arith.muli %add3A_377, %mul3A_378 : i32
        %get3A = arith.index_cast %scan3A_366 : i32 to index
        %get3A_380 = arith.index_cast %mul3A_379 : i32 to index
        %get3A_381 = tpu.vector_load %arg11[%get3A, %get3A_380] {strides = array<i32>} : memref<16x1024xf32, #tpu.memory_space<vmem>>, vector<16xf32>,
        %swap3A = arith.index_cast %scan3A_366 : i32 to index
        %swap3A_382 = arith.index_cast %mul3A_379 : i32 to index
        %swap3A_383 = tpu.vector_load %arg9[%swap3A, %swap3A_382] {strides = array<i32>} : memref<16x1024xf32, #tpu.memory_space<vmem>>, vector<16xf32>,
        tpu.vector_store %arg9[%swap3A, %swap3A_382], %get3A_381 {add = true, strides = array<i32>} : memref<16x1024xf32, #tpu.memory_space<vmem>>, vector<16xf32>,
        %mul3A_384 = arith.constant 8 : i32
        %mul3A_385 = arith.muli %scan3A_373, %mul3A_384 : i32
        %add3A_386 = arith.constant 1 : i32
        %add3A_387 = arith.addi %mul3A_385, %add3A_386 : i32
        %mul3A_388 = arith.constant 16 : i32
        %mul3A_389 = arith.muli %add3A_387, %mul3A_388 : i32
        %get3A_390 = arith.index_cast %scan3A_366 : i32 to index
        %get3A_391 = arith.index_cast %mul3A_389 : i32 to index
        %get3A_392 = tpu.vector_load %arg11[%get3A_390, %get3A_391] {strides = array<i32>} : memref<16x1024xf32, #tpu.memory_space<vmem>>, vector<16xf32>,
        %swap3A_393 = arith.index_cast %scan3A_366 : i32 to index
        %swap3A_394 = arith.index_cast %mul3A_389 : i32 to index
        %swap3A_395 = tpu.vector_load %arg9[%swap3A_393, %swap3A_394] {strides = array<i32>} : memref<16x1024xf32, #tpu.memory_space<vmem>>, vector<16xf32>,
        tpu.vector_store %arg9[%swap3A_393, %swap3A_394], %get3A_392 {add = true, strides = array<i32>} : memref<16x1024xf32, #tpu.memory_space<vmem>>, vector<16xf32>,
        %mul3A_396 = arith.constant 8 : i32
        %mul3A_397 = arith.muli %scan3A_373, %mul3A_396 : i32
        %add3A_398 = arith.constant 2 : i32
        %add3A_399 = arith.addi %mul3A_397, %add3A_398 : i32
        %mul3A_400 = arith.constant 16 : i32
        %mul3A_401 = arith.muli %add3A_399, %mul3A_400 : i32
        %get3A_402 = arith.index_cast %scan3A_366 : i32 to index
        %get3A_403 = arith.index_cast %mul3A_401 : i32 to index
        %get3A_404 = tpu.vector_load %arg11[%get3A_402, %get3A_403] {strides = array<i32>} : memref<16x1024xf32, #tpu.memory_space<vmem>>, vector<16xf32>,
        %swap3A_405 = arith.index_cast %scan3A_366 : i32 to index
        %swap3A_406 = arith.index_cast %mul3A_401 : i32 to index
        %swap3A_407 = tpu.vector_load %arg9[%swap3A_405, %swap3A_406] {strides = array<i32>} : memref<16x1024xf32, #tpu.memory_space<vmem>>, vector<16xf32>,
        tpu.vector_store %arg9[%swap3A_405, %swap3A_406], %get3A_404 {add = true, strides = array<i32>} : memref<16x1024xf32, #tpu.memory_space<vmem>>, vector<16xf32>,
        %mul3A_408 = arith.constant 8 : i32
        %mul3A_409 = arith.muli %scan3A_373, %mul3A_408 : i32
        %add3A_410 = arith.constant 3 : i32
        %add3A_411 = arith.addi %mul3A_409, %add3A_410 : i32
        %mul3A_412 = arith.constant 16 : i32
        %mul3A_413 = arith.muli %add3A_411, %mul3A_412 : i32
        %get3A_414 = arith.index_cast %scan3A_366 : i32 to index
        %get3A_415 = arith.index_cast %mul3A_413 : i32 to index
        %get3A_416 = tpu.vector_load %arg11[%get3A_414, %get3A_415] {strides = array<i32>} : memref<16x1024xf32, #tpu.memory_space<vmem>>, vector<16xf32>,
        %swap3A_417 = arith.index_cast %scan3A_366 : i32 to index
        %swap3A_418 = arith.index_cast %mul3A_413 : i32 to index
        %swap3A_419 = tpu.vector_load %arg9[%swap3A_417, %swap3A_418] {strides = array<i32>} : memref<16x1024xf32, #tpu.memory_space<vmem>>, vector<16xf32>,
        tpu.vector_store %arg9[%swap3A_417, %swap3A_418], %get3A_416 {add = true, strides = array<i32>} : memref<16x1024xf32, #tpu.memory_space<vmem>>, vector<16xf32>,
        %mul3A_420 = arith.constant 8 : i32
        %mul3A_421 = arith.muli %scan3A_373, %mul3A_420 : i32
        %add3A_422 = arith.constant 4 : i32
        %add3A_423 = arith.addi %mul3A_421, %add3A_422 : i32
        %mul3A_424 = arith.constant 16 : i32
        %mul3A_425 = arith.muli %add3A_423, %mul3A_424 : i32
        %get3A_426 = arith.index_cast %scan3A_366 : i32 to index
        %get3A_427 = arith.index_cast %mul3A_425 : i32 to index
        %get3A_428 = tpu.vector_load %arg11[%get3A_426, %get3A_427] {strides = array<i32>} : memref<16x1024xf32, #tpu.memory_space<vmem>>, vector<16xf32>,
        %swap3A_429 = arith.index_cast %scan3A_366 : i32 to index
        %swap3A_430 = arith.index_cast %mul3A_425 : i32 to index
        %swap3A_431 = tpu.vector_load %arg9[%swap3A_429, %swap3A_430] {strides = array<i32>} : memref<16x1024xf32, #tpu.memory_space<vmem>>, vector<16xf32>,
        tpu.vector_store %arg9[%swap3A_429, %swap3A_430], %get3A_428 {add = true, strides = array<i32>} : memref<16x1024xf32, #tpu.memory_space<vmem>>, vector<16xf32>,
        %mul3A_432 = arith.constant 8 : i32
        %mul3A_433 = arith.muli %scan3A_373, %mul3A_432 : i32
        %add3A_434 = arith.constant 5 : i32
        %add3A_435 = arith.addi %mul3A_433, %add3A_434 : i32
        %mul3A_436 = arith.constant 16 : i32
        %mul3A_437 = arith.muli %add3A_435, %mul3A_436 : i32
        %get3A_438 = arith.index_cast %scan3A_366 : i32 to index
        %get3A_439 = arith.index_cast %mul3A_437 : i32 to index
        %get3A_440 = tpu.vector_load %arg11[%get3A_438, %get3A_439] {strides = array<i32>} : memref<16x1024xf32, #tpu.memory_space<vmem>>, vector<16xf32>,
        %swap3A_441 = arith.index_cast %scan3A_366 : i32 to index
        %swap3A_442 = arith.index_cast %mul3A_437 : i32 to index
        %swap3A_443 = tpu.vector_load %arg9[%swap3A_441, %swap3A_442] {strides = array<i32>} : memref<16x1024xf32, #tpu.memory_space<vmem>>, vector<16xf32>,
        tpu.vector_store %arg9[%swap3A_441, %swap3A_442], %get3A_440 {add = true, strides = array<i32>} : memref<16x1024xf32, #tpu.memory_space<vmem>>, vector<16xf32>,
        %mul3A_444 = arith.constant 8 : i32
        %mul3A_445 = arith.muli %scan3A_373, %mul3A_444 : i32
        %add3A_446 = arith.constant 6 : i32
        %add3A_447 = arith.addi %mul3A_445, %add3A_446 : i32
        %mul3A_448 = arith.constant 16 : i32
        %mul3A_449 = arith.muli %add3A_447, %mul3A_448 : i32
        %get3A_450 = arith.index_cast %scan3A_366 : i32 to index
        %get3A_451 = arith.index_cast %mul3A_449 : i32 to index
        %get3A_452 = tpu.vector_load %arg11[%get3A_450, %get3A_451] {strides = array<i32>} : memref<16x1024xf32, #tpu.memory_space<vmem>>, vector<16xf32>,
        %swap3A_453 = arith.index_cast %scan3A_366 : i32 to index
        %swap3A_454 = arith.index_cast %mul3A_449 : i32 to index
        %swap3A_455 = tpu.vector_load %arg9[%swap3A_453, %swap3A_454] {strides = array<i32>} : memref<16x1024xf32, #tpu.memory_space<vmem>>, vector<16xf32>,
        tpu.vector_store %arg9[%swap3A_453, %swap3A_454], %get3A_452 {add = true, strides = array<i32>} : memref<16x1024xf32, #tpu.memory_space<vmem>>, vector<16xf32>,
        %mul3A_456 = arith.constant 8 : i32
        %mul3A_457 = arith.muli %scan3A_373, %mul3A_456 : i32
        %add3A_458 = arith.constant 7 : i32
        %add3A_459 = arith.addi %mul3A_457, %add3A_458 : i32
        %mul3A_460 = arith.constant 16 : i32
        %mul3A_461 = arith.muli %add3A_459, %mul3A_460 : i32
        %get3A_462 = arith.index_cast %scan3A_366 : i32 to index
        %get3A_463 = arith.index_cast %mul3A_461 : i32 to index
        %get3A_464 = tpu.vector_load %arg11[%get3A_462, %get3A_463] {strides = array<i32>} : memref<16x1024xf32, #tpu.memory_space<vmem>>, vector<16xf32>,
        %swap3A_465 = arith.index_cast %scan3A_366 : i32 to index
        %swap3A_466 = arith.index_cast %mul3A_461 : i32 to index
        %swap3A_467 = tpu.vector_load %arg9[%swap3A_465, %swap3A_466] {strides = array<i32>} : memref<16x1024xf32, #tpu.memory_space<vmem>>, vector<16xf32>,
        tpu.vector_store %arg9[%swap3A_465, %swap3A_466], %get3A_464 {add = true, strides = array<i32>} : memref<16x1024xf32, #tpu.memory_space<vmem>>, vector<16xf32>,
      }
      %scan3A_372 = arith.constant 8 : i32
    }
    %scan3A_349 = arith.constant 16 : i32
    %mul3A_350 = arith.constant 128 : i32
    %mul3A_351 = arith.muli %add3A, %mul3A_350 : i32
    %add3A_352 = arith.constant 112 : i32
    %add3A_353 = arith.addi %mul3A_351, %add3A_352 : i32
    %dma_start3A_354 = arith.constant 0 : i32
    %dma_start3A_355 = tpu.memref_slice %arg5[%add3A_353, %dma_start3A_354] : memref<4096x1024xf32, #tpu.memory_space<hbm>> -> memref<16x1024xf32, #tpu.memory_space<hbm>>
    %dma_start3A_356 = arith.constant 0 : i32
    %dma_start3A_357 = tpu.memref_slice %arg5[%add3A_353, %dma_start3A_356] : memref<4096x1024xf32, #tpu.memory_space<hbm>> -> memref<16x1024xf32, #tpu.memory_space<hbm>>
    tpu.enqueue_dma source(%arg9 : memref<16x1024xf32, #tpu.memory_space<vmem>>) target(%dma_start3A_357 : memref<16x1024xf32, #tpu.memory_space<hbm>>) target_semaphore(%arg17 : memref<!tpu.dma_semaphore, #tpu.memory_space<semaphore_mem>>)
    %dma_wait3A_358 = arith.constant 0 : i32
    %dma_wait3A_359 = tpu.memref_slice %arg5[%add3A_325, %dma_wait3A_358] : memref<4096x1024xf32, #tpu.memory_space<hbm>> -> memref<16x1024xf32, #tpu.memory_space<hbm>>
    %dma_wait3A_360 = arith.constant 0 : i32
    %dma_wait3A_361 = tpu.memref_slice %arg5[%add3A_325, %dma_wait3A_360] : memref<4096x1024xf32, #tpu.memory_space<hbm>> -> memref<16x1024xf32, #tpu.memory_space<hbm>>
    tpu.wait_dma2 semaphore(%arg16 : memref<!tpu.dma_semaphore, #tpu.memory_space<semaphore_mem>>) src(%arg8 : memref<16x1024xf32, #tpu.memory_space<vmem>>) dst(%dma_wait3A_361 : memref<16x1024xf32, #tpu.memory_space<hbm>>)
    %dma_wait3A_362 = arith.constant 0 : i32
    %dma_wait3A_363 = tpu.memref_slice %arg5[%add3A_353, %dma_wait3A_362] : memref<4096x1024xf32, #tpu.memory_space<hbm>> -> memref<16x1024xf32, #tpu.memory_space<hbm>>
    %dma_wait3A_364 = arith.constant 0 : i32
    %dma_wait3A_365 = tpu.memref_slice %arg5[%add3A_353, %dma_wait3A_364] : memref<4096x1024xf32, #tpu.memory_space<hbm>> -> memref<16x1024xf32, #tpu.memory_space<hbm>>
    tpu.wait_dma2 semaphore(%arg17 : memref<!tpu.dma_semaphore, #tpu.memory_space<semaphore_mem>>) src(%arg9 : memref<16x1024xf32, #tpu.memory_space<vmem>>) dst(%dma_wait3A_365 : memref<16x1024xf32, #tpu.memory_space<hbm>>)
    return
  }
}

module attributes {stable_mosaic.version = 14 : i64} {
  func.func @_posbuild_body(%arg0: i32, %arg1: memref<1x1x512xi32, #tpu.memory_space<vmem>>, %arg2: memref<1x1x512xi32, #tpu.memory_space<vmem>>, %arg3: memref<2x64xi32, #tpu.memory_space<vmem>>, %arg4: memref<1x64xf32, #tpu.memory_space<vmem>>, %arg5: memref<1x64xf32, #tpu.memory_space<vmem>>, %arg6: memref<512x512xf32, #tpu.memory_space<vmem>>, %arg7: memref<16x512xf32, #tpu.memory_space<vmem>>) attributes {dimension_semantics = [#tpu.dimension_semantics<arbitrary>], iteration_bounds = array<i64: 32>, scalar_prefetch = 0 : i64, scratch_operands = 4 : i64, tpu.core_type = #tpu.core_type<tc>, window_params = [{transform_indices = @transform_0, window_bounds = array<i64: 1, 1, 512>}, {transform_indices = @transform_1, window_bounds = array<i64: 1, 1, 512>}, {pipeline_mode = #tpu.pipeline_mode<synchronous>, transform_indices = @transform_2, window_bounds = array<i64: 2, 64>}]} {
    %eq3A = arith.constant 0 : i32
    %eq3A_0 = arith.cmpi eq, %arg0, %eq3A : i32
    %convert_element_type3A = arith.extui %eq3A_0 : i1 to i32
    %cond3A = arith.constant 0 : i32
    %cond3A_1 = arith.cmpi ne, %convert_element_type3A, %cond3A : i32
    scf.if %cond3A_1 {
      %broadcast_in_dim3A_32 = arith.constant 0.000000e+00 : f32
      %broadcast_in_dim3A_33 = vector.broadcast %broadcast_in_dim3A_32 : f32 to vector<1x64xf32>
      %swap3A_34 = arith.constant 0 : index
      %swap3A_35 = arith.constant 0 : index
      %swap3A_36 = vector.load %arg4[%swap3A_34, %swap3A_35] : memref<1x64xf32, #tpu.memory_space<vmem>>, vector<1x64xf32>
      tpu.vector_store %arg4[%swap3A_34, %swap3A_35], %broadcast_in_dim3A_33 {strides = array<i32>} : memref<1x64xf32, #tpu.memory_space<vmem>>, vector<1x64xf32>,
      %broadcast_in_dim3A_37 = arith.constant 0.000000e+00 : f32
      %broadcast_in_dim3A_38 = vector.broadcast %broadcast_in_dim3A_37 : f32 to vector<1x64xf32>
      %swap3A_39 = arith.constant 0 : index
      %swap3A_40 = arith.constant 0 : index
      %swap3A_41 = vector.load %arg5[%swap3A_39, %swap3A_40] : memref<1x64xf32, #tpu.memory_space<vmem>>, vector<1x64xf32>
      tpu.vector_store %arg5[%swap3A_39, %swap3A_40], %broadcast_in_dim3A_38 {strides = array<i32>} : memref<1x64xf32, #tpu.memory_space<vmem>>, vector<1x64xf32>,
      %iota3A_42 = tpu.iota {dimensions = array<i32: 0>} : vector<512x512xi32>
      %iota3A_43 = tpu.iota {dimensions = array<i32: 1>} : vector<512x512xi32>
      %gt3A = arith.cmpi sgt, %iota3A_42, %iota3A_43 : vector<512x512xi32>
      %convert_element_type3A_44 = arith.extui %gt3A : vector<512x512xi1> to vector<512x512xi32>
      %convert_element_type3A_45 = arith.sitofp %convert_element_type3A_44 : vector<512x512xi32> to vector<512x512xf32>
      %swap3A_46 = arith.constant 0 : index
      %swap3A_47 = arith.constant 0 : index
      %swap3A_48 = vector.load %arg6[%swap3A_46, %swap3A_47] : memref<512x512xf32, #tpu.memory_space<vmem>>, vector<512x512xf32>
      tpu.vector_store %arg6[%swap3A_46, %swap3A_47], %convert_element_type3A_45 {strides = array<i32>} : memref<512x512xf32, #tpu.memory_space<vmem>>, vector<512x512xf32>,
    } else {
    }
    %eq3A_2 = arith.constant 16 : i32
    %eq3A_3 = arith.cmpi eq, %arg0, %eq3A_2 : i32
    %convert_element_type3A_4 = arith.extui %eq3A_3 : i1 to i32
    %cond3A_5 = arith.constant 0 : i32
    %cond3A_6 = arith.cmpi ne, %convert_element_type3A_4, %cond3A_5 : i32
    scf.if %cond3A_6 {
      %get3A_32 = arith.constant 0 : index
      %get3A_33 = arith.constant 0 : index
      %get3A_34 = vector.load %arg4[%get3A_32, %get3A_33] : memref<1x64xf32, #tpu.memory_space<vmem>>, vector<1x64xf32>
      %add3A = arith.constant 2.550000e+02 : f32
      %add3A_35 = vector.broadcast %add3A : f32 to vector<1x64xf32>
      %add3A_36 = arith.addf %get3A_34, %add3A_35 : vector<1x64xf32>
      %mul3A = arith.constant 3.906250e-03 : f32
      %mul3A_37 = vector.broadcast %mul3A : f32 to vector<1x64xf32>
      %mul3A_38 = arith.mulf %add3A_36, %mul3A_37 : vector<1x64xf32>
      %floor3A = math.floor %mul3A_38 : vector<1x64xf32>
      %mul3A_39 = arith.constant 2.560000e+02 : f32
      %mul3A_40 = vector.broadcast %mul3A_39 : f32 to vector<1x64xf32>
      %mul3A_41 = arith.mulf %floor3A, %mul3A_40 : vector<1x64xf32>
      %iota3A_42 = tpu.iota {dimensions = array<i32: 0>} : vector<64x64xi32>
      %iota3A_43 = tpu.iota {dimensions = array<i32: 1>} : vector<64x64xi32>
      %lt3A_44 = arith.cmpi slt, %iota3A_42, %iota3A_43 : vector<64x64xi32>
      %convert_element_type3A_45 = arith.extui %lt3A_44 : vector<64x64xi1> to vector<64x64xi32>
      %convert_element_type3A_46 = arith.sitofp %convert_element_type3A_45 : vector<64x64xi32> to vector<64x64xf32>
      %dot_general3A = arith.constant dense<0.000000e+00> : vector<1x64xf32>
      %dot_general3A_47 = tpu.matmul %mul3A_41, %convert_element_type3A_46, %dot_general3A {dimension_numbers = #tpu.dot_dimension_numbers<[1], [0], [0], [1], [0, 0, 1, 1], [], []>, transpose_lhs_hint = false} : vector<1x64xf32>, vector<64x64xf32>, vector<1x64xf32> -> vector<1x64xf32>
      %swap3A_48 = arith.constant 0 : index
      %swap3A_49 = arith.constant 0 : index
      %swap3A_50 = vector.load %arg5[%swap3A_48, %swap3A_49] : memref<1x64xf32, #tpu.memory_space<vmem>>, vector<1x64xf32>
      tpu.vector_store %arg5[%swap3A_48, %swap3A_49], %dot_general3A_47 {strides = array<i32>} : memref<1x64xf32, #tpu.memory_space<vmem>>, vector<1x64xf32>,
    } else {
    }
    %get3A = arith.constant 0 : index
    %get3A_7 = arith.constant 0 : index
    %get3A_8 = arith.constant 0 : index
    %get3A_9 = vector.load %arg1[%get3A, %get3A_7, %get3A_8] : memref<1x1x512xi32, #tpu.memory_space<vmem>>, vector<1x1x512xi32>
    %get3A_10 = vector.shape_cast %get3A_9 : vector<1x1x512xi32> to vector<512xi32>
    %broadcast_in_dim3A = vector.shape_cast %get3A_10 : vector<512xi32> to vector<512x1xi32>
    %iota3A = tpu.iota {dimensions = array<i32: 1>} : vector<512x64xi32>
    %eq3A_11 = vector.broadcast %broadcast_in_dim3A : vector<512x1xi32> to vector<512x64xi32>
    %eq3A_12 = arith.cmpi eq, %eq3A_11, %iota3A : vector<512x64xi32>
    %convert_element_type3A_13 = arith.extui %eq3A_12 : vector<512x64xi1> to vector<512x64xi32>
    %convert_element_type3A_14 = arith.sitofp %convert_element_type3A_13 : vector<512x64xi32> to vector<512x64xf32>
    %lt3A = arith.constant 16 : i32
    %lt3A_15 = arith.cmpi slt, %arg0, %lt3A : i32
    %convert_element_type3A_16 = arith.extui %lt3A_15 : i1 to i32
    %cond3A_17 = arith.constant 0 : i32
    %cond3A_18 = arith.cmpi ne, %convert_element_type3A_16, %cond3A_17 : i32
    scf.if %cond3A_18 {
      %get3A_32 = arith.constant 0 : index
      %get3A_33 = arith.constant 0 : index
      %get3A_34 = vector.load %arg6[%get3A_32, %get3A_33] : memref<512x512xf32, #tpu.memory_space<vmem>>, vector<512x512xf32>
      %dot_general3A = arith.constant dense<0.000000e+00> : vector<512x64xf32>
      %dot_general3A_35 = tpu.matmul %get3A_34, %convert_element_type3A_14, %dot_general3A {dimension_numbers = #tpu.dot_dimension_numbers<[1], [0], [0], [1], [0, 0, 1, 1], [], []>, transpose_lhs_hint = false} : vector<512x512xf32>, vector<512x64xf32>, vector<512x64xf32> -> vector<512x64xf32>
      %get3A_36 = arith.constant 0 : index
      %get3A_37 = arith.constant 0 : index
      %get3A_38 = vector.load %arg4[%get3A_36, %get3A_37] : memref<1x64xf32, #tpu.memory_space<vmem>>, vector<1x64xf32>
      %add3A = vector.broadcast %get3A_38 : vector<1x64xf32> to vector<512x64xf32>
      %add3A_39 = arith.addf %dot_general3A_35, %add3A : vector<512x64xf32>
      %mul3A = arith.mulf %add3A_39, %convert_element_type3A_14 : vector<512x64xf32>
      %reduce_sum3A = arith.constant dense<0.000000e+00> : vector<512xf32>
      %reduce_sum3A_40 = vector.multi_reduction <add>, %mul3A, %reduce_sum3A [1] : vector<512x64xf32> to vector<512xf32>
      %broadcast_in_dim3A_41 = vector.shape_cast %reduce_sum3A_40 : vector<512xf32> to vector<1x512xf32>
      %swap3A_42 = arith.index_cast %arg0 : i32 to index
      %swap3A_43 = arith.constant 0 : index
      %swap3A_44 = vector.load %arg7[%swap3A_42, %swap3A_43] : memref<16x512xf32, #tpu.memory_space<vmem>>, vector<1x512xf32>
      tpu.vector_store %arg7[%swap3A_42, %swap3A_43], %broadcast_in_dim3A_41 {strides = array<i32>} : memref<16x512xf32, #tpu.memory_space<vmem>>, vector<1x512xf32>,
      %reduce_sum3A_45 = arith.constant dense<0.000000e+00> : vector<64xf32>
      %reduce_sum3A_46 = vector.multi_reduction <add>, %convert_element_type3A_14, %reduce_sum3A_45 [0] : vector<512x64xf32> to vector<64xf32>
      %broadcast_in_dim3A_47 = vector.shape_cast %reduce_sum3A_46 : vector<64xf32> to vector<1x64xf32>
      %add3A_48 = arith.addf %get3A_38, %broadcast_in_dim3A_47 : vector<1x64xf32>
      %swap3A_49 = arith.constant 0 : index
      %swap3A_50 = arith.constant 0 : index
      %swap3A_51 = vector.load %arg4[%swap3A_49, %swap3A_50] : memref<1x64xf32, #tpu.memory_space<vmem>>, vector<1x64xf32>
      tpu.vector_store %arg4[%swap3A_49, %swap3A_50], %add3A_48 {strides = array<i32>} : memref<1x64xf32, #tpu.memory_space<vmem>>, vector<1x64xf32>,
    } else {
    }
    %ge3A = arith.constant 16 : i32
    %ge3A_19 = arith.cmpi sge, %arg0, %ge3A : i32
    %convert_element_type3A_20 = arith.extui %ge3A_19 : i1 to i32
    %cond3A_21 = arith.constant 0 : i32
    %cond3A_22 = arith.cmpi ne, %convert_element_type3A_20, %cond3A_21 : i32
    scf.if %cond3A_22 {
      %get3A_32 = arith.constant 0 : index
      %get3A_33 = arith.constant 0 : index
      %get3A_34 = vector.load %arg5[%get3A_32, %get3A_33] : memref<1x64xf32, #tpu.memory_space<vmem>>, vector<1x64xf32>
      %mul3A = vector.broadcast %get3A_34 : vector<1x64xf32> to vector<512x64xf32>
      %mul3A_35 = arith.mulf %mul3A, %convert_element_type3A_14 : vector<512x64xf32>
      %reduce_sum3A = arith.constant dense<0.000000e+00> : vector<512xf32>
      %reduce_sum3A_36 = vector.multi_reduction <add>, %mul3A_35, %reduce_sum3A [1] : vector<512x64xf32> to vector<512xf32>
      %sub3A = arith.constant 16 : i32
      %sub3A_37 = arith.subi %arg0, %sub3A : i32
      %get3A_38 = arith.index_cast %sub3A_37 : i32 to index
      %get3A_39 = arith.constant 0 : index
      %get3A_40 = vector.load %arg7[%get3A_38, %get3A_39] : memref<16x512xf32, #tpu.memory_space<vmem>>, vector<1x512xf32>
      %squeeze3A = vector.shape_cast %get3A_40 : vector<1x512xf32> to vector<512xf32>
      %add3A = arith.addf %reduce_sum3A_36, %squeeze3A : vector<512xf32>
      %convert_element_type3A_41 = arith.fptosi %add3A : vector<512xf32> to vector<512xi32>
      %broadcast_in_dim3A_42 = vector.shape_cast %convert_element_type3A_41 : vector<512xi32> to vector<1x1x512xi32>
      %swap3A_43 = arith.constant 0 : index
      %swap3A_44 = arith.constant 0 : index
      %swap3A_45 = arith.constant 0 : index
      %swap3A_46 = vector.load %arg2[%swap3A_43, %swap3A_44, %swap3A_45] : memref<1x1x512xi32, #tpu.memory_space<vmem>>, vector<1x1x512xi32>
      tpu.vector_store %arg2[%swap3A_43, %swap3A_44, %swap3A_45], %broadcast_in_dim3A_42 {strides = array<i32>} : memref<1x1x512xi32, #tpu.memory_space<vmem>>, vector<1x1x512xi32>,
    } else {
    }
    %get3A_23 = arith.constant 0 : index
    %get3A_24 = arith.constant 0 : index
    %get3A_25 = vector.load %arg5[%get3A_23, %get3A_24] : memref<1x64xf32, #tpu.memory_space<vmem>>, vector<1x64xf32>
    %get3A_26 = arith.constant 0 : index
    %get3A_27 = arith.constant 0 : index
    %get3A_28 = vector.load %arg4[%get3A_26, %get3A_27] : memref<1x64xf32, #tpu.memory_space<vmem>>, vector<1x64xf32>
    %concatenate3A = tpu.concatenate %get3A_25, %get3A_28 in 0 : vector<1x64xf32>, vector<1x64xf32> -> vector<2x64xf32>
    %convert_element_type3A_29 = arith.fptosi %concatenate3A : vector<2x64xf32> to vector<2x64xi32>
    %swap3A = arith.constant 0 : index
    %swap3A_30 = arith.constant 0 : index
    %swap3A_31 = vector.load %arg3[%swap3A, %swap3A_30] : memref<2x64xi32, #tpu.memory_space<vmem>>, vector<2x64xi32>
    tpu.vector_store %arg3[%swap3A, %swap3A_30], %convert_element_type3A_29 {strides = array<i32>} : memref<2x64xi32, #tpu.memory_space<vmem>>, vector<2x64xi32>,
    return
  }
  func.func @transform_0(%arg0: i32) -> (i32, i32, i32) {
    %jit3A = arith.constant 16 : i32
    %eq3A = arith.constant 0 : i32
    %eq3A_0 = arith.cmpi eq, %jit3A, %eq3A : i32
    %jit3A_1 = arith.constant 1 : i32
    %select_n3A = arith.select %eq3A_0, %jit3A_1, %jit3A : i32
    %rem3A = arith.remsi %arg0, %select_n3A : i32
    %ne3A = arith.constant 0 : i32
    %ne3A_2 = arith.cmpi ne, %rem3A, %ne3A : i32
    %lt3A = arith.constant 0 : i32
    %lt3A_3 = arith.cmpi slt, %rem3A, %lt3A : i32
    %lt3A_4 = arith.constant 0 : i32
    %lt3A_5 = arith.cmpi slt, %select_n3A, %lt3A_4 : i32
    %ne3A_6 = arith.xori %lt3A_3, %lt3A_5 : i1
    %and3A = arith.andi %ne3A_6, %ne3A_2 : i1
    %add3A = arith.addi %rem3A, %select_n3A : i32
    %select_n3A_7 = arith.select %and3A, %add3A, %rem3A : i32
    %c0_i32 = arith.constant 0 : i32
    %c0_i32_8 = arith.constant 0 : i32
    %c0_i32_9 = arith.constant 0 : i32
    return %select_n3A_7, %c0_i32, %c0_i32_8 : i32, i32, i32
  }
  func.func @transform_1(%arg0: i32) -> (i32, i32, i32) {
    %jit3A = arith.constant 16 : i32
    %eq3A = arith.constant 0 : i32
    %eq3A_0 = arith.cmpi eq, %jit3A, %eq3A : i32
    %jit3A_1 = arith.constant 1 : i32
    %select_n3A = arith.select %eq3A_0, %jit3A_1, %jit3A : i32
    %rem3A = arith.remsi %arg0, %select_n3A : i32
    %ne3A = arith.constant 0 : i32
    %ne3A_2 = arith.cmpi ne, %rem3A, %ne3A : i32
    %lt3A = arith.constant 0 : i32
    %lt3A_3 = arith.cmpi slt, %rem3A, %lt3A : i32
    %lt3A_4 = arith.constant 0 : i32
    %lt3A_5 = arith.cmpi slt, %select_n3A, %lt3A_4 : i32
    %ne3A_6 = arith.xori %lt3A_3, %lt3A_5 : i1
    %and3A = arith.andi %ne3A_6, %ne3A_2 : i1
    %add3A = arith.addi %rem3A, %select_n3A : i32
    %select_n3A_7 = arith.select %and3A, %add3A, %rem3A : i32
    %c0_i32 = arith.constant 0 : i32
    %c0_i32_8 = arith.constant 0 : i32
    %c0_i32_9 = arith.constant 0 : i32
    return %select_n3A_7, %c0_i32, %c0_i32_8 : i32, i32, i32
  }
  func.func @transform_2(%arg0: i32) -> (i32, i32) {
    %c0_i32 = arith.constant 0 : i32
    %c0_i32_0 = arith.constant 0 : i32
    %c0_i32_1 = arith.constant 0 : i32
    return %c0_i32, %c0_i32_0 : i32, i32
  }
}

module attributes {stable_mosaic.version = 14 : i64} {
  func.func @_router_body(%arg0: i32, %arg1: memref<512x1024xf32, #tpu.memory_space<vmem>>, %arg2: memref<1024x64xf32, #tpu.memory_space<vmem>>, %arg3: memref<512x2xi32, #tpu.memory_space<vmem>>, %arg4: memref<512x2xf32, #tpu.memory_space<vmem>>) attributes {dimension_semantics = [#tpu.dimension_semantics<arbitrary>], iteration_bounds = array<i64: 8>, scalar_prefetch = 0 : i64, scratch_operands = 0 : i64, tpu.core_type = #tpu.core_type<tc>, window_params = [{transform_indices = @transform_0, window_bounds = array<i64: 512, 1024>}, {pipeline_mode = #tpu.pipeline_mode<synchronous>, transform_indices = @transform_1, window_bounds = array<i64: 1024, 64>}, {transform_indices = @transform_2, window_bounds = array<i64: 512, 2>}, {transform_indices = @transform_3, window_bounds = array<i64: 512, 2>}]} {
    %get3A = arith.constant 0 : index
    %get3A_0 = arith.constant 0 : index
    %get3A_1 = vector.load %arg1[%get3A, %get3A_0] : memref<512x1024xf32, #tpu.memory_space<vmem>>, vector<512x1024xf32>
    %get3A_2 = arith.constant 0 : index
    %get3A_3 = arith.constant 0 : index
    %get3A_4 = vector.load %arg2[%get3A_2, %get3A_3] : memref<1024x64xf32, #tpu.memory_space<vmem>>, vector<1024x64xf32>
    %dot_general3A = arith.constant dense<0.000000e+00> : vector<512x64xf32>
    %dot_general3A_5 = tpu.matmul %get3A_1, %get3A_4, %dot_general3A {dimension_numbers = #tpu.dot_dimension_numbers<[1], [0], [0], [1], [0, 0, 1, 1], [], []>, transpose_lhs_hint = false} : vector<512x1024xf32>, vector<1024x64xf32>, vector<512x64xf32> -> vector<512x64xf32>
    %iota3A = tpu.iota {dimensions = array<i32: 1>} : vector<512x64xi32>
    %reduce_max3A = arith.constant dense<0xFF800000> : vector<512xf32>
    %reduce_max3A_6 = vector.multi_reduction <maximumf>, %dot_general3A_5, %reduce_max3A [1] : vector<512x64xf32> to vector<512xf32>
    %broadcast_in_dim3A = vector.shape_cast %reduce_max3A_6 : vector<512xf32> to vector<512x1xf32>
    %eq3A = vector.broadcast %broadcast_in_dim3A : vector<512x1xf32> to vector<512x64xf32>
    %eq3A_7 = arith.cmpf oeq, %dot_general3A_5, %eq3A : vector<512x64xf32>
    %jit3A = arith.constant 64 : i32
    %broadcast_in_dim3A_8 = vector.broadcast %jit3A : i32 to vector<512x64xi32>
    %select_n3A = arith.select %eq3A_7, %iota3A, %broadcast_in_dim3A_8 : vector<512x64xi1>, vector<512x64xi32>
    %reduce_min3A = arith.constant dense<2147483647> : vector<512xi32>
    %reduce_min3A_9 = vector.multi_reduction <minsi>, %select_n3A, %reduce_min3A [1] : vector<512x64xi32> to vector<512xi32>
    %broadcast_in_dim3A_10 = vector.shape_cast %reduce_min3A_9 : vector<512xi32> to vector<512x1xi32>
    %eq3A_11 = vector.broadcast %broadcast_in_dim3A_10 : vector<512x1xi32> to vector<512x64xi32>
    %eq3A_12 = arith.cmpi eq, %iota3A, %eq3A_11 : vector<512x64xi32>
    %jit3A_13 = arith.constant 0xFF800000 : f32
    %broadcast_in_dim3A_14 = vector.broadcast %jit3A_13 : f32 to vector<512x64xf32>
    %select_n3A_15 = arith.select %eq3A_12, %broadcast_in_dim3A_14, %dot_general3A_5 : vector<512x64xi1>, vector<512x64xf32>
    %reduce_max3A_16 = arith.constant dense<0xFF800000> : vector<512xf32>
    %reduce_max3A_17 = vector.multi_reduction <maximumf>, %select_n3A_15, %reduce_max3A_16 [1] : vector<512x64xf32> to vector<512xf32>
    %broadcast_in_dim3A_18 = vector.shape_cast %reduce_max3A_17 : vector<512xf32> to vector<512x1xf32>
    %eq3A_19 = vector.broadcast %broadcast_in_dim3A_18 : vector<512x1xf32> to vector<512x64xf32>
    %eq3A_20 = arith.cmpf oeq, %select_n3A_15, %eq3A_19 : vector<512x64xf32>
    %jit3A_21 = arith.constant 64 : i32
    %broadcast_in_dim3A_22 = vector.broadcast %jit3A_21 : i32 to vector<512x64xi32>
    %select_n3A_23 = arith.select %eq3A_20, %iota3A, %broadcast_in_dim3A_22 : vector<512x64xi1>, vector<512x64xi32>
    %reduce_min3A_24 = arith.constant dense<2147483647> : vector<512xi32>
    %reduce_min3A_25 = vector.multi_reduction <minsi>, %select_n3A_23, %reduce_min3A_24 [1] : vector<512x64xi32> to vector<512xi32>
    %broadcast_in_dim3A_26 = vector.shape_cast %reduce_min3A_25 : vector<512xi32> to vector<512x1xi32>
    %sub3A = arith.subf %broadcast_in_dim3A_18, %broadcast_in_dim3A : vector<512x1xf32>
    %exp3A = math.exp %sub3A : vector<512x1xf32>
    %add3A = arith.constant 1.000000e+00 : f32
    %add3A_27 = vector.broadcast %add3A : f32 to vector<512x1xf32>
    %add3A_28 = arith.addf %add3A_27, %exp3A : vector<512x1xf32>
    %div3A = arith.constant 1.000000e+00 : f32
    %div3A_29 = vector.broadcast %div3A : f32 to vector<512x1xf32>
    %div3A_30 = arith.divf %div3A_29, %add3A_28 : vector<512x1xf32>
    %concatenate3A = tpu.concatenate %broadcast_in_dim3A_10, %broadcast_in_dim3A_26 in 1 : vector<512x1xi32>, vector<512x1xi32> -> vector<512x2xi32>
    %swap3A = arith.constant 0 : index
    %swap3A_31 = arith.constant 0 : index
    %swap3A_32 = vector.load %arg3[%swap3A, %swap3A_31] : memref<512x2xi32, #tpu.memory_space<vmem>>, vector<512x2xi32>
    tpu.vector_store %arg3[%swap3A, %swap3A_31], %concatenate3A {strides = array<i32>} : memref<512x2xi32, #tpu.memory_space<vmem>>, vector<512x2xi32>,
    %sub3A_33 = arith.constant 1.000000e+00 : f32
    %sub3A_34 = vector.broadcast %sub3A_33 : f32 to vector<512x1xf32>
    %sub3A_35 = arith.subf %sub3A_34, %div3A_30 : vector<512x1xf32>
    %concatenate3A_36 = tpu.concatenate %div3A_30, %sub3A_35 in 1 : vector<512x1xf32>, vector<512x1xf32> -> vector<512x2xf32>
    %swap3A_37 = arith.constant 0 : index
    %swap3A_38 = arith.constant 0 : index
    %swap3A_39 = vector.load %arg4[%swap3A_37, %swap3A_38] : memref<512x2xf32, #tpu.memory_space<vmem>>, vector<512x2xf32>
    tpu.vector_store %arg4[%swap3A_37, %swap3A_38], %concatenate3A_36 {strides = array<i32>} : memref<512x2xf32, #tpu.memory_space<vmem>>, vector<512x2xf32>,
    return
  }
  func.func @transform_0(%arg0: i32) -> (i32, i32) {
    %c0_i32 = arith.constant 0 : i32
    %c0_i32_0 = arith.constant 0 : i32
    return %arg0, %c0_i32 : i32, i32
  }
  func.func @transform_1(%arg0: i32) -> (i32, i32) {
    %c0_i32 = arith.constant 0 : i32
    %c0_i32_0 = arith.constant 0 : i32
    %c0_i32_1 = arith.constant 0 : i32
    return %c0_i32, %c0_i32_0 : i32, i32
  }
  func.func @transform_2(%arg0: i32) -> (i32, i32) {
    %c0_i32 = arith.constant 0 : i32
    %c0_i32_0 = arith.constant 0 : i32
    return %arg0, %c0_i32 : i32, i32
  }
  func.func @transform_3(%arg0: i32) -> (i32, i32) {
    %c0_i32 = arith.constant 0 : i32
    %c0_i32_0 = arith.constant 0 : i32
    return %arg0, %c0_i32 : i32, i32
  }
}

module attributes {stable_mosaic.version = 14 : i64} {
  func.func @_gemm_body(%arg0: i32, %arg1: memref<1xi32, #tpu.memory_space<smem>>, %arg2: memref<95xi32, #tpu.memory_space<smem>>, %arg3: memref<95xi32, #tpu.memory_space<smem>>, %arg4: memref<256x1024xf32, #tpu.memory_space<vmem>>, %arg5: memref<1x1x256xf32, #tpu.memory_space<vmem>>, %arg6: memref<1x1024x1024xf32, #tpu.memory_space<vmem>>, %arg7: memref<1x1024x1024xf32, #tpu.memory_space<vmem>>, %arg8: memref<1x1024x1024xf32, #tpu.memory_space<vmem>>, %arg9: memref<256x1024xf32, #tpu.memory_space<vmem>>) attributes {dimension_semantics = [#tpu.dimension_semantics<arbitrary>], iteration_bounds = array<i64: 95>, scalar_prefetch = 3 : i64, scratch_operands = 0 : i64, tpu.core_type = #tpu.core_type<tc>, window_params = [{transform_indices = @transform_0, window_bounds = array<i64: 256, 1024>}, {transform_indices = @transform_1, window_bounds = array<i64: 1, 1, 256>}, {transform_indices = @transform_2, window_bounds = array<i64: 1, 1024, 1024>}, {transform_indices = @transform_3, window_bounds = array<i64: 1, 1024, 1024>}, {transform_indices = @transform_4, window_bounds = array<i64: 1, 1024, 1024>}, {transform_indices = @transform_5, window_bounds = array<i64: 256, 1024>}]} {
    %get3A = arith.constant 0 : index
    %get3A_0 = memref.load %arg1[%get3A] : memref<1xi32, #tpu.memory_space<smem>>
    %lt3A = arith.cmpi slt, %arg0, %get3A_0 : i32
    %convert_element_type3A = arith.extui %lt3A : i1 to i32
    %cond3A = arith.constant 0 : i32
    %cond3A_1 = arith.cmpi ne, %convert_element_type3A, %cond3A : i32
    scf.if %cond3A_1 {
      %get3A_2 = arith.constant 0 : index
      %get3A_3 = arith.constant 0 : index
      %get3A_4 = vector.load %arg4[%get3A_2, %get3A_3] : memref<256x1024xf32, #tpu.memory_space<vmem>>, vector<256x1024xf32>
      %get3A_5 = arith.constant 0 : index
      %get3A_6 = arith.constant 0 : index
      %get3A_7 = arith.constant 0 : index
      %get3A_8 = vector.load %arg6[%get3A_5, %get3A_6, %get3A_7] : memref<1x1024x1024xf32, #tpu.memory_space<vmem>>, vector<1x1024x1024xf32>
      %get3A_9 = vector.shape_cast %get3A_8 : vector<1x1024x1024xf32> to vector<1024x1024xf32>
      %dot_general3A = arith.constant dense<0.000000e+00> : vector<256x1024xf32>
      %dot_general3A_10 = tpu.matmul %get3A_4, %get3A_9, %dot_general3A {dimension_numbers = #tpu.dot_dimension_numbers<[1], [0], [0], [1], [0, 0, 1, 1], [], []>, transpose_lhs_hint = false} : vector<256x1024xf32>, vector<1024x1024xf32>, vector<256x1024xf32> -> vector<256x1024xf32>
      %logistic3A = arith.negf %dot_general3A_10 : vector<256x1024xf32>
      %logistic3A_11 = math.exp %logistic3A : vector<256x1024xf32>
      %logistic3A_12 = arith.constant 1.000000e+00 : f32
      %logistic3A_13 = vector.broadcast %logistic3A_12 : f32 to vector<256x1024xf32>
      %logistic3A_14 = arith.addf %logistic3A_13, %logistic3A_11 : vector<256x1024xf32>
      %logistic3A_15 = arith.divf %logistic3A_13, %logistic3A_14 : vector<256x1024xf32>
      %mul3A = arith.mulf %dot_general3A_10, %logistic3A_15 : vector<256x1024xf32>
      %get3A_16 = arith.constant 0 : index
      %get3A_17 = arith.constant 0 : index
      %get3A_18 = arith.constant 0 : index
      %get3A_19 = vector.load %arg8[%get3A_16, %get3A_17, %get3A_18] : memref<1x1024x1024xf32, #tpu.memory_space<vmem>>, vector<1x1024x1024xf32>
      %get3A_20 = vector.shape_cast %get3A_19 : vector<1x1024x1024xf32> to vector<1024x1024xf32>
      %dot_general3A_21 = arith.constant dense<0.000000e+00> : vector<256x1024xf32>
      %dot_general3A_22 = tpu.matmul %get3A_4, %get3A_20, %dot_general3A_21 {dimension_numbers = #tpu.dot_dimension_numbers<[1], [0], [0], [1], [0, 0, 1, 1], [], []>, transpose_lhs_hint = false} : vector<256x1024xf32>, vector<1024x1024xf32>, vector<256x1024xf32> -> vector<256x1024xf32>
      %mul3A_23 = arith.mulf %mul3A, %dot_general3A_22 : vector<256x1024xf32>
      %get3A_24 = arith.constant 0 : index
      %get3A_25 = arith.constant 0 : index
      %get3A_26 = arith.constant 0 : index
      %get3A_27 = vector.load %arg7[%get3A_24, %get3A_25, %get3A_26] : memref<1x1024x1024xf32, #tpu.memory_space<vmem>>, vector<1x1024x1024xf32>
      %get3A_28 = vector.shape_cast %get3A_27 : vector<1x1024x1024xf32> to vector<1024x1024xf32>
      %dot_general3A_29 = arith.constant dense<0.000000e+00> : vector<256x1024xf32>
      %dot_general3A_30 = tpu.matmul %mul3A_23, %get3A_28, %dot_general3A_29 {dimension_numbers = #tpu.dot_dimension_numbers<[1], [0], [0], [1], [0, 0, 1, 1], [], []>, transpose_lhs_hint = false} : vector<256x1024xf32>, vector<1024x1024xf32>, vector<256x1024xf32> -> vector<256x1024xf32>
      %get3A_31 = arith.constant 0 : index
      %get3A_32 = arith.constant 0 : index
      %get3A_33 = arith.constant 0 : index
      %get3A_34 = vector.load %arg5[%get3A_31, %get3A_32, %get3A_33] : memref<1x1x256xf32, #tpu.memory_space<vmem>>, vector<1x1x256xf32>
      %get3A_35 = vector.shape_cast %get3A_34 : vector<1x1x256xf32> to vector<256xf32>
      %broadcast_in_dim3A = vector.shape_cast %get3A_35 : vector<256xf32> to vector<256x1xf32>
      %mul3A_36 = vector.broadcast %broadcast_in_dim3A : vector<256x1xf32> to vector<256x1024xf32>
      %mul3A_37 = arith.mulf %dot_general3A_30, %mul3A_36 : vector<256x1024xf32>
      %swap3A = arith.constant 0 : index
      %swap3A_38 = arith.constant 0 : index
      %swap3A_39 = vector.load %arg9[%swap3A, %swap3A_38] : memref<256x1024xf32, #tpu.memory_space<vmem>>, vector<256x1024xf32>
      tpu.vector_store %arg9[%swap3A, %swap3A_38], %mul3A_37 {strides = array<i32>} : memref<256x1024xf32, #tpu.memory_space<vmem>>, vector<256x1024xf32>,
    } else {
    }
    return
  }
  func.func @transform_0(%arg0: i32, %arg1: memref<1xi32, #tpu.memory_space<smem>>, %arg2: memref<95xi32, #tpu.memory_space<smem>>, %arg3: memref<95xi32, #tpu.memory_space<smem>>) -> (i32, i32) {
    %get3A = arith.index_cast %arg0 : i32 to index
    %get3A_0 = memref.load %arg2[%get3A] : memref<95xi32, #tpu.memory_space<smem>>
    %c0_i32 = arith.constant 0 : i32
    %c0_i32_1 = arith.constant 0 : i32
    return %get3A_0, %c0_i32 : i32, i32
  }
  func.func @transform_1(%arg0: i32, %arg1: memref<1xi32, #tpu.memory_space<smem>>, %arg2: memref<95xi32, #tpu.memory_space<smem>>, %arg3: memref<95xi32, #tpu.memory_space<smem>>) -> (i32, i32, i32) {
    %get3A = arith.index_cast %arg0 : i32 to index
    %get3A_0 = memref.load %arg2[%get3A] : memref<95xi32, #tpu.memory_space<smem>>
    %c0_i32 = arith.constant 0 : i32
    %c0_i32_1 = arith.constant 0 : i32
    %c0_i32_2 = arith.constant 0 : i32
    return %get3A_0, %c0_i32, %c0_i32_1 : i32, i32, i32
  }
  func.func @transform_2(%arg0: i32, %arg1: memref<1xi32, #tpu.memory_space<smem>>, %arg2: memref<95xi32, #tpu.memory_space<smem>>, %arg3: memref<95xi32, #tpu.memory_space<smem>>) -> (i32, i32, i32) {
    %get3A = arith.index_cast %arg0 : i32 to index
    %get3A_0 = memref.load %arg3[%get3A] : memref<95xi32, #tpu.memory_space<smem>>
    %c0_i32 = arith.constant 0 : i32
    %c0_i32_1 = arith.constant 0 : i32
    %c0_i32_2 = arith.constant 0 : i32
    return %get3A_0, %c0_i32, %c0_i32_1 : i32, i32, i32
  }
  func.func @transform_3(%arg0: i32, %arg1: memref<1xi32, #tpu.memory_space<smem>>, %arg2: memref<95xi32, #tpu.memory_space<smem>>, %arg3: memref<95xi32, #tpu.memory_space<smem>>) -> (i32, i32, i32) {
    %get3A = arith.index_cast %arg0 : i32 to index
    %get3A_0 = memref.load %arg3[%get3A] : memref<95xi32, #tpu.memory_space<smem>>
    %c0_i32 = arith.constant 0 : i32
    %c0_i32_1 = arith.constant 0 : i32
    %c0_i32_2 = arith.constant 0 : i32
    return %get3A_0, %c0_i32, %c0_i32_1 : i32, i32, i32
  }
  func.func @transform_4(%arg0: i32, %arg1: memref<1xi32, #tpu.memory_space<smem>>, %arg2: memref<95xi32, #tpu.memory_space<smem>>, %arg3: memref<95xi32, #tpu.memory_space<smem>>) -> (i32, i32, i32) {
    %get3A = arith.index_cast %arg0 : i32 to index
    %get3A_0 = memref.load %arg3[%get3A] : memref<95xi32, #tpu.memory_space<smem>>
    %c0_i32 = arith.constant 0 : i32
    %c0_i32_1 = arith.constant 0 : i32
    %c0_i32_2 = arith.constant 0 : i32
    return %get3A_0, %c0_i32, %c0_i32_1 : i32, i32, i32
  }
  func.func @transform_5(%arg0: i32, %arg1: memref<1xi32, #tpu.memory_space<smem>>, %arg2: memref<95xi32, #tpu.memory_space<smem>>, %arg3: memref<95xi32, #tpu.memory_space<smem>>) -> (i32, i32) {
    %get3A = arith.index_cast %arg0 : i32 to index
    %get3A_0 = memref.load %arg2[%get3A] : memref<95xi32, #tpu.memory_space<smem>>
    %c0_i32 = arith.constant 0 : i32
    %c0_i32_1 = arith.constant 0 : i32
    return %get3A_0, %c0_i32 : i32, i32
  }
}

</mosaic_0001>

<sc_bundles>
// kernel: kernel.11.cloned.1.call-start
scs
__scs_entry_jumppad:
0x0: {  	(pc) =	sbr.rel $0x88, $3  }
0x1: {  	(tag) =	ssettag $0x0;
	lr =	simm.s32 $0x1  }
0x2: {  	[smem:$0x3F9C] =	sst lr;
	_ =	strace $0xD0000000  }
0x3: {  	_ = 	snop  }
0x4: {  	_ = 	snop  }
0x5: {  	_ = 	snop  }
0x6: {  	_ = 	snop  }
0x7: {  	_ = 	snop  }
__scs_overlays_trampoline_lowered:
0x8: {  	[smem:$0x3FAB] =	sst s0  }
0x9: {  	[smem:$0x3FAC] =	sst s1  }
0xa: {  	[smem:$0x3FAD] =	sst s2  }
0xb: {  	[smem:$0x3FAE] =	sst s3  }
0xc: {  	[smem:$0x3FAF] =	sst s4  }
0xd: {  	[smem:$0x3FB0] =	sst s5  }
0xe: {  	[smem:$0x3FB1] =	sst s6  }
0xf: {  	[smem:$0x3FB2] =	sst s7  }
0x10: {  	[smem:$0x3FB3] =	sst s8  }
0x11: {  	[smem:$0x3FB4] =	sst s9;
	s0 =	simm.s32 @!p0 $0x0  }
0x12: {  	s1 =	sld [smem:$0x3F9A];
	s0 =	simm.s32 @p0 $0x1  }
0x13: {  	[smem:$0x3FB5] =	sst s0;
	s0 =	simm.s32 @!p1 $0x0  }
0x14: {  	s2 =	sld [smem:$0x3F99];
	s0 =	simm.s32 @p1 $0x1  }
0x15: {  	[smem:$0x3FB6] =	sst s0;
	s0 =	simm.s32 @!p2 $0x0  }
0x16: {  	s3 =	sld [smem:$0x3FDB];
	s0 =	simm.s32 @p2 $0x1  }
0x17: {  	s4 =	simm.s32 $0x1BF5;
	[smem:$0x3FB8] =	sst s0  }
0x18: {  	s0 =	sld [smem:$0x3F9B];
	_ =	swait.ge [sflag:s4], $0x0  }
0x19: {  	s7 =	sld [smem:$0x3F9C]  }
0x1a: {  	s8 =	sadd.s32 $0xFFFFE003, lr  }
0x1b: {  	s9 =	sadd.s32 $0xFFFFFEF7, lr;
	s5 =	simm.s32 $0xFFFFFFFF;
	p2 =	slt.u32 s8, $0xFFFFF086  }
0x1c: {  	p1 =	slt.u32 s9, $0xF7A;
	s5 =	simm.s32 @!p2 $0x0  }
0x1d: {  	s5 =	simm.s32 @p1 $0x1;
	p0 =	seq.s32 s7, s2  }
0x1e: {  	s7 =	smul.u32 @!p0 $0xF7A, s2;
	p2 =	seq.s32 @!p0 s5, $0x0  }
0x1f: {  	s9 =	smul.u32 $0xF7A, s1;
	s8 =	simm.s32 @!p0 $0x1BF5;
	p2 =	por !p2, p0  }
0x20: {  	[sflag:s8] =	ssyncset.s32 @!p0 $0xFFFFF086;
	s6 =	sadd.s32 @!p0 s3, s7;
	s7 =	simm.s32 @!p0 $0x108  }
0x21: {  	s3 =	sadd.s32 s3, s9;
	s6 =	sadd.s32 @!p0 $0x88, s6;
	s7 =	simm.s32 @p2 $0x1082  }
0x22: {  	[simem:s7], [sflag:s8] =	dma.local @!p0 [hbm:s6], $0xF7A  }
0x23: {  	s9 =	sor.u32 $0xD0000000, s2;
	s6 =	simm.s32 $0x108;
	_ =	swait.ge @!p0 [sflag:s8], $0x0  }
0x24: {  	s3 =	sadd.s32 $0x88, s3;
	s6 =	simm.s32 @!p1 $0x1082;
	[sflag:s4] =	ssyncset.s32 $0xFFFFF086  }
0x25: {  	[simem:s6], [sflag:s4] =	dma.local [hbm:s3], $0xF7A  }
0x26: {  	[smem:$0x3F9C] =	sst s1;
	(tag) =	ssettag s2;
	_ =	strace s9  }
0x27: {  	s1 =	sld [smem:$0x3FAC]  }
0x28: {  	s2 =	sld [smem:$0x3FAD]  }
0x29: {  	s4 =	sld [smem:$0x3FAF]  }
0x2a: {  	p0 =	seq.s32 s5, $0x0;
	s5 =	sld [smem:$0x3FB0]  }
0x2b: {  	s6 =	sld [smem:$0x3FB1]  }
0x2c: {  	s7 =	sld [smem:$0x3FB2]  }
0x2d: {  	s3 =	simm.s32 $0x108;
	s8 =	sld [smem:$0x3FB3]  }
0x2e: {  	s3 =	simm.s32 @!p0 $0x1082;
	s9 =	sld [smem:$0x3FB4]  }
0x2f: {  	lr =	sadd.s32 s0, s3;
	s0 =	sld [smem:$0x3FAB]  }
0x30: {  	s3 =	sld [smem:$0x3FAE]  }
0x31: {  	[smem:$0x3FB7] =	sst s10  }
0x32: {  	s10 =	sld [smem:$0x3FB5];
	_ =	sdelay $0x3  }
0x33: {  	p0 =	seq.s32 s10, $0x1;
	s10 =	sld [smem:$0x3FB7];
	_ =	sdelay $0x3  }
0x34: {  	[smem:$0x3FB7] =	sst s10  }
0x35: {  	s10 =	sld [smem:$0x3FB6];
	_ =	sdelay $0x3  }
0x36: {  	p1 =	seq.s32 s10, $0x1;
	s10 =	sld [smem:$0x3FB7];
	_ =	sdelay $0x3  }
0x37: {  	[smem:$0x3FB7] =	sst s10  }
0x38: {  	s10 =	sld [smem:$0x3FB8]  }
0x39: {  	_ = 	snop;
	(pc) =	sbr.ind lr, $3  }
0x3a: {  	_ = 	snop  }
0x3b: {  	_ = 	snop  }
0x3c: {  	p2 =	seq.s32 s10, $0x1;
	s10 =	sld [smem:$0x3FB7]  }
0x3d: {  	_ =	shalt  }
0x3e: {  	_ =	shalt  }
0x3f: {  	_ =	shalt  }
0x40: {  	_ =	shalt  }
0x41: {  	_ =	shalt  }
0x42: {  	_ =	shalt  }
0x43: {  	_ =	shalt  }
0x44: {  	_ =	shalt  }
0x45: {  	_ =	shalt  }
0x46: {  	_ =	shalt  }
0x47: {  	_ =	shalt  }
0x48: {  	_ =	shalt  }
0x49: {  	_ =	shalt  }
0x4a: {  	_ =	shalt  }
0x4b: {  	_ =	shalt  }
0x4c: {  	_ =	shalt  }
0x4d: {  	_ =	shalt  }
0x4e: {  	_ =	shalt  }
0x4f: {  	_ =	shalt  }
0x50: {  	_ =	shalt  }
0x51: {  	_ =	shalt  }
0x52: {  	_ =	shalt  }
0x53: {  	_ =	shalt  }
0x54: {  	_ =	shalt  }
0x55: {  	_ =	shalt  }
0x56: {  	_ =	shalt  }
0x57: {  	_ =	shalt  }
0x58: {  	_ =	shalt  }
0x59: {  	_ =	shalt  }
0x5a: {  	_ =	shalt  }
0x5b: {  	_ =	shalt  }
0x5c: {  	_ =	shalt  }
0x5d: {  	_ =	shalt  }
0x5e: {  	_ =	shalt  }
0x5f: {  	_ =	shalt  }
0x60: {  	_ =	shalt  }
0x61: {  	_ =	shalt  }
0x62: {  	_ =	shalt  }
0x63: {  	_ =	shalt  }
0x64: {  	_ =	shalt  }
0x65: {  	_ =	shalt  }
0x66: {  	_ =	shalt  }
0x67: {  	_ =	shalt  }
0x68: {  	_ =	shalt  }
0x69: {  	_ =	shalt  }
0x6a: {  	_ =	shalt  }
0x6b: {  	_ =	shalt  }
0x6c: {  	_ =	shalt  }
0x6d: {  	_ =	shalt  }
0x6e: {  	_ =	shalt  }
0x6f: {  	_ =	shalt  }
0x70: {  	_ =	shalt  }
0x71: {  	_ =	shalt  }
0x72: {  	_ =	shalt  }
0x73: {  	_ =	shalt  }
0x74: {  	_ =	shalt  }
0x75: {  	_ =	shalt  }
0x76: {  	_ =	shalt  }
0x77: {  	_ =	shalt  }
0x78: {  	_ =	shalt  }
0x79: {  	_ =	shalt  }
0x7a: {  	_ =	shalt  }
0x7b: {  	_ =	shalt  }
0x7c: {  	_ =	shalt  }
0x7d: {  	_ =	shalt  }
0x7e: {  	_ =	shalt  }
0x7f: {  	_ =	shalt  }
0x80: {  	_ =	shalt  }
0x81: {  	_ =	shalt  }
0x82: {  	_ =	shalt  }
0x83: {  	_ =	shalt  }
0x84: {  	_ =	shalt  }
0x85: {  	_ =	shalt  }
0x86: {  	_ =	shalt  }
0x87: {  	_ =	shalt  }
.Lfunc_end0:
.L_simem_size_0:
called_computation.1_lowered:
.L_overlay_start_0:
0x88: {  	s2 =	sld [smem:$0x3FD9]  }
0x89: {  	s3 =	sld [smem:$0x3FFE];
	_ =	sdelay $0x1  }
0x8a: {  	s1 =	srdreg.scid  }
0x8b: {  	s0 =	sand.u32 $0x1, s1  }
0x8c: {  	s17 =	sshll.u32 s0, $0xA;
	s2 =	sadd.s32 s3, s2  }
0x8d: {  	s2 =	sadd.s32 s2, s17  }
0x8e: {  	[smem:$0x3FC3] =	sst s2  }
0x8f: {  	_ = 	snop  }
0x90: {  	s18 =	sld [smem:$0x3FC9];
	(tm) =	ssettm $0x1  }
0x91: {  	s19 =	sld [smem:$0x3FFB];
	_ =	sdelay $0x3  }
0x92: {  	_ =	strace s19  }
0x93: {  	s2 =	sld [smem:$0x3FFC];
	_ =	sdelay $0x3  }
0x94: {  	_ =	strace s2  }
0x95: {  	s2 =	sld [smem:$0x3FFD];
	_ =	sdelay $0x3  }
0x96: {  	_ =	strace s2  }
0x97: {  	_ =	strace $0x8FFFFFFF  }
0x98: {  	s20 =	sld [smem:$0x3FDB];
	_ =	sdelay $0x1  }
0x99: {  	s4 =	simm.s32 $_scs_section_size  }
0x9a: {  	s5 =	simm.s32 $_size__tile_overlayer_lowered;
	s6 =	simm.s32 $_tile_overlayer_lowered  }
0x9b: {  	s7 =	simm.s32 $0x1BFF;
	s21 =	sshll.u32 s6, $0x1;
	s4 =	sadd.s32 s4, s20  }
0x9c: {  	s22 =	simm.s32 $0x0;
	s5 =	sshll.u32 s5, $0x1;
	s6 =	sadd.s32 s21, s4  }
0x9d: {  	[timem:s22], [sflag:s7] =	dma.local [hbm:s6], s5  }
0x9e: {  	_ =	swait.ge [sflag:s7], s5  }
0x9f: {  	s5 =	ssub.s32 $0x0, s5;
	[sflag:s7] =	ssyncset.done $0x0  }
0xa0: {  	[sflag:s7] =	ssyncadd.s32 s5;
	_ =	sdelay $0x1  }
0xa1: {  	s23 =	simm.s32 $0x1B8B  }
0xa2: {  	_ =	swait.ge [sflag:s23], $0x1  }
0xa3: {  	[sflag:s23] =	ssyncset.done $0x0  }
0xa4: {  	[sflag:s23] =	ssyncadd.s32 $0xFFFFFFFF  }
0xa5: {  	s5 =	sld [smem:$0x0]  }
0xa6: {  	s6 =	sand.u32 $0xFFFFFFFE, s1  }
0xa7: {  	p0 =	sne.s32 s1, s6  }
0xa8: {  	s6 =	sshll.u32 @p0 s6, $0xE  }
0xa9: {  	s6 =	sadd.s32 @p0 $0x11B8D, s6;
	s7 =	sshll.u32 @p0 s5, $0x11  }
0xaa: {  	s6 =	sor.u32 @p0 s7, s6  }
0xab: {  	[sflag:s6] =	ssyncadd.remote.s32 @p0 $0x1;
	_ =	sdelay $0x1  }
0xac: {  	s6 =	simm.s32 @p0 $0x1B8D  }
0xad: {  	_ =	swait.eq @p0 [sflag:s6], $0x1  }
0xae: {  	[sflag:s6] =	ssyncadd.s32 @p0 $0xFFFFFFFF  }
0xaf: {  	s7 =	sshll.u32 @!p0 s1, $0xE  }
0xb0: {  	s7 =	sor.u32 @!p0 $0x4000, s7;
	s6 =	simm.s32 @!p0 $0x1B8D  }
0xb1: {  	s5 =	sshll.u32 @!p0 s5, $0x11;
	s7 =	sadd.s32 @!p0 $0x11B8D, s7;
	_ =	swait.eq @!p0 [sflag:s6], $0x1  }
0xb2: {  	s5 =	sor.u32 @!p0 s5, s7;
	[sflag:s6] =	ssyncadd.s32 @!p0 $0xFFFFFFFF  }
0xb3: {  	s25 =	simm.s32 $0x1B8E;
	s24 =	sld [smem:$0x3FFE];
	[sflag:s5] =	ssyncadd.remote.s32 @!p0 $0x1  }
0xb4: {  	s26 =	simm.s32 $execute0_lowered;
	[smem:$0x3FD2] =	sst s25  }
0xb5: {  	s6 =	sshll.u32 s26, $0x1;
	_ =	strace $0x80000049;
	[dreg:$0x1] =	wrdreg $0xFFFFFFFF  }
0xb6: {  	s28 =	simm.s32 $_size_execute0_lowered;
	s4 =	sadd.s32 s4, s6;
	[dreg:$0x0] =	wrdreg $0x0  }
0xb7: {  	s6 =	sshll.u32 s28, $0x1;
	[dreg:$0x2] =	wrdreg s4  }
0xb8: {  	[dreg:$0x3] =	wrdreg s6  }
0xb9: {  	[dreg:$0x4] =	wrdreg $0xC0  }
0xba: {  	_ =	task [dreg:s22], $0x5FFFF  }
0xbb: {  	[dreg:$0x1] =	wrdreg $0xFFFFFFFF  }
0xbc: {  	[dreg:$0x0] =	wrdreg $0x60  }
0xbd: {  	[dreg:$0x2] =	wrdreg s18  }
0xbe: {  	[dreg:$0x3] =	wrdreg s24  }
0xbf: {  	[dreg:$0x4] =	wrdreg $0xA  }
0xc0: {  	_ =	task.clear_ibuf [dreg:s22], $0x5FFFF;
	_ =	strace $0x90000049  }
0xc1: {  	s29 =	simm.s32 $0xA;
	_ =	strace $0x8000004B  }
0xc2: {  	_ =	swait.ge [sflag:s29], $0x1  }
0xc3: {  	[sflag:s29] =	ssyncadd.s32 $0xFFFFFFFF  }
0xc4: {  	_ =	strace $0x9000004B  }
0xc5: {  	_ =	sfence  }
0xc6: {  	s30 =	sld [smem:$0x0];
	_ =	sdelay $0x2  }
0xc7: {  	s31 =	sshll.u32 s1, $0xD;
	s1 =	sshrl.u32 s1, $0x2  }
0xc8: {  	s4 =	sand.u32 $0x4000, s31;
	s1 =	sadd.s32 s1, s30  }
0xc9: {  	s0 =	sor.u32 s4, s0;
	s1 =	sshll.u32 s1, $0x11  }
0xca: {  	s0 =	sor.u32 s1, s0  }
0xcb: {  	s0 =	sadd.s32 $0x8F2B, s0  }
0xcc: {  	[sflag:s0] =	ssyncadd.remote.s32 $0x1  }
0xcd: {  	_ =	sfence.sel $0xFFFF  }
0xce: {  	[dreg:$0x0] =	wrdreg $0xFFFFFFFF;
	(pc) =	sbr.abs _section_cstart, $3  }
0xcf: {  	[dreg:$0x1] =	wrdreg $0xFFFFFFFF  }
0xd0: {  	_ =	task.clear_ibuf [dreg:s22], $0x2FFFF;
	_ =	strace $0x9FFFFFFF  }
0xd1: {  	(tm) =	ssettm $0x7FFFFFFF  }
tec
execute0_lowered:
.L_overlay_start_1:
0x0: {  	(tag) =	ssettag $0x1  }
0x1: {  	s0 =	rddreg [dreg:$0x0]  }
0x2: {  	s1 =	rddreg [dreg:$0x1]  }
0x3: {  	s3 =	srdreg.scid;
	s5 =	stileid.u32  }
0x4: {  	s2 =	simm.s32 $0x0;
	s26 =	simm.s32 $0x200;
	s28 =	simm.s32 $0x3  }
0x5: {  	s30 =	simm.s32 $0x1C00;
	s31 =	simm.s32 $0x2400;
	s29 =	simm.s32 $0x8400  }
0x6: {  	s4 =	sand.u32 $0x1, s3;
	s20 =	sshll.u32 s5, $0x1;
	[smem:$0x7FF] =	sst s2  }
0x7: {  	s5 =	sor.u32 s4, s20;
	_ =	strace $0x8000004A;
	s4 =	ssub.s32 $0x2, s4  }
0x8: {  	[dreg:$0x8] =	wrdreg s26;
	s3 =	sshll.u32 s5, $0x6;
	s5 =	sshll.u32 s5, $0xE  }
0x9: {  	s26 =	simm.s32 $0x1400;
	s6 =	sadd.s32 s3, s1;
	s21 =	sadd.s32 s0, s5  }
0xa: {  	s7 =	sshrl.u32 s4, $0x1;
	s8 =	sadd.s32 $0xE00, s6;
	[dreg:$0x9] =	wrdreg s21  }
0xb: {  	s3 =	sadd.s32 $0x1E00, s1;
	s6 =	sadd.s32 $0x1600, s6;
	[dreg:$0x3] =	wrdreg s8  }
0xc: {  	s22 =	ssub.s32 s4, s7;
	s23 =	sadd.s32 $0x1000, s21;
	[dreg:$0x4] =	wrdreg s6  }
0xd: {  	s5 =	sadd.s32 $0x1F00, s1;
	s24 =	sadd.s32 $0x2000, s21;
	[dreg:$0x5] =	wrdreg s23  }
0xe: {  	v2 =	vlaneseq.u32;
	s7 =	sadd.s32 $0x2100, s1;
	s25 =	sadd.s32 $0x3000, s21;
	[dreg:$0x6] =	wrdreg s24  }
0xf: {  	vm0 =	vmmov $0xffff;
	v1 =	vshrl.u32 v2, $0x3;
	s21 =	simm.s32 $0x1;
	s6 =	sadd.s32 $0x2000, s1;
	[dreg:$0x7] =	wrdreg s25  }
0x10: {  	v0 =	vand.u32 $0x7, v2;
	v2 =	vor.u32 $0x8, v2;
	v1 =	vmul.u32 $0x8, v1;
	s8 =	smax.u32 s22, $0x1;
	s23 =	simm.s32 $0x2;
	s22 =	simm.s32 $0xBC00  }
.LBB2_1:
0x11: {  	s24 =	rddreg [dreg:$0x3];
	s0 =	simm.s32 $0x5  }
0x12: {  	[tilespmem:s2], [sflag:$0x5] =	stream.linear.gather [hbm4b:s24+s2], $0x200, $0x38;
	[tilespmem:$0x10400] =	vst v63  }
0x13: {  	_ =	swait.ge [sflag:s0], $0x200  }
0x14: {  	s14 =	rddreg [dreg:$0x4];
	[sflag:s0] =	ssyncset.done $0x0  }
0x15: {  	s25 =	rddreg [dreg:$0x8];
	[sflag:s0] =	ssyncadd.s32 $0xFFFFFE00  }
0x16: {  	[tilespmem:s25], [sflag:$0x5] =	stream.linear.gather [hbm4b:s14+s2], $0x200, $0x38;
	[tilespmem:$0x10400] =	vst v63  }
0x17: {  	_ =	swait.ge [sflag:s0], $0x200  }
0x18: {  	[sflag:s0] =	ssyncset.done $0x0  }
0x19: {  	s17 =	simm.s32 $0x400;
	s15 =	rddreg [dreg:$0x9];
	[sflag:s0] =	ssyncadd.s32 $0xFFFFFE00  }
0x1a: {  	[tilespmem:s17], [sflag:$0x3] =	stream.linear.gather [hbm4b:s15+s2], $0x8000, $0x38;
	[tilespmem:$0x10400] =	vst v63  }
0x1b: {  	_ =	swait.ge [sflag:s28], $0x8000  }
0x1c: {  	[sflag:s28] =	ssyncset.done $0x0  }
0x1d: {  	[sflag:s28] =	ssyncadd.s32 $0xFFFF8000  }
0x1e: {  	v3 =	vld [tilespmem:$0x0];
	_ =	sdelay $0x4  }
0x1f: {  	v4 =	vshll.u32 v3, $0x3  }
0x20: {  	v3 =	vand.u32 $0x7, v3;
	v4 =	vand.u32 $0xFFFFFFC0, v4  }
0x21: {  	v3 =	vor.u32 v3, v4  }
0x22: {  	v4 =	vperm.xlane v3, v0;
	_ =	sdelay $0x1  }
0x23: {  	v4 =	vadd.s32 v1, v4;
	_ =	sdelay $0x4  }
0x24: {  	[hbm4b:s3+s2] =	stream.indirect_vreg.scatter [tilespmem:s17], [sflag:$0x1], $0x80, v4, vm0, $0xb8;
	[tilespmem:$0x10400] =	vst v63  }
0x25: {  	s25 =	simm.s32 $0xC00;
	v3 =	vperm.xlane v3, v2  }
0x26: {  	[hbm4b:s5+s2] =	stream.indirect_vreg.scatter [tilespmem:s25], [sflag:$0x1], $0x80, v4, vm0, $0xb8;
	[tilespmem:$0x10400] =	vst v63  }
0x27: {  	v3 =	vadd.s32 v1, v3  }
0x28: {  	[hbm4b:s6+s2] =	stream.indirect_vreg.scatter [tilespmem:s26], [sflag:$0x1], $0x80, v4, vm0, $0xb8;
	[tilespmem:$0x10400] =	vst v63  }
0x29: {  	_ = 	snop  }
0x2a: {  	[hbm4b:s7+s2] =	stream.indirect_vreg.scatter [tilespmem:s30], [sflag:$0x1], $0x80, v4, vm0, $0xb8;
	[tilespmem:$0x10400] =	vst v63  }
0x2b: {  	_ = 	snop  }
0x2c: {  	[hbm4b:s3+s2] =	stream.indirect_vreg.scatter [tilespmem:s31], [sflag:$0x1], $0x80, v3, vm0, $0xb8;
	[tilespmem:$0x10400] =	vst v63  }
0x2d: {  	s16 =	simm.s32 $0x2C00  }
0x2e: {  	[hbm4b:s5+s2] =	stream.indirect_vreg.scatter [tilespmem:s16], [sflag:$0x1], $0x80, v3, vm0, $0xb8;
	[tilespmem:$0x10400] =	vst v63  }
0x2f: {  	s18 =	simm.s32 $0x3400  }
0x30: {  	[hbm4b:s6+s2] =	stream.indirect_vreg.scatter [tilespmem:s18], [sflag:$0x1], $0x80, v3, vm0, $0xb8;
	[tilespmem:$0x10400] =	vst v63  }
0x31: {  	s19 =	simm.s32 $0x3C00  }
0x32: {  	[hbm4b:s7+s2] =	stream.indirect_vreg.scatter [tilespmem:s19], [sflag:$0x1], $0x80, v3, vm0, $0xb8;
	[tilespmem:$0x10400] =	vst v63  }
0x33: {  	v3 =	vld [tilespmem:$0x10];
	_ =	sdelay $0x4  }
0x34: {  	v49 =	vshll.u32 v3, $0x3  }
0x35: {  	v3 =	vand.u32 $0x7, v3;
	v4 =	vand.u32 $0xFFFFFFC0, v49  }
0x36: {  	v3 =	vor.u32 v3, v4  }
0x37: {  	v4 =	vperm.xlane v3, v0;
	_ =	sdelay $0x1  }
0x38: {  	v4 =	vadd.s32 v1, v4;
	_ =	sdelay $0x3  }
0x39: {  	s20 =	simm.s32 $0x4400  }
0x3a: {  	[hbm4b:s3+s2] =	stream.indirect_vreg.scatter [tilespmem:s20], [sflag:$0x1], $0x80, v4, vm0, $0xb8;
	[tilespmem:$0x10400] =	vst v63  }
0x3b: {  	s24 =	simm.s32 $0x4C00;
	v3 =	vperm.xlane v3, v2  }
0x3c: {  	[hbm4b:s5+s2] =	stream.indirect_vreg.scatter [tilespmem:s24], [sflag:$0x1], $0x80, v4, vm0, $0xb8;
	[tilespmem:$0x10400] =	vst v63  }
0x3d: {  	s9 =	simm.s32 $0x5400;
	v3 =	vadd.s32 v1, v3  }
0x3e: {  	[hbm4b:s6+s2] =	stream.indirect_vreg.scatter [tilespmem:s9], [sflag:$0x1], $0x80, v4, vm0, $0xb8;
	[tilespmem:$0x10400] =	vst v63  }
0x3f: {  	s10 =	simm.s32 $0x5C00  }
0x40: {  	[hbm4b:s7+s2] =	stream.indirect_vreg.scatter [tilespmem:s10], [sflag:$0x1], $0x80, v4, vm0, $0xb8;
	[tilespmem:$0x10400] =	vst v63  }
0x41: {  	s11 =	simm.s32 $0x6400  }
0x42: {  	[hbm4b:s3+s2] =	stream.indirect_vreg.scatter [tilespmem:s11], [sflag:$0x1], $0x80, v3, vm0, $0xb8;
	[tilespmem:$0x10400] =	vst v63  }
0x43: {  	s12 =	simm.s32 $0x6C00  }
0x44: {  	[hbm4b:s5+s2] =	stream.indirect_vreg.scatter [tilespmem:s12], [sflag:$0x1], $0x80, v3, vm0, $0xb8;
	[tilespmem:$0x10400] =	vst v63  }
0x45: {  	s13 =	simm.s32 $0x7400  }
0x46: {  	[hbm4b:s6+s2] =	stream.indirect_vreg.scatter [tilespmem:s13], [sflag:$0x1], $0x80, v3, vm0, $0xb8;
	[tilespmem:$0x10400] =	vst v63  }
0x47: {  	s18 =	simm.s32 $0x7C00  }
0x48: {  	[hbm4b:s7+s2] =	stream.indirect_vreg.scatter [tilespmem:s18], [sflag:$0x1], $0x80, v3, vm0, $0xb8;
	[tilespmem:$0x10400] =	vst v63  }
0x49: {  	v3 =	vld [tilespmem:$0x200];
	_ =	sdelay $0x4  }
0x4a: {  	v50 =	vshll.u32 v3, $0x3  }
0x4b: {  	v3 =	vand.u32 $0x7, v3;
	v4 =	vand.u32 $0xFFFFFFC0, v50  }
0x4c: {  	v3 =	vor.u32 v3, v4  }
0x4d: {  	v4 =	vperm.xlane v3, v0;
	_ =	sdelay $0x1  }
0x4e: {  	v4 =	vadd.s32 v1, v4;
	_ =	sdelay $0x4  }
0x4f: {  	[hbm4b:s3+s2] =	stream.indirect_vreg.scatter [tilespmem:s17], [sflag:$0x1], $0x80, v4, vm0, $0xb8;
	[tilespmem:$0x10400] =	vst v63  }
0x50: {  	v3 =	vperm.xlane v3, v2  }
0x51: {  	[hbm4b:s5+s2] =	stream.indirect_vreg.scatter [tilespmem:s25], [sflag:$0x1], $0x80, v4, vm0, $0xb8;
	[tilespmem:$0x10400] =	vst v63  }
0x52: {  	v3 =	vadd.s32 v1, v3  }
0x53: {  	[hbm4b:s6+s2] =	stream.indirect_vreg.scatter [tilespmem:s26], [sflag:$0x1], $0x80, v4, vm0, $0xb8;
	[tilespmem:$0x10400] =	vst v63  }
0x54: {  	_ = 	snop  }
0x55: {  	[hbm4b:s7+s2] =	stream.indirect_vreg.scatter [tilespmem:s30], [sflag:$0x1], $0x80, v4, vm0, $0xb8;
	[tilespmem:$0x10400] =	vst v63  }
0x56: {  	_ = 	snop  }
0x57: {  	[hbm4b:s3+s2] =	stream.indirect_vreg.scatter [tilespmem:s31], [sflag:$0x1], $0x80, v3, vm0, $0xb8;
	[tilespmem:$0x10400] =	vst v63  }
0x58: {  	s1 =	simm.s32 $0x2C00  }
0x59: {  	[hbm4b:s5+s2] =	stream.indirect_vreg.scatter [tilespmem:s1], [sflag:$0x1], $0x80, v3, vm0, $0xb8;
	[tilespmem:$0x10400] =	vst v63  }
0x5a: {  	s4 =	simm.s32 $0x3400  }
0x5b: {  	[hbm4b:s6+s2] =	stream.indirect_vreg.scatter [tilespmem:s4], [sflag:$0x1], $0x80, v3, vm0, $0xb8;
	[tilespmem:$0x10400] =	vst v63  }
0x5c: {  	s14 =	simm.s32 $0x3C00  }
0x5d: {  	[hbm4b:s7+s2] =	stream.indirect_vreg.scatter [tilespmem:s14], [sflag:$0x1], $0x80, v3, vm0, $0xb8;
	[tilespmem:$0x10400] =	vst v63  }
0x5e: {  	v3 =	vld [tilespmem:$0x210];
	_ =	sdelay $0x4  }
0x5f: {  	v51 =	vshll.u32 v3, $0x3  }
0x60: {  	v3 =	vand.u32 $0x7, v3;
	v4 =	vand.u32 $0xFFFFFFC0, v51  }
0x61: {  	v3 =	vor.u32 v3, v4  }
0x62: {  	v4 =	vperm.xlane v3, v0;
	_ =	sdelay $0x1  }
0x63: {  	v4 =	vadd.s32 v1, v4;
	_ =	sdelay $0x3  }
0x64: {  	s15 =	simm.s32 $0x4400  }
0x65: {  	[hbm4b:s3+s2] =	stream.indirect_vreg.scatter [tilespmem:s15], [sflag:$0x1], $0x80, v4, vm0, $0xb8;
	[tilespmem:$0x10400] =	vst v63  }
0x66: {  	s16 =	simm.s32 $0x4C00;
	v3 =	vperm.xlane v3, v2  }
0x67: {  	[hbm4b:s5+s2] =	stream.indirect_vreg.scatter [tilespmem:s16], [sflag:$0x1], $0x80, v4, vm0, $0xb8;
	[tilespmem:$0x10400] =	vst v63  }
0x68: {  	s9 =	simm.s32 $0x5400;
	v3 =	vadd.s32 v1, v3  }
0x69: {  	[hbm4b:s6+s2] =	stream.indirect_vreg.scatter [tilespmem:s9], [sflag:$0x1], $0x80, v4, vm0, $0xb8;
	[tilespmem:$0x10400] =	vst v63  }
0x6a: {  	s10 =	simm.s32 $0x5C00  }
0x6b: {  	[hbm4b:s7+s2] =	stream.indirect_vreg.scatter [tilespmem:s10], [sflag:$0x1], $0x80, v4, vm0, $0xb8;
	[tilespmem:$0x10400] =	vst v63  }
0x6c: {  	s11 =	simm.s32 $0x6400  }
0x6d: {  	[hbm4b:s3+s2] =	stream.indirect_vreg.scatter [tilespmem:s11], [sflag:$0x1], $0x80, v3, vm0, $0xb8;
	[tilespmem:$0x10400] =	vst v63  }
0x6e: {  	s12 =	simm.s32 $0x6C00  }
0x6f: {  	[hbm4b:s5+s2] =	stream.indirect_vreg.scatter [tilespmem:s12], [sflag:$0x1], $0x80, v3, vm0, $0xb8;
	[tilespmem:$0x10400] =	vst v63  }
0x70: {  	s13 =	simm.s32 $0x7400  }
0x71: {  	[hbm4b:s6+s2] =	stream.indirect_vreg.scatter [tilespmem:s13], [sflag:$0x1], $0x80, v3, vm0, $0xb8;
	[tilespmem:$0x10400] =	vst v63  }
0x72: {  	s19 =	simm.s32 $0x7C00  }
0x73: {  	[hbm4b:s7+s2] =	stream.indirect_vreg.scatter [tilespmem:s19], [sflag:$0x1], $0x80, v3, vm0, $0xb8;
	[tilespmem:$0x10400] =	vst v63  }
0x74: {  	s0 =	simm.s32 $0x4;
	s20 =	rddreg [dreg:$0x5]  }
0x75: {  	[tilespmem:s29], [sflag:$0x4] =	stream.linear.gather [hbm4b:s20+s2], $0x8000, $0x38;
	[tilespmem:$0x10400] =	vst v63  }
0x76: {  	_ =	swait.ge [sflag:s0], $0x8000  }
0x77: {  	[sflag:s0] =	ssyncset.done $0x0  }
0x78: {  	[sflag:s0] =	ssyncadd.s32 $0xFFFF8000  }
0x79: {  	v3 =	vld [tilespmem:$0x80];
	_ =	sdelay $0x4  }
0x7a: {  	v52 =	vshll.u32 v3, $0x3  }
0x7b: {  	v3 =	vand.u32 $0x7, v3;
	v4 =	vand.u32 $0xFFFFFFC0, v52  }
0x7c: {  	v3 =	vor.u32 v3, v4  }
0x7d: {  	v4 =	vperm.xlane v3, v0;
	_ =	sdelay $0x1  }
0x7e: {  	v4 =	vadd.s32 v1, v4;
	_ =	sdelay $0x4  }
0x7f: {  	[hbm4b:s3+s2] =	stream.indirect_vreg.scatter [tilespmem:s29], [sflag:$0x2], $0x80, v4, vm0, $0xb8;
	[tilespmem:$0x10400] =	vst v63  }
0x80: {  	s24 =	simm.s32 $0x8C00;
	v3 =	vperm.xlane v3, v2  }
0x81: {  	[hbm4b:s5+s2] =	stream.indirect_vreg.scatter [tilespmem:s24], [sflag:$0x2], $0x80, v4, vm0, $0xb8;
	[tilespmem:$0x10400] =	vst v63  }
0x82: {  	s4 =	simm.s32 $0x9400;
	v3 =	vadd.s32 v1, v3  }
0x83: {  	[hbm4b:s6+s2] =	stream.indirect_vreg.scatter [tilespmem:s4], [sflag:$0x2], $0x80, v4, vm0, $0xb8;
	[tilespmem:$0x10400] =	vst v63  }
0x84: {  	s9 =	simm.s32 $0x9C00  }
0x85: {  	[hbm4b:s7+s2] =	stream.indirect_vreg.scatter [tilespmem:s9], [sflag:$0x2], $0x80, v4, vm0, $0xb8;
	[tilespmem:$0x10400] =	vst v63  }
0x86: {  	s11 =	simm.s32 $0xA400  }
0x87: {  	[hbm4b:s3+s2] =	stream.indirect_vreg.scatter [tilespmem:s11], [sflag:$0x2], $0x80, v3, vm0, $0xb8;
	[tilespmem:$0x10400] =	vst v63  }
0x88: {  	s12 =	simm.s32 $0xAC00  }
0x89: {  	[hbm4b:s5+s2] =	stream.indirect_vreg.scatter [tilespmem:s12], [sflag:$0x2], $0x80, v3, vm0, $0xb8;
	[tilespmem:$0x10400] =	vst v63  }
0x8a: {  	s13 =	simm.s32 $0xB400  }
0x8b: {  	[hbm4b:s6+s2] =	stream.indirect_vreg.scatter [tilespmem:s13], [sflag:$0x2], $0x80, v3, vm0, $0xb8;
	[tilespmem:$0x10400] =	vst v63  }
0x8c: {  	s14 =	simm.s32 $0xBC00  }
0x8d: {  	[hbm4b:s7+s2] =	stream.indirect_vreg.scatter [tilespmem:s14], [sflag:$0x2], $0x80, v3, vm0, $0xb8;
	[tilespmem:$0x10400] =	vst v63  }
0x8e: {  	v3 =	vld [tilespmem:$0x90];
	_ =	sdelay $0x4  }
0x8f: {  	v53 =	vshll.u32 v3, $0x3  }
0x90: {  	v3 =	vand.u32 $0x7, v3;
	v4 =	vand.u32 $0xFFFFFFC0, v53  }
0x91: {  	v3 =	vor.u32 v3, v4  }
0x92: {  	v4 =	vperm.xlane v3, v0;
	_ =	sdelay $0x1  }
0x93: {  	v4 =	vadd.s32 v1, v4;
	_ =	sdelay $0x3  }
0x94: {  	s18 =	simm.s32 $0xC400  }
0x95: {  	[hbm4b:s3+s2] =	stream.indirect_vreg.scatter [tilespmem:s18], [sflag:$0x2], $0x80, v4, vm0, $0xb8;
	[tilespmem:$0x10400] =	vst v63  }
0x96: {  	s19 =	simm.s32 $0xCC00;
	v3 =	vperm.xlane v3, v2  }
0x97: {  	[hbm4b:s5+s2] =	stream.indirect_vreg.scatter [tilespmem:s19], [sflag:$0x2], $0x80, v4, vm0, $0xb8;
	[tilespmem:$0x10400] =	vst v63  }
0x98: {  	s10 =	simm.s32 $0xD400;
	v3 =	vadd.s32 v1, v3  }
0x99: {  	[hbm4b:s6+s2] =	stream.indirect_vreg.scatter [tilespmem:s10], [sflag:$0x2], $0x80, v4, vm0, $0xb8;
	[tilespmem:$0x10400] =	vst v63  }
0x9a: {  	s11 =	simm.s32 $0xDC00  }
0x9b: {  	[hbm4b:s7+s2] =	stream.indirect_vreg.scatter [tilespmem:s11], [sflag:$0x2], $0x80, v4, vm0, $0xb8;
	[tilespmem:$0x10400] =	vst v63  }
0x9c: {  	s12 =	simm.s32 $0xE400  }
0x9d: {  	[hbm4b:s3+s2] =	stream.indirect_vreg.scatter [tilespmem:s12], [sflag:$0x2], $0x80, v3, vm0, $0xb8;
	[tilespmem:$0x10400] =	vst v63  }
0x9e: {  	s13 =	simm.s32 $0xEC00  }
0x9f: {  	[hbm4b:s5+s2] =	stream.indirect_vreg.scatter [tilespmem:s13], [sflag:$0x2], $0x80, v3, vm0, $0xb8;
	[tilespmem:$0x10400] =	vst v63  }
0xa0: {  	s14 =	simm.s32 $0xF400  }
0xa1: {  	[hbm4b:s6+s2] =	stream.indirect_vreg.scatter [tilespmem:s14], [sflag:$0x2], $0x80, v3, vm0, $0xb8;
	[tilespmem:$0x10400] =	vst v63  }
0xa2: {  	s24 =	simm.s32 $0xFC00  }
0xa3: {  	[hbm4b:s7+s2] =	stream.indirect_vreg.scatter [tilespmem:s24], [sflag:$0x2], $0x80, v3, vm0, $0xb8;
	[tilespmem:$0x10400] =	vst v63  }
0xa4: {  	v3 =	vld [tilespmem:$0x280];
	_ =	sdelay $0x4  }
0xa5: {  	v54 =	vshll.u32 v3, $0x3  }
0xa6: {  	v3 =	vand.u32 $0x7, v3;
	v4 =	vand.u32 $0xFFFFFFC0, v54  }
0xa7: {  	v3 =	vor.u32 v3, v4  }
0xa8: {  	v4 =	vperm.xlane v3, v0;
	_ =	sdelay $0x1  }
0xa9: {  	v4 =	vadd.s32 v1, v4;
	_ =	sdelay $0x4  }
0xaa: {  	[hbm4b:s3+s2] =	stream.indirect_vreg.scatter [tilespmem:s29], [sflag:$0x2], $0x80, v4, vm0, $0xb8;
	[tilespmem:$0x10400] =	vst v63  }
0xab: {  	s20 =	simm.s32 $0x8C00;
	v3 =	vperm.xlane v3, v2  }
0xac: {  	[hbm4b:s5+s2] =	stream.indirect_vreg.scatter [tilespmem:s20], [sflag:$0x2], $0x80, v4, vm0, $0xb8;
	[tilespmem:$0x10400] =	vst v63  }
0xad: {  	s15 =	simm.s32 $0x9400;
	v3 =	vadd.s32 v1, v3  }
0xae: {  	[hbm4b:s6+s2] =	stream.indirect_vreg.scatter [tilespmem:s15], [sflag:$0x2], $0x80, v4, vm0, $0xb8;
	[tilespmem:$0x10400] =	vst v63  }
0xaf: {  	s1 =	simm.s32 $0x9C00  }
0xb0: {  	[hbm4b:s7+s2] =	stream.indirect_vreg.scatter [tilespmem:s1], [sflag:$0x2], $0x80, v4, vm0, $0xb8;
	[tilespmem:$0x10400] =	vst v63  }
0xb1: {  	s16 =	simm.s32 $0xA400  }
0xb2: {  	[hbm4b:s3+s2] =	stream.indirect_vreg.scatter [tilespmem:s16], [sflag:$0x2], $0x80, v3, vm0, $0xb8;
	[tilespmem:$0x10400] =	vst v63  }
0xb3: {  	s4 =	simm.s32 $0xAC00  }
0xb4: {  	[hbm4b:s5+s2] =	stream.indirect_vreg.scatter [tilespmem:s4], [sflag:$0x2], $0x80, v3, vm0, $0xb8;
	[tilespmem:$0x10400] =	vst v63  }
0xb5: {  	s9 =	simm.s32 $0xB400  }
0xb6: {  	[hbm4b:s6+s2] =	stream.indirect_vreg.scatter [tilespmem:s9], [sflag:$0x2], $0x80, v3, vm0, $0xb8;
	[tilespmem:$0x10400] =	vst v63  }
0xb7: {  	_ = 	snop  }
0xb8: {  	[hbm4b:s7+s2] =	stream.indirect_vreg.scatter [tilespmem:s22], [sflag:$0x2], $0x80, v3, vm0, $0xb8;
	[tilespmem:$0x10400] =	vst v63  }
0xb9: {  	v3 =	vld [tilespmem:$0x290];
	_ =	sdelay $0x4  }
0xba: {  	v55 =	vshll.u32 v3, $0x3  }
0xbb: {  	v3 =	vand.u32 $0x7, v3;
	v4 =	vand.u32 $0xFFFFFFC0, v55  }
0xbc: {  	v3 =	vor.u32 v3, v4  }
0xbd: {  	v4 =	vperm.xlane v3, v0;
	_ =	sdelay $0x1  }
0xbe: {  	v4 =	vadd.s32 v1, v4;
	_ =	sdelay $0x3  }
0xbf: {  	s18 =	simm.s32 $0xC400  }
0xc0: {  	[hbm4b:s3+s2] =	stream.indirect_vreg.scatter [tilespmem:s18], [sflag:$0x2], $0x80, v4, vm0, $0xb8;
	[tilespmem:$0x10400] =	vst v63  }
0xc1: {  	s19 =	simm.s32 $0xCC00;
	v3 =	vperm.xlane v3, v2  }
0xc2: {  	[hbm4b:s5+s2] =	stream.indirect_vreg.scatter [tilespmem:s19], [sflag:$0x2], $0x80, v4, vm0, $0xb8;
	[tilespmem:$0x10400] =	vst v63  }
0xc3: {  	s10 =	simm.s32 $0xD400;
	v3 =	vadd.s32 v1, v3  }
0xc4: {  	[hbm4b:s6+s2] =	stream.indirect_vreg.scatter [tilespmem:s10], [sflag:$0x2], $0x80, v4, vm0, $0xb8;
	[tilespmem:$0x10400] =	vst v63  }
0xc5: {  	s11 =	simm.s32 $0xDC00  }
0xc6: {  	[hbm4b:s7+s2] =	stream.indirect_vreg.scatter [tilespmem:s11], [sflag:$0x2], $0x80, v4, vm0, $0xb8;
	[tilespmem:$0x10400] =	vst v63  }
0xc7: {  	s12 =	simm.s32 $0xE400  }
0xc8: {  	[hbm4b:s3+s2] =	stream.indirect_vreg.scatter [tilespmem:s12], [sflag:$0x2], $0x80, v3, vm0, $0xb8;
	[tilespmem:$0x10400] =	vst v63  }
0xc9: {  	s13 =	simm.s32 $0xEC00  }
0xca: {  	[hbm4b:s5+s2] =	stream.indirect_vreg.scatter [tilespmem:s13], [sflag:$0x2], $0x80, v3, vm0, $0xb8;
	[tilespmem:$0x10400] =	vst v63  }
0xcb: {  	s14 =	simm.s32 $0xF400  }
0xcc: {  	[hbm4b:s6+s2] =	stream.indirect_vreg.scatter [tilespmem:s14], [sflag:$0x2], $0x80, v3, vm0, $0xb8;
	[tilespmem:$0x10400] =	vst v63  }
0xcd: {  	s24 =	simm.s32 $0xFC00  }
0xce: {  	[hbm4b:s7+s2] =	stream.indirect_vreg.scatter [tilespmem:s24], [sflag:$0x2], $0x80, v3, vm0, $0xb8;
	[tilespmem:$0x10400] =	vst v63  }
0xcf: {  	_ =	swait.ge [sflag:s21], $0x8000  }
0xd0: {  	[sflag:s21] =	ssyncset.done $0x0  }
0xd1: {  	[sflag:s21] =	ssyncadd.s32 $0xFFFF8000  }
0xd2: {  	_ =	swait.ge [sflag:s21], $0x8000  }
0xd3: {  	[sflag:s21] =	ssyncset.done $0x0  }
0xd4: {  	s14 =	rddreg [dreg:$0x6];
	[sflag:s21] =	ssyncadd.s32 $0xFFFF8000  }
0xd5: {  	[tilespmem:s17], [sflag:$0x3] =	stream.linear.gather [hbm4b:s14+s2], $0x8000, $0x38;
	[tilespmem:$0x10400] =	vst v63  }
0xd6: {  	_ =	swait.ge [sflag:s28], $0x8000  }
0xd7: {  	[sflag:s28] =	ssyncset.done $0x0  }
0xd8: {  	[sflag:s28] =	ssyncadd.s32 $0xFFFF8000  }
0xd9: {  	v3 =	vld [tilespmem:$0x100];
	_ =	sdelay $0x4  }
0xda: {  	v56 =	vshll.u32 v3, $0x3  }
0xdb: {  	v3 =	vand.u32 $0x7, v3;
	v4 =	vand.u32 $0xFFFFFFC0, v56  }
0xdc: {  	v3 =	vor.u32 v3, v4  }
0xdd: {  	v4 =	vperm.xlane v3, v0;
	_ =	sdelay $0x1  }
0xde: {  	v4 =	vadd.s32 v1, v4;
	_ =	sdelay $0x4  }
0xdf: {  	[hbm4b:s3+s2] =	stream.indirect_vreg.scatter [tilespmem:s17], [sflag:$0x1], $0x80, v4, vm0, $0xb8;
	[tilespmem:$0x10400] =	vst v63  }
0xe0: {  	v3 =	vperm.xlane v3, v2  }
0xe1: {  	[hbm4b:s5+s2] =	stream.indirect_vreg.scatter [tilespmem:s25], [sflag:$0x1], $0x80, v4, vm0, $0xb8;
	[tilespmem:$0x10400] =	vst v63  }
0xe2: {  	v3 =	vadd.s32 v1, v3  }
0xe3: {  	[hbm4b:s6+s2] =	stream.indirect_vreg.scatter [tilespmem:s26], [sflag:$0x1], $0x80, v4, vm0, $0xb8;
	[tilespmem:$0x10400] =	vst v63  }
0xe4: {  	_ = 	snop  }
0xe5: {  	[hbm4b:s7+s2] =	stream.indirect_vreg.scatter [tilespmem:s30], [sflag:$0x1], $0x80, v4, vm0, $0xb8;
	[tilespmem:$0x10400] =	vst v63  }
0xe6: {  	_ = 	snop  }
0xe7: {  	[hbm4b:s3+s2] =	stream.indirect_vreg.scatter [tilespmem:s31], [sflag:$0x1], $0x80, v3, vm0, $0xb8;
	[tilespmem:$0x10400] =	vst v63  }
0xe8: {  	s15 =	simm.s32 $0x2C00  }
0xe9: {  	[hbm4b:s5+s2] =	stream.indirect_vreg.scatter [tilespmem:s15], [sflag:$0x1], $0x80, v3, vm0, $0xb8;
	[tilespmem:$0x10400] =	vst v63  }
0xea: {  	s16 =	simm.s32 $0x3400  }
0xeb: {  	[hbm4b:s6+s2] =	stream.indirect_vreg.scatter [tilespmem:s16], [sflag:$0x1], $0x80, v3, vm0, $0xb8;
	[tilespmem:$0x10400] =	vst v63  }
0xec: {  	s9 =	simm.s32 $0x3C00  }
0xed: {  	[hbm4b:s7+s2] =	stream.indirect_vreg.scatter [tilespmem:s9], [sflag:$0x1], $0x80, v3, vm0, $0xb8;
	[tilespmem:$0x10400] =	vst v63  }
0xee: {  	v3 =	vld [tilespmem:$0x110];
	_ =	sdelay $0x4  }
0xef: {  	v57 =	vshll.u32 v3, $0x3  }
0xf0: {  	v3 =	vand.u32 $0x7, v3;
	v4 =	vand.u32 $0xFFFFFFC0, v57  }
0xf1: {  	v3 =	vor.u32 v3, v4  }
0xf2: {  	v4 =	vperm.xlane v3, v0;
	_ =	sdelay $0x1  }
0xf3: {  	v4 =	vadd.s32 v1, v4;
	_ =	sdelay $0x3  }
0xf4: {  	s10 =	simm.s32 $0x4400  }
0xf5: {  	[hbm4b:s3+s2] =	stream.indirect_vreg.scatter [tilespmem:s10], [sflag:$0x1], $0x80, v4, vm0, $0xb8;
	[tilespmem:$0x10400] =	vst v63  }
0xf6: {  	s11 =	simm.s32 $0x4C00;
	v3 =	vperm.xlane v3, v2  }
0xf7: {  	[hbm4b:s5+s2] =	stream.indirect_vreg.scatter [tilespmem:s11], [sflag:$0x1], $0x80, v4, vm0, $0xb8;
	[tilespmem:$0x10400] =	vst v63  }
0xf8: {  	s12 =	simm.s32 $0x5400;
	v3 =	vadd.s32 v1, v3  }
0xf9: {  	[hbm4b:s6+s2] =	stream.indirect_vreg.scatter [tilespmem:s12], [sflag:$0x1], $0x80, v4, vm0, $0xb8;
	[tilespmem:$0x10400] =	vst v63  }
0xfa: {  	s13 =	simm.s32 $0x5C00  }
0xfb: {  	[hbm4b:s7+s2] =	stream.indirect_vreg.scatter [tilespmem:s13], [sflag:$0x1], $0x80, v4, vm0, $0xb8;
	[tilespmem:$0x10400] =	vst v63  }
0xfc: {  	s18 =	simm.s32 $0x6400  }
0xfd: {  	[hbm4b:s3+s2] =	stream.indirect_vreg.scatter [tilespmem:s18], [sflag:$0x1], $0x80, v3, vm0, $0xb8;
	[tilespmem:$0x10400] =	vst v63  }
0xfe: {  	s19 =	simm.s32 $0x6C00  }
0xff: {  	[hbm4b:s5+s2] =	stream.indirect_vreg.scatter [tilespmem:s19], [sflag:$0x1], $0x80, v3, vm0, $0xb8;
	[tilespmem:$0x10400] =	vst v63  }
0x100: {  	s20 =	simm.s32 $0x7400  }
0x101: {  	[hbm4b:s6+s2] =	stream.indirect_vreg.scatter [tilespmem:s20], [sflag:$0x1], $0x80, v3, vm0, $0xb8;
	[tilespmem:$0x10400] =	vst v63  }
0x102: {  	s24 =	simm.s32 $0x7C00  }
0x103: {  	[hbm4b:s7+s2] =	stream.indirect_vreg.scatter [tilespmem:s24], [sflag:$0x1], $0x80, v3, vm0, $0xb8;
	[tilespmem:$0x10400] =	vst v63  }
0x104: {  	v3 =	vld [tilespmem:$0x300];
	_ =	sdelay $0x4  }
0x105: {  	v58 =	vshll.u32 v3, $0x3  }
0x106: {  	v3 =	vand.u32 $0x7, v3;
	v4 =	vand.u32 $0xFFFFFFC0, v58  }
0x107: {  	v3 =	vor.u32 v3, v4  }
0x108: {  	v4 =	vperm.xlane v3, v0;
	_ =	sdelay $0x1  }
0x109: {  	v4 =	vadd.s32 v1, v4;
	_ =	sdelay $0x4  }
0x10a: {  	[hbm4b:s3+s2] =	stream.indirect_vreg.scatter [tilespmem:s17], [sflag:$0x1], $0x80, v4, vm0, $0xb8;
	[tilespmem:$0x10400] =	vst v63  }
0x10b: {  	v3 =	vperm.xlane v3, v2  }
0x10c: {  	[hbm4b:s5+s2] =	stream.indirect_vreg.scatter [tilespmem:s25], [sflag:$0x1], $0x80, v4, vm0, $0xb8;
	[tilespmem:$0x10400] =	vst v63  }
0x10d: {  	v3 =	vadd.s32 v1, v3  }
0x10e: {  	[hbm4b:s6+s2] =	stream.indirect_vreg.scatter [tilespmem:s26], [sflag:$0x1], $0x80, v4, vm0, $0xb8;
	[tilespmem:$0x10400] =	vst v63  }
0x10f: {  	_ = 	snop  }
0x110: {  	[hbm4b:s7+s2] =	stream.indirect_vreg.scatter [tilespmem:s30], [sflag:$0x1], $0x80, v4, vm0, $0xb8;
	[tilespmem:$0x10400] =	vst v63  }
0x111: {  	_ = 	snop  }
0x112: {  	[hbm4b:s3+s2] =	stream.indirect_vreg.scatter [tilespmem:s31], [sflag:$0x1], $0x80, v3, vm0, $0xb8;
	[tilespmem:$0x10400] =	vst v63  }
0x113: {  	_ = 	snop  }
0x114: {  	[hbm4b:s5+s2] =	stream.indirect_vreg.scatter [tilespmem:s15], [sflag:$0x1], $0x80, v3, vm0, $0xb8;
	[tilespmem:$0x10400] =	vst v63  }
0x115: {  	_ = 	snop  }
0x116: {  	[hbm4b:s6+s2] =	stream.indirect_vreg.scatter [tilespmem:s16], [sflag:$0x1], $0x80, v3, vm0, $0xb8;
	[tilespmem:$0x10400] =	vst v63  }
0x117: {  	_ = 	snop  }
0x118: {  	[hbm4b:s7+s2] =	stream.indirect_vreg.scatter [tilespmem:s9], [sflag:$0x1], $0x80, v3, vm0, $0xb8;
	[tilespmem:$0x10400] =	vst v63  }
0x119: {  	v3 =	vld [tilespmem:$0x310];
	_ =	sdelay $0x4  }
0x11a: {  	v59 =	vshll.u32 v3, $0x3  }
0x11b: {  	v3 =	vand.u32 $0x7, v3;
	v4 =	vand.u32 $0xFFFFFFC0, v59  }
0x11c: {  	v3 =	vor.u32 v3, v4  }
0x11d: {  	v4 =	vperm.xlane v3, v0;
	_ =	sdelay $0x1  }
0x11e: {  	v4 =	vadd.s32 v1, v4;
	_ =	sdelay $0x4  }
0x11f: {  	[hbm4b:s3+s2] =	stream.indirect_vreg.scatter [tilespmem:s10], [sflag:$0x1], $0x80, v4, vm0, $0xb8;
	[tilespmem:$0x10400] =	vst v63  }
0x120: {  	v3 =	vperm.xlane v3, v2  }
0x121: {  	[hbm4b:s5+s2] =	stream.indirect_vreg.scatter [tilespmem:s11], [sflag:$0x1], $0x80, v4, vm0, $0xb8;
	[tilespmem:$0x10400] =	vst v63  }
0x122: {  	v3 =	vadd.s32 v1, v3  }
0x123: {  	[hbm4b:s6+s2] =	stream.indirect_vreg.scatter [tilespmem:s12], [sflag:$0x1], $0x80, v4, vm0, $0xb8;
	[tilespmem:$0x10400] =	vst v63  }
0x124: {  	_ = 	snop  }
0x125: {  	[hbm4b:s7+s2] =	stream.indirect_vreg.scatter [tilespmem:s13], [sflag:$0x1], $0x80, v4, vm0, $0xb8;
	[tilespmem:$0x10400] =	vst v63  }
0x126: {  	_ = 	snop  }
0x127: {  	[hbm4b:s3+s2] =	stream.indirect_vreg.scatter [tilespmem:s18], [sflag:$0x1], $0x80, v3, vm0, $0xb8;
	[tilespmem:$0x10400] =	vst v63  }
0x128: {  	_ = 	snop  }
0x129: {  	[hbm4b:s5+s2] =	stream.indirect_vreg.scatter [tilespmem:s19], [sflag:$0x1], $0x80, v3, vm0, $0xb8;
	[tilespmem:$0x10400] =	vst v63  }
0x12a: {  	_ = 	snop  }
0x12b: {  	[hbm4b:s6+s2] =	stream.indirect_vreg.scatter [tilespmem:s20], [sflag:$0x1], $0x80, v3, vm0, $0xb8;
	[tilespmem:$0x10400] =	vst v63  }
0x12c: {  	_ = 	snop  }
0x12d: {  	[hbm4b:s7+s2] =	stream.indirect_vreg.scatter [tilespmem:s24], [sflag:$0x1], $0x80, v3, vm0, $0xb8;
	[tilespmem:$0x10400] =	vst v63  }
0x12e: {  	_ =	swait.ge [sflag:s23], $0x8000  }
0x12f: {  	[sflag:s23] =	ssyncset.done $0x0  }
0x130: {  	[sflag:s23] =	ssyncadd.s32 $0xFFFF8000  }
0x131: {  	_ =	swait.ge [sflag:s23], $0x8000  }
0x132: {  	[sflag:s23] =	ssyncset.done $0x0  }
0x133: {  	s14 =	rddreg [dreg:$0x7];
	[sflag:s23] =	ssyncadd.s32 $0xFFFF8000  }
0x134: {  	[tilespmem:s29], [sflag:$0x4] =	stream.linear.gather [hbm4b:s14+s2], $0x8000, $0x38;
	[tilespmem:$0x10400] =	vst v63  }
0x135: {  	_ =	swait.ge [sflag:s0], $0x8000  }
0x136: {  	[sflag:s0] =	ssyncset.done $0x0  }
0x137: {  	[sflag:s0] =	ssyncadd.s32 $0xFFFF8000  }
0x138: {  	v3 =	vld [tilespmem:$0x180];
	_ =	sdelay $0x4  }
0x139: {  	v60 =	vshll.u32 v3, $0x3  }
0x13a: {  	v3 =	vand.u32 $0x7, v3;
	v4 =	vand.u32 $0xFFFFFFC0, v60  }
0x13b: {  	v3 =	vor.u32 v3, v4  }
0x13c: {  	v4 =	vperm.xlane v3, v0;
	_ =	sdelay $0x1  }
0x13d: {  	v4 =	vadd.s32 v1, v4;
	_ =	sdelay $0x4  }
0x13e: {  	[hbm4b:s3+s2] =	stream.indirect_vreg.scatter [tilespmem:s29], [sflag:$0x2], $0x80, v4, vm0, $0xb8;
	[tilespmem:$0x10400] =	vst v63  }
0x13f: {  	s15 =	simm.s32 $0x8C00;
	v3 =	vperm.xlane v3, v2  }
0x140: {  	[hbm4b:s5+s2] =	stream.indirect_vreg.scatter [tilespmem:s15], [sflag:$0x2], $0x80, v4, vm0, $0xb8;
	[tilespmem:$0x10400] =	vst v63  }
0x141: {  	s0 =	simm.s32 $0x9400;
	v3 =	vadd.s32 v1, v3  }
0x142: {  	[hbm4b:s6+s2] =	stream.indirect_vreg.scatter [tilespmem:s0], [sflag:$0x2], $0x80, v4, vm0, $0xb8;
	[tilespmem:$0x10400] =	vst v63  }
0x143: {  	s1 =	simm.s32 $0x9C00  }
0x144: {  	[hbm4b:s7+s2] =	stream.indirect_vreg.scatter [tilespmem:s1], [sflag:$0x2], $0x80, v4, vm0, $0xb8;
	[tilespmem:$0x10400] =	vst v63  }
0x145: {  	s4 =	simm.s32 $0xA400  }
0x146: {  	[hbm4b:s3+s2] =	stream.indirect_vreg.scatter [tilespmem:s4], [sflag:$0x2], $0x80, v3, vm0, $0xb8;
	[tilespmem:$0x10400] =	vst v63  }
0x147: {  	s16 =	simm.s32 $0xAC00  }
0x148: {  	[hbm4b:s5+s2] =	stream.indirect_vreg.scatter [tilespmem:s16], [sflag:$0x2], $0x80, v3, vm0, $0xb8;
	[tilespmem:$0x10400] =	vst v63  }
0x149: {  	s17 =	simm.s32 $0xB400  }
0x14a: {  	[hbm4b:s6+s2] =	stream.indirect_vreg.scatter [tilespmem:s17], [sflag:$0x2], $0x80, v3, vm0, $0xb8;
	[tilespmem:$0x10400] =	vst v63  }
0x14b: {  	s18 =	simm.s32 $0xBC00  }
0x14c: {  	[hbm4b:s7+s2] =	stream.indirect_vreg.scatter [tilespmem:s18], [sflag:$0x2], $0x80, v3, vm0, $0xb8;
	[tilespmem:$0x10400] =	vst v63  }
0x14d: {  	v3 =	vld [tilespmem:$0x190];
	_ =	sdelay $0x4  }
0x14e: {  	v61 =	vshll.u32 v3, $0x3  }
0x14f: {  	v3 =	vand.u32 $0x7, v3;
	v4 =	vand.u32 $0xFFFFFFC0, v61  }
0x150: {  	v3 =	vor.u32 v3, v4  }
0x151: {  	v4 =	vperm.xlane v3, v0;
	_ =	sdelay $0x1  }
0x152: {  	v4 =	vadd.s32 v1, v4;
	_ =	sdelay $0x3  }
0x153: {  	s9 =	simm.s32 $0xC400  }
0x154: {  	[hbm4b:s3+s2] =	stream.indirect_vreg.scatter [tilespmem:s9], [sflag:$0x2], $0x80, v4, vm0, $0xb8;
	[tilespmem:$0x10400] =	vst v63  }
0x155: {  	s10 =	simm.s32 $0xCC00;
	v3 =	vperm.xlane v3, v2  }
0x156: {  	[hbm4b:s5+s2] =	stream.indirect_vreg.scatter [tilespmem:s10], [sflag:$0x2], $0x80, v4, vm0, $0xb8;
	[tilespmem:$0x10400] =	vst v63  }
0x157: {  	s11 =	simm.s32 $0xD400;
	v3 =	vadd.s32 v1, v3  }
0x158: {  	[hbm4b:s6+s2] =	stream.indirect_vreg.scatter [tilespmem:s11], [sflag:$0x2], $0x80, v4, vm0, $0xb8;
	[tilespmem:$0x10400] =	vst v63  }
0x159: {  	s12 =	simm.s32 $0xDC00  }
0x15a: {  	[hbm4b:s7+s2] =	stream.indirect_vreg.scatter [tilespmem:s12], [sflag:$0x2], $0x80, v4, vm0, $0xb8;
	[tilespmem:$0x10400] =	vst v63  }
0x15b: {  	s13 =	simm.s32 $0xE400  }
0x15c: {  	[hbm4b:s3+s2] =	stream.indirect_vreg.scatter [tilespmem:s13], [sflag:$0x2], $0x80, v3, vm0, $0xb8;
	[tilespmem:$0x10400] =	vst v63  }
0x15d: {  	s19 =	simm.s32 $0xEC00  }
0x15e: {  	[hbm4b:s5+s2] =	stream.indirect_vreg.scatter [tilespmem:s19], [sflag:$0x2], $0x80, v3, vm0, $0xb8;
	[tilespmem:$0x10400] =	vst v63  }
0x15f: {  	s24 =	simm.s32 $0xF400  }
0x160: {  	[hbm4b:s6+s2] =	stream.indirect_vreg.scatter [tilespmem:s24], [sflag:$0x2], $0x80, v3, vm0, $0xb8;
	[tilespmem:$0x10400] =	vst v63  }
0x161: {  	s25 =	simm.s32 $0xFC00  }
0x162: {  	[hbm4b:s7+s2] =	stream.indirect_vreg.scatter [tilespmem:s25], [sflag:$0x2], $0x80, v3, vm0, $0xb8;
	[tilespmem:$0x10400] =	vst v63  }
0x163: {  	v3 =	vld [tilespmem:$0x380];
	_ =	sdelay $0x4  }
0x164: {  	v62 =	vshll.u32 v3, $0x3  }
0x165: {  	v3 =	vand.u32 $0x7, v3;
	v4 =	vand.u32 $0xFFFFFFC0, v62  }
0x166: {  	v3 =	vor.u32 v3, v4  }
0x167: {  	v4 =	vperm.xlane v3, v0;
	_ =	sdelay $0x1  }
0x168: {  	v4 =	vadd.s32 v1, v4;
	_ =	sdelay $0x4  }
0x169: {  	[hbm4b:s3+s2] =	stream.indirect_vreg.scatter [tilespmem:s29], [sflag:$0x2], $0x80, v4, vm0, $0xb8;
	[tilespmem:$0x10400] =	vst v63  }
0x16a: {  	v3 =	vperm.xlane v3, v2  }
0x16b: {  	[hbm4b:s5+s2] =	stream.indirect_vreg.scatter [tilespmem:s15], [sflag:$0x2], $0x80, v4, vm0, $0xb8;
	[tilespmem:$0x10400] =	vst v63  }
0x16c: {  	v3 =	vadd.s32 v1, v3  }
0x16d: {  	[hbm4b:s6+s2] =	stream.indirect_vreg.scatter [tilespmem:s0], [sflag:$0x2], $0x80, v4, vm0, $0xb8;
	[tilespmem:$0x10400] =	vst v63  }
0x16e: {  	_ = 	snop  }
0x16f: {  	[hbm4b:s7+s2] =	stream.indirect_vreg.scatter [tilespmem:s1], [sflag:$0x2], $0x80, v4, vm0, $0xb8;
	[tilespmem:$0x10400] =	vst v63  }
0x170: {  	_ = 	snop  }
0x171: {  	[hbm4b:s3+s2] =	stream.indirect_vreg.scatter [tilespmem:s4], [sflag:$0x2], $0x80, v3, vm0, $0xb8;
	[tilespmem:$0x10400] =	vst v63  }
0x172: {  	_ = 	snop  }
0x173: {  	[hbm4b:s5+s2] =	stream.indirect_vreg.scatter [tilespmem:s16], [sflag:$0x2], $0x80, v3, vm0, $0xb8;
	[tilespmem:$0x10400] =	vst v63  }
0x174: {  	_ = 	snop  }
0x175: {  	[hbm4b:s6+s2] =	stream.indirect_vreg.scatter [tilespmem:s17], [sflag:$0x2], $0x80, v3, vm0, $0xb8;
	[tilespmem:$0x10400] =	vst v63  }
0x176: {  	_ = 	snop  }
0x177: {  	[hbm4b:s7+s2] =	stream.indirect_vreg.scatter [tilespmem:s18], [sflag:$0x2], $0x80, v3, vm0, $0xb8;
	[tilespmem:$0x10400] =	vst v63  }
0x178: {  	v3 =	vld [tilespmem:$0x390];
	_ =	sdelay $0x4  }
0x179: {  	v63 =	vshll.u32 v3, $0x3  }
0x17a: {  	v3 =	vand.u32 $0x7, v3;
	v4 =	vand.u32 $0xFFFFFFC0, v63  }
0x17b: {  	v3 =	vor.u32 v3, v4  }
0x17c: {  	v4 =	vperm.xlane v3, v0;
	_ =	sdelay $0x1  }
0x17d: {  	v4 =	vadd.s32 v1, v4;
	_ =	sdelay $0x4  }
0x17e: {  	[hbm4b:s3+s2] =	stream.indirect_vreg.scatter [tilespmem:s9], [sflag:$0x2], $0x80, v4, vm0, $0xb8;
	[tilespmem:$0x10400] =	vst v63  }
0x17f: {  	v3 =	vperm.xlane v3, v2  }
0x180: {  	[hbm4b:s5+s2] =	stream.indirect_vreg.scatter [tilespmem:s10], [sflag:$0x2], $0x80, v4, vm0, $0xb8;
	[tilespmem:$0x10400] =	vst v63  }
0x181: {  	v3 =	vadd.s32 v1, v3  }
0x182: {  	[hbm4b:s6+s2] =	stream.indirect_vreg.scatter [tilespmem:s11], [sflag:$0x2], $0x80, v4, vm0, $0xb8;
	[tilespmem:$0x10400] =	vst v63  }
0x183: {  	_ = 	snop  }
0x184: {  	[hbm4b:s7+s2] =	stream.indirect_vreg.scatter [tilespmem:s12], [sflag:$0x2], $0x80, v4, vm0, $0xb8;
	[tilespmem:$0x10400] =	vst v63  }
0x185: {  	_ = 	snop  }
0x186: {  	[hbm4b:s3+s2] =	stream.indirect_vreg.scatter [tilespmem:s13], [sflag:$0x2], $0x80, v3, vm0, $0xb8;
	[tilespmem:$0x10400] =	vst v63  }
0x187: {  	_ = 	snop  }
0x188: {  	[hbm4b:s5+s2] =	stream.indirect_vreg.scatter [tilespmem:s19], [sflag:$0x2], $0x80, v3, vm0, $0xb8;
	[tilespmem:$0x10400] =	vst v63  }
0x189: {  	_ = 	snop  }
0x18a: {  	[hbm4b:s6+s2] =	stream.indirect_vreg.scatter [tilespmem:s24], [sflag:$0x2], $0x80, v3, vm0, $0xb8;
	[tilespmem:$0x10400] =	vst v63  }
0x18b: {  	_ = 	snop  }
0x18c: {  	[hbm4b:s7+s2] =	stream.indirect_vreg.scatter [tilespmem:s25], [sflag:$0x2], $0x80, v3, vm0, $0xb8;
	[tilespmem:$0x10400] =	vst v63  }
0x18d: {  	_ =	swait.ge [sflag:s21], $0x8000  }
0x18e: {  	[sflag:s21] =	ssyncset.done $0x0  }
0x18f: {  	[sflag:s21] =	ssyncadd.s32 $0xFFFF8000  }
0x190: {  	_ =	swait.ge [sflag:s21], $0x8000  }
0x191: {  	[sflag:s21] =	ssyncset.done $0x0  }
0x192: {  	[sflag:s21] =	ssyncadd.s32 $0xFFFF8000  }
0x193: {  	p0 =	sne.s32 s8, $0x1;
	_ =	swait.ge [sflag:s23], $0x8000  }
.Ltmp0:
0x194: {  	[sflag:s23] =	ssyncset.done $0x0;
	(pc) =	sbr.rel @p0 .LBB2_1-.Ltmp0, $4  }
0x195: {  	[sflag:s23] =	ssyncadd.s32 $0xFFFF8000  }
0x196: {  	_ =	swait.ge [sflag:s23], $0x8000  }
0x197: {  	[sflag:s23] =	ssyncset.done $0x0  }
0x198: {  	s8 =	sadd.s32 $0xFFFFFFFF, s8;
	[sflag:s23] =	ssyncadd.s32 $0xFFFF8000  }
0x199: {  	_ =	sfence.sel $0x180000  }
0x19a: {  	[bflag:$0x0] =	sbarrier.arrive $0xFFFF  }
0x19b: {  	_ =	strace $0x9000004A  }
0x19c: {  	s0 =	stileid.u32;
	[bflag:$0x2] =	sbarrier.arrive $0xFFFF  }
0x19d: {  	p0 =	sne.s32 s0, $0x0;
	s0 =	rddreg [dreg:$0x2]  }
0x19e: {  	s0 =	sadd.s32 @!p0 $0x100000, s0  }
0x19f: {  	[sflag:s0] =	ssyncadd.tile.s32 @!p0 $0x1;
	_ =	shalt  }
.Lfunc_end2:
_tile_overlayer_lowered:
.L_overlay_start_2:
0x1a0: {  	(tag) =	ssettag $0x2  }
0x1a1: {  	s0 =	rddreg [dreg:$0x0];
	s2 =	stileid.u32  }
0x1a2: {  	s1 =	rddreg [dreg:$0x1];
	p0 =	sne.s32 s2, $0x0  }
0x1a3: {  	s3 =	rddreg [dreg:$0x2];
	[bflag:$0x3] =	sbarrier.arrive $0xFFFF;
	s2 =	simm.s32 @!p0 $0x1C05  }
0x1a4: {  	[timem:s3], [sflag:s2] =	dma.local @!p0 [hbm:s0], s1  }
0x1a5: {  	s0 =	simm.s32 @!p0 $0x5  }
0x1a6: {  	_ =	swait.ge @!p0 [sflag:s0], s1  }
0x1a7: {  	s1 =	ssub.s32 @!p0 $0x0, s1;
	[sflag:s0] =	ssyncset.done @!p0 $0x0  }
0x1a8: {  	[sflag:s0] =	ssyncadd.s32 @!p0 s1  }
0x1a9: {  	[bflag:$0x3] =	sbarrier.arrive $0xFFFF  }
0x1aa: {  	_ =	shalt  }

// kernel: kernel.14.cloned.1.call-start
scs
__scs_entry_jumppad:
0x0: {  	(pc) =	sbr.rel $0x88, $3  }
0x1: {  	(tag) =	ssettag $0x0;
	lr =	simm.s32 $0x1  }
0x2: {  	[smem:$0x3F9C] =	sst lr;
	_ =	strace $0xD0000000  }
0x3: {  	_ = 	snop  }
0x4: {  	_ = 	snop  }
0x5: {  	_ = 	snop  }
0x6: {  	_ = 	snop  }
0x7: {  	_ = 	snop  }
__scs_overlays_trampoline_lowered:
0x8: {  	[smem:$0x3FAB] =	sst s0  }
0x9: {  	[smem:$0x3FAC] =	sst s1  }
0xa: {  	[smem:$0x3FAD] =	sst s2  }
0xb: {  	[smem:$0x3FAE] =	sst s3  }
0xc: {  	[smem:$0x3FAF] =	sst s4  }
0xd: {  	[smem:$0x3FB0] =	sst s5  }
0xe: {  	[smem:$0x3FB1] =	sst s6  }
0xf: {  	[smem:$0x3FB2] =	sst s7  }
0x10: {  	[smem:$0x3FB3] =	sst s8  }
0x11: {  	[smem:$0x3FB4] =	sst s9;
	s0 =	simm.s32 @!p0 $0x0  }
0x12: {  	s1 =	sld [smem:$0x3F9A];
	s0 =	simm.s32 @p0 $0x1  }
0x13: {  	[smem:$0x3FB5] =	sst s0;
	s0 =	simm.s32 @!p1 $0x0  }
0x14: {  	s2 =	sld [smem:$0x3F99];
	s0 =	simm.s32 @p1 $0x1  }
0x15: {  	[smem:$0x3FB6] =	sst s0;
	s0 =	simm.s32 @!p2 $0x0  }
0x16: {  	s3 =	sld [smem:$0x3FDB];
	s0 =	simm.s32 @p2 $0x1  }
0x17: {  	s4 =	simm.s32 $0x1BF5;
	[smem:$0x3FB8] =	sst s0  }
0x18: {  	s0 =	sld [smem:$0x3F9B];
	_ =	swait.ge [sflag:s4], $0x0  }
0x19: {  	s7 =	sld [smem:$0x3F9C]  }
0x1a: {  	s8 =	sadd.s32 $0xFFFFE003, lr  }
0x1b: {  	s9 =	sadd.s32 $0xFFFFFEF7, lr;
	s5 =	simm.s32 $0xFFFFFFFF;
	p2 =	slt.u32 s8, $0xFFFFF086  }
0x1c: {  	p1 =	slt.u32 s9, $0xF7A;
	s5 =	simm.s32 @!p2 $0x0  }
0x1d: {  	s5 =	simm.s32 @p1 $0x1;
	p0 =	seq.s32 s7, s2  }
0x1e: {  	s7 =	smul.u32 @!p0 $0xF7A, s2;
	p2 =	seq.s32 @!p0 s5, $0x0  }
0x1f: {  	s9 =	smul.u32 $0xF7A, s1;
	s8 =	simm.s32 @!p0 $0x1BF5;
	p2 =	por !p2, p0  }
0x20: {  	[sflag:s8] =	ssyncset.s32 @!p0 $0xFFFFF086;
	s6 =	sadd.s32 @!p0 s3, s7;
	s7 =	simm.s32 @!p0 $0x108  }
0x21: {  	s3 =	sadd.s32 s3, s9;
	s6 =	sadd.s32 @!p0 $0x88, s6;
	s7 =	simm.s32 @p2 $0x1082  }
0x22: {  	[simem:s7], [sflag:s8] =	dma.local @!p0 [hbm:s6], $0xF7A  }
0x23: {  	s9 =	sor.u32 $0xD0000000, s2;
	s6 =	simm.s32 $0x108;
	_ =	swait.ge @!p0 [sflag:s8], $0x0  }
0x24: {  	s3 =	sadd.s32 $0x88, s3;
	s6 =	simm.s32 @!p1 $0x1082;
	[sflag:s4] =	ssyncset.s32 $0xFFFFF086  }
0x25: {  	[simem:s6], [sflag:s4] =	dma.local [hbm:s3], $0xF7A  }
0x26: {  	[smem:$0x3F9C] =	sst s1;
	(tag) =	ssettag s2;
	_ =	strace s9  }
0x27: {  	s1 =	sld [smem:$0x3FAC]  }
0x28: {  	s2 =	sld [smem:$0x3FAD]  }
0x29: {  	s4 =	sld [smem:$0x3FAF]  }
0x2a: {  	p0 =	seq.s32 s5, $0x0;
	s5 =	sld [smem:$0x3FB0]  }
0x2b: {  	s6 =	sld [smem:$0x3FB1]  }
0x2c: {  	s7 =	sld [smem:$0x3FB2]  }
0x2d: {  	s3 =	simm.s32 $0x108;
	s8 =	sld [smem:$0x3FB3]  }
0x2e: {  	s3 =	simm.s32 @!p0 $0x1082;
	s9 =	sld [smem:$0x3FB4]  }
0x2f: {  	lr =	sadd.s32 s0, s3;
	s0 =	sld [smem:$0x3FAB]  }
0x30: {  	s3 =	sld [smem:$0x3FAE]  }
0x31: {  	[smem:$0x3FB7] =	sst s10  }
0x32: {  	s10 =	sld [smem:$0x3FB5];
	_ =	sdelay $0x3  }
0x33: {  	p0 =	seq.s32 s10, $0x1;
	s10 =	sld [smem:$0x3FB7];
	_ =	sdelay $0x3  }
0x34: {  	[smem:$0x3FB7] =	sst s10  }
0x35: {  	s10 =	sld [smem:$0x3FB6];
	_ =	sdelay $0x3  }
0x36: {  	p1 =	seq.s32 s10, $0x1;
	s10 =	sld [smem:$0x3FB7];
	_ =	sdelay $0x3  }
0x37: {  	[smem:$0x3FB7] =	sst s10  }
0x38: {  	s10 =	sld [smem:$0x3FB8]  }
0x39: {  	_ = 	snop;
	(pc) =	sbr.ind lr, $3  }
0x3a: {  	_ = 	snop  }
0x3b: {  	_ = 	snop  }
0x3c: {  	p2 =	seq.s32 s10, $0x1;
	s10 =	sld [smem:$0x3FB7]  }
0x3d: {  	_ =	shalt  }
0x3e: {  	_ =	shalt  }
0x3f: {  	_ =	shalt  }
0x40: {  	_ =	shalt  }
0x41: {  	_ =	shalt  }
0x42: {  	_ =	shalt  }
0x43: {  	_ =	shalt  }
0x44: {  	_ =	shalt  }
0x45: {  	_ =	shalt  }
0x46: {  	_ =	shalt  }
0x47: {  	_ =	shalt  }
0x48: {  	_ =	shalt  }
0x49: {  	_ =	shalt  }
0x4a: {  	_ =	shalt  }
0x4b: {  	_ =	shalt  }
0x4c: {  	_ =	shalt  }
0x4d: {  	_ =	shalt  }
0x4e: {  	_ =	shalt  }
0x4f: {  	_ =	shalt  }
0x50: {  	_ =	shalt  }
0x51: {  	_ =	shalt  }
0x52: {  	_ =	shalt  }
0x53: {  	_ =	shalt  }
0x54: {  	_ =	shalt  }
0x55: {  	_ =	shalt  }
0x56: {  	_ =	shalt  }
0x57: {  	_ =	shalt  }
0x58: {  	_ =	shalt  }
0x59: {  	_ =	shalt  }
0x5a: {  	_ =	shalt  }
0x5b: {  	_ =	shalt  }
0x5c: {  	_ =	shalt  }
0x5d: {  	_ =	shalt  }
0x5e: {  	_ =	shalt  }
0x5f: {  	_ =	shalt  }
0x60: {  	_ =	shalt  }
0x61: {  	_ =	shalt  }
0x62: {  	_ =	shalt  }
0x63: {  	_ =	shalt  }
0x64: {  	_ =	shalt  }
0x65: {  	_ =	shalt  }
0x66: {  	_ =	shalt  }
0x67: {  	_ =	shalt  }
0x68: {  	_ =	shalt  }
0x69: {  	_ =	shalt  }
0x6a: {  	_ =	shalt  }
0x6b: {  	_ =	shalt  }
0x6c: {  	_ =	shalt  }
0x6d: {  	_ =	shalt  }
0x6e: {  	_ =	shalt  }
0x6f: {  	_ =	shalt  }
0x70: {  	_ =	shalt  }
0x71: {  	_ =	shalt  }
0x72: {  	_ =	shalt  }
0x73: {  	_ =	shalt  }
0x74: {  	_ =	shalt  }
0x75: {  	_ =	shalt  }
0x76: {  	_ =	shalt  }
0x77: {  	_ =	shalt  }
0x78: {  	_ =	shalt  }
0x79: {  	_ =	shalt  }
0x7a: {  	_ =	shalt  }
0x7b: {  	_ =	shalt  }
0x7c: {  	_ =	shalt  }
0x7d: {  	_ =	shalt  }
0x7e: {  	_ =	shalt  }
0x7f: {  	_ =	shalt  }
0x80: {  	_ =	shalt  }
0x81: {  	_ =	shalt  }
0x82: {  	_ =	shalt  }
0x83: {  	_ =	shalt  }
0x84: {  	_ =	shalt  }
0x85: {  	_ =	shalt  }
0x86: {  	_ =	shalt  }
0x87: {  	_ =	shalt  }
.Lfunc_end0:
.L_simem_size_0:
called_computation.2_lowered:
.L_overlay_start_0:
0x88: {  	s2 =	sld [smem:$0x3FD9]  }
0x89: {  	s3 =	sld [smem:$0x3FFE];
	_ =	sdelay $0x1  }
0x8a: {  	s1 =	srdreg.scid  }
0x8b: {  	s0 =	sand.u32 $0x1, s1  }
0x8c: {  	s17 =	sshll.u32 s0, $0xA;
	s2 =	sadd.s32 s3, s2  }
0x8d: {  	s2 =	sadd.s32 s2, s17  }
0x8e: {  	[smem:$0x3FC3] =	sst s2  }
0x8f: {  	_ = 	snop  }
0x90: {  	s2 =	sld [smem:$0x3FD0];
	(tm) =	ssettm $0x1  }
0x91: {  	s18 =	sld [smem:$0x3FFB];
	_ =	sdelay $0x3  }
0x92: {  	_ =	strace s18  }
0x93: {  	s3 =	sld [smem:$0x3FFC];
	_ =	sdelay $0x3  }
0x94: {  	_ =	strace s3  }
0x95: {  	s3 =	sld [smem:$0x3FFD];
	_ =	sdelay $0x3  }
0x96: {  	_ =	strace s3  }
0x97: {  	_ =	strace $0x8FFFFFFF  }
0x98: {  	s19 =	sld [smem:$0x3FDB];
	_ =	sdelay $0x1  }
0x99: {  	s4 =	simm.s32 $_scs_section_size  }
0x9a: {  	s5 =	simm.s32 $_size__tile_overlayer_lowered;
	s6 =	simm.s32 $_tile_overlayer_lowered  }
0x9b: {  	s22 =	simm.s32 $0x1BFF;
	s21 =	sshll.u32 s6, $0x1;
	s3 =	sadd.s32 s4, s19  }
0x9c: {  	s7 =	simm.s32 $0x0;
	s20 =	sshll.u32 s5, $0x1;
	s5 =	sadd.s32 s21, s3  }
0x9d: {  	[timem:s7], [sflag:s22] =	dma.local [hbm:s5], s20  }
0x9e: {  	_ =	swait.ge [sflag:s22], s20  }
0x9f: {  	s4 =	ssub.s32 $0x0, s20;
	[sflag:s22] =	ssyncset.done $0x0  }
0xa0: {  	[sflag:s22] =	ssyncadd.s32 s4;
	_ =	sdelay $0x1  }
0xa1: {  	s23 =	simm.s32 $0x1B8B  }
0xa2: {  	_ =	swait.ge [sflag:s23], $0x1  }
0xa3: {  	[sflag:s23] =	ssyncset.done $0x0  }
0xa4: {  	s25 =	simm.s32 $0x1B8E;
	s24 =	sld [smem:$0x3FFE];
	[sflag:s23] =	ssyncadd.s32 $0xFFFFFFFF  }
0xa5: {  	s26 =	simm.s32 $execute0_lowered;
	[smem:$0x3FD2] =	sst s25  }
0xa6: {  	s5 =	sshll.u32 s26, $0x1;
	_ =	strace $0x8000004C;
	[dreg:$0x1] =	wrdreg $0xFFFFFFFF  }
0xa7: {  	s28 =	simm.s32 $_size_execute0_lowered;
	s3 =	sadd.s32 s3, s5;
	[dreg:$0x0] =	wrdreg $0x0  }
0xa8: {  	s5 =	sshll.u32 s28, $0x1;
	[dreg:$0x2] =	wrdreg s3  }
0xa9: {  	[dreg:$0x3] =	wrdreg s5  }
0xaa: {  	[dreg:$0x4] =	wrdreg $0xC0  }
0xab: {  	_ =	task [dreg:s7], $0x5FFFF  }
0xac: {  	[dreg:$0x1] =	wrdreg $0xFFFFFFFF  }
0xad: {  	[dreg:$0x0] =	wrdreg $0x60  }
0xae: {  	[dreg:$0x2] =	wrdreg s24  }
0xaf: {  	[dreg:$0x3] =	wrdreg s2  }
0xb0: {  	[dreg:$0x4] =	wrdreg $0x9  }
0xb1: {  	_ =	task.clear_ibuf [dreg:s7], $0x5FFFF;
	_ =	strace $0x9000004C  }
0xb2: {  	s29 =	simm.s32 $0x9;
	_ =	strace $0x8000004E  }
0xb3: {  	_ =	swait.ge [sflag:s29], $0x1  }
0xb4: {  	[sflag:s29] =	ssyncadd.s32 $0xFFFFFFFF  }
0xb5: {  	_ =	strace $0x9000004E  }
0xb6: {  	_ =	sfence  }
0xb7: {  	s30 =	sld [smem:$0x0];
	_ =	sdelay $0x2  }
0xb8: {  	s31 =	sshll.u32 s1, $0xD;
	s1 =	sshrl.u32 s1, $0x2  }
0xb9: {  	s3 =	sand.u32 $0x4000, s31;
	s1 =	sadd.s32 s1, s30  }
0xba: {  	s0 =	sor.u32 s3, s0;
	s1 =	sshll.u32 s1, $0x11  }
0xbb: {  	s0 =	sor.u32 s1, s0  }
0xbc: {  	s0 =	sadd.s32 $0x8F2B, s0  }
0xbd: {  	[sflag:s0] =	ssyncadd.remote.s32 $0x1  }
0xbe: {  	_ =	sfence.sel $0xFFFF  }
0xbf: {  	[dreg:$0x0] =	wrdreg $0xFFFFFFFF;
	(pc) =	sbr.abs _section_cstart, $3  }
0xc0: {  	[dreg:$0x1] =	wrdreg $0xFFFFFFFF  }
0xc1: {  	_ =	task.clear_ibuf [dreg:s7], $0x2FFFF;
	_ =	strace $0x9FFFFFFF  }
0xc2: {  	(tm) =	ssettm $0x7FFFFFFF  }
0xc3: {  	_ =	shalt  }
tec
execute0_lowered:
.L_overlay_start_1:
0x0: {  	(tag) =	ssettag $0x1  }
0x1: {  	s0 =	rddreg [dreg:$0x0]  }
0x2: {  	s1 =	rddreg [dreg:$0x1]  }
0x3: {  	s3 =	srdreg.scid;
	s4 =	stileid.u32;
	s2 =	simm.s32 $0x0  }
0x4: {  	s10 =	simm.s32 $0x4800;
	s28 =	simm.s32 $0x10000;
	s29 =	simm.s32 $0x1  }
0x5: {  	s30 =	simm.s32 $0x3;
	s3 =	sand.u32 $0x1, s3;
	s4 =	sshll.u32 s4, $0x1  }
0x6: {  	s31 =	simm.s32 $0x5;
	[smem:$0x7FF] =	sst s2;
	s4 =	sor.u32 s3, s4  }
0x7: {  	s9 =	sadd.s32 $0x2FC500, s0;
	s5 =	sshll.u32 s4, $0x7;
	s4 =	sshll.u32 s4, $0xE  }
0x8: {  	_ =	strace $0x8000004D;
	s7 =	sadd.s32 s5, s0;
	s1 =	sadd.s32 s1, s4  }
0x9: {  	s6 =	ssub.s32 $0x2, s3;
	s17 =	sadd.s32 $0x2FA000, s7;
	[dreg:$0x4] =	wrdreg s1  }
0xa: {  	s3 =	sadd.s32 $0x2FC200, s0;
	s18 =	sadd.s32 $0x2FB000, s7;
	[dreg:$0x3] =	wrdreg s17  }
0xb: {  	s16 =	sshrl.u32 s6, $0x1;
	s19 =	sadd.s32 $0x800, s1;
	[dreg:$0x5] =	wrdreg s18  }
0xc: {  	s8 =	ssub.s32 s6, s16;
	s20 =	sadd.s32 $0x1000, s1;
	[dreg:$0x6] =	wrdreg s19  }
0xd: {  	s5 =	sadd.s32 $0x2FC300, s0;
	s21 =	sadd.s32 $0x1800, s1;
	[dreg:$0x7] =	wrdreg s20  }
0xe: {  	s6 =	sadd.s32 $0x2FC400, s0;
	s22 =	sadd.s32 $0x2000, s1;
	[dreg:$0x8] =	wrdreg s21  }
0xf: {  	s16 =	simm.s32 $0x7800;
	s23 =	sadd.s32 $0x2800, s1;
	[dreg:$0x9] =	wrdreg s22  }
0x10: {  	s0 =	simm.s32 $0x2;
	s24 =	sadd.s32 $0x3000, s1;
	[dreg:$0xa] =	wrdreg s23  }
0x11: {  	s4 =	simm.s32 $0x0;
	s25 =	sadd.s32 $0x3800, s1;
	[dreg:$0xb] =	wrdreg s24  }
0x12: {  	s26 =	smax.u32 s8, $0x1;
	s7 =	simm.s32 $0xC800;
	[dreg:$0xc] =	wrdreg s25  }
0x13: {  	s1 =	simm.s32 $0x4;
	[dreg:$0xd] =	wrdreg s26;
	s18 =	simm.s32 $0x7  }
0x14: {  	v2 =	vlaneseq.u32;
	s20 =	simm.s32 $0x800;
	s17 =	simm.s32 $0x8000;
	s21 =	simm.s32 $0xD000  }
0x15: {  	vm0 =	vmmov $0xffff;
	v1 =	vshrl.u32 v2, $0x3;
	s22 =	simm.s32 $0xD800;
	s23 =	simm.s32 $0xE000;
	s24 =	simm.s32 $0xE800  }
0x16: {  	v0 =	vand.u32 $0x7, v2;
	v2 =	vor.u32 $0x8, v2;
	v1 =	vmul.u32 $0x8, v1;
	s25 =	simm.s32 $0xF000;
	s26 =	simm.s32 $0xF800;
	s19 =	simm.s32 $0x6  }
.LBB2_1:
0x17: {  	s8 =	rddreg [dreg:$0x3]  }
0x18: {  	[tilespmem:s2], [sflag:$0x7] =	stream.linear.gather [hbm4b:s8+s2], $0x400, $0x38;
	[tilespmem:$0x10800] =	vst v63  }
0x19: {  	_ =	swait.ge [sflag:s18], $0x400  }
0x1a: {  	[sflag:s18] =	ssyncset.done $0x0  }
0x1b: {  	s11 =	simm.s32 $0x400;
	s15 =	rddreg [dreg:$0x5];
	[sflag:s18] =	ssyncadd.s32 $0xFFFFFC00  }
0x1c: {  	[tilespmem:s11], [sflag:$0x7] =	stream.linear.gather [hbm4b:s15+s2], $0x400, $0x38;
	[tilespmem:$0x10800] =	vst v63  }
0x1d: {  	_ =	swait.ge [sflag:s18], $0x400  }
0x1e: {  	[sflag:s18] =	ssyncset.done $0x0  }
0x1f: {  	[sflag:s18] =	ssyncadd.s32 $0xFFFFFC00  }
0x20: {  	v3 =	vld [tilespmem:$0x0];
	_ =	sdelay $0x4  }
0x21: {  	v4 =	vshll.u32 v3, $0x3  }
0x22: {  	v3 =	vand.u32 $0x7, v3;
	v4 =	vand.u32 $0xFFFFFFC0, v4  }
0x23: {  	v3 =	vor.u32 v3, v4  }
0x24: {  	v4 =	vperm.xlane v3, v0;
	_ =	sdelay $0x1  }
0x25: {  	v4 =	vadd.s32 v1, v4;
	_ =	sdelay $0x4  }
0x26: {  	[tilespmem:s20], [sflag:$0x1] =	stream.indirect_vreg.gather [hbm4b:s3+s2], $0x80, v4, vm0, $0xb8;
	[tilespmem:$0x10800] =	vst v63  }
0x27: {  	s11 =	simm.s32 $0x1000;
	v3 =	vperm.xlane v3, v2  }
0x28: {  	[tilespmem:s11], [sflag:$0x1] =	stream.indirect_vreg.gather [hbm4b:s5+s2], $0x80, v4, vm0, $0xb8;
	[tilespmem:$0x10800] =	vst v63  }
0x29: {  	s12 =	simm.s32 $0x1800;
	v3 =	vadd.s32 v1, v3  }
0x2a: {  	[tilespmem:s12], [sflag:$0x1] =	stream.indirect_vreg.gather [hbm4b:s6+s2], $0x80, v4, vm0, $0xb8;
	[tilespmem:$0x10800] =	vst v63  }
0x2b: {  	s13 =	simm.s32 $0x2000  }
0x2c: {  	[tilespmem:s13], [sflag:$0x1] =	stream.indirect_vreg.gather [hbm4b:s9+s2], $0x80, v4, vm0, $0xb8;
	[tilespmem:$0x10800] =	vst v63  }
0x2d: {  	s14 =	simm.s32 $0x2800  }
0x2e: {  	[tilespmem:s14], [sflag:$0x1] =	stream.indirect_vreg.gather [hbm4b:s3+s2], $0x80, v3, vm0, $0xb8;
	[tilespmem:$0x10800] =	vst v63  }
0x2f: {  	s15 =	simm.s32 $0x3000  }
0x30: {  	[tilespmem:s15], [sflag:$0x1] =	stream.indirect_vreg.gather [hbm4b:s5+s2], $0x80, v3, vm0, $0xb8;
	[tilespmem:$0x10800] =	vst v63  }
0x31: {  	s11 =	simm.s32 $0x3800  }
0x32: {  	[tilespmem:s11], [sflag:$0x1] =	stream.indirect_vreg.gather [hbm4b:s6+s2], $0x80, v3, vm0, $0xb8;
	[tilespmem:$0x10800] =	vst v63  }
0x33: {  	s12 =	simm.s32 $0x4000  }
0x34: {  	[tilespmem:s12], [sflag:$0x1] =	stream.indirect_vreg.gather [hbm4b:s9+s2], $0x80, v3, vm0, $0xb8;
	[tilespmem:$0x10800] =	vst v63  }
0x35: {  	v3 =	vld [tilespmem:$0x400];
	_ =	sdelay $0x4  }
0x36: {  	v61 =	vshll.u32 v3, $0x3  }
0x37: {  	v3 =	vand.u32 $0x7, v3;
	v4 =	vand.u32 $0xFFFFFFC0, v61  }
0x38: {  	v3 =	vor.u32 v3, v4  }
0x39: {  	v4 =	vperm.xlane v3, v0;
	_ =	sdelay $0x1  }
0x3a: {  	v4 =	vadd.s32 v1, v4;
	_ =	sdelay $0x3  }
0x3b: {  	s13 =	simm.s32 $0x8800  }
0x3c: {  	[tilespmem:s13], [sflag:$0x3] =	stream.indirect_vreg.gather [hbm4b:s3+s2], $0x80, v4, vm0, $0xb8;
	[tilespmem:$0x10800] =	vst v63  }
0x3d: {  	s14 =	simm.s32 $0x9000;
	v3 =	vperm.xlane v3, v2  }
0x3e: {  	[tilespmem:s14], [sflag:$0x3] =	stream.indirect_vreg.gather [hbm4b:s5+s2], $0x80, v4, vm0, $0xb8;
	[tilespmem:$0x10800] =	vst v63  }
0x3f: {  	s15 =	simm.s32 $0x9800;
	v3 =	vadd.s32 v1, v3  }
0x40: {  	[tilespmem:s15], [sflag:$0x3] =	stream.indirect_vreg.gather [hbm4b:s6+s2], $0x80, v4, vm0, $0xb8;
	[tilespmem:$0x10800] =	vst v63  }
0x41: {  	s11 =	simm.s32 $0xA000  }
0x42: {  	[tilespmem:s11], [sflag:$0x3] =	stream.indirect_vreg.gather [hbm4b:s9+s2], $0x80, v4, vm0, $0xb8;
	[tilespmem:$0x10800] =	vst v63  }
0x43: {  	s12 =	simm.s32 $0xA800  }
0x44: {  	[tilespmem:s12], [sflag:$0x3] =	stream.indirect_vreg.gather [hbm4b:s3+s2], $0x80, v3, vm0, $0xb8;
	[tilespmem:$0x10800] =	vst v63  }
0x45: {  	s13 =	simm.s32 $0xB000  }
0x46: {  	[tilespmem:s13], [sflag:$0x3] =	stream.indirect_vreg.gather [hbm4b:s5+s2], $0x80, v3, vm0, $0xb8;
	[tilespmem:$0x10800] =	vst v63  }
0x47: {  	s14 =	simm.s32 $0xB800  }
0x48: {  	[tilespmem:s14], [sflag:$0x3] =	stream.indirect_vreg.gather [hbm4b:s6+s2], $0x80, v3, vm0, $0xb8;
	[tilespmem:$0x10800] =	vst v63  }
0x49: {  	s15 =	simm.s32 $0xC000  }
0x4a: {  	[tilespmem:s15], [sflag:$0x3] =	stream.indirect_vreg.gather [hbm4b:s9+s2], $0x80, v3, vm0, $0xb8;
	[tilespmem:$0x10800] =	vst v63  }
0x4b: {  	v3 =	vld [tilespmem:$0x80];
	_ =	sdelay $0x4  }
0x4c: {  	v62 =	vshll.u32 v3, $0x3  }
0x4d: {  	v3 =	vand.u32 $0x7, v3;
	v4 =	vand.u32 $0xFFFFFFC0, v62  }
0x4e: {  	v3 =	vor.u32 v3, v4  }
0x4f: {  	v4 =	vperm.xlane v3, v0;
	_ =	sdelay $0x1  }
0x50: {  	v4 =	vadd.s32 v1, v4;
	_ =	sdelay $0x4  }
0x51: {  	[tilespmem:s10], [sflag:$0x2] =	stream.indirect_vreg.gather [hbm4b:s3+s2], $0x80, v4, vm0, $0xb8;
	[tilespmem:$0x10800] =	vst v63  }
0x52: {  	s11 =	simm.s32 $0x5000;
	v3 =	vperm.xlane v3, v2  }
0x53: {  	[tilespmem:s11], [sflag:$0x2] =	stream.indirect_vreg.gather [hbm4b:s5+s2], $0x80, v4, vm0, $0xb8;
	[tilespmem:$0x10800] =	vst v63  }
0x54: {  	s12 =	simm.s32 $0x5800;
	v3 =	vadd.s32 v1, v3  }
0x55: {  	[tilespmem:s12], [sflag:$0x2] =	stream.indirect_vreg.gather [hbm4b:s6+s2], $0x80, v4, vm0, $0xb8;
	[tilespmem:$0x10800] =	vst v63  }
0x56: {  	s13 =	simm.s32 $0x6000  }
0x57: {  	[tilespmem:s13], [sflag:$0x2] =	stream.indirect_vreg.gather [hbm4b:s9+s2], $0x80, v4, vm0, $0xb8;
	[tilespmem:$0x10800] =	vst v63  }
0x58: {  	s14 =	simm.s32 $0x6800  }
0x59: {  	[tilespmem:s14], [sflag:$0x2] =	stream.indirect_vreg.gather [hbm4b:s3+s2], $0x80, v3, vm0, $0xb8;
	[tilespmem:$0x10800] =	vst v63  }
0x5a: {  	s15 =	simm.s32 $0x7000  }
0x5b: {  	[tilespmem:s15], [sflag:$0x2] =	stream.indirect_vreg.gather [hbm4b:s5+s2], $0x80, v3, vm0, $0xb8;
	[tilespmem:$0x10800] =	vst v63  }
0x5c: {  	_ = 	snop  }
0x5d: {  	[tilespmem:s16], [sflag:$0x2] =	stream.indirect_vreg.gather [hbm4b:s6+s2], $0x80, v3, vm0, $0xb8;
	[tilespmem:$0x10800] =	vst v63  }
0x5e: {  	_ = 	snop  }
0x5f: {  	[tilespmem:s17], [sflag:$0x2] =	stream.indirect_vreg.gather [hbm4b:s9+s2], $0x80, v3, vm0, $0xb8;
	[tilespmem:$0x10800] =	vst v63  }
0x60: {  	v3 =	vld [tilespmem:$0x480];
	_ =	sdelay $0x4  }
0x61: {  	v63 =	vshll.u32 v3, $0x3  }
0x62: {  	v3 =	vand.u32 $0x7, v3;
	v4 =	vand.u32 $0xFFFFFFC0, v63  }
0x63: {  	v3 =	vor.u32 v3, v4  }
0x64: {  	v4 =	vperm.xlane v3, v0;
	_ =	sdelay $0x1  }
0x65: {  	v4 =	vadd.s32 v1, v4;
	_ =	sdelay $0x4  }
0x66: {  	[tilespmem:s7], [sflag:$0x4] =	stream.indirect_vreg.gather [hbm4b:s3+s2], $0x80, v4, vm0, $0xb8;
	[tilespmem:$0x10800] =	vst v63  }
0x67: {  	v3 =	vperm.xlane v3, v2  }
0x68: {  	[tilespmem:s21], [sflag:$0x4] =	stream.indirect_vreg.gather [hbm4b:s5+s2], $0x80, v4, vm0, $0xb8;
	[tilespmem:$0x10800] =	vst v63  }
0x69: {  	v3 =	vadd.s32 v1, v3  }
0x6a: {  	[tilespmem:s22], [sflag:$0x4] =	stream.indirect_vreg.gather [hbm4b:s6+s2], $0x80, v4, vm0, $0xb8;
	[tilespmem:$0x10800] =	vst v63  }
0x6b: {  	_ = 	snop  }
0x6c: {  	[tilespmem:s23], [sflag:$0x4] =	stream.indirect_vreg.gather [hbm4b:s9+s2], $0x80, v4, vm0, $0xb8;
	[tilespmem:$0x10800] =	vst v63  }
0x6d: {  	_ = 	snop  }
0x6e: {  	[tilespmem:s24], [sflag:$0x4] =	stream.indirect_vreg.gather [hbm4b:s3+s2], $0x80, v3, vm0, $0xb8;
	[tilespmem:$0x10800] =	vst v63  }
0x6f: {  	_ = 	snop  }
0x70: {  	[tilespmem:s25], [sflag:$0x4] =	stream.indirect_vreg.gather [hbm4b:s5+s2], $0x80, v3, vm0, $0xb8;
	[tilespmem:$0x10800] =	vst v63  }
0x71: {  	_ = 	snop  }
0x72: {  	[tilespmem:s26], [sflag:$0x4] =	stream.indirect_vreg.gather [hbm4b:s6+s2], $0x80, v3, vm0, $0xb8;
	[tilespmem:$0x10800] =	vst v63  }
0x73: {  	_ = 	snop  }
0x74: {  	[tilespmem:s28], [sflag:$0x4] =	stream.indirect_vreg.gather [hbm4b:s9+s2], $0x80, v3, vm0, $0xb8;
	[tilespmem:$0x10800] =	vst v63  }
0x75: {  	_ =	swait.ge [sflag:s29], $0x4000  }
0x76: {  	[sflag:s29] =	ssyncset.done $0x0  }
0x77: {  	[sflag:s29] =	ssyncadd.s32 $0xFFFFC000  }
0x78: {  	_ =	swait.ge [sflag:s30], $0x4000  }
0x79: {  	[sflag:s30] =	ssyncset.done $0x0  }
0x7a: {  	s8 =	simm.s32 $0x0;
	s11 =	simm.s32 $0x0;
	[sflag:s30] =	ssyncadd.s32 $0xFFFFC000  }
.LBB2_2:
0x7b: {  	s12 =	sshll.u32 s11, $0xC;
	s13 =	sand.u32 $0x7, s8  }
0x7c: {  	s12 =	sand.u32 $0xFFFF8000, s12;
	s13 =	sshll.u32 s13, $0x9  }
0x7d: {  	s12 =	sor.u32 s13, s12  }
0x7e: {  	s12 =	sshrl.u32 s12, $0x2  }
0x7f: {  	s14 =	sadd.s32 $0x8840, s12  }
0x80: {  	v3 =	vmov s14;
	_ =	sdelay $0x3  }
0x81: {  	s13 =	sor.u32 $0x800, s12;
	s12 =	simm.s32 $0x0;
	s14 =	simm.s32 $0x1000  }
.LBB2_3:
0x82: {  	p0 =	sne.s32 s14, $0x7000;
	v4 =	vld.idx.msk [tilespmem:v3+s12+$0xFFFFFFC0 ss:$0x1], $0xffff;
	_ =	sdelay $0x4  }
0x83: {  	s15 =	sadd.s32 s12, s13  }
0x84: {  	[tilespmem:s15+$0x0] =	vst.add.f32.msk $0xffff, v4  }
0x85: {  	v4 =	vld.idx.msk [tilespmem:v3+s12+$0xFFFFFFD0 ss:$0x1], $0xffff;
	_ =	sdelay $0x5  }
0x86: {  	[tilespmem:s15+$0x10] =	vst.add.f32.msk $0xffff, v4  }
0x87: {  	v4 =	vld.idx.msk [tilespmem:v3+s12+$0xFFFFFFE0 ss:$0x1], $0xffff;
	_ =	sdelay $0x5  }
0x88: {  	[tilespmem:s15+$0x20] =	vst.add.f32.msk $0xffff, v4  }
0x89: {  	v4 =	vld.idx.msk [tilespmem:v3+s12+$0xFFFFFFF0 ss:$0x1], $0xffff;
	_ =	sdelay $0x5  }
0x8a: {  	[tilespmem:s15+$0x30] =	vst.add.f32.msk $0xffff, v4  }
0x8b: {  	v4 =	vld.idx.msk [tilespmem:v3+s12+$0x0 ss:$0x1], $0xffff;
	_ =	sdelay $0x5  }
0x8c: {  	[tilespmem:s15+$0x40] =	vst.add.f32.msk $0xffff, v4  }
0x8d: {  	v4 =	vld.idx.msk [tilespmem:v3+s12+$0x10 ss:$0x1], $0xffff;
	_ =	sdelay $0x5  }
0x8e: {  	[tilespmem:s15+$0x50] =	vst.add.f32.msk $0xffff, v4  }
0x8f: {  	v4 =	vld.idx.msk [tilespmem:v3+s12+$0x20 ss:$0x1], $0xffff;
	_ =	sdelay $0x5  }
0x90: {  	[tilespmem:s15+$0x60] =	vst.add.f32.msk $0xffff, v4  }
0x91: {  	v4 =	vld.idx.msk [tilespmem:v3+s12+$0x30 ss:$0x1], $0xffff;
	_ =	sdelay $0x1  }
.Ltmp0:
0x92: {  	(pc) =	sbr.rel @p0 .LBB2_3-.Ltmp0, $2  }
0x93: {  	_ =	sdelay $0x2  }
0x94: {  	s12 =	sshra.s32 s14, $0x2;
	s14 =	sadd.s32 $0x1000, s14;
	[tilespmem:s15+$0x70] =	vst.add.f32.msk $0xffff, v4  }
0x95: {  	_ =	sdelay $0x3  }
0x96: {  	v4 =	vld.idx.msk [tilespmem:v3+s12+$0xFFFFFFC0 ss:$0x1], $0xffff;
	_ =	sdelay $0x3  }
0x97: {  	s13 =	sadd.s32 s12, s13  }
0x98: {  	[tilespmem:s13+$0x0] =	vst.add.f32.msk $0xffff, v4  }
0x99: {  	v4 =	vld.idx.msk [tilespmem:v3+s12+$0xFFFFFFD0 ss:$0x1], $0xffff;
	_ =	sdelay $0x4  }
0x9a: {  	[tilespmem:s13+$0x10] =	vst.add.f32.msk $0xffff, v4  }
0x9b: {  	v4 =	vld.idx.msk [tilespmem:v3+s12+$0xFFFFFFE0 ss:$0x1], $0xffff;
	_ =	sdelay $0x4  }
0x9c: {  	[tilespmem:s13+$0x20] =	vst.add.f32.msk $0xffff, v4  }
0x9d: {  	v4 =	vld.idx.msk [tilespmem:v3+s12+$0xFFFFFFF0 ss:$0x1], $0xffff;
	_ =	sdelay $0x4  }
0x9e: {  	[tilespmem:s13+$0x30] =	vst.add.f32.msk $0xffff, v4  }
0x9f: {  	v4 =	vld.idx.msk [tilespmem:v3+s12+$0x0 ss:$0x1], $0xffff;
	_ =	sdelay $0x4  }
0xa0: {  	[tilespmem:s13+$0x40] =	vst.add.f32.msk $0xffff, v4  }
0xa1: {  	v4 =	vld.idx.msk [tilespmem:v3+s12+$0x10 ss:$0x1], $0xffff;
	_ =	sdelay $0x4  }
0xa2: {  	[tilespmem:s13+$0x50] =	vst.add.f32.msk $0xffff, v4  }
0xa3: {  	v4 =	vld.idx.msk [tilespmem:v3+s12+$0x20 ss:$0x1], $0xffff;
	_ =	sdelay $0x4  }
0xa4: {  	s11 =	sadd.s32 $0x1, s11;
	[tilespmem:s13+$0x60] =	vst.add.f32.msk $0xffff, v4  }
0xa5: {  	p0 =	sne.s32 s11, $0x10;
	v3 =	vld.idx.msk [tilespmem:v3+s12+$0x30 ss:$0x1], $0xffff  }
.Ltmp1:
0xa6: {  	_ = 	snop;
	(pc) =	sbr.rel @p0 .LBB2_2-.Ltmp1, $2  }
0xa7: {  	_ =	sdelay $0x2  }
0xa8: {  	s8 =	sadd.s32 $0x1, s8;
	[tilespmem:s13+$0x70] =	vst.add.f32.msk $0xffff, v3  }
0xa9: {  	s8 =	simm.s32 $0x0;
	s11 =	rddreg [dreg:$0x4]  }
0xaa: {  	[hbm4b:s11+s8] =	stream.linear.scatter [tilespmem:s20], [sflag:$0x5], $0x4000, $0x38;
	[tilespmem:$0x10800] =	vst v63  }
0xab: {  	_ =	swait.ge [sflag:s31], $0x4000  }
0xac: {  	[sflag:s31] =	ssyncset.done $0x0  }
0xad: {  	[sflag:s31] =	ssyncadd.s32 $0xFFFFC000  }
0xae: {  	v3 =	vld [tilespmem:$0x100];
	_ =	sdelay $0x4  }
0xaf: {  	v4 =	vshll.u32 v3, $0x3  }
0xb0: {  	v3 =	vand.u32 $0x7, v3;
	v4 =	vand.u32 $0xFFFFFFC0, v4  }
0xb1: {  	v3 =	vor.u32 v3, v4  }
0xb2: {  	v4 =	vperm.xlane v3, v0;
	_ =	sdelay $0x1  }
0xb3: {  	v4 =	vadd.s32 v1, v4;
	_ =	sdelay $0x4  }
0xb4: {  	[tilespmem:s20], [sflag:$0x1] =	stream.indirect_vreg.gather [hbm4b:s3+s8], $0x80, v4, vm0, $0xb8;
	[tilespmem:$0x10800] =	vst v63  }
0xb5: {  	s13 =	simm.s32 $0x1000;
	v3 =	vperm.xlane v3, v2  }
0xb6: {  	[tilespmem:s13], [sflag:$0x1] =	stream.indirect_vreg.gather [hbm4b:s5+s8], $0x80, v4, vm0, $0xb8;
	[tilespmem:$0x10800] =	vst v63  }
0xb7: {  	s14 =	simm.s32 $0x1800;
	v3 =	vadd.s32 v1, v3  }
0xb8: {  	[tilespmem:s14], [sflag:$0x1] =	stream.indirect_vreg.gather [hbm4b:s6+s8], $0x80, v4, vm0, $0xb8;
	[tilespmem:$0x10800] =	vst v63  }
0xb9: {  	s15 =	simm.s32 $0x2000  }
0xba: {  	[tilespmem:s15], [sflag:$0x1] =	stream.indirect_vreg.gather [hbm4b:s9+s8], $0x80, v4, vm0, $0xb8;
	[tilespmem:$0x10800] =	vst v63  }
0xbb: {  	s12 =	simm.s32 $0x2800  }
0xbc: {  	[tilespmem:s12], [sflag:$0x1] =	stream.indirect_vreg.gather [hbm4b:s3+s8], $0x80, v3, vm0, $0xb8;
	[tilespmem:$0x10800] =	vst v63  }
0xbd: {  	s13 =	simm.s32 $0x3000  }
0xbe: {  	[tilespmem:s13], [sflag:$0x1] =	stream.indirect_vreg.gather [hbm4b:s5+s8], $0x80, v3, vm0, $0xb8;
	[tilespmem:$0x10800] =	vst v63  }
0xbf: {  	s14 =	simm.s32 $0x3800  }
0xc0: {  	[tilespmem:s14], [sflag:$0x1] =	stream.indirect_vreg.gather [hbm4b:s6+s8], $0x80, v3, vm0, $0xb8;
	[tilespmem:$0x10800] =	vst v63  }
0xc1: {  	s15 =	simm.s32 $0x4000  }
0xc2: {  	[tilespmem:s15], [sflag:$0x1] =	stream.indirect_vreg.gather [hbm4b:s9+s8], $0x80, v3, vm0, $0xb8;
	[tilespmem:$0x10800] =	vst v63  }
0xc3: {  	v3 =	vld [tilespmem:$0x500];
	_ =	sdelay $0x4  }
0xc4: {  	v63 =	vshll.u32 v3, $0x3  }
0xc5: {  	v3 =	vand.u32 $0x7, v3;
	v4 =	vand.u32 $0xFFFFFFC0, v63  }
0xc6: {  	v3 =	vor.u32 v3, v4  }
0xc7: {  	v4 =	vperm.xlane v3, v0;
	_ =	sdelay $0x1  }
0xc8: {  	v4 =	vadd.s32 v1, v4;
	_ =	sdelay $0x3  }
0xc9: {  	s12 =	simm.s32 $0x8800  }
0xca: {  	[tilespmem:s12], [sflag:$0x3] =	stream.indirect_vreg.gather [hbm4b:s3+s8], $0x80, v4, vm0, $0xb8;
	[tilespmem:$0x10800] =	vst v63  }
0xcb: {  	s13 =	simm.s32 $0x9000;
	v3 =	vperm.xlane v3, v2  }
0xcc: {  	[tilespmem:s13], [sflag:$0x3] =	stream.indirect_vreg.gather [hbm4b:s5+s8], $0x80, v4, vm0, $0xb8;
	[tilespmem:$0x10800] =	vst v63  }
0xcd: {  	s14 =	simm.s32 $0x9800;
	v3 =	vadd.s32 v1, v3  }
0xce: {  	[tilespmem:s14], [sflag:$0x3] =	stream.indirect_vreg.gather [hbm4b:s6+s8], $0x80, v4, vm0, $0xb8;
	[tilespmem:$0x10800] =	vst v63  }
0xcf: {  	s15 =	simm.s32 $0xA000  }
0xd0: {  	[tilespmem:s15], [sflag:$0x3] =	stream.indirect_vreg.gather [hbm4b:s9+s8], $0x80, v4, vm0, $0xb8;
	[tilespmem:$0x10800] =	vst v63  }
0xd1: {  	s12 =	simm.s32 $0xA800  }
0xd2: {  	[tilespmem:s12], [sflag:$0x3] =	stream.indirect_vreg.gather [hbm4b:s3+s8], $0x80, v3, vm0, $0xb8;
	[tilespmem:$0x10800] =	vst v63  }
0xd3: {  	s13 =	simm.s32 $0xB000  }
0xd4: {  	[tilespmem:s13], [sflag:$0x3] =	stream.indirect_vreg.gather [hbm4b:s5+s8], $0x80, v3, vm0, $0xb8;
	[tilespmem:$0x10800] =	vst v63  }
0xd5: {  	s14 =	simm.s32 $0xB800  }
0xd6: {  	[tilespmem:s14], [sflag:$0x3] =	stream.indirect_vreg.gather [hbm4b:s6+s8], $0x80, v3, vm0, $0xb8;
	[tilespmem:$0x10800] =	vst v63  }
0xd7: {  	s15 =	simm.s32 $0xC000  }
0xd8: {  	[tilespmem:s15], [sflag:$0x3] =	stream.indirect_vreg.gather [hbm4b:s9+s8], $0x80, v3, vm0, $0xb8;
	[tilespmem:$0x10800] =	vst v63  }
0xd9: {  	_ =	swait.ge [sflag:s0], $0x4000  }
0xda: {  	[sflag:s0] =	ssyncset.done $0x0  }
0xdb: {  	[sflag:s0] =	ssyncadd.s32 $0xFFFFC000  }
0xdc: {  	_ =	swait.ge [sflag:s1], $0x4000  }
0xdd: {  	[sflag:s1] =	ssyncset.done $0x0  }
0xde: {  	s11 =	simm.s32 $0x0;
	[sflag:s1] =	ssyncadd.s32 $0xFFFFC000  }
.LBB2_6:
0xdf: {  	s12 =	sshll.u32 s11, $0xC;
	s13 =	sand.u32 $0x7, s8  }
0xe0: {  	s12 =	sand.u32 $0xFFFF8000, s12;
	s13 =	sshll.u32 s13, $0x9  }
0xe1: {  	s12 =	sor.u32 s13, s12  }
0xe2: {  	s12 =	sshrl.u32 s12, $0x2  }
0xe3: {  	s14 =	sadd.s32 $0xC840, s12  }
0xe4: {  	v3 =	vmov s14;
	_ =	sdelay $0x3  }
0xe5: {  	s13 =	sadd.s32 $0x4800, s12;
	s12 =	simm.s32 $0x0;
	s14 =	simm.s32 $0x1000  }
.LBB2_7:
0xe6: {  	p0 =	sne.s32 s14, $0x7000;
	v4 =	vld.idx.msk [tilespmem:v3+s12+$0xFFFFFFC0 ss:$0x1], $0xffff;
	_ =	sdelay $0x4  }
0xe7: {  	s15 =	sadd.s32 s12, s13  }
0xe8: {  	[tilespmem:s15+$0x0] =	vst.add.f32.msk $0xffff, v4  }
0xe9: {  	v4 =	vld.idx.msk [tilespmem:v3+s12+$0xFFFFFFD0 ss:$0x1], $0xffff;
	_ =	sdelay $0x5  }
0xea: {  	[tilespmem:s15+$0x10] =	vst.add.f32.msk $0xffff, v4  }
0xeb: {  	v4 =	vld.idx.msk [tilespmem:v3+s12+$0xFFFFFFE0 ss:$0x1], $0xffff;
	_ =	sdelay $0x5  }
0xec: {  	[tilespmem:s15+$0x20] =	vst.add.f32.msk $0xffff, v4  }
0xed: {  	v4 =	vld.idx.msk [tilespmem:v3+s12+$0xFFFFFFF0 ss:$0x1], $0xffff;
	_ =	sdelay $0x5  }
0xee: {  	[tilespmem:s15+$0x30] =	vst.add.f32.msk $0xffff, v4  }
0xef: {  	v4 =	vld.idx.msk [tilespmem:v3+s12+$0x0 ss:$0x1], $0xffff;
	_ =	sdelay $0x5  }
0xf0: {  	[tilespmem:s15+$0x40] =	vst.add.f32.msk $0xffff, v4  }
0xf1: {  	v4 =	vld.idx.msk [tilespmem:v3+s12+$0x10 ss:$0x1], $0xffff;
	_ =	sdelay $0x5  }
0xf2: {  	[tilespmem:s15+$0x50] =	vst.add.f32.msk $0xffff, v4  }
0xf3: {  	v4 =	vld.idx.msk [tilespmem:v3+s12+$0x20 ss:$0x1], $0xffff;
	_ =	sdelay $0x5  }
0xf4: {  	[tilespmem:s15+$0x60] =	vst.add.f32.msk $0xffff, v4  }
0xf5: {  	v4 =	vld.idx.msk [tilespmem:v3+s12+$0x30 ss:$0x1], $0xffff;
	_ =	sdelay $0x1  }
.Ltmp2:
0xf6: {  	(pc) =	sbr.rel @p0 .LBB2_7-.Ltmp2, $2  }
0xf7: {  	_ =	sdelay $0x2  }
0xf8: {  	s12 =	sshra.s32 s14, $0x2;
	s14 =	sadd.s32 $0x1000, s14;
	[tilespmem:s15+$0x70] =	vst.add.f32.msk $0xffff, v4  }
0xf9: {  	_ =	sdelay $0x3  }
0xfa: {  	v4 =	vld.idx.msk [tilespmem:v3+s12+$0xFFFFFFC0 ss:$0x1], $0xffff;
	_ =	sdelay $0x3  }
0xfb: {  	s13 =	sadd.s32 s12, s13  }
0xfc: {  	[tilespmem:s13+$0x0] =	vst.add.f32.msk $0xffff, v4  }
0xfd: {  	v4 =	vld.idx.msk [tilespmem:v3+s12+$0xFFFFFFD0 ss:$0x1], $0xffff;
	_ =	sdelay $0x4  }
0xfe: {  	[tilespmem:s13+$0x10] =	vst.add.f32.msk $0xffff, v4  }
0xff: {  	v4 =	vld.idx.msk [tilespmem:v3+s12+$0xFFFFFFE0 ss:$0x1], $0xffff;
	_ =	sdelay $0x4  }
0x100: {  	[tilespmem:s13+$0x20] =	vst.add.f32.msk $0xffff, v4  }
0x101: {  	v4 =	vld.idx.msk [tilespmem:v3+s12+$0xFFFFFFF0 ss:$0x1], $0xffff;
	_ =	sdelay $0x4  }
0x102: {  	[tilespmem:s13+$0x30] =	vst.add.f32.msk $0xffff, v4  }
0x103: {  	v4 =	vld.idx.msk [tilespmem:v3+s12+$0x0 ss:$0x1], $0xffff;
	_ =	sdelay $0x4  }
0x104: {  	[tilespmem:s13+$0x40] =	vst.add.f32.msk $0xffff, v4  }
0x105: {  	v4 =	vld.idx.msk [tilespmem:v3+s12+$0x10 ss:$0x1], $0xffff;
	_ =	sdelay $0x4  }
0x106: {  	[tilespmem:s13+$0x50] =	vst.add.f32.msk $0xffff, v4  }
0x107: {  	v4 =	vld.idx.msk [tilespmem:v3+s12+$0x20 ss:$0x1], $0xffff;
	_ =	sdelay $0x4  }
0x108: {  	s11 =	sadd.s32 $0x1, s11;
	[tilespmem:s13+$0x60] =	vst.add.f32.msk $0xffff, v4  }
0x109: {  	p0 =	sne.s32 s11, $0x10;
	v3 =	vld.idx.msk [tilespmem:v3+s12+$0x30 ss:$0x1], $0xffff  }
.Ltmp3:
0x10a: {  	_ = 	snop;
	(pc) =	sbr.rel @p0 .LBB2_6-.Ltmp3, $2  }
0x10b: {  	_ =	sdelay $0x2  }
0x10c: {  	s8 =	sadd.s32 $0x1, s8;
	[tilespmem:s13+$0x70] =	vst.add.f32.msk $0xffff, v3  }
0x10d: {  	s8 =	simm.s32 $0x0;
	s11 =	rddreg [dreg:$0x6]  }
0x10e: {  	[hbm4b:s11+s8] =	stream.linear.scatter [tilespmem:s10], [sflag:$0x6], $0x4000, $0x38;
	[tilespmem:$0x10800] =	vst v63  }
0x10f: {  	_ =	swait.ge [sflag:s19], $0x4000  }
0x110: {  	[sflag:s19] =	ssyncset.done $0x0  }
0x111: {  	[sflag:s19] =	ssyncadd.s32 $0xFFFFC000  }
0x112: {  	v3 =	vld [tilespmem:$0x180];
	_ =	sdelay $0x4  }
0x113: {  	v4 =	vshll.u32 v3, $0x3  }
0x114: {  	v3 =	vand.u32 $0x7, v3;
	v4 =	vand.u32 $0xFFFFFFC0, v4  }
0x115: {  	v3 =	vor.u32 v3, v4  }
0x116: {  	v4 =	vperm.xlane v3, v0;
	_ =	sdelay $0x1  }
0x117: {  	v4 =	vadd.s32 v1, v4;
	_ =	sdelay $0x4  }
0x118: {  	[tilespmem:s10], [sflag:$0x2] =	stream.indirect_vreg.gather [hbm4b:s3+s8], $0x80, v4, vm0, $0xb8;
	[tilespmem:$0x10800] =	vst v63  }
0x119: {  	s15 =	simm.s32 $0x5000;
	v3 =	vperm.xlane v3, v2  }
0x11a: {  	[tilespmem:s15], [sflag:$0x2] =	stream.indirect_vreg.gather [hbm4b:s5+s8], $0x80, v4, vm0, $0xb8;
	[tilespmem:$0x10800] =	vst v63  }
0x11b: {  	s12 =	simm.s32 $0x5800;
	v3 =	vadd.s32 v1, v3  }
0x11c: {  	[tilespmem:s12], [sflag:$0x2] =	stream.indirect_vreg.gather [hbm4b:s6+s8], $0x80, v4, vm0, $0xb8;
	[tilespmem:$0x10800] =	vst v63  }
0x11d: {  	s13 =	simm.s32 $0x6000  }
0x11e: {  	[tilespmem:s13], [sflag:$0x2] =	stream.indirect_vreg.gather [hbm4b:s9+s8], $0x80, v4, vm0, $0xb8;
	[tilespmem:$0x10800] =	vst v63  }
0x11f: {  	s14 =	simm.s32 $0x6800  }
0x120: {  	[tilespmem:s14], [sflag:$0x2] =	stream.indirect_vreg.gather [hbm4b:s3+s8], $0x80, v3, vm0, $0xb8;
	[tilespmem:$0x10800] =	vst v63  }
0x121: {  	s15 =	simm.s32 $0x7000  }
0x122: {  	[tilespmem:s15], [sflag:$0x2] =	stream.indirect_vreg.gather [hbm4b:s5+s8], $0x80, v3, vm0, $0xb8;
	[tilespmem:$0x10800] =	vst v63  }
0x123: {  	_ = 	snop  }
0x124: {  	[tilespmem:s16], [sflag:$0x2] =	stream.indirect_vreg.gather [hbm4b:s6+s8], $0x80, v3, vm0, $0xb8;
	[tilespmem:$0x10800] =	vst v63  }
0x125: {  	_ = 	snop  }
0x126: {  	[tilespmem:s17], [sflag:$0x2] =	stream.indirect_vreg.gather [hbm4b:s9+s8], $0x80, v3, vm0, $0xb8;
	[tilespmem:$0x10800] =	vst v63  }
0x127: {  	v3 =	vld [tilespmem:$0x580];
	_ =	sdelay $0x4  }
0x128: {  	v63 =	vshll.u32 v3, $0x3  }
0x129: {  	v3 =	vand.u32 $0x7, v3;
	v4 =	vand.u32 $0xFFFFFFC0, v63  }
0x12a: {  	v3 =	vor.u32 v3, v4  }
0x12b: {  	v4 =	vperm.xlane v3, v0;
	_ =	sdelay $0x1  }
0x12c: {  	v4 =	vadd.s32 v1, v4;
	_ =	sdelay $0x4  }
0x12d: {  	[tilespmem:s7], [sflag:$0x4] =	stream.indirect_vreg.gather [hbm4b:s3+s8], $0x80, v4, vm0, $0xb8;
	[tilespmem:$0x10800] =	vst v63  }
0x12e: {  	v3 =	vperm.xlane v3, v2  }
0x12f: {  	[tilespmem:s21], [sflag:$0x4] =	stream.indirect_vreg.gather [hbm4b:s5+s8], $0x80, v4, vm0, $0xb8;
	[tilespmem:$0x10800] =	vst v63  }
0x130: {  	v3 =	vadd.s32 v1, v3  }
0x131: {  	[tilespmem:s22], [sflag:$0x4] =	stream.indirect_vreg.gather [hbm4b:s6+s8], $0x80, v4, vm0, $0xb8;
	[tilespmem:$0x10800] =	vst v63  }
0x132: {  	_ = 	snop  }
0x133: {  	[tilespmem:s23], [sflag:$0x4] =	stream.indirect_vreg.gather [hbm4b:s9+s8], $0x80, v4, vm0, $0xb8;
	[tilespmem:$0x10800] =	vst v63  }
0x134: {  	_ = 	snop  }
0x135: {  	[tilespmem:s24], [sflag:$0x4] =	stream.indirect_vreg.gather [hbm4b:s3+s8], $0x80, v3, vm0, $0xb8;
	[tilespmem:$0x10800] =	vst v63  }
0x136: {  	_ = 	snop  }
0x137: {  	[tilespmem:s25], [sflag:$0x4] =	stream.indirect_vreg.gather [hbm4b:s5+s8], $0x80, v3, vm0, $0xb8;
	[tilespmem:$0x10800] =	vst v63  }
0x138: {  	_ = 	snop  }
0x139: {  	[tilespmem:s26], [sflag:$0x4] =	stream.indirect_vreg.gather [hbm4b:s6+s8], $0x80, v3, vm0, $0xb8;
	[tilespmem:$0x10800] =	vst v63  }
0x13a: {  	_ = 	snop  }
0x13b: {  	[tilespmem:s28], [sflag:$0x4] =	stream.indirect_vreg.gather [hbm4b:s9+s8], $0x80, v3, vm0, $0xb8;
	[tilespmem:$0x10800] =	vst v63  }
0x13c: {  	_ =	swait.ge [sflag:s29], $0x4000  }
0x13d: {  	[sflag:s29] =	ssyncset.done $0x0  }
0x13e: {  	[sflag:s29] =	ssyncadd.s32 $0xFFFFC000  }
0x13f: {  	_ =	swait.ge [sflag:s30], $0x4000  }
0x140: {  	[sflag:s30] =	ssyncset.done $0x0  }
0x141: {  	s11 =	simm.s32 $0x0;
	[sflag:s30] =	ssyncadd.s32 $0xFFFFC000  }
.LBB2_10:
0x142: {  	s12 =	sshll.u32 s11, $0xC;
	s13 =	sand.u32 $0x7, s8  }
0x143: {  	s12 =	sand.u32 $0xFFFF8000, s12;
	s13 =	sshll.u32 s13, $0x9  }
0x144: {  	s12 =	sor.u32 s13, s12  }
0x145: {  	s12 =	sshrl.u32 s12, $0x2  }
0x146: {  	s14 =	sadd.s32 $0x8840, s12  }
0x147: {  	v3 =	vmov s14;
	_ =	sdelay $0x3  }
0x148: {  	s13 =	sor.u32 $0x800, s12;
	s12 =	simm.s32 $0x0;
	s14 =	simm.s32 $0x1000  }
.LBB2_11:
0x149: {  	p0 =	sne.s32 s14, $0x7000;
	v4 =	vld.idx.msk [tilespmem:v3+s12+$0xFFFFFFC0 ss:$0x1], $0xffff;
	_ =	sdelay $0x4  }
0x14a: {  	s15 =	sadd.s32 s12, s13  }
0x14b: {  	[tilespmem:s15+$0x0] =	vst.add.f32.msk $0xffff, v4  }
0x14c: {  	v4 =	vld.idx.msk [tilespmem:v3+s12+$0xFFFFFFD0 ss:$0x1], $0xffff;
	_ =	sdelay $0x5  }
0x14d: {  	[tilespmem:s15+$0x10] =	vst.add.f32.msk $0xffff, v4  }
0x14e: {  	v4 =	vld.idx.msk [tilespmem:v3+s12+$0xFFFFFFE0 ss:$0x1], $0xffff;
	_ =	sdelay $0x5  }
0x14f: {  	[tilespmem:s15+$0x20] =	vst.add.f32.msk $0xffff, v4  }
0x150: {  	v4 =	vld.idx.msk [tilespmem:v3+s12+$0xFFFFFFF0 ss:$0x1], $0xffff;
	_ =	sdelay $0x5  }
0x151: {  	[tilespmem:s15+$0x30] =	vst.add.f32.msk $0xffff, v4  }
0x152: {  	v4 =	vld.idx.msk [tilespmem:v3+s12+$0x0 ss:$0x1], $0xffff;
	_ =	sdelay $0x5  }
0x153: {  	[tilespmem:s15+$0x40] =	vst.add.f32.msk $0xffff, v4  }
0x154: {  	v4 =	vld.idx.msk [tilespmem:v3+s12+$0x10 ss:$0x1], $0xffff;
	_ =	sdelay $0x5  }
0x155: {  	[tilespmem:s15+$0x50] =	vst.add.f32.msk $0xffff, v4  }
0x156: {  	v4 =	vld.idx.msk [tilespmem:v3+s12+$0x20 ss:$0x1], $0xffff;
	_ =	sdelay $0x5  }
0x157: {  	[tilespmem:s15+$0x60] =	vst.add.f32.msk $0xffff, v4  }
0x158: {  	v4 =	vld.idx.msk [tilespmem:v3+s12+$0x30 ss:$0x1], $0xffff;
	_ =	sdelay $0x1  }
.Ltmp4:
0x159: {  	(pc) =	sbr.rel @p0 .LBB2_11-.Ltmp4, $2  }
0x15a: {  	_ =	sdelay $0x2  }
0x15b: {  	s12 =	sshra.s32 s14, $0x2;
	s14 =	sadd.s32 $0x1000, s14;
	[tilespmem:s15+$0x70] =	vst.add.f32.msk $0xffff, v4  }
0x15c: {  	_ =	sdelay $0x3  }
0x15d: {  	v4 =	vld.idx.msk [tilespmem:v3+s12+$0xFFFFFFC0 ss:$0x1], $0xffff;
	_ =	sdelay $0x3  }
0x15e: {  	s13 =	sadd.s32 s12, s13  }
0x15f: {  	[tilespmem:s13+$0x0] =	vst.add.f32.msk $0xffff, v4  }
0x160: {  	v4 =	vld.idx.msk [tilespmem:v3+s12+$0xFFFFFFD0 ss:$0x1], $0xffff;
	_ =	sdelay $0x4  }
0x161: {  	[tilespmem:s13+$0x10] =	vst.add.f32.msk $0xffff, v4  }
0x162: {  	v4 =	vld.idx.msk [tilespmem:v3+s12+$0xFFFFFFE0 ss:$0x1], $0xffff;
	_ =	sdelay $0x4  }
0x163: {  	[tilespmem:s13+$0x20] =	vst.add.f32.msk $0xffff, v4  }
0x164: {  	v4 =	vld.idx.msk [tilespmem:v3+s12+$0xFFFFFFF0 ss:$0x1], $0xffff;
	_ =	sdelay $0x4  }
0x165: {  	[tilespmem:s13+$0x30] =	vst.add.f32.msk $0xffff, v4  }
0x166: {  	v4 =	vld.idx.msk [tilespmem:v3+s12+$0x0 ss:$0x1], $0xffff;
	_ =	sdelay $0x4  }
0x167: {  	[tilespmem:s13+$0x40] =	vst.add.f32.msk $0xffff, v4  }
0x168: {  	v4 =	vld.idx.msk [tilespmem:v3+s12+$0x10 ss:$0x1], $0xffff;
	_ =	sdelay $0x4  }
0x169: {  	[tilespmem:s13+$0x50] =	vst.add.f32.msk $0xffff, v4  }
0x16a: {  	v4 =	vld.idx.msk [tilespmem:v3+s12+$0x20 ss:$0x1], $0xffff;
	_ =	sdelay $0x4  }
0x16b: {  	s11 =	sadd.s32 $0x1, s11;
	[tilespmem:s13+$0x60] =	vst.add.f32.msk $0xffff, v4  }
0x16c: {  	p0 =	sne.s32 s11, $0x10;
	v3 =	vld.idx.msk [tilespmem:v3+s12+$0x30 ss:$0x1], $0xffff  }
.Ltmp5:
0x16d: {  	_ = 	snop;
	(pc) =	sbr.rel @p0 .LBB2_10-.Ltmp5, $2  }
0x16e: {  	_ =	sdelay $0x2  }
0x16f: {  	s8 =	sadd.s32 $0x1, s8;
	[tilespmem:s13+$0x70] =	vst.add.f32.msk $0xffff, v3  }
0x170: {  	s8 =	simm.s32 $0x0;
	s11 =	rddreg [dreg:$0x7]  }
0x171: {  	[hbm4b:s11+s8] =	stream.linear.scatter [tilespmem:s20], [sflag:$0x5], $0x4000, $0x38;
	[tilespmem:$0x10800] =	vst v63  }
0x172: {  	_ =	swait.ge [sflag:s31], $0x4000  }
0x173: {  	[sflag:s31] =	ssyncset.done $0x0  }
0x174: {  	[sflag:s31] =	ssyncadd.s32 $0xFFFFC000  }
0x175: {  	v3 =	vld [tilespmem:$0x200];
	_ =	sdelay $0x4  }
0x176: {  	v4 =	vshll.u32 v3, $0x3  }
0x177: {  	v3 =	vand.u32 $0x7, v3;
	v4 =	vand.u32 $0xFFFFFFC0, v4  }
0x178: {  	v3 =	vor.u32 v3, v4  }
0x179: {  	v4 =	vperm.xlane v3, v0;
	_ =	sdelay $0x1  }
0x17a: {  	v4 =	vadd.s32 v1, v4;
	_ =	sdelay $0x4  }
0x17b: {  	[tilespmem:s20], [sflag:$0x1] =	stream.indirect_vreg.gather [hbm4b:s3+s8], $0x80, v4, vm0, $0xb8;
	[tilespmem:$0x10800] =	vst v63  }
0x17c: {  	s13 =	simm.s32 $0x1000;
	v3 =	vperm.xlane v3, v2  }
0x17d: {  	[tilespmem:s13], [sflag:$0x1] =	stream.indirect_vreg.gather [hbm4b:s5+s8], $0x80, v4, vm0, $0xb8;
	[tilespmem:$0x10800] =	vst v63  }
0x17e: {  	s14 =	simm.s32 $0x1800;
	v3 =	vadd.s32 v1, v3  }
0x17f: {  	[tilespmem:s14], [sflag:$0x1] =	stream.indirect_vreg.gather [hbm4b:s6+s8], $0x80, v4, vm0, $0xb8;
	[tilespmem:$0x10800] =	vst v63  }
0x180: {  	s15 =	simm.s32 $0x2000  }
0x181: {  	[tilespmem:s15], [sflag:$0x1] =	stream.indirect_vreg.gather [hbm4b:s9+s8], $0x80, v4, vm0, $0xb8;
	[tilespmem:$0x10800] =	vst v63  }
0x182: {  	s12 =	simm.s32 $0x2800  }
0x183: {  	[tilespmem:s12], [sflag:$0x1] =	stream.indirect_vreg.gather [hbm4b:s3+s8], $0x80, v3, vm0, $0xb8;
	[tilespmem:$0x10800] =	vst v63  }
0x184: {  	s13 =	simm.s32 $0x3000  }
0x185: {  	[tilespmem:s13], [sflag:$0x1] =	stream.indirect_vreg.gather [hbm4b:s5+s8], $0x80, v3, vm0, $0xb8;
	[tilespmem:$0x10800] =	vst v63  }
0x186: {  	s14 =	simm.s32 $0x3800  }
0x187: {  	[tilespmem:s14], [sflag:$0x1] =	stream.indirect_vreg.gather [hbm4b:s6+s8], $0x80, v3, vm0, $0xb8;
	[tilespmem:$0x10800] =	vst v63  }
0x188: {  	s15 =	simm.s32 $0x4000  }
0x189: {  	[tilespmem:s15], [sflag:$0x1] =	stream.indirect_vreg.gather [hbm4b:s9+s8], $0x80, v3, vm0, $0xb8;
	[tilespmem:$0x10800] =	vst v63  }
0x18a: {  	v3 =	vld [tilespmem:$0x600];
	_ =	sdelay $0x4  }
0x18b: {  	v63 =	vshll.u32 v3, $0x3  }
0x18c: {  	v3 =	vand.u32 $0x7, v3;
	v4 =	vand.u32 $0xFFFFFFC0, v63  }
0x18d: {  	v3 =	vor.u32 v3, v4  }
0x18e: {  	v4 =	vperm.xlane v3, v0;
	_ =	sdelay $0x1  }
0x18f: {  	v4 =	vadd.s32 v1, v4;
	_ =	sdelay $0x3  }
0x190: {  	s12 =	simm.s32 $0x8800  }
0x191: {  	[tilespmem:s12], [sflag:$0x3] =	stream.indirect_vreg.gather [hbm4b:s3+s8], $0x80, v4, vm0, $0xb8;
	[tilespmem:$0x10800] =	vst v63  }
0x192: {  	s13 =	simm.s32 $0x9000;
	v3 =	vperm.xlane v3, v2  }
0x193: {  	[tilespmem:s13], [sflag:$0x3] =	stream.indirect_vreg.gather [hbm4b:s5+s8], $0x80, v4, vm0, $0xb8;
	[tilespmem:$0x10800] =	vst v63  }
0x194: {  	s14 =	simm.s32 $0x9800;
	v3 =	vadd.s32 v1, v3  }
0x195: {  	[tilespmem:s14], [sflag:$0x3] =	stream.indirect_vreg.gather [hbm4b:s6+s8], $0x80, v4, vm0, $0xb8;
	[tilespmem:$0x10800] =	vst v63  }
0x196: {  	s15 =	simm.s32 $0xA000  }
0x197: {  	[tilespmem:s15], [sflag:$0x3] =	stream.indirect_vreg.gather [hbm4b:s9+s8], $0x80, v4, vm0, $0xb8;
	[tilespmem:$0x10800] =	vst v63  }
0x198: {  	s12 =	simm.s32 $0xA800  }
0x199: {  	[tilespmem:s12], [sflag:$0x3] =	stream.indirect_vreg.gather [hbm4b:s3+s8], $0x80, v3, vm0, $0xb8;
	[tilespmem:$0x10800] =	vst v63  }
0x19a: {  	s13 =	simm.s32 $0xB000  }
0x19b: {  	[tilespmem:s13], [sflag:$0x3] =	stream.indirect_vreg.gather [hbm4b:s5+s8], $0x80, v3, vm0, $0xb8;
	[tilespmem:$0x10800] =	vst v63  }
0x19c: {  	s14 =	simm.s32 $0xB800  }
0x19d: {  	[tilespmem:s14], [sflag:$0x3] =	stream.indirect_vreg.gather [hbm4b:s6+s8], $0x80, v3, vm0, $0xb8;
	[tilespmem:$0x10800] =	vst v63  }
0x19e: {  	s15 =	simm.s32 $0xC000  }
0x19f: {  	[tilespmem:s15], [sflag:$0x3] =	stream.indirect_vreg.gather [hbm4b:s9+s8], $0x80, v3, vm0, $0xb8;
	[tilespmem:$0x10800] =	vst v63  }
0x1a0: {  	_ =	swait.ge [sflag:s0], $0x4000  }
0x1a1: {  	[sflag:s0] =	ssyncset.done $0x0  }
0x1a2: {  	[sflag:s0] =	ssyncadd.s32 $0xFFFFC000  }
0x1a3: {  	_ =	swait.ge [sflag:s1], $0x4000  }
0x1a4: {  	[sflag:s1] =	ssyncset.done $0x0  }
0x1a5: {  	s11 =	simm.s32 $0x0;
	[sflag:s1] =	ssyncadd.s32 $0xFFFFC000  }
.LBB2_14:
0x1a6: {  	s12 =	sshll.u32 s11, $0xC;
	s13 =	sand.u32 $0x7, s8  }
0x1a7: {  	s12 =	sand.u32 $0xFFFF8000, s12;
	s13 =	sshll.u32 s13, $0x9  }
0x1a8: {  	s12 =	sor.u32 s13, s12  }
0x1a9: {  	s12 =	sshrl.u32 s12, $0x2  }
0x1aa: {  	s14 =	sadd.s32 $0xC840, s12  }
0x1ab: {  	v3 =	vmov s14;
	_ =	sdelay $0x3  }
0x1ac: {  	s13 =	sadd.s32 $0x4800, s12;
	s12 =	simm.s32 $0x0;
	s14 =	simm.s32 $0x1000  }
.LBB2_15:
0x1ad: {  	p0 =	sne.s32 s14, $0x7000;
	v4 =	vld.idx.msk [tilespmem:v3+s12+$0xFFFFFFC0 ss:$0x1], $0xffff;
	_ =	sdelay $0x4  }
0x1ae: {  	s15 =	sadd.s32 s12, s13  }
0x1af: {  	[tilespmem:s15+$0x0] =	vst.add.f32.msk $0xffff, v4  }
0x1b0: {  	v4 =	vld.idx.msk [tilespmem:v3+s12+$0xFFFFFFD0 ss:$0x1], $0xffff;
	_ =	sdelay $0x5  }
0x1b1: {  	[tilespmem:s15+$0x10] =	vst.add.f32.msk $0xffff, v4  }
0x1b2: {  	v4 =	vld.idx.msk [tilespmem:v3+s12+$0xFFFFFFE0 ss:$0x1], $0xffff;
	_ =	sdelay $0x5  }
0x1b3: {  	[tilespmem:s15+$0x20] =	vst.add.f32.msk $0xffff, v4  }
0x1b4: {  	v4 =	vld.idx.msk [tilespmem:v3+s12+$0xFFFFFFF0 ss:$0x1], $0xffff;
	_ =	sdelay $0x5  }
0x1b5: {  	[tilespmem:s15+$0x30] =	vst.add.f32.msk $0xffff, v4  }
0x1b6: {  	v4 =	vld.idx.msk [tilespmem:v3+s12+$0x0 ss:$0x1], $0xffff;
	_ =	sdelay $0x5  }
0x1b7: {  	[tilespmem:s15+$0x40] =	vst.add.f32.msk $0xffff, v4  }
0x1b8: {  	v4 =	vld.idx.msk [tilespmem:v3+s12+$0x10 ss:$0x1], $0xffff;
	_ =	sdelay $0x5  }
0x1b9: {  	[tilespmem:s15+$0x50] =	vst.add.f32.msk $0xffff, v4  }
0x1ba: {  	v4 =	vld.idx.msk [tilespmem:v3+s12+$0x20 ss:$0x1], $0xffff;
	_ =	sdelay $0x5  }
0x1bb: {  	[tilespmem:s15+$0x60] =	vst.add.f32.msk $0xffff, v4  }
0x1bc: {  	v4 =	vld.idx.msk [tilespmem:v3+s12+$0x30 ss:$0x1], $0xffff;
	_ =	sdelay $0x1  }
.Ltmp6:
0x1bd: {  	(pc) =	sbr.rel @p0 .LBB2_15-.Ltmp6, $2  }
0x1be: {  	_ =	sdelay $0x2  }
0x1bf: {  	s12 =	sshra.s32 s14, $0x2;
	s14 =	sadd.s32 $0x1000, s14;
	[tilespmem:s15+$0x70] =	vst.add.f32.msk $0xffff, v4  }
0x1c0: {  	_ =	sdelay $0x3  }
0x1c1: {  	v4 =	vld.idx.msk [tilespmem:v3+s12+$0xFFFFFFC0 ss:$0x1], $0xffff;
	_ =	sdelay $0x3  }
0x1c2: {  	s13 =	sadd.s32 s12, s13  }
0x1c3: {  	[tilespmem:s13+$0x0] =	vst.add.f32.msk $0xffff, v4  }
0x1c4: {  	v4 =	vld.idx.msk [tilespmem:v3+s12+$0xFFFFFFD0 ss:$0x1], $0xffff;
	_ =	sdelay $0x4  }
0x1c5: {  	[tilespmem:s13+$0x10] =	vst.add.f32.msk $0xffff, v4  }
0x1c6: {  	v4 =	vld.idx.msk [tilespmem:v3+s12+$0xFFFFFFE0 ss:$0x1], $0xffff;
	_ =	sdelay $0x4  }
0x1c7: {  	[tilespmem:s13+$0x20] =	vst.add.f32.msk $0xffff, v4  }
0x1c8: {  	v4 =	vld.idx.msk [tilespmem:v3+s12+$0xFFFFFFF0 ss:$0x1], $0xffff;
	_ =	sdelay $0x4  }
0x1c9: {  	[tilespmem:s13+$0x30] =	vst.add.f32.msk $0xffff, v4  }
0x1ca: {  	v4 =	vld.idx.msk [tilespmem:v3+s12+$0x0 ss:$0x1], $0xffff;
	_ =	sdelay $0x4  }
0x1cb: {  	[tilespmem:s13+$0x40] =	vst.add.f32.msk $0xffff, v4  }
0x1cc: {  	v4 =	vld.idx.msk [tilespmem:v3+s12+$0x10 ss:$0x1], $0xffff;
	_ =	sdelay $0x4  }
0x1cd: {  	[tilespmem:s13+$0x50] =	vst.add.f32.msk $0xffff, v4  }
0x1ce: {  	v4 =	vld.idx.msk [tilespmem:v3+s12+$0x20 ss:$0x1], $0xffff;
	_ =	sdelay $0x4  }
0x1cf: {  	s11 =	sadd.s32 $0x1, s11;
	[tilespmem:s13+$0x60] =	vst.add.f32.msk $0xffff, v4  }
0x1d0: {  	p0 =	sne.s32 s11, $0x10;
	v3 =	vld.idx.msk [tilespmem:v3+s12+$0x30 ss:$0x1], $0xffff  }
.Ltmp7:
0x1d1: {  	_ = 	snop;
	(pc) =	sbr.rel @p0 .LBB2_14-.Ltmp7, $2  }
0x1d2: {  	_ =	sdelay $0x2  }
0x1d3: {  	s8 =	sadd.s32 $0x1, s8;
	[tilespmem:s13+$0x70] =	vst.add.f32.msk $0xffff, v3  }
0x1d4: {  	s8 =	simm.s32 $0x0;
	s11 =	rddreg [dreg:$0x8]  }
0x1d5: {  	[hbm4b:s11+s8] =	stream.linear.scatter [tilespmem:s10], [sflag:$0x6], $0x4000, $0x38;
	[tilespmem:$0x10800] =	vst v63  }
0x1d6: {  	_ =	swait.ge [sflag:s19], $0x4000  }
0x1d7: {  	[sflag:s19] =	ssyncset.done $0x0  }
0x1d8: {  	[sflag:s19] =	ssyncadd.s32 $0xFFFFC000  }
0x1d9: {  	v3 =	vld [tilespmem:$0x280];
	_ =	sdelay $0x4  }
0x1da: {  	v4 =	vshll.u32 v3, $0x3  }
0x1db: {  	v3 =	vand.u32 $0x7, v3;
	v4 =	vand.u32 $0xFFFFFFC0, v4  }
0x1dc: {  	v3 =	vor.u32 v3, v4  }
0x1dd: {  	v4 =	vperm.xlane v3, v0;
	_ =	sdelay $0x1  }
0x1de: {  	v4 =	vadd.s32 v1, v4;
	_ =	sdelay $0x4  }
0x1df: {  	[tilespmem:s10], [sflag:$0x2] =	stream.indirect_vreg.gather [hbm4b:s3+s8], $0x80, v4, vm0, $0xb8;
	[tilespmem:$0x10800] =	vst v63  }
0x1e0: {  	s15 =	simm.s32 $0x5000;
	v3 =	vperm.xlane v3, v2  }
0x1e1: {  	[tilespmem:s15], [sflag:$0x2] =	stream.indirect_vreg.gather [hbm4b:s5+s8], $0x80, v4, vm0, $0xb8;
	[tilespmem:$0x10800] =	vst v63  }
0x1e2: {  	s12 =	simm.s32 $0x5800;
	v3 =	vadd.s32 v1, v3  }
0x1e3: {  	[tilespmem:s12], [sflag:$0x2] =	stream.indirect_vreg.gather [hbm4b:s6+s8], $0x80, v4, vm0, $0xb8;
	[tilespmem:$0x10800] =	vst v63  }
0x1e4: {  	s13 =	simm.s32 $0x6000  }
0x1e5: {  	[tilespmem:s13], [sflag:$0x2] =	stream.indirect_vreg.gather [hbm4b:s9+s8], $0x80, v4, vm0, $0xb8;
	[tilespmem:$0x10800] =	vst v63  }
0x1e6: {  	s14 =	simm.s32 $0x6800  }
0x1e7: {  	[tilespmem:s14], [sflag:$0x2] =	stream.indirect_vreg.gather [hbm4b:s3+s8], $0x80, v3, vm0, $0xb8;
	[tilespmem:$0x10800] =	vst v63  }
0x1e8: {  	s15 =	simm.s32 $0x7000  }
0x1e9: {  	[tilespmem:s15], [sflag:$0x2] =	stream.indirect_vreg.gather [hbm4b:s5+s8], $0x80, v3, vm0, $0xb8;
	[tilespmem:$0x10800] =	vst v63  }
0x1ea: {  	_ = 	snop  }
0x1eb: {  	[tilespmem:s16], [sflag:$0x2] =	stream.indirect_vreg.gather [hbm4b:s6+s8], $0x80, v3, vm0, $0xb8;
	[tilespmem:$0x10800] =	vst v63  }
0x1ec: {  	_ = 	snop  }
0x1ed: {  	[tilespmem:s17], [sflag:$0x2] =	stream.indirect_vreg.gather [hbm4b:s9+s8], $0x80, v3, vm0, $0xb8;
	[tilespmem:$0x10800] =	vst v63  }
0x1ee: {  	v3 =	vld [tilespmem:$0x680];
	_ =	sdelay $0x4  }
0x1ef: {  	v63 =	vshll.u32 v3, $0x3  }
0x1f0: {  	v3 =	vand.u32 $0x7, v3;
	v4 =	vand.u32 $0xFFFFFFC0, v63  }
0x1f1: {  	v3 =	vor.u32 v3, v4  }
0x1f2: {  	v4 =	vperm.xlane v3, v0;
	_ =	sdelay $0x1  }
0x1f3: {  	v4 =	vadd.s32 v1, v4;
	_ =	sdelay $0x4  }
0x1f4: {  	[tilespmem:s7], [sflag:$0x4] =	stream.indirect_vreg.gather [hbm4b:s3+s8], $0x80, v4, vm0, $0xb8;
	[tilespmem:$0x10800] =	vst v63  }
0x1f5: {  	v3 =	vperm.xlane v3, v2  }
0x1f6: {  	[tilespmem:s21], [sflag:$0x4] =	stream.indirect_vreg.gather [hbm4b:s5+s8], $0x80, v4, vm0, $0xb8;
	[tilespmem:$0x10800] =	vst v63  }
0x1f7: {  	v3 =	vadd.s32 v1, v3  }
0x1f8: {  	[tilespmem:s22], [sflag:$0x4] =	stream.indirect_vreg.gather [hbm4b:s6+s8], $0x80, v4, vm0, $0xb8;
	[tilespmem:$0x10800] =	vst v63  }
0x1f9: {  	_ = 	snop  }
0x1fa: {  	[tilespmem:s23], [sflag:$0x4] =	stream.indirect_vreg.gather [hbm4b:s9+s8], $0x80, v4, vm0, $0xb8;
	[tilespmem:$0x10800] =	vst v63  }
0x1fb: {  	_ = 	snop  }
0x1fc: {  	[tilespmem:s24], [sflag:$0x4] =	stream.indirect_vreg.gather [hbm4b:s3+s8], $0x80, v3, vm0, $0xb8;
	[tilespmem:$0x10800] =	vst v63  }
0x1fd: {  	_ = 	snop  }
0x1fe: {  	[tilespmem:s25], [sflag:$0x4] =	stream.indirect_vreg.gather [hbm4b:s5+s8], $0x80, v3, vm0, $0xb8;
	[tilespmem:$0x10800] =	vst v63  }
0x1ff: {  	_ = 	snop  }
0x200: {  	[tilespmem:s26], [sflag:$0x4] =	stream.indirect_vreg.gather [hbm4b:s6+s8], $0x80, v3, vm0, $0xb8;
	[tilespmem:$0x10800] =	vst v63  }
0x201: {  	_ = 	snop  }
0x202: {  	[tilespmem:s28], [sflag:$0x4] =	stream.indirect_vreg.gather [hbm4b:s9+s8], $0x80, v3, vm0, $0xb8;
	[tilespmem:$0x10800] =	vst v63  }
0x203: {  	_ =	swait.ge [sflag:s29], $0x4000  }
0x204: {  	[sflag:s29] =	ssyncset.done $0x0  }
0x205: {  	[sflag:s29] =	ssyncadd.s32 $0xFFFFC000  }
0x206: {  	_ =	swait.ge [sflag:s30], $0x4000  }
0x207: {  	[sflag:s30] =	ssyncset.done $0x0  }
0x208: {  	s11 =	simm.s32 $0x0;
	[sflag:s30] =	ssyncadd.s32 $0xFFFFC000  }
.LBB2_18:
0x209: {  	s12 =	sshll.u32 s11, $0xC;
	s13 =	sand.u32 $0x7, s8  }
0x20a: {  	s12 =	sand.u32 $0xFFFF8000, s12;
	s13 =	sshll.u32 s13, $0x9  }
0x20b: {  	s12 =	sor.u32 s13, s12  }
0x20c: {  	s12 =	sshrl.u32 s12, $0x2  }
0x20d: {  	s14 =	sadd.s32 $0x8840, s12  }
0x20e: {  	v3 =	vmov s14;
	_ =	sdelay $0x3  }
0x20f: {  	s13 =	sor.u32 $0x800, s12;
	s12 =	simm.s32 $0x0;
	s14 =	simm.s32 $0x1000  }
.LBB2_19:
0x210: {  	p0 =	sne.s32 s14, $0x7000;
	v4 =	vld.idx.msk [tilespmem:v3+s12+$0xFFFFFFC0 ss:$0x1], $0xffff;
	_ =	sdelay $0x4  }
0x211: {  	s15 =	sadd.s32 s12, s13  }
0x212: {  	[tilespmem:s15+$0x0] =	vst.add.f32.msk $0xffff, v4  }
0x213: {  	v4 =	vld.idx.msk [tilespmem:v3+s12+$0xFFFFFFD0 ss:$0x1], $0xffff;
	_ =	sdelay $0x5  }
0x214: {  	[tilespmem:s15+$0x10] =	vst.add.f32.msk $0xffff, v4  }
0x215: {  	v4 =	vld.idx.msk [tilespmem:v3+s12+$0xFFFFFFE0 ss:$0x1], $0xffff;
	_ =	sdelay $0x5  }
0x216: {  	[tilespmem:s15+$0x20] =	vst.add.f32.msk $0xffff, v4  }
0x217: {  	v4 =	vld.idx.msk [tilespmem:v3+s12+$0xFFFFFFF0 ss:$0x1], $0xffff;
	_ =	sdelay $0x5  }
0x218: {  	[tilespmem:s15+$0x30] =	vst.add.f32.msk $0xffff, v4  }
0x219: {  	v4 =	vld.idx.msk [tilespmem:v3+s12+$0x0 ss:$0x1], $0xffff;
	_ =	sdelay $0x5  }
0x21a: {  	[tilespmem:s15+$0x40] =	vst.add.f32.msk $0xffff, v4  }
0x21b: {  	v4 =	vld.idx.msk [tilespmem:v3+s12+$0x10 ss:$0x1], $0xffff;
	_ =	sdelay $0x5  }
0x21c: {  	[tilespmem:s15+$0x50] =	vst.add.f32.msk $0xffff, v4  }
0x21d: {  	v4 =	vld.idx.msk [tilespmem:v3+s12+$0x20 ss:$0x1], $0xffff;
	_ =	sdelay $0x5  }
0x21e: {  	[tilespmem:s15+$0x60] =	vst.add.f32.msk $0xffff, v4  }
0x21f: {  	v4 =	vld.idx.msk [tilespmem:v3+s12+$0x30 ss:$0x1], $0xffff;
	_ =	sdelay $0x1  }
.Ltmp8:
0x220: {  	(pc) =	sbr.rel @p0 .LBB2_19-.Ltmp8, $2  }
0x221: {  	_ =	sdelay $0x2  }
0x222: {  	s12 =	sshra.s32 s14, $0x2;
	s14 =	sadd.s32 $0x1000, s14;
	[tilespmem:s15+$0x70] =	vst.add.f32.msk $0xffff, v4  }
0x223: {  	_ =	sdelay $0x3  }
0x224: {  	v4 =	vld.idx.msk [tilespmem:v3+s12+$0xFFFFFFC0 ss:$0x1], $0xffff;
	_ =	sdelay $0x3  }
0x225: {  	s13 =	sadd.s32 s12, s13  }
0x226: {  	[tilespmem:s13+$0x0] =	vst.add.f32.msk $0xffff, v4  }
0x227: {  	v4 =	vld.idx.msk [tilespmem:v3+s12+$0xFFFFFFD0 ss:$0x1], $0xffff;
	_ =	sdelay $0x4  }
0x228: {  	[tilespmem:s13+$0x10] =	vst.add.f32.msk $0xffff, v4  }
0x229: {  	v4 =	vld.idx.msk [tilespmem:v3+s12+$0xFFFFFFE0 ss:$0x1], $0xffff;
	_ =	sdelay $0x4  }
0x22a: {  	[tilespmem:s13+$0x20] =	vst.add.f32.msk $0xffff, v4  }
0x22b: {  	v4 =	vld.idx.msk [tilespmem:v3+s12+$0xFFFFFFF0 ss:$0x1], $0xffff;
	_ =	sdelay $0x4  }
0x22c: {  	[tilespmem:s13+$0x30] =	vst.add.f32.msk $0xffff, v4  }
0x22d: {  	v4 =	vld.idx.msk [tilespmem:v3+s12+$0x0 ss:$0x1], $0xffff;
	_ =	sdelay $0x4  }
0x22e: {  	[tilespmem:s13+$0x40] =	vst.add.f32.msk $0xffff, v4  }
0x22f: {  	v4 =	vld.idx.msk [tilespmem:v3+s12+$0x10 ss:$0x1], $0xffff;
	_ =	sdelay $0x4  }
0x230: {  	[tilespmem:s13+$0x50] =	vst.add.f32.msk $0xffff, v4  }
0x231: {  	v4 =	vld.idx.msk [tilespmem:v3+s12+$0x20 ss:$0x1], $0xffff;
	_ =	sdelay $0x4  }
0x232: {  	s11 =	sadd.s32 $0x1, s11;
	[tilespmem:s13+$0x60] =	vst.add.f32.msk $0xffff, v4  }
0x233: {  	p0 =	sne.s32 s11, $0x10;
	v3 =	vld.idx.msk [tilespmem:v3+s12+$0x30 ss:$0x1], $0xffff  }
.Ltmp9:
0x234: {  	_ = 	snop;
	(pc) =	sbr.rel @p0 .LBB2_18-.Ltmp9, $2  }
0x235: {  	_ =	sdelay $0x2  }
0x236: {  	s8 =	sadd.s32 $0x1, s8;
	[tilespmem:s13+$0x70] =	vst.add.f32.msk $0xffff, v3  }
0x237: {  	s8 =	simm.s32 $0x0;
	s11 =	rddreg [dreg:$0x9]  }
0x238: {  	[hbm4b:s11+s8] =	stream.linear.scatter [tilespmem:s20], [sflag:$0x5], $0x4000, $0x38;
	[tilespmem:$0x10800] =	vst v63  }
0x239: {  	_ =	swait.ge [sflag:s31], $0x4000  }
0x23a: {  	[sflag:s31] =	ssyncset.done $0x0  }
0x23b: {  	[sflag:s31] =	ssyncadd.s32 $0xFFFFC000  }
0x23c: {  	v3 =	vld [tilespmem:$0x300];
	_ =	sdelay $0x4  }
0x23d: {  	v4 =	vshll.u32 v3, $0x3  }
0x23e: {  	v3 =	vand.u32 $0x7, v3;
	v4 =	vand.u32 $0xFFFFFFC0, v4  }
0x23f: {  	v3 =	vor.u32 v3, v4  }
0x240: {  	v4 =	vperm.xlane v3, v0;
	_ =	sdelay $0x1  }
0x241: {  	v4 =	vadd.s32 v1, v4;
	_ =	sdelay $0x4  }
0x242: {  	[tilespmem:s20], [sflag:$0x1] =	stream.indirect_vreg.gather [hbm4b:s3+s8], $0x80, v4, vm0, $0xb8;
	[tilespmem:$0x10800] =	vst v63  }
0x243: {  	s13 =	simm.s32 $0x1000;
	v3 =	vperm.xlane v3, v2  }
0x244: {  	[tilespmem:s13], [sflag:$0x1] =	stream.indirect_vreg.gather [hbm4b:s5+s8], $0x80, v4, vm0, $0xb8;
	[tilespmem:$0x10800] =	vst v63  }
0x245: {  	s14 =	simm.s32 $0x1800;
	v3 =	vadd.s32 v1, v3  }
0x246: {  	[tilespmem:s14], [sflag:$0x1] =	stream.indirect_vreg.gather [hbm4b:s6+s8], $0x80, v4, vm0, $0xb8;
	[tilespmem:$0x10800] =	vst v63  }
0x247: {  	s15 =	simm.s32 $0x2000  }
0x248: {  	[tilespmem:s15], [sflag:$0x1] =	stream.indirect_vreg.gather [hbm4b:s9+s8], $0x80, v4, vm0, $0xb8;
	[tilespmem:$0x10800] =	vst v63  }
0x249: {  	s12 =	simm.s32 $0x2800  }
0x24a: {  	[tilespmem:s12], [sflag:$0x1] =	stream.indirect_vreg.gather [hbm4b:s3+s8], $0x80, v3, vm0, $0xb8;
	[tilespmem:$0x10800] =	vst v63  }
0x24b: {  	s13 =	simm.s32 $0x3000  }
0x24c: {  	[tilespmem:s13], [sflag:$0x1] =	stream.indirect_vreg.gather [hbm4b:s5+s8], $0x80, v3, vm0, $0xb8;
	[tilespmem:$0x10800] =	vst v63  }
0x24d: {  	s14 =	simm.s32 $0x3800  }
0x24e: {  	[tilespmem:s14], [sflag:$0x1] =	stream.indirect_vreg.gather [hbm4b:s6+s8], $0x80, v3, vm0, $0xb8;
	[tilespmem:$0x10800] =	vst v63  }
0x24f: {  	s15 =	simm.s32 $0x4000  }
0x250: {  	[tilespmem:s15], [sflag:$0x1] =	stream.indirect_vreg.gather [hbm4b:s9+s8], $0x80, v3, vm0, $0xb8;
	[tilespmem:$0x10800] =	vst v63  }
0x251: {  	v3 =	vld [tilespmem:$0x700];
	_ =	sdelay $0x4  }
0x252: {  	v63 =	vshll.u32 v3, $0x3  }
0x253: {  	v3 =	vand.u32 $0x7, v3;
	v4 =	vand.u32 $0xFFFFFFC0, v63  }
0x254: {  	v3 =	vor.u32 v3, v4  }
0x255: {  	v4 =	vperm.xlane v3, v0;
	_ =	sdelay $0x1  }
0x256: {  	v4 =	vadd.s32 v1, v4;
	_ =	sdelay $0x3  }
0x257: {  	s12 =	simm.s32 $0x8800  }
0x258: {  	[tilespmem:s12], [sflag:$0x3] =	stream.indirect_vreg.gather [hbm4b:s3+s8], $0x80, v4, vm0, $0xb8;
	[tilespmem:$0x10800] =	vst v63  }
0x259: {  	s13 =	simm.s32 $0x9000;
	v3 =	vperm.xlane v3, v2  }
0x25a: {  	[tilespmem:s13], [sflag:$0x3] =	stream.indirect_vreg.gather [hbm4b:s5+s8], $0x80, v4, vm0, $0xb8;
	[tilespmem:$0x10800] =	vst v63  }
0x25b: {  	s14 =	simm.s32 $0x9800;
	v3 =	vadd.s32 v1, v3  }
0x25c: {  	[tilespmem:s14], [sflag:$0x3] =	stream.indirect_vreg.gather [hbm4b:s6+s8], $0x80, v4, vm0, $0xb8;
	[tilespmem:$0x10800] =	vst v63  }
0x25d: {  	s15 =	simm.s32 $0xA000  }
0x25e: {  	[tilespmem:s15], [sflag:$0x3] =	stream.indirect_vreg.gather [hbm4b:s9+s8], $0x80, v4, vm0, $0xb8;
	[tilespmem:$0x10800] =	vst v63  }
0x25f: {  	s12 =	simm.s32 $0xA800  }
0x260: {  	[tilespmem:s12], [sflag:$0x3] =	stream.indirect_vreg.gather [hbm4b:s3+s8], $0x80, v3, vm0, $0xb8;
	[tilespmem:$0x10800] =	vst v63  }
0x261: {  	s13 =	simm.s32 $0xB000  }
0x262: {  	[tilespmem:s13], [sflag:$0x3] =	stream.indirect_vreg.gather [hbm4b:s5+s8], $0x80, v3, vm0, $0xb8;
	[tilespmem:$0x10800] =	vst v63  }
0x263: {  	s14 =	simm.s32 $0xB800  }
0x264: {  	[tilespmem:s14], [sflag:$0x3] =	stream.indirect_vreg.gather [hbm4b:s6+s8], $0x80, v3, vm0, $0xb8;
	[tilespmem:$0x10800] =	vst v63  }
0x265: {  	s15 =	simm.s32 $0xC000  }
0x266: {  	[tilespmem:s15], [sflag:$0x3] =	stream.indirect_vreg.gather [hbm4b:s9+s8], $0x80, v3, vm0, $0xb8;
	[tilespmem:$0x10800] =	vst v63  }
0x267: {  	_ =	swait.ge [sflag:s0], $0x4000  }
0x268: {  	[sflag:s0] =	ssyncset.done $0x0  }
0x269: {  	[sflag:s0] =	ssyncadd.s32 $0xFFFFC000  }
0x26a: {  	_ =	swait.ge [sflag:s1], $0x4000  }
0x26b: {  	[sflag:s1] =	ssyncset.done $0x0  }
0x26c: {  	s11 =	simm.s32 $0x0;
	[sflag:s1] =	ssyncadd.s32 $0xFFFFC000  }
.LBB2_22:
0x26d: {  	s12 =	sshll.u32 s11, $0xC;
	s13 =	sand.u32 $0x7, s8  }
0x26e: {  	s12 =	sand.u32 $0xFFFF8000, s12;
	s13 =	sshll.u32 s13, $0x9  }
0x26f: {  	s12 =	sor.u32 s13, s12  }
0x270: {  	s12 =	sshrl.u32 s12, $0x2  }
0x271: {  	s14 =	sadd.s32 $0xC840, s12  }
0x272: {  	v3 =	vmov s14;
	_ =	sdelay $0x3  }
0x273: {  	s13 =	sadd.s32 $0x4800, s12;
	s12 =	simm.s32 $0x0;
	s14 =	simm.s32 $0x1000  }
.LBB2_23:
0x274: {  	p0 =	sne.s32 s14, $0x7000;
	v4 =	vld.idx.msk [tilespmem:v3+s12+$0xFFFFFFC0 ss:$0x1], $0xffff;
	_ =	sdelay $0x4  }
0x275: {  	s15 =	sadd.s32 s12, s13  }
0x276: {  	[tilespmem:s15+$0x0] =	vst.add.f32.msk $0xffff, v4  }
0x277: {  	v4 =	vld.idx.msk [tilespmem:v3+s12+$0xFFFFFFD0 ss:$0x1], $0xffff;
	_ =	sdelay $0x5  }
0x278: {  	[tilespmem:s15+$0x10] =	vst.add.f32.msk $0xffff, v4  }
0x279: {  	v4 =	vld.idx.msk [tilespmem:v3+s12+$0xFFFFFFE0 ss:$0x1], $0xffff;
	_ =	sdelay $0x5  }
0x27a: {  	[tilespmem:s15+$0x20] =	vst.add.f32.msk $0xffff, v4  }
0x27b: {  	v4 =	vld.idx.msk [tilespmem:v3+s12+$0xFFFFFFF0 ss:$0x1], $0xffff;
	_ =	sdelay $0x5  }
0x27c: {  	[tilespmem:s15+$0x30] =	vst.add.f32.msk $0xffff, v4  }
0x27d: {  	v4 =	vld.idx.msk [tilespmem:v3+s12+$0x0 ss:$0x1], $0xffff;
	_ =	sdelay $0x5  }
0x27e: {  	[tilespmem:s15+$0x40] =	vst.add.f32.msk $0xffff, v4  }
0x27f: {  	v4 =	vld.idx.msk [tilespmem:v3+s12+$0x10 ss:$0x1], $0xffff;
	_ =	sdelay $0x5  }
0x280: {  	[tilespmem:s15+$0x50] =	vst.add.f32.msk $0xffff, v4  }
0x281: {  	v4 =	vld.idx.msk [tilespmem:v3+s12+$0x20 ss:$0x1], $0xffff;
	_ =	sdelay $0x5  }
0x282: {  	[tilespmem:s15+$0x60] =	vst.add.f32.msk $0xffff, v4  }
0x283: {  	v4 =	vld.idx.msk [tilespmem:v3+s12+$0x30 ss:$0x1], $0xffff;
	_ =	sdelay $0x1  }
.Ltmp10:
0x284: {  	(pc) =	sbr.rel @p0 .LBB2_23-.Ltmp10, $2  }
0x285: {  	_ =	sdelay $0x2  }
0x286: {  	s12 =	sshra.s32 s14, $0x2;
	s14 =	sadd.s32 $0x1000, s14;
	[tilespmem:s15+$0x70] =	vst.add.f32.msk $0xffff, v4  }
0x287: {  	_ =	sdelay $0x3  }
0x288: {  	v4 =	vld.idx.msk [tilespmem:v3+s12+$0xFFFFFFC0 ss:$0x1], $0xffff;
	_ =	sdelay $0x3  }
0x289: {  	s13 =	sadd.s32 s12, s13  }
0x28a: {  	[tilespmem:s13+$0x0] =	vst.add.f32.msk $0xffff, v4  }
0x28b: {  	v4 =	vld.idx.msk [tilespmem:v3+s12+$0xFFFFFFD0 ss:$0x1], $0xffff;
	_ =	sdelay $0x4  }
0x28c: {  	[tilespmem:s13+$0x10] =	vst.add.f32.msk $0xffff, v4  }
0x28d: {  	v4 =	vld.idx.msk [tilespmem:v3+s12+$0xFFFFFFE0 ss:$0x1], $0xffff;
	_ =	sdelay $0x4  }
0x28e: {  	[tilespmem:s13+$0x20] =	vst.add.f32.msk $0xffff, v4  }
0x28f: {  	v4 =	vld.idx.msk [tilespmem:v3+s12+$0xFFFFFFF0 ss:$0x1], $0xffff;
	_ =	sdelay $0x4  }
0x290: {  	[tilespmem:s13+$0x30] =	vst.add.f32.msk $0xffff, v4  }
0x291: {  	v4 =	vld.idx.msk [tilespmem:v3+s12+$0x0 ss:$0x1], $0xffff;
	_ =	sdelay $0x4  }
0x292: {  	[tilespmem:s13+$0x40] =	vst.add.f32.msk $0xffff, v4  }
0x293: {  	v4 =	vld.idx.msk [tilespmem:v3+s12+$0x10 ss:$0x1], $0xffff;
	_ =	sdelay $0x4  }
0x294: {  	[tilespmem:s13+$0x50] =	vst.add.f32.msk $0xffff, v4  }
0x295: {  	v4 =	vld.idx.msk [tilespmem:v3+s12+$0x20 ss:$0x1], $0xffff;
	_ =	sdelay $0x4  }
0x296: {  	s11 =	sadd.s32 $0x1, s11;
	[tilespmem:s13+$0x60] =	vst.add.f32.msk $0xffff, v4  }
0x297: {  	p0 =	sne.s32 s11, $0x10;
	v3 =	vld.idx.msk [tilespmem:v3+s12+$0x30 ss:$0x1], $0xffff  }
.Ltmp11:
0x298: {  	_ = 	snop;
	(pc) =	sbr.rel @p0 .LBB2_22-.Ltmp11, $2  }
0x299: {  	_ =	sdelay $0x2  }
0x29a: {  	s8 =	sadd.s32 $0x1, s8;
	[tilespmem:s13+$0x70] =	vst.add.f32.msk $0xffff, v3  }
0x29b: {  	s8 =	simm.s32 $0x0;
	s11 =	rddreg [dreg:$0xa]  }
0x29c: {  	[hbm4b:s11+s8] =	stream.linear.scatter [tilespmem:s10], [sflag:$0x6], $0x4000, $0x38;
	[tilespmem:$0x10800] =	vst v63  }
0x29d: {  	_ =	swait.ge [sflag:s19], $0x4000  }
0x29e: {  	[sflag:s19] =	ssyncset.done $0x0  }
0x29f: {  	[sflag:s19] =	ssyncadd.s32 $0xFFFFC000  }
0x2a0: {  	v3 =	vld [tilespmem:$0x380];
	_ =	sdelay $0x4  }
0x2a1: {  	v4 =	vshll.u32 v3, $0x3  }
0x2a2: {  	v3 =	vand.u32 $0x7, v3;
	v4 =	vand.u32 $0xFFFFFFC0, v4  }
0x2a3: {  	v3 =	vor.u32 v3, v4  }
0x2a4: {  	v4 =	vperm.xlane v3, v0;
	_ =	sdelay $0x1  }
0x2a5: {  	v4 =	vadd.s32 v1, v4;
	_ =	sdelay $0x4  }
0x2a6: {  	[tilespmem:s10], [sflag:$0x2] =	stream.indirect_vreg.gather [hbm4b:s3+s8], $0x80, v4, vm0, $0xb8;
	[tilespmem:$0x10800] =	vst v63  }
0x2a7: {  	s15 =	simm.s32 $0x5000;
	v3 =	vperm.xlane v3, v2  }
0x2a8: {  	[tilespmem:s15], [sflag:$0x2] =	stream.indirect_vreg.gather [hbm4b:s5+s8], $0x80, v4, vm0, $0xb8;
	[tilespmem:$0x10800] =	vst v63  }
0x2a9: {  	s12 =	simm.s32 $0x5800;
	v3 =	vadd.s32 v1, v3  }
0x2aa: {  	[tilespmem:s12], [sflag:$0x2] =	stream.indirect_vreg.gather [hbm4b:s6+s8], $0x80, v4, vm0, $0xb8;
	[tilespmem:$0x10800] =	vst v63  }
0x2ab: {  	s13 =	simm.s32 $0x6000  }
0x2ac: {  	[tilespmem:s13], [sflag:$0x2] =	stream.indirect_vreg.gather [hbm4b:s9+s8], $0x80, v4, vm0, $0xb8;
	[tilespmem:$0x10800] =	vst v63  }
0x2ad: {  	s14 =	simm.s32 $0x6800  }
0x2ae: {  	[tilespmem:s14], [sflag:$0x2] =	stream.indirect_vreg.gather [hbm4b:s3+s8], $0x80, v3, vm0, $0xb8;
	[tilespmem:$0x10800] =	vst v63  }
0x2af: {  	s15 =	simm.s32 $0x7000  }
0x2b0: {  	[tilespmem:s15], [sflag:$0x2] =	stream.indirect_vreg.gather [hbm4b:s5+s8], $0x80, v3, vm0, $0xb8;
	[tilespmem:$0x10800] =	vst v63  }
0x2b1: {  	_ = 	snop  }
0x2b2: {  	[tilespmem:s16], [sflag:$0x2] =	stream.indirect_vreg.gather [hbm4b:s6+s8], $0x80, v3, vm0, $0xb8;
	[tilespmem:$0x10800] =	vst v63  }
0x2b3: {  	_ = 	snop  }
0x2b4: {  	[tilespmem:s17], [sflag:$0x2] =	stream.indirect_vreg.gather [hbm4b:s9+s8], $0x80, v3, vm0, $0xb8;
	[tilespmem:$0x10800] =	vst v63  }
0x2b5: {  	v3 =	vld [tilespmem:$0x780];
	_ =	sdelay $0x4  }
0x2b6: {  	v63 =	vshll.u32 v3, $0x3  }
0x2b7: {  	v3 =	vand.u32 $0x7, v3;
	v4 =	vand.u32 $0xFFFFFFC0, v63  }
0x2b8: {  	v3 =	vor.u32 v3, v4  }
0x2b9: {  	v4 =	vperm.xlane v3, v0;
	_ =	sdelay $0x1  }
0x2ba: {  	v4 =	vadd.s32 v1, v4;
	_ =	sdelay $0x4  }
0x2bb: {  	[tilespmem:s7], [sflag:$0x4] =	stream.indirect_vreg.gather [hbm4b:s3+s8], $0x80, v4, vm0, $0xb8;
	[tilespmem:$0x10800] =	vst v63  }
0x2bc: {  	v3 =	vperm.xlane v3, v2  }
0x2bd: {  	[tilespmem:s21], [sflag:$0x4] =	stream.indirect_vreg.gather [hbm4b:s5+s8], $0x80, v4, vm0, $0xb8;
	[tilespmem:$0x10800] =	vst v63  }
0x2be: {  	v3 =	vadd.s32 v1, v3  }
0x2bf: {  	[tilespmem:s22], [sflag:$0x4] =	stream.indirect_vreg.gather [hbm4b:s6+s8], $0x80, v4, vm0, $0xb8;
	[tilespmem:$0x10800] =	vst v63  }
0x2c0: {  	_ = 	snop  }
0x2c1: {  	[tilespmem:s23], [sflag:$0x4] =	stream.indirect_vreg.gather [hbm4b:s9+s8], $0x80, v4, vm0, $0xb8;
	[tilespmem:$0x10800] =	vst v63  }
0x2c2: {  	_ = 	snop  }
0x2c3: {  	[tilespmem:s24], [sflag:$0x4] =	stream.indirect_vreg.gather [hbm4b:s3+s8], $0x80, v3, vm0, $0xb8;
	[tilespmem:$0x10800] =	vst v63  }
0x2c4: {  	_ = 	snop  }
0x2c5: {  	[tilespmem:s25], [sflag:$0x4] =	stream.indirect_vreg.gather [hbm4b:s5+s8], $0x80, v3, vm0, $0xb8;
	[tilespmem:$0x10800] =	vst v63  }
0x2c6: {  	_ = 	snop  }
0x2c7: {  	[tilespmem:s26], [sflag:$0x4] =	stream.indirect_vreg.gather [hbm4b:s6+s8], $0x80, v3, vm0, $0xb8;
	[tilespmem:$0x10800] =	vst v63  }
0x2c8: {  	_ = 	snop  }
0x2c9: {  	[tilespmem:s28], [sflag:$0x4] =	stream.indirect_vreg.gather [hbm4b:s9+s8], $0x80, v3, vm0, $0xb8;
	[tilespmem:$0x10800] =	vst v63  }
0x2ca: {  	_ =	swait.ge [sflag:s29], $0x4000  }
0x2cb: {  	[sflag:s29] =	ssyncset.done $0x0  }
0x2cc: {  	[sflag:s29] =	ssyncadd.s32 $0xFFFFC000  }
0x2cd: {  	_ =	swait.ge [sflag:s30], $0x4000  }
0x2ce: {  	[sflag:s30] =	ssyncset.done $0x0  }
0x2cf: {  	s11 =	simm.s32 $0x0;
	[sflag:s30] =	ssyncadd.s32 $0xFFFFC000  }
.LBB2_26:
0x2d0: {  	s12 =	sshll.u32 s11, $0xC;
	s13 =	sand.u32 $0x7, s8  }
0x2d1: {  	s12 =	sand.u32 $0xFFFF8000, s12;
	s13 =	sshll.u32 s13, $0x9  }
0x2d2: {  	s12 =	sor.u32 s13, s12  }
0x2d3: {  	s12 =	sshrl.u32 s12, $0x2  }
0x2d4: {  	s14 =	sadd.s32 $0x8840, s12  }
0x2d5: {  	v3 =	vmov s14;
	_ =	sdelay $0x3  }
0x2d6: {  	s13 =	sor.u32 $0x800, s12;
	s12 =	simm.s32 $0x0;
	s14 =	simm.s32 $0x1000  }
.LBB2_27:
0x2d7: {  	p0 =	sne.s32 s14, $0x7000;
	v4 =	vld.idx.msk [tilespmem:v3+s12+$0xFFFFFFC0 ss:$0x1], $0xffff;
	_ =	sdelay $0x4  }
0x2d8: {  	s15 =	sadd.s32 s12, s13  }
0x2d9: {  	[tilespmem:s15+$0x0] =	vst.add.f32.msk $0xffff, v4  }
0x2da: {  	v4 =	vld.idx.msk [tilespmem:v3+s12+$0xFFFFFFD0 ss:$0x1], $0xffff;
	_ =	sdelay $0x5  }
0x2db: {  	[tilespmem:s15+$0x10] =	vst.add.f32.msk $0xffff, v4  }
0x2dc: {  	v4 =	vld.idx.msk [tilespmem:v3+s12+$0xFFFFFFE0 ss:$0x1], $0xffff;
	_ =	sdelay $0x5  }
0x2dd: {  	[tilespmem:s15+$0x20] =	vst.add.f32.msk $0xffff, v4  }
0x2de: {  	v4 =	vld.idx.msk [tilespmem:v3+s12+$0xFFFFFFF0 ss:$0x1], $0xffff;
	_ =	sdelay $0x5  }
0x2df: {  	[tilespmem:s15+$0x30] =	vst.add.f32.msk $0xffff, v4  }
0x2e0: {  	v4 =	vld.idx.msk [tilespmem:v3+s12+$0x0 ss:$0x1], $0xffff;
	_ =	sdelay $0x5  }
0x2e1: {  	[tilespmem:s15+$0x40] =	vst.add.f32.msk $0xffff, v4  }
0x2e2: {  	v4 =	vld.idx.msk [tilespmem:v3+s12+$0x10 ss:$0x1], $0xffff;
	_ =	sdelay $0x5  }
0x2e3: {  	[tilespmem:s15+$0x50] =	vst.add.f32.msk $0xffff, v4  }
0x2e4: {  	v4 =	vld.idx.msk [tilespmem:v3+s12+$0x20 ss:$0x1], $0xffff;
	_ =	sdelay $0x5  }
0x2e5: {  	[tilespmem:s15+$0x60] =	vst.add.f32.msk $0xffff, v4  }
0x2e6: {  	v4 =	vld.idx.msk [tilespmem:v3+s12+$0x30 ss:$0x1], $0xffff;
	_ =	sdelay $0x1  }
.Ltmp12:
0x2e7: {  	(pc) =	sbr.rel @p0 .LBB2_27-.Ltmp12, $2  }
0x2e8: {  	_ =	sdelay $0x2  }
0x2e9: {  	s12 =	sshra.s32 s14, $0x2;
	s14 =	sadd.s32 $0x1000, s14;
	[tilespmem:s15+$0x70] =	vst.add.f32.msk $0xffff, v4  }
0x2ea: {  	_ =	sdelay $0x3  }
0x2eb: {  	v4 =	vld.idx.msk [tilespmem:v3+s12+$0xFFFFFFC0 ss:$0x1], $0xffff;
	_ =	sdelay $0x3  }
0x2ec: {  	s13 =	sadd.s32 s12, s13  }
0x2ed: {  	[tilespmem:s13+$0x0] =	vst.add.f32.msk $0xffff, v4  }
0x2ee: {  	v4 =	vld.idx.msk [tilespmem:v3+s12+$0xFFFFFFD0 ss:$0x1], $0xffff;
	_ =	sdelay $0x4  }
0x2ef: {  	[tilespmem:s13+$0x10] =	vst.add.f32.msk $0xffff, v4  }
0x2f0: {  	v4 =	vld.idx.msk [tilespmem:v3+s12+$0xFFFFFFE0 ss:$0x1], $0xffff;
	_ =	sdelay $0x4  }
0x2f1: {  	[tilespmem:s13+$0x20] =	vst.add.f32.msk $0xffff, v4  }
0x2f2: {  	v4 =	vld.idx.msk [tilespmem:v3+s12+$0xFFFFFFF0 ss:$0x1], $0xffff;
	_ =	sdelay $0x4  }
0x2f3: {  	[tilespmem:s13+$0x30] =	vst.add.f32.msk $0xffff, v4  }
0x2f4: {  	v4 =	vld.idx.msk [tilespmem:v3+s12+$0x0 ss:$0x1], $0xffff;
	_ =	sdelay $0x4  }
0x2f5: {  	[tilespmem:s13+$0x40] =	vst.add.f32.msk $0xffff, v4  }
0x2f6: {  	v4 =	vld.idx.msk [tilespmem:v3+s12+$0x10 ss:$0x1], $0xffff;
	_ =	sdelay $0x4  }
0x2f7: {  	[tilespmem:s13+$0x50] =	vst.add.f32.msk $0xffff, v4  }
0x2f8: {  	v4 =	vld.idx.msk [tilespmem:v3+s12+$0x20 ss:$0x1], $0xffff;
	_ =	sdelay $0x4  }
0x2f9: {  	s11 =	sadd.s32 $0x1, s11;
	[tilespmem:s13+$0x60] =	vst.add.f32.msk $0xffff, v4  }
0x2fa: {  	p0 =	sne.s32 s11, $0x10;
	v3 =	vld.idx.msk [tilespmem:v3+s12+$0x30 ss:$0x1], $0xffff  }
.Ltmp13:
0x2fb: {  	_ = 	snop;
	(pc) =	sbr.rel @p0 .LBB2_26-.Ltmp13, $2  }
0x2fc: {  	_ =	sdelay $0x2  }
0x2fd: {  	s8 =	sadd.s32 $0x1, s8;
	[tilespmem:s13+$0x70] =	vst.add.f32.msk $0xffff, v3  }
0x2fe: {  	s8 =	simm.s32 $0x0;
	s11 =	rddreg [dreg:$0xb]  }
0x2ff: {  	[hbm4b:s11+s8] =	stream.linear.scatter [tilespmem:s20], [sflag:$0x5], $0x4000, $0x38;
	[tilespmem:$0x10800] =	vst v63  }
0x300: {  	_ =	swait.ge [sflag:s0], $0x4000  }
0x301: {  	[sflag:s0] =	ssyncset.done $0x0  }
0x302: {  	[sflag:s0] =	ssyncadd.s32 $0xFFFFC000  }
0x303: {  	_ =	swait.ge [sflag:s1], $0x4000  }
0x304: {  	[sflag:s1] =	ssyncset.done $0x0  }
0x305: {  	s11 =	simm.s32 $0x0;
	[sflag:s1] =	ssyncadd.s32 $0xFFFFC000  }
.LBB2_30:
0x306: {  	s12 =	sshll.u32 s11, $0xC;
	s13 =	sand.u32 $0x7, s8  }
0x307: {  	s12 =	sand.u32 $0xFFFF8000, s12;
	s13 =	sshll.u32 s13, $0x9  }
0x308: {  	s12 =	sor.u32 s13, s12  }
0x309: {  	s12 =	sshrl.u32 s12, $0x2  }
0x30a: {  	s14 =	sadd.s32 $0xC840, s12  }
0x30b: {  	v3 =	vmov s14;
	_ =	sdelay $0x3  }
0x30c: {  	s13 =	sadd.s32 $0x4800, s12;
	s12 =	simm.s32 $0x0;
	s14 =	simm.s32 $0x1000  }
.LBB2_31:
0x30d: {  	p0 =	sne.s32 s14, $0x7000;
	v4 =	vld.idx.msk [tilespmem:v3+s12+$0xFFFFFFC0 ss:$0x1], $0xffff;
	_ =	sdelay $0x4  }
0x30e: {  	s15 =	sadd.s32 s12, s13  }
0x30f: {  	[tilespmem:s15+$0x0] =	vst.add.f32.msk $0xffff, v4  }
0x310: {  	v4 =	vld.idx.msk [tilespmem:v3+s12+$0xFFFFFFD0 ss:$0x1], $0xffff;
	_ =	sdelay $0x5  }
0x311: {  	[tilespmem:s15+$0x10] =	vst.add.f32.msk $0xffff, v4  }
0x312: {  	v4 =	vld.idx.msk [tilespmem:v3+s12+$0xFFFFFFE0 ss:$0x1], $0xffff;
	_ =	sdelay $0x5  }
0x313: {  	[tilespmem:s15+$0x20] =	vst.add.f32.msk $0xffff, v4  }
0x314: {  	v4 =	vld.idx.msk [tilespmem:v3+s12+$0xFFFFFFF0 ss:$0x1], $0xffff;
	_ =	sdelay $0x5  }
0x315: {  	[tilespmem:s15+$0x30] =	vst.add.f32.msk $0xffff, v4  }
0x316: {  	v4 =	vld.idx.msk [tilespmem:v3+s12+$0x0 ss:$0x1], $0xffff;
	_ =	sdelay $0x5  }
0x317: {  	[tilespmem:s15+$0x40] =	vst.add.f32.msk $0xffff, v4  }
0x318: {  	v4 =	vld.idx.msk [tilespmem:v3+s12+$0x10 ss:$0x1], $0xffff;
	_ =	sdelay $0x5  }
0x319: {  	[tilespmem:s15+$0x50] =	vst.add.f32.msk $0xffff, v4  }
0x31a: {  	v4 =	vld.idx.msk [tilespmem:v3+s12+$0x20 ss:$0x1], $0xffff;
	_ =	sdelay $0x5  }
0x31b: {  	[tilespmem:s15+$0x60] =	vst.add.f32.msk $0xffff, v4  }
0x31c: {  	v4 =	vld.idx.msk [tilespmem:v3+s12+$0x30 ss:$0x1], $0xffff;
	_ =	sdelay $0x1  }
.Ltmp14:
0x31d: {  	(pc) =	sbr.rel @p0 .LBB2_31-.Ltmp14, $2  }
0x31e: {  	_ =	sdelay $0x2  }
0x31f: {  	s12 =	sshra.s32 s14, $0x2;
	s14 =	sadd.s32 $0x1000, s14;
	[tilespmem:s15+$0x70] =	vst.add.f32.msk $0xffff, v4  }
0x320: {  	_ =	sdelay $0x3  }
0x321: {  	v4 =	vld.idx.msk [tilespmem:v3+s12+$0xFFFFFFC0 ss:$0x1], $0xffff;
	_ =	sdelay $0x3  }
0x322: {  	s13 =	sadd.s32 s12, s13  }
0x323: {  	[tilespmem:s13+$0x0] =	vst.add.f32.msk $0xffff, v4  }
0x324: {  	v4 =	vld.idx.msk [tilespmem:v3+s12+$0xFFFFFFD0 ss:$0x1], $0xffff;
	_ =	sdelay $0x4  }
0x325: {  	[tilespmem:s13+$0x10] =	vst.add.f32.msk $0xffff, v4  }
0x326: {  	v4 =	vld.idx.msk [tilespmem:v3+s12+$0xFFFFFFE0 ss:$0x1], $0xffff;
	_ =	sdelay $0x4  }
0x327: {  	[tilespmem:s13+$0x20] =	vst.add.f32.msk $0xffff, v4  }
0x328: {  	v4 =	vld.idx.msk [tilespmem:v3+s12+$0xFFFFFFF0 ss:$0x1], $0xffff;
	_ =	sdelay $0x4  }
0x329: {  	[tilespmem:s13+$0x30] =	vst.add.f32.msk $0xffff, v4  }
0x32a: {  	v4 =	vld.idx.msk [tilespmem:v3+s12+$0x0 ss:$0x1], $0xffff;
	_ =	sdelay $0x4  }
0x32b: {  	[tilespmem:s13+$0x40] =	vst.add.f32.msk $0xffff, v4  }
0x32c: {  	v4 =	vld.idx.msk [tilespmem:v3+s12+$0x10 ss:$0x1], $0xffff;
	_ =	sdelay $0x4  }
0x32d: {  	[tilespmem:s13+$0x50] =	vst.add.f32.msk $0xffff, v4  }
0x32e: {  	v4 =	vld.idx.msk [tilespmem:v3+s12+$0x20 ss:$0x1], $0xffff;
	_ =	sdelay $0x4  }
0x32f: {  	s11 =	sadd.s32 $0x1, s11;
	[tilespmem:s13+$0x60] =	vst.add.f32.msk $0xffff, v4  }
0x330: {  	p0 =	sne.s32 s11, $0x10;
	v3 =	vld.idx.msk [tilespmem:v3+s12+$0x30 ss:$0x1], $0xffff  }
.Ltmp15:
0x331: {  	_ = 	snop;
	(pc) =	sbr.rel @p0 .LBB2_30-.Ltmp15, $2  }
0x332: {  	_ =	sdelay $0x2  }
0x333: {  	s8 =	sadd.s32 $0x1, s8;
	[tilespmem:s13+$0x70] =	vst.add.f32.msk $0xffff, v3  }
0x334: {  	s8 =	rddreg [dreg:$0xc]  }
0x335: {  	[hbm4b:s8+s2] =	stream.linear.scatter [tilespmem:s10], [sflag:$0x6], $0x4000, $0x38;
	[tilespmem:$0x10800] =	vst v63  }
0x336: {  	_ =	swait.ge [sflag:s31], $0x4000  }
0x337: {  	[sflag:s31] =	ssyncset.done $0x0  }
0x338: {  	[sflag:s31] =	ssyncadd.s32 $0xFFFFC000  }
0x339: {  	_ =	swait.ge [sflag:s19], $0x4000  }
0x33a: {  	s4 =	sadd.s32 $0x1, s4;
	s15 =	rddreg [dreg:$0xd]  }
0x33b: {  	p0 =	sne.s32 s4, s15  }
.Ltmp16:
0x33c: {  	_ = 	snop;
	(pc) =	sbr.rel @p0 .LBB2_1-.Ltmp16, $3  }
0x33d: {  	_ =	sdelay $0x1  }
0x33e: {  	[sflag:s19] =	ssyncset.done $0x0  }
0x33f: {  	[sflag:s19] =	ssyncadd.s32 $0xFFFFC000  }
0x340: {  	_ =	sfence.sel $0x180000  }
0x341: {  	[bflag:$0x0] =	sbarrier.arrive $0xFFFF  }
0x342: {  	_ =	strace $0x9000004D  }
0x343: {  	s0 =	stileid.u32;
	[bflag:$0x2] =	sbarrier.arrive $0xFFFF  }
0x344: {  	p0 =	sne.s32 s0, $0x0;
	s0 =	rddreg [dreg:$0x2]  }
0x345: {  	s0 =	sadd.s32 @!p0 $0x100000, s0  }
0x346: {  	[sflag:s0] =	ssyncadd.tile.s32 @!p0 $0x1;
	_ =	shalt  }
.Lfunc_end2:
_tile_overlayer_lowered:
.L_overlay_start_2:
0x347: {  	(tag) =	ssettag $0x2  }
0x348: {  	s0 =	rddreg [dreg:$0x0];
	s2 =	stileid.u32  }
0x349: {  	s1 =	rddreg [dreg:$0x1];
	p0 =	sne.s32 s2, $0x0  }
0x34a: {  	s3 =	rddreg [dreg:$0x2];
	[bflag:$0x3] =	sbarrier.arrive $0xFFFF;
	s2 =	simm.s32 @!p0 $0x1C07  }
0x34b: {  	[timem:s3], [sflag:s2] =	dma.local @!p0 [hbm:s0], s1  }
0x34c: {  	s0 =	simm.s32 @!p0 $0x7  }
0x34d: {  	_ =	swait.ge @!p0 [sflag:s0], s1  }
0x34e: {  	s1 =	ssub.s32 @!p0 $0x0, s1;
	[sflag:s0] =	ssyncset.done @!p0 $0x0  }
0x34f: {  	[sflag:s0] =	ssyncadd.s32 @!p0 s1  }
0x350: {  	[bflag:$0x3] =	sbarrier.arrive $0xFFFF  }
0x351: {  	_ =	shalt  }

// kernel: kernel.8.cloned.1.call-start
scs
__scs_entry_jumppad:
0x0: {  	(pc) =	sbr.rel $0x88, $3  }
0x1: {  	(tag) =	ssettag $0x0;
	lr =	simm.s32 $0x1  }
0x2: {  	[smem:$0x3F9C] =	sst lr;
	_ =	strace $0xD0000000  }
0x3: {  	_ = 	snop  }
0x4: {  	_ = 	snop  }
0x5: {  	_ = 	snop  }
0x6: {  	_ = 	snop  }
0x7: {  	_ = 	snop  }
__scs_overlays_trampoline_lowered:
0x8: {  	[smem:$0x3FAB] =	sst s0  }
0x9: {  	[smem:$0x3FAC] =	sst s1  }
0xa: {  	[smem:$0x3FAD] =	sst s2  }
0xb: {  	[smem:$0x3FAE] =	sst s3  }
0xc: {  	[smem:$0x3FAF] =	sst s4  }
0xd: {  	[smem:$0x3FB0] =	sst s5  }
0xe: {  	[smem:$0x3FB1] =	sst s6  }
0xf: {  	[smem:$0x3FB2] =	sst s7  }
0x10: {  	[smem:$0x3FB3] =	sst s8  }
0x11: {  	[smem:$0x3FB4] =	sst s9;
	s0 =	simm.s32 @!p0 $0x0  }
0x12: {  	s1 =	sld [smem:$0x3F9A];
	s0 =	simm.s32 @p0 $0x1  }
0x13: {  	[smem:$0x3FB5] =	sst s0;
	s0 =	simm.s32 @!p1 $0x0  }
0x14: {  	s2 =	sld [smem:$0x3F99];
	s0 =	simm.s32 @p1 $0x1  }
0x15: {  	[smem:$0x3FB6] =	sst s0;
	s0 =	simm.s32 @!p2 $0x0  }
0x16: {  	s3 =	sld [smem:$0x3FDB];
	s0 =	simm.s32 @p2 $0x1  }
0x17: {  	s4 =	simm.s32 $0x1BF5;
	[smem:$0x3FB8] =	sst s0  }
0x18: {  	s0 =	sld [smem:$0x3F9B];
	_ =	swait.ge [sflag:s4], $0x0  }
0x19: {  	s7 =	sld [smem:$0x3F9C]  }
0x1a: {  	s8 =	sadd.s32 $0xFFFFE003, lr  }
0x1b: {  	s9 =	sadd.s32 $0xFFFFFEF7, lr;
	s5 =	simm.s32 $0xFFFFFFFF;
	p2 =	slt.u32 s8, $0xFFFFF086  }
0x1c: {  	p1 =	slt.u32 s9, $0xF7A;
	s5 =	simm.s32 @!p2 $0x0  }
0x1d: {  	s5 =	simm.s32 @p1 $0x1;
	p0 =	seq.s32 s7, s2  }
0x1e: {  	s7 =	smul.u32 @!p0 $0xF7A, s2;
	p2 =	seq.s32 @!p0 s5, $0x0  }
0x1f: {  	s9 =	smul.u32 $0xF7A, s1;
	s8 =	simm.s32 @!p0 $0x1BF5;
	p2 =	por !p2, p0  }
0x20: {  	[sflag:s8] =	ssyncset.s32 @!p0 $0xFFFFF086;
	s6 =	sadd.s32 @!p0 s3, s7;
	s7 =	simm.s32 @!p0 $0x108  }
0x21: {  	s3 =	sadd.s32 s3, s9;
	s6 =	sadd.s32 @!p0 $0x88, s6;
	s7 =	simm.s32 @p2 $0x1082  }
0x22: {  	[simem:s7], [sflag:s8] =	dma.local @!p0 [hbm:s6], $0xF7A  }
0x23: {  	s9 =	sor.u32 $0xD0000000, s2;
	s6 =	simm.s32 $0x108;
	_ =	swait.ge @!p0 [sflag:s8], $0x0  }
0x24: {  	s3 =	sadd.s32 $0x88, s3;
	s6 =	simm.s32 @!p1 $0x1082;
	[sflag:s4] =	ssyncset.s32 $0xFFFFF086  }
0x25: {  	[simem:s6], [sflag:s4] =	dma.local [hbm:s3], $0xF7A  }
0x26: {  	[smem:$0x3F9C] =	sst s1;
	(tag) =	ssettag s2;
	_ =	strace s9  }
0x27: {  	s1 =	sld [smem:$0x3FAC]  }
0x28: {  	s2 =	sld [smem:$0x3FAD]  }
0x29: {  	s4 =	sld [smem:$0x3FAF]  }
0x2a: {  	p0 =	seq.s32 s5, $0x0;
	s5 =	sld [smem:$0x3FB0]  }
0x2b: {  	s6 =	sld [smem:$0x3FB1]  }
0x2c: {  	s7 =	sld [smem:$0x3FB2]  }
0x2d: {  	s3 =	simm.s32 $0x108;
	s8 =	sld [smem:$0x3FB3]  }
0x2e: {  	s3 =	simm.s32 @!p0 $0x1082;
	s9 =	sld [smem:$0x3FB4]  }
0x2f: {  	lr =	sadd.s32 s0, s3;
	s0 =	sld [smem:$0x3FAB]  }
0x30: {  	s3 =	sld [smem:$0x3FAE]  }
0x31: {  	[smem:$0x3FB7] =	sst s10  }
0x32: {  	s10 =	sld [smem:$0x3FB5];
	_ =	sdelay $0x3  }
0x33: {  	p0 =	seq.s32 s10, $0x1;
	s10 =	sld [smem:$0x3FB7];
	_ =	sdelay $0x3  }
0x34: {  	[smem:$0x3FB7] =	sst s10  }
0x35: {  	s10 =	sld [smem:$0x3FB6];
	_ =	sdelay $0x3  }
0x36: {  	p1 =	seq.s32 s10, $0x1;
	s10 =	sld [smem:$0x3FB7];
	_ =	sdelay $0x3  }
0x37: {  	[smem:$0x3FB7] =	sst s10  }
0x38: {  	s10 =	sld [smem:$0x3FB8]  }
0x39: {  	_ = 	snop;
	(pc) =	sbr.ind lr, $3  }
0x3a: {  	_ = 	snop  }
0x3b: {  	_ = 	snop  }
0x3c: {  	p2 =	seq.s32 s10, $0x1;
	s10 =	sld [smem:$0x3FB7]  }
0x3d: {  	_ =	shalt  }
0x3e: {  	_ =	shalt  }
0x3f: {  	_ =	shalt  }
0x40: {  	_ =	shalt  }
0x41: {  	_ =	shalt  }
0x42: {  	_ =	shalt  }
0x43: {  	_ =	shalt  }
0x44: {  	_ =	shalt  }
0x45: {  	_ =	shalt  }
0x46: {  	_ =	shalt  }
0x47: {  	_ =	shalt  }
0x48: {  	_ =	shalt  }
0x49: {  	_ =	shalt  }
0x4a: {  	_ =	shalt  }
0x4b: {  	_ =	shalt  }
0x4c: {  	_ =	shalt  }
0x4d: {  	_ =	shalt  }
0x4e: {  	_ =	shalt  }
0x4f: {  	_ =	shalt  }
0x50: {  	_ =	shalt  }
0x51: {  	_ =	shalt  }
0x52: {  	_ =	shalt  }
0x53: {  	_ =	shalt  }
0x54: {  	_ =	shalt  }
0x55: {  	_ =	shalt  }
0x56: {  	_ =	shalt  }
0x57: {  	_ =	shalt  }
0x58: {  	_ =	shalt  }
0x59: {  	_ =	shalt  }
0x5a: {  	_ =	shalt  }
0x5b: {  	_ =	shalt  }
0x5c: {  	_ =	shalt  }
0x5d: {  	_ =	shalt  }
0x5e: {  	_ =	shalt  }
0x5f: {  	_ =	shalt  }
0x60: {  	_ =	shalt  }
0x61: {  	_ =	shalt  }
0x62: {  	_ =	shalt  }
0x63: {  	_ =	shalt  }
0x64: {  	_ =	shalt  }
0x65: {  	_ =	shalt  }
0x66: {  	_ =	shalt  }
0x67: {  	_ =	shalt  }
0x68: {  	_ =	shalt  }
0x69: {  	_ =	shalt  }
0x6a: {  	_ =	shalt  }
0x6b: {  	_ =	shalt  }
0x6c: {  	_ =	shalt  }
0x6d: {  	_ =	shalt  }
0x6e: {  	_ =	shalt  }
0x6f: {  	_ =	shalt  }
0x70: {  	_ =	shalt  }
0x71: {  	_ =	shalt  }
0x72: {  	_ =	shalt  }
0x73: {  	_ =	shalt  }
0x74: {  	_ =	shalt  }
0x75: {  	_ =	shalt  }
0x76: {  	_ =	shalt  }
0x77: {  	_ =	shalt  }
0x78: {  	_ =	shalt  }
0x79: {  	_ =	shalt  }
0x7a: {  	_ =	shalt  }
0x7b: {  	_ =	shalt  }
0x7c: {  	_ =	shalt  }
0x7d: {  	_ =	shalt  }
0x7e: {  	_ =	shalt  }
0x7f: {  	_ =	shalt  }
0x80: {  	_ =	shalt  }
0x81: {  	_ =	shalt  }
0x82: {  	_ =	shalt  }
0x83: {  	_ =	shalt  }
0x84: {  	_ =	shalt  }
0x85: {  	_ =	shalt  }
0x86: {  	_ =	shalt  }
0x87: {  	_ =	shalt  }
.Lfunc_end0:
.L_simem_size_0:
called_computation_lowered:
.L_overlay_start_0:
0x88: {  	s2 =	sld [smem:$0x3FD9]  }
0x89: {  	s3 =	sld [smem:$0x3FFE];
	_ =	sdelay $0x1  }
0x8a: {  	s1 =	srdreg.scid  }
0x8b: {  	s0 =	sand.u32 $0x1, s1  }
0x8c: {  	s17 =	sshll.u32 s0, $0xA;
	s2 =	sadd.s32 s3, s2  }
0x8d: {  	s2 =	sadd.s32 s2, s17  }
0x8e: {  	[smem:$0x3FC3] =	sst s2  }
0x8f: {  	_ = 	snop  }
0x90: {  	s2 =	sld [smem:$0x3FD0];
	(tm) =	ssettm $0x1  }
0x91: {  	s18 =	sld [smem:$0x3FFB];
	_ =	sdelay $0x3  }
0x92: {  	_ =	strace s18  }
0x93: {  	s3 =	sld [smem:$0x3FFC];
	_ =	sdelay $0x3  }
0x94: {  	_ =	strace s3  }
0x95: {  	s3 =	sld [smem:$0x3FFD];
	_ =	sdelay $0x3  }
0x96: {  	_ =	strace s3  }
0x97: {  	_ =	strace $0x8FFFFFFF  }
0x98: {  	s19 =	sld [smem:$0x3FDB];
	_ =	sdelay $0x1  }
0x99: {  	s4 =	simm.s32 $_scs_section_size  }
0x9a: {  	s5 =	simm.s32 $_size__tile_overlayer_lowered;
	s6 =	simm.s32 $_tile_overlayer_lowered  }
0x9b: {  	s22 =	simm.s32 $0x1BFF;
	s21 =	sshll.u32 s6, $0x1;
	s3 =	sadd.s32 s4, s19  }
0x9c: {  	s7 =	simm.s32 $0x0;
	s20 =	sshll.u32 s5, $0x1;
	s5 =	sadd.s32 s21, s3  }
0x9d: {  	[timem:s7], [sflag:s22] =	dma.local [hbm:s5], s20  }
0x9e: {  	_ =	swait.ge [sflag:s22], s20  }
0x9f: {  	s4 =	ssub.s32 $0x0, s20;
	[sflag:s22] =	ssyncset.done $0x0  }
0xa0: {  	[sflag:s22] =	ssyncadd.s32 s4;
	_ =	sdelay $0x1  }
0xa1: {  	s23 =	simm.s32 $0x1B8B  }
0xa2: {  	_ =	swait.ge [sflag:s23], $0x1  }
0xa3: {  	[sflag:s23] =	ssyncset.done $0x0  }
0xa4: {  	s25 =	simm.s32 $0x1B8E;
	s24 =	sld [smem:$0x3FFE];
	[sflag:s23] =	ssyncadd.s32 $0xFFFFFFFF  }
0xa5: {  	s26 =	simm.s32 $execute0_lowered;
	[smem:$0x3FD2] =	sst s25  }
0xa6: {  	s5 =	sshll.u32 s26, $0x1;
	_ =	strace $0x80000046;
	[dreg:$0x1] =	wrdreg $0xFFFFFFFF  }
0xa7: {  	s28 =	simm.s32 $_size_execute0_lowered;
	s3 =	sadd.s32 s3, s5;
	[dreg:$0x0] =	wrdreg $0x0  }
0xa8: {  	s5 =	sshll.u32 s28, $0x1;
	[dreg:$0x2] =	wrdreg s3  }
0xa9: {  	[dreg:$0x3] =	wrdreg s5  }
0xaa: {  	[dreg:$0x4] =	wrdreg $0xC0  }
0xab: {  	_ =	task [dreg:s7], $0x5FFFF  }
0xac: {  	[dreg:$0x1] =	wrdreg $0xFFFFFFFF  }
0xad: {  	[dreg:$0x0] =	wrdreg $0x60  }
0xae: {  	[dreg:$0x2] =	wrdreg s24  }
0xaf: {  	[dreg:$0x3] =	wrdreg s2  }
0xb0: {  	[dreg:$0x4] =	wrdreg $0x9  }
0xb1: {  	_ =	task.clear_ibuf [dreg:s7], $0x5FFFF;
	_ =	strace $0x90000046  }
0xb2: {  	s29 =	simm.s32 $0x9;
	_ =	strace $0x80000048  }
0xb3: {  	_ =	swait.ge [sflag:s29], $0x1  }
0xb4: {  	[sflag:s29] =	ssyncadd.s32 $0xFFFFFFFF  }
0xb5: {  	_ =	strace $0x90000048  }
0xb6: {  	_ =	sfence  }
0xb7: {  	s30 =	sld [smem:$0x0];
	_ =	sdelay $0x2  }
0xb8: {  	s31 =	sshll.u32 s1, $0xD;
	s1 =	sshrl.u32 s1, $0x2  }
0xb9: {  	s3 =	sand.u32 $0x4000, s31;
	s1 =	sadd.s32 s1, s30  }
0xba: {  	s0 =	sor.u32 s3, s0;
	s1 =	sshll.u32 s1, $0x11  }
0xbb: {  	s0 =	sor.u32 s1, s0  }
0xbc: {  	s0 =	sadd.s32 $0x8F2B, s0  }
0xbd: {  	[sflag:s0] =	ssyncadd.remote.s32 $0x1  }
0xbe: {  	_ =	sfence.sel $0xFFFF  }
0xbf: {  	[dreg:$0x0] =	wrdreg $0xFFFFFFFF;
	(pc) =	sbr.abs _section_cstart, $3  }
0xc0: {  	[dreg:$0x1] =	wrdreg $0xFFFFFFFF  }
0xc1: {  	_ =	task.clear_ibuf [dreg:s7], $0x2FFFF;
	_ =	strace $0x9FFFFFFF  }
0xc2: {  	(tm) =	ssettm $0x7FFFFFFF  }
0xc3: {  	_ =	shalt  }
tec
execute0_lowered:
.L_overlay_start_1:
0x0: {  	(tag) =	ssettag $0x1  }
0x1: {  	s0 =	srdreg.scid  }
0x2: {  	s3 =	sand.u32 $0x1, s0;
	s0 =	stileid.u32  }
0x3: {  	s5 =	sor.u32 s0, s3  }
0x4: {  	p0 =	sne.s32 s5, $0x0  }
.Ltmp0:
0x5: {  	_ = 	snop;
	(pc) =	sbr.rel @p0 .LBB2_5-.Ltmp0, $4  }
0x6: {  	_ = 	snop  }
0x7: {  	s4 =	rddreg [dreg:$0x0]  }
0x8: {  	s2 =	rddreg [dreg:$0x1]  }
0x9: {  	s1 =	rddreg [dreg:$0x2];
	_ =	strace $0x80000047  }
0xa: {  	s5 =	ssub.s32 $0x2, s3  }
0xb: {  	s3 =	sadd.s32 $0x600, s4;
	s4 =	sadd.s32 $0xA00, s4;
	s7 =	simm.s32 $0x1  }
0xc: {  	s8 =	simm.s32 $0x2000;
	s9 =	simm.s32 $0x4000;
	s6 =	sshrl.u32 s5, $0x1  }
0xd: {  	s10 =	simm.s32 $0x0;
	s5 =	ssub.s32 s5, s6;
	s6 =	simm.s32 $0x0  }
.LBB2_2:
0xe: {  	[tilespmem:s6], [sflag:$0x1] =	stream.linear.gather [hbm4b:s3+s6], $0x2000, $0x38;
	[tilespmem:$0x9F00] =	vst v63  }
0xf: {  	_ =	swait.ge [sflag:s7], $0x2000  }
0x10: {  	[sflag:s7] =	ssyncset.done $0x0  }
0x11: {  	[sflag:s7] =	ssyncadd.s32 $0xFFFFE000  }
0x12: {  	[tilespmem:s8], [sflag:$0x1] =	stream.linear.gather [hbm4b:s4+s6], $0x2000, $0x38;
	[tilespmem:$0x9F00] =	vst v63  }
0x13: {  	_ =	swait.ge [sflag:s7], $0x2000  }
0x14: {  	[sflag:s7] =	ssyncset.done $0x0  }
0x15: {  	s12 =	simm.s32 $0x0;
	s11 =	simm.s32 $0x40;
	[sflag:s7] =	ssyncadd.s32 $0xFFFFE000  }
.LBB2_3:
0x16: {  	p0 =	sne.s32 s11, $0x7FC0;
	v0 =	vld [tilespmem:s12+$0x0];
	_ =	sdelay $0x2  }
0x17: {  	v1 =	vld [tilespmem:s12+$0x2000]  }
.Ltmp1:
0x18: {  	(pc) =	sbr.rel @p0 .LBB2_3-.Ltmp1, $2  }
0x19: {  	_ =	sdelay $0x2  }
0x1a: {  	s12 =	sshra.s32 s11, $0x2;
	s11 =	sadd.s32 $0x40, s11;
	[tilespmem:v0+s9+$0x0] =	vst.idx.msk $0xffff, v1  }
0x1b: {  	v0 =	vld [tilespmem:s12+$0x0];
	_ =	sdelay $0x2  }
0x1c: {  	v1 =	vld [tilespmem:s12+$0x2000];
	_ =	sdelay $0x2  }
0x1d: {  	s10 =	sadd.s32 $0x1, s10  }
0x1e: {  	p0 =	sne.s32 s10, s5  }
.Ltmp2:
0x1f: {  	[tilespmem:v0+s9+$0x0] =	vst.idx.msk $0xffff, v1;
	(pc) =	sbr.rel @p0 .LBB2_2-.Ltmp2, $4  }
0x20: {  	[hbm4b:s2+s6] =	stream.linear.scatter [tilespmem:s9], [sflag:$0x1], $0x5F00, $0x38;
	[tilespmem:$0x9F00] =	vst v63  }
0x21: {  	_ =	swait.ge [sflag:s7], $0x5F00  }
0x22: {  	[sflag:s7] =	ssyncset.done $0x0  }
0x23: {  	[sflag:s7] =	ssyncadd.s32 $0xFFFFA100  }
.LBB2_5:
0x24: {  	_ =	sfence.sel $0x180000  }
0x25: {  	[bflag:$0x0] =	sbarrier.arrive $0xFFFF  }
0x26: {  	p0 =	sne.s32 s0, $0x0;
	_ =	strace $0x90000047  }
0x27: {  	s0 =	sadd.s32 @!p0 $0x100000, s1;
	[bflag:$0x2] =	sbarrier.arrive $0xFFFF  }
0x28: {  	[sflag:s0] =	ssyncadd.tile.s32 @!p0 $0x1;
	_ =	shalt  }
.Lfunc_end2:
_tile_overlayer_lowered:
.L_overlay_start_2:
0x29: {  	(tag) =	ssettag $0x2  }
0x2a: {  	s0 =	rddreg [dreg:$0x0];
	s2 =	stileid.u32  }
0x2b: {  	s1 =	rddreg [dreg:$0x1];
	p0 =	sne.s32 s2, $0x0  }
0x2c: {  	s3 =	rddreg [dreg:$0x2];
	[bflag:$0x3] =	sbarrier.arrive $0xFFFF;
	s2 =	simm.s32 @!p0 $0x1C01  }
0x2d: {  	[timem:s3], [sflag:s2] =	dma.local @!p0 [hbm:s0], s1  }
0x2e: {  	s0 =	simm.s32 @!p0 $0x1  }
0x2f: {  	_ =	swait.ge @!p0 [sflag:s0], s1  }
0x30: {  	s1 =	ssub.s32 @!p0 $0x0, s1;
	[sflag:s0] =	ssyncset.done @!p0 $0x0  }
0x31: {  	[sflag:s0] =	ssyncadd.s32 @!p0 s1  }
0x32: {  	[bflag:$0x3] =	sbarrier.arrive $0xFFFF  }
0x33: {  	_ =	shalt  }

</sc_bundles>
